<compile_context>
chip_gen: v7x
topology: tpu7x:2x2x1
jax: 0.10.2.dev20260603
libtpu: 0.0.44.dev20260713+nightly
codegen_flags: <defaults>
</compile_context>

<pallas_src>
import functools

import jax
import jax.numpy as jnp
from jax import lax
from jax.experimental import pallas as pl
from jax.experimental.pallas import tpu as pltpu
from jax.experimental.pallas import tpu_sc as plsc

N_NODES_C = 10000
NSEG = 10240
W = 48
N_INC_C = 320000
NP_INC = 327680
BLK = 128
BPG = 4
NBLK = 80
PAIRS = NBLK // (2 * BPG)
ROWS_PT = NSEG // 16
CHUNK = ROWS_PT // 2

_MESH = plsc.VectorSubcoreMesh(
    core_axis_name="c", subcore_axis_name="s", num_cores=2, num_subcores=16)

@functools.partial(
    pl.kernel,
    out_type=jax.ShapeDtypeStruct((2, NSEG, W), jnp.float32),
    mesh=_MESH,
    compiler_params=pltpu.CompilerParams(use_tc_tiling_on_sc=False),
    scratch_types=[
        pltpu.VMEM((NBLK, BLK), jnp.int32),
        pltpu.VMEM((NBLK, BLK), jnp.int32),
        pltpu.VMEM((BPG * BLK, W), jnp.float32),
        pltpu.VMEM((BPG * BLK, W), jnp.float32),
        pltpu.VMEM_SHARED((NSEG, W), jnp.float32),
        pltpu.VMEM_SHARED((NSEG, W), jnp.float32),
        pltpu.SemaphoreType.DMA,
        pltpu.SemaphoreType.DMA,
        pltpu.SemaphoreType.DMA,
        pltpu.SemaphoreType.DMA,
    ],
)
def _prop(table, zrows, srcb, dstb, out,
          sidx, didx, bufa, bufb, acc, tbl, gsa, gsb, ssa, ssb):
    cid = lax.axis_index("c")
    sid = lax.axis_index("s")
    wid = cid * 16 + sid
    blk0 = wid * NBLK

    r0p = sid * ROWS_PT
    d1 = pltpu.async_copy(srcb.at[pl.ds(blk0, NBLK)], sidx, gsa)
    d2 = pltpu.async_copy(dstb.at[pl.ds(blk0, NBLK)], didx, gsa)
    d3 = pltpu.async_copy(zrows.at[pl.ds(r0p, ROWS_PT)],
                          acc.at[pl.ds(r0p, ROWS_PT)], gsa)
    d4 = pltpu.async_copy(table.at[pl.ds(r0p, ROWS_PT)],
                          tbl.at[pl.ds(r0p, ROWS_PT)], gsa)
    d1.wait()
    d2.wait()
    d3.wait()
    d4.wait()
    plsc.subcore_barrier()

    def _fire_g(g, buf, sem):
        for j in range(BPG):
            pltpu.async_copy(tbl.at[sidx.at[g * BPG + j]],
                             buf.at[pl.ds(j * BLK, BLK)], sem)

    def _wait_g(g, buf, sem):
        for j in range(BPG):
            pltpu.make_async_copy(tbl.at[sidx.at[g * BPG + j]],
                                  buf.at[pl.ds(j * BLK, BLK)], sem).wait()

    def _fire_s(g, buf, sem):
        for j in range(BPG):
            pltpu.async_copy(buf.at[pl.ds(j * BLK, BLK)],
                             acc.at[didx.at[g * BPG + j]], sem, add=True)

    def _wait_s(g, buf, sem):
        for j in range(BPG):
            pltpu.make_async_copy(buf.at[pl.ds(j * BLK, BLK)],
                                  acc.at[didx.at[g * BPG + j]], sem).wait()

    _fire_g(0, bufa, gsa)

    def _pair(s, _):
        ga = 2 * s
        gb = 2 * s + 1
        _wait_g(ga, bufa, gsa)
        _fire_s(ga, bufa, ssa)

        @pl.when(s >= 1)
        def _():
            _wait_s(gb - 2, bufb, ssb)
        _fire_g(gb, bufb, gsb)
        _wait_g(gb, bufb, gsb)
        _fire_s(gb, bufb, ssb)
        _wait_s(ga, bufa, ssa)

        @pl.when(s <= PAIRS - 2)
        def _():
            _fire_g(ga + 2, bufa, gsa)
        return 0
    lax.fori_loop(0, PAIRS, _pair, 0)
    _wait_s(2 * PAIRS - 1, bufb, ssb)

    plsc.subcore_barrier()
    r0 = sid * ROWS_PT
    pltpu.sync_copy(acc.at[pl.ds(r0, ROWS_PT)], out.at[cid, pl.ds(r0, ROWS_PT)])


def _mm1_body(x_ref, w_ref, o_ref):
    o = jnp.dot(x_ref[...], w_ref[...], preferred_element_type=jnp.float32)
    colid = lax.broadcasted_iota(jnp.int32, o.shape, 1)
    o_ref[...] = o + jnp.where(colid == 32, 1.0, 0.0)


def _scale1_body(p_ref, ef_ref, binv_ref):
    s = p_ref[0] + p_ref[1]
    cnt = s[:, 32:33]
    binv = jnp.where(cnt > 0, 1.0 / cnt, 0.0)
    ef_ref[...] = binv * s
    binv_ref[...] = jnp.broadcast_to(binv, (NSEG, 8))


def _hidden_body(p_ref, b1_ref, w2_ref, o_ref, dinv_ref):
    s = p_ref[0] + p_ref[1]
    d = s[:, 32:33]
    dinv = jnp.where(d > 0, 1.0 / d, 0.0)
    h = jnp.maximum(dinv * s[:, :32] + b1_ref[0:1, :], 0.0)
    o_ref[...] = jnp.dot(h, w2_ref[...], preferred_element_type=jnp.float32)
    dinv_ref[...] = jnp.broadcast_to(dinv, (NSEG, 8))


def _scale2_body(p_ref, binv_ref, ef_ref):
    ef_ref[...] = binv_ref[:, 0:1] * (p_ref[0] + p_ref[1])


def _out_body(p_ref, dinv_ref, b2_ref, o_ref):
    z = dinv_ref[:, 0:1] * (p_ref[0] + p_ref[1])[:, :40] + b2_ref[0:1, :]
    m = jnp.max(z, axis=1, keepdims=True)
    e = jnp.exp(z - m)
    o_ref[...] = (z - m) - jnp.log(jnp.sum(e, axis=1, keepdims=True))


def _full(shape):
    return pl.BlockSpec(shape, lambda: (0,) * len(shape))


def kernel(x, hyperedge_index, W1, b1, W2, b2):
    f32 = jnp.float32
    row = hyperedge_index[0].astype(jnp.int32)
    col = hyperedge_index[1].astype(jnp.int32)
    pad = jnp.full((NP_INC - N_INC_C,), N_NODES_C, jnp.int32)
    row_p = jnp.concatenate([row, pad]).reshape(NP_INC // BLK, BLK)
    col_p = jnp.concatenate([col, pad]).reshape(NP_INC // BLK, BLK)

    xpad = jnp.zeros((NSEG, 128), f32).at[:N_NODES_C].set(x)
    zrows = jnp.zeros((NSEG, W), f32)
    w1p = jnp.zeros((128, W), f32).at[:, :32].set(W1)
    w2p = jnp.zeros((32, W), f32).at[:, :40].set(W2)
    b1b = jnp.broadcast_to(b1.astype(f32), (8, 32))
    b2b = jnp.broadcast_to(b2.astype(f32), (8, 40))

    t1 = pl.pallas_call(
        _mm1_body,
        grid=(10,),
        in_specs=[pl.BlockSpec((1024, 128), lambda i: (i, 0)),
                  pl.BlockSpec((128, W), lambda i: (0, 0))],
        out_specs=pl.BlockSpec((1024, W), lambda i: (i, 0)),
        out_shape=jax.ShapeDtypeStruct((NSEG, W), f32),
    )(xpad, w1p)

    pA = _prop(t1, zrows, row_p, col_p)

    ef1, binv = pl.pallas_call(
        _scale1_body,
        in_specs=[_full((2, NSEG, W))],
        out_specs=[_full((NSEG, W)), _full((NSEG, 8))],
        out_shape=[jax.ShapeDtypeStruct((NSEG, W), f32),
                   jax.ShapeDtypeStruct((NSEG, 8), f32)],
    )(pA)

    pB = _prop(ef1, zrows, col_p, row_p)

    t2, dinv = pl.pallas_call(
        _hidden_body,
        in_specs=[_full((2, NSEG, W)), _full((8, 32)), _full((32, W))],
        out_specs=[_full((NSEG, W)), _full((NSEG, 8))],
        out_shape=[jax.ShapeDtypeStruct((NSEG, W), f32),
                   jax.ShapeDtypeStruct((NSEG, 8), f32)],
    )(pB, b1b, w2p)

    pA2 = _prop(t2, zrows, row_p, col_p)

    ef2 = pl.pallas_call(
        _scale2_body,
        in_specs=[_full((2, NSEG, W)), _full((NSEG, 8))],
        out_specs=_full((NSEG, W)),
        out_shape=jax.ShapeDtypeStruct((NSEG, W), f32),
    )(pA2, binv)

    pB2 = _prop(ef2, zrows, col_p, row_p)

    out = pl.pallas_call(
        _out_body,
        in_specs=[_full((2, NSEG, W)), _full((NSEG, 8)), _full((8, 40))],
        out_specs=_full((NSEG, 40)),
        out_shape=jax.ShapeDtypeStruct((NSEG, 40), f32),
    )(pB2, dinv, b2b)

    return out[:N_NODES_C]

# --- scband reference (transcript-rebuilt; emitter-appended) ---
"""Pipeline reference for scband-hyper-gat-20418274525981 (READ-ONLY COPY).

The authoritative reference and input builder live on the scoring server;
editing this copy changes nothing except your own understanding.
"""

import jax, jax.numpy as jnp
import numpy as np

N_NODES = 10000
N_FEAT = 128
DIM = 32
N_CLASSES = 40
N_INC = 320000


def setup_inputs(seed: int = 0) -> dict:
    key = jax.random.key(seed)
    k1, k2, k3, k4, k5, k6 = jax.random.split(key, 6)
    x = jax.random.normal(k1, (N_NODES, N_FEAT), dtype=jnp.float32)
    hyperedge_index = jax.random.randint(k2, (2, N_INC), 0, N_NODES, dtype=jnp.int32)
    W1 = jax.random.normal(k3, (N_FEAT, DIM), dtype=jnp.float32) * (1.0 / np.sqrt(N_FEAT))
    b1 = jnp.zeros((DIM,), dtype=jnp.float32)
    W2 = jax.random.normal(k4, (DIM, N_CLASSES), dtype=jnp.float32) * (1.0 / np.sqrt(DIM))
    b2 = jnp.zeros((N_CLASSES,), dtype=jnp.float32)
    return {"x": x, "hyperedge_index": hyperedge_index, "W1": W1, "b1": b1, "W2": W2, "b2": b2}


def _hypergraph_conv(x, hyperedge_index, W, b):
    # Faithful to torch_geometric HypergraphConv (non-attention math path):
    #   D_v = sum of hyperedge weights incident on node v; B_e = hyperedge degree
    #   out = D^-1 H W_e B^-1 H^T (X Theta) + bias
    num_nodes = x.shape[0]
    row = hyperedge_index[0]
    col = hyperedge_index[1]
    num_edges = num_nodes
    xw = x @ W
    hyperedge_weight = jnp.ones((num_edges,), dtype=jnp.float32)
    D = jax.ops.segment_sum(hyperedge_weight[col], row, num_segments=num_nodes)
    Dinv = jnp.where(D > 0, 1.0 / D, 0.0)
    Bdeg = jax.ops.segment_sum(jnp.ones((row.shape[0],), dtype=jnp.float32), col, num_segments=num_edges)
    Binv = jnp.where(Bdeg > 0, 1.0 / Bdeg, 0.0)
    # propagate 1: nodes -> hyperedges, norm_i = B[col]
    edge_feat = jax.ops.segment_sum(Binv[col][:, None] * xw[row], col, num_segments=num_edges)
    # propagate 2: hyperedges -> nodes, norm_i = D[row]
    node_out = jax.ops.segment_sum(Dinv[row][:, None] * edge_feat[col], row, num_segments=num_nodes)
    return node_out + b


def reference(x, hyperedge_index, W1, b1, W2, b2):
    h = jax.nn.relu(_hypergraph_conv(x, hyperedge_index, W1, b1))
    # F.dropout(p=0.5, training=False) -> identity in eval mode
    out = _hypergraph_conv(h, hyperedge_index, W2, b2)
    return jax.nn.log_softmax(out, axis=1)

if __name__ == "__main__":
    import jax
    _d = setup_inputs()
    print(jax.jit(kernel)(*tuple(_d.values())))

</pallas_src>

<mosaic_0001>
#map = affine_map<(d0, d1) -> (0, 0)>
#map1 = affine_map<(d0, d1) -> (0, 0, 0)>
module attributes {stable_mosaic.version = 14 : i64} {
  func.func @_prop(%arg0: i32, %arg1: i32, %arg2: memref<10240x48xf32, #tpu.memory_space<hbm>>, %arg3: memref<10240x48xf32, #tpu.memory_space<hbm>>, %arg4: memref<2560x128xi32, #tpu.memory_space<hbm>>, %arg5: memref<2560x128xi32, #tpu.memory_space<hbm>>, %arg6: memref<2x10240x48xf32, #tpu.memory_space<hbm>>, %arg7: memref<80x128xi32, #tpu.memory_space<vmem>>, %arg8: memref<80x128xi32, #tpu.memory_space<vmem>>, %arg9: memref<512x48xf32, #tpu.memory_space<vmem>>, %arg10: memref<512x48xf32, #tpu.memory_space<vmem>>, %arg11: memref<10240x48xf32, #tpu.memory_space<vmem_shared>>, %arg12: memref<10240x48xf32, #tpu.memory_space<vmem_shared>>, %arg13: memref<!tpu.dma_semaphore, #tpu.memory_space<semaphore_mem>>, %arg14: memref<!tpu.dma_semaphore, #tpu.memory_space<semaphore_mem>>, %arg15: memref<!tpu.dma_semaphore, #tpu.memory_space<semaphore_mem>>, %arg16: memref<!tpu.dma_semaphore, #tpu.memory_space<semaphore_mem>>) attributes {dimension_semantics = [#tpu.dimension_semantics<core_parallel>, #tpu.dimension_semantics<subcore_parallel>], iteration_bounds = array<i64: 2, 16>, scalar_prefetch = 0 : i64, scratch_operands = 10 : i64, tpu.core_type = #tpu.core_type<sc_vector_subcore>, window_params = [{transform_indices = #map}, {transform_indices = #map}, {transform_indices = #map}, {transform_indices = #map}, {transform_indices = #map1}]} {
    %mul3A = arith.constant 16 : i32
    %mul3A_0 = arith.muli %arg0, %mul3A : i32
    %add3A = arith.addi %mul3A_0, %arg1 : i32
    %mul3A_1 = arith.constant 80 : i32
    %mul3A_2 = arith.muli %add3A, %mul3A_1 : i32
    %mul3A_3 = arith.constant 640 : i32
    %mul3A_4 = arith.muli %arg1, %mul3A_3 : i32
    %dma_start3A = arith.constant 0 : i32
    %dma_start3A_5 = tpu.memref_slice %arg4[%mul3A_2, %dma_start3A] : memref<2560x128xi32, #tpu.memory_space<hbm>> -> memref<80x128xi32, #tpu.memory_space<hbm>>
    %dma_start3A_6 = arith.constant 0 : i32
    %dma_start3A_7 = tpu.memref_slice %arg4[%mul3A_2, %dma_start3A_6] : memref<2560x128xi32, #tpu.memory_space<hbm>> -> memref<80x128xi32, #tpu.memory_space<hbm>>
    tpu.enqueue_dma source(%dma_start3A_7 : memref<80x128xi32, #tpu.memory_space<hbm>>) target(%arg7 : memref<80x128xi32, #tpu.memory_space<vmem>>) target_semaphore(%arg13 : memref<!tpu.dma_semaphore, #tpu.memory_space<semaphore_mem>>)
    %dma_start3A_8 = arith.constant 0 : i32
    %dma_start3A_9 = tpu.memref_slice %arg5[%mul3A_2, %dma_start3A_8] : memref<2560x128xi32, #tpu.memory_space<hbm>> -> memref<80x128xi32, #tpu.memory_space<hbm>>
    %dma_start3A_10 = arith.constant 0 : i32
    %dma_start3A_11 = tpu.memref_slice %arg5[%mul3A_2, %dma_start3A_10] : memref<2560x128xi32, #tpu.memory_space<hbm>> -> memref<80x128xi32, #tpu.memory_space<hbm>>
    tpu.enqueue_dma source(%dma_start3A_11 : memref<80x128xi32, #tpu.memory_space<hbm>>) target(%arg8 : memref<80x128xi32, #tpu.memory_space<vmem>>) target_semaphore(%arg13 : memref<!tpu.dma_semaphore, #tpu.memory_space<semaphore_mem>>)
    %dma_start3A_12 = arith.constant 0 : i32
    %dma_start3A_13 = tpu.memref_slice %arg11[%mul3A_4, %dma_start3A_12] : memref<10240x48xf32, #tpu.memory_space<vmem_shared>> -> memref<640x48xf32, #tpu.memory_space<vmem_shared>>
    %dma_start3A_14 = arith.constant 0 : i32
    %dma_start3A_15 = tpu.memref_slice %arg3[%mul3A_4, %dma_start3A_14] : memref<10240x48xf32, #tpu.memory_space<hbm>> -> memref<640x48xf32, #tpu.memory_space<hbm>>
    tpu.enqueue_dma source(%dma_start3A_15 : memref<640x48xf32, #tpu.memory_space<hbm>>) target(%dma_start3A_13 : memref<640x48xf32, #tpu.memory_space<vmem_shared>>) target_semaphore(%arg13 : memref<!tpu.dma_semaphore, #tpu.memory_space<semaphore_mem>>)
    %dma_start3A_16 = arith.constant 0 : i32
    %dma_start3A_17 = tpu.memref_slice %arg12[%mul3A_4, %dma_start3A_16] : memref<10240x48xf32, #tpu.memory_space<vmem_shared>> -> memref<640x48xf32, #tpu.memory_space<vmem_shared>>
    %dma_start3A_18 = arith.constant 0 : i32
    %dma_start3A_19 = tpu.memref_slice %arg2[%mul3A_4, %dma_start3A_18] : memref<10240x48xf32, #tpu.memory_space<hbm>> -> memref<640x48xf32, #tpu.memory_space<hbm>>
    tpu.enqueue_dma source(%dma_start3A_19 : memref<640x48xf32, #tpu.memory_space<hbm>>) target(%dma_start3A_17 : memref<640x48xf32, #tpu.memory_space<vmem_shared>>) target_semaphore(%arg13 : memref<!tpu.dma_semaphore, #tpu.memory_space<semaphore_mem>>)
    %dma_wait3A = arith.constant 0 : i32
    %dma_wait3A_20 = tpu.memref_slice %arg4[%mul3A_2, %dma_wait3A] : memref<2560x128xi32, #tpu.memory_space<hbm>> -> memref<80x128xi32, #tpu.memory_space<hbm>>
    %dma_wait3A_21 = arith.constant 0 : i32
    %dma_wait3A_22 = tpu.memref_slice %arg4[%mul3A_2, %dma_wait3A_21] : memref<2560x128xi32, #tpu.memory_space<hbm>> -> memref<80x128xi32, #tpu.memory_space<hbm>>
    tpu.wait_dma2 semaphore(%arg13 : memref<!tpu.dma_semaphore, #tpu.memory_space<semaphore_mem>>) src(%dma_wait3A_22 : memref<80x128xi32, #tpu.memory_space<hbm>>) dst(%arg7 : memref<80x128xi32, #tpu.memory_space<vmem>>)
    %dma_wait3A_23 = arith.constant 0 : i32
    %dma_wait3A_24 = tpu.memref_slice %arg5[%mul3A_2, %dma_wait3A_23] : memref<2560x128xi32, #tpu.memory_space<hbm>> -> memref<80x128xi32, #tpu.memory_space<hbm>>
    %dma_wait3A_25 = arith.constant 0 : i32
    %dma_wait3A_26 = tpu.memref_slice %arg5[%mul3A_2, %dma_wait3A_25] : memref<2560x128xi32, #tpu.memory_space<hbm>> -> memref<80x128xi32, #tpu.memory_space<hbm>>
    tpu.wait_dma2 semaphore(%arg13 : memref<!tpu.dma_semaphore, #tpu.memory_space<semaphore_mem>>) src(%dma_wait3A_26 : memref<80x128xi32, #tpu.memory_space<hbm>>) dst(%arg8 : memref<80x128xi32, #tpu.memory_space<vmem>>)
    %dma_wait3A_27 = arith.constant 0 : i32
    %dma_wait3A_28 = tpu.memref_slice %arg11[%mul3A_4, %dma_wait3A_27] : memref<10240x48xf32, #tpu.memory_space<vmem_shared>> -> memref<640x48xf32, #tpu.memory_space<vmem_shared>>
    %dma_wait3A_29 = arith.constant 0 : i32
    %dma_wait3A_30 = tpu.memref_slice %arg3[%mul3A_4, %dma_wait3A_29] : memref<10240x48xf32, #tpu.memory_space<hbm>> -> memref<640x48xf32, #tpu.memory_space<hbm>>
    tpu.wait_dma2 semaphore(%arg13 : memref<!tpu.dma_semaphore, #tpu.memory_space<semaphore_mem>>) src(%dma_wait3A_30 : memref<640x48xf32, #tpu.memory_space<hbm>>) dst(%dma_wait3A_28 : memref<640x48xf32, #tpu.memory_space<vmem_shared>>)
    %dma_wait3A_31 = arith.constant 0 : i32
    %dma_wait3A_32 = tpu.memref_slice %arg12[%mul3A_4, %dma_wait3A_31] : memref<10240x48xf32, #tpu.memory_space<vmem_shared>> -> memref<640x48xf32, #tpu.memory_space<vmem_shared>>
    %dma_wait3A_33 = arith.constant 0 : i32
    %dma_wait3A_34 = tpu.memref_slice %arg2[%mul3A_4, %dma_wait3A_33] : memref<10240x48xf32, #tpu.memory_space<hbm>> -> memref<640x48xf32, #tpu.memory_space<hbm>>
    tpu.wait_dma2 semaphore(%arg13 : memref<!tpu.dma_semaphore, #tpu.memory_space<semaphore_mem>>) src(%dma_wait3A_34 : memref<640x48xf32, #tpu.memory_space<hbm>>) dst(%dma_wait3A_32 : memref<640x48xf32, #tpu.memory_space<vmem_shared>>)
    %barrier3A = arith.constant 0 : index
    tpu.barrier barrier_id(%barrier3A)
    %dma_start3A_35 = arith.constant 0 : i32
    %dma_start3A_36 = arith.constant 0 : i32
    %dma_start3A_37 = arith.constant 0 : i32
    %dma_start3A_38 = tpu.memref_slice %arg9[%dma_start3A_36, %dma_start3A_37] : memref<512x48xf32, #tpu.memory_space<vmem>> -> memref<128x48xf32, #tpu.memory_space<vmem>>
    %dma_start3A_39 = arith.constant 0 : i32
    %dma_start3A_40 = tpu.memref_slice %arg7[%dma_start3A_35, %dma_start3A_39] : memref<80x128xi32, #tpu.memory_space<vmem>> -> memref<1x128xi32, #tpu.memory_space<vmem>>
    %dma_start3A_41 = tpu.memref_squeeze %dma_start3A_40 : memref<1x128xi32, #tpu.memory_space<vmem>> -> memref<128xi32, #tpu.memory_space<vmem>>
    %dma_start3A_42 = arith.constant 0 : i32
    %dma_start3A_43 = arith.constant 0 : i32
    %dma_start3A_44 = tpu.memref_slice %arg12[%dma_start3A_42, %dma_start3A_43] : memref<10240x48xf32, #tpu.memory_space<vmem_shared>> -> memref<10240x48xf32, #tpu.memory_space<vmem_shared>>
    tpu.enqueue_indirect_dma source(%dma_start3A_44 : memref<10240x48xf32, #tpu.memory_space<vmem_shared>>) target(%dma_start3A_38 : memref<128x48xf32, #tpu.memory_space<vmem>>) offsets(%dma_start3A_41 : memref<128xi32, #tpu.memory_space<vmem>>) semaphore(%arg13 : memref<!tpu.dma_semaphore, #tpu.memory_space<semaphore_mem>>)
    %dma_start3A_45 = arith.constant 1 : i32
    %dma_start3A_46 = arith.constant 128 : i32
    %dma_start3A_47 = arith.constant 0 : i32
    %dma_start3A_48 = tpu.memref_slice %arg9[%dma_start3A_46, %dma_start3A_47] : memref<512x48xf32, #tpu.memory_space<vmem>> -> memref<128x48xf32, #tpu.memory_space<vmem>>
    %dma_start3A_49 = arith.constant 0 : i32
    %dma_start3A_50 = tpu.memref_slice %arg7[%dma_start3A_45, %dma_start3A_49] : memref<80x128xi32, #tpu.memory_space<vmem>> -> memref<1x128xi32, #tpu.memory_space<vmem>>
    %dma_start3A_51 = tpu.memref_squeeze %dma_start3A_50 : memref<1x128xi32, #tpu.memory_space<vmem>> -> memref<128xi32, #tpu.memory_space<vmem>>
    %dma_start3A_52 = arith.constant 0 : i32
    %dma_start3A_53 = arith.constant 0 : i32
    %dma_start3A_54 = tpu.memref_slice %arg12[%dma_start3A_52, %dma_start3A_53] : memref<10240x48xf32, #tpu.memory_space<vmem_shared>> -> memref<10240x48xf32, #tpu.memory_space<vmem_shared>>
    tpu.enqueue_indirect_dma source(%dma_start3A_54 : memref<10240x48xf32, #tpu.memory_space<vmem_shared>>) target(%dma_start3A_48 : memref<128x48xf32, #tpu.memory_space<vmem>>) offsets(%dma_start3A_51 : memref<128xi32, #tpu.memory_space<vmem>>) semaphore(%arg13 : memref<!tpu.dma_semaphore, #tpu.memory_space<semaphore_mem>>)
    %dma_start3A_55 = arith.constant 2 : i32
    %dma_start3A_56 = arith.constant 256 : i32
    %dma_start3A_57 = arith.constant 0 : i32
    %dma_start3A_58 = tpu.memref_slice %arg9[%dma_start3A_56, %dma_start3A_57] : memref<512x48xf32, #tpu.memory_space<vmem>> -> memref<128x48xf32, #tpu.memory_space<vmem>>
    %dma_start3A_59 = arith.constant 0 : i32
    %dma_start3A_60 = tpu.memref_slice %arg7[%dma_start3A_55, %dma_start3A_59] : memref<80x128xi32, #tpu.memory_space<vmem>> -> memref<1x128xi32, #tpu.memory_space<vmem>>
    %dma_start3A_61 = tpu.memref_squeeze %dma_start3A_60 : memref<1x128xi32, #tpu.memory_space<vmem>> -> memref<128xi32, #tpu.memory_space<vmem>>
    %dma_start3A_62 = arith.constant 0 : i32
    %dma_start3A_63 = arith.constant 0 : i32
    %dma_start3A_64 = tpu.memref_slice %arg12[%dma_start3A_62, %dma_start3A_63] : memref<10240x48xf32, #tpu.memory_space<vmem_shared>> -> memref<10240x48xf32, #tpu.memory_space<vmem_shared>>
    tpu.enqueue_indirect_dma source(%dma_start3A_64 : memref<10240x48xf32, #tpu.memory_space<vmem_shared>>) target(%dma_start3A_58 : memref<128x48xf32, #tpu.memory_space<vmem>>) offsets(%dma_start3A_61 : memref<128xi32, #tpu.memory_space<vmem>>) semaphore(%arg13 : memref<!tpu.dma_semaphore, #tpu.memory_space<semaphore_mem>>)
    %dma_start3A_65 = arith.constant 3 : i32
    %dma_start3A_66 = arith.constant 384 : i32
    %dma_start3A_67 = arith.constant 0 : i32
    %dma_start3A_68 = tpu.memref_slice %arg9[%dma_start3A_66, %dma_start3A_67] : memref<512x48xf32, #tpu.memory_space<vmem>> -> memref<128x48xf32, #tpu.memory_space<vmem>>
    %dma_start3A_69 = arith.constant 0 : i32
    %dma_start3A_70 = tpu.memref_slice %arg7[%dma_start3A_65, %dma_start3A_69] : memref<80x128xi32, #tpu.memory_space<vmem>> -> memref<1x128xi32, #tpu.memory_space<vmem>>
    %dma_start3A_71 = tpu.memref_squeeze %dma_start3A_70 : memref<1x128xi32, #tpu.memory_space<vmem>> -> memref<128xi32, #tpu.memory_space<vmem>>
    %dma_start3A_72 = arith.constant 0 : i32
    %dma_start3A_73 = arith.constant 0 : i32
    %dma_start3A_74 = tpu.memref_slice %arg12[%dma_start3A_72, %dma_start3A_73] : memref<10240x48xf32, #tpu.memory_space<vmem_shared>> -> memref<10240x48xf32, #tpu.memory_space<vmem_shared>>
    tpu.enqueue_indirect_dma source(%dma_start3A_74 : memref<10240x48xf32, #tpu.memory_space<vmem_shared>>) target(%dma_start3A_68 : memref<128x48xf32, #tpu.memory_space<vmem>>) offsets(%dma_start3A_71 : memref<128xi32, #tpu.memory_space<vmem>>) semaphore(%arg13 : memref<!tpu.dma_semaphore, #tpu.memory_space<semaphore_mem>>)
    %scan3A = arith.constant 0 : i32
    %scan3A_75 = arith.constant 0 : i32
    %scan3A_76 = arith.constant 10 : i32
    %scan3A_77 = arith.addi %scan3A_75, %scan3A_76 : i32
    %scan3A_78 = arith.constant 1 : i32
    %scan3A_79 = scf.for %scan3A_124 = %scan3A_75 to %scan3A_77 step %scan3A_78 iter_args(%scan3A_125 = %scan3A) -> (i32)  : i32 {
      %mul3A_126 = arith.constant 2 : i32
      %mul3A_127 = arith.muli %mul3A_126, %scan3A_124 : i32
      %mul3A_128 = arith.constant 2 : i32
      %mul3A_129 = arith.muli %mul3A_128, %scan3A_124 : i32
      %add3A_130 = arith.constant 1 : i32
      %add3A_131 = arith.addi %mul3A_129, %add3A_130 : i32
      %mul3A_132 = arith.constant 4 : i32
      %mul3A_133 = arith.muli %mul3A_127, %mul3A_132 : i32
      %add3A_134 = arith.constant 0 : i32
      %add3A_135 = arith.addi %mul3A_133, %add3A_134 : i32
      %dma_wait3A_136 = arith.constant 0 : i32
      %dma_wait3A_137 = arith.constant 0 : i32
      %dma_wait3A_138 = tpu.memref_slice %arg9[%dma_wait3A_136, %dma_wait3A_137] : memref<512x48xf32, #tpu.memory_space<vmem>> -> memref<128x48xf32, #tpu.memory_space<vmem>>
      %dma_wait3A_139 = arith.constant 0 : i32
      %dma_wait3A_140 = tpu.memref_slice %arg7[%add3A_135, %dma_wait3A_139] : memref<80x128xi32, #tpu.memory_space<vmem>> -> memref<1x128xi32, #tpu.memory_space<vmem>>
      %dma_wait3A_141 = tpu.memref_squeeze %dma_wait3A_140 : memref<1x128xi32, #tpu.memory_space<vmem>> -> memref<128xi32, #tpu.memory_space<vmem>>
      %dma_wait3A_142 = arith.constant 0 : i32
      %dma_wait3A_143 = arith.constant 0 : i32
      %dma_wait3A_144 = tpu.memref_slice %arg12[%dma_wait3A_142, %dma_wait3A_143] : memref<10240x48xf32, #tpu.memory_space<vmem_shared>> -> memref<10240x48xf32, #tpu.memory_space<vmem_shared>>
      tpu.wait_indirect_dma semaphore(%arg13 : memref<!tpu.dma_semaphore, #tpu.memory_space<semaphore_mem>>) src(%dma_wait3A_144 : memref<10240x48xf32, #tpu.memory_space<vmem_shared>>) dst(%dma_wait3A_138 : memref<128x48xf32, #tpu.memory_space<vmem>>)
      %mul3A_145 = arith.constant 4 : i32
      %mul3A_146 = arith.muli %mul3A_127, %mul3A_145 : i32
      %add3A_147 = arith.constant 1 : i32
      %add3A_148 = arith.addi %mul3A_146, %add3A_147 : i32
      %dma_wait3A_149 = arith.constant 128 : i32
      %dma_wait3A_150 = arith.constant 0 : i32
      %dma_wait3A_151 = tpu.memref_slice %arg9[%dma_wait3A_149, %dma_wait3A_150] : memref<512x48xf32, #tpu.memory_space<vmem>> -> memref<128x48xf32, #tpu.memory_space<vmem>>
      %dma_wait3A_152 = arith.constant 0 : i32
      %dma_wait3A_153 = tpu.memref_slice %arg7[%add3A_148, %dma_wait3A_152] : memref<80x128xi32, #tpu.memory_space<vmem>> -> memref<1x128xi32, #tpu.memory_space<vmem>>
      %dma_wait3A_154 = tpu.memref_squeeze %dma_wait3A_153 : memref<1x128xi32, #tpu.memory_space<vmem>> -> memref<128xi32, #tpu.memory_space<vmem>>
      %dma_wait3A_155 = arith.constant 0 : i32
      %dma_wait3A_156 = arith.constant 0 : i32
      %dma_wait3A_157 = tpu.memref_slice %arg12[%dma_wait3A_155, %dma_wait3A_156] : memref<10240x48xf32, #tpu.memory_space<vmem_shared>> -> memref<10240x48xf32, #tpu.memory_space<vmem_shared>>
      tpu.wait_indirect_dma semaphore(%arg13 : memref<!tpu.dma_semaphore, #tpu.memory_space<semaphore_mem>>) src(%dma_wait3A_157 : memref<10240x48xf32, #tpu.memory_space<vmem_shared>>) dst(%dma_wait3A_151 : memref<128x48xf32, #tpu.memory_space<vmem>>)
      %mul3A_158 = arith.constant 4 : i32
      %mul3A_159 = arith.muli %mul3A_127, %mul3A_158 : i32
      %add3A_160 = arith.constant 2 : i32
      %add3A_161 = arith.addi %mul3A_159, %add3A_160 : i32
      %dma_wait3A_162 = arith.constant 256 : i32
      %dma_wait3A_163 = arith.constant 0 : i32
      %dma_wait3A_164 = tpu.memref_slice %arg9[%dma_wait3A_162, %dma_wait3A_163] : memref<512x48xf32, #tpu.memory_space<vmem>> -> memref<128x48xf32, #tpu.memory_space<vmem>>
      %dma_wait3A_165 = arith.constant 0 : i32
      %dma_wait3A_166 = tpu.memref_slice %arg7[%add3A_161, %dma_wait3A_165] : memref<80x128xi32, #tpu.memory_space<vmem>> -> memref<1x128xi32, #tpu.memory_space<vmem>>
      %dma_wait3A_167 = tpu.memref_squeeze %dma_wait3A_166 : memref<1x128xi32, #tpu.memory_space<vmem>> -> memref<128xi32, #tpu.memory_space<vmem>>
      %dma_wait3A_168 = arith.constant 0 : i32
      %dma_wait3A_169 = arith.constant 0 : i32
      %dma_wait3A_170 = tpu.memref_slice %arg12[%dma_wait3A_168, %dma_wait3A_169] : memref<10240x48xf32, #tpu.memory_space<vmem_shared>> -> memref<10240x48xf32, #tpu.memory_space<vmem_shared>>
      tpu.wait_indirect_dma semaphore(%arg13 : memref<!tpu.dma_semaphore, #tpu.memory_space<semaphore_mem>>) src(%dma_wait3A_170 : memref<10240x48xf32, #tpu.memory_space<vmem_shared>>) dst(%dma_wait3A_164 : memref<128x48xf32, #tpu.memory_space<vmem>>)
      %mul3A_171 = arith.constant 4 : i32
      %mul3A_172 = arith.muli %mul3A_127, %mul3A_171 : i32
      %add3A_173 = arith.constant 3 : i32
      %add3A_174 = arith.addi %mul3A_172, %add3A_173 : i32
      %dma_wait3A_175 = arith.constant 384 : i32
      %dma_wait3A_176 = arith.constant 0 : i32
      %dma_wait3A_177 = tpu.memref_slice %arg9[%dma_wait3A_175, %dma_wait3A_176] : memref<512x48xf32, #tpu.memory_space<vmem>> -> memref<128x48xf32, #tpu.memory_space<vmem>>
      %dma_wait3A_178 = arith.constant 0 : i32
      %dma_wait3A_179 = tpu.memref_slice %arg7[%add3A_174, %dma_wait3A_178] : memref<80x128xi32, #tpu.memory_space<vmem>> -> memref<1x128xi32, #tpu.memory_space<vmem>>
      %dma_wait3A_180 = tpu.memref_squeeze %dma_wait3A_179 : memref<1x128xi32, #tpu.memory_space<vmem>> -> memref<128xi32, #tpu.memory_space<vmem>>
      %dma_wait3A_181 = arith.constant 0 : i32
      %dma_wait3A_182 = arith.constant 0 : i32
      %dma_wait3A_183 = tpu.memref_slice %arg12[%dma_wait3A_181, %dma_wait3A_182] : memref<10240x48xf32, #tpu.memory_space<vmem_shared>> -> memref<10240x48xf32, #tpu.memory_space<vmem_shared>>
      tpu.wait_indirect_dma semaphore(%arg13 : memref<!tpu.dma_semaphore, #tpu.memory_space<semaphore_mem>>) src(%dma_wait3A_183 : memref<10240x48xf32, #tpu.memory_space<vmem_shared>>) dst(%dma_wait3A_177 : memref<128x48xf32, #tpu.memory_space<vmem>>)
      %mul3A_184 = arith.constant 4 : i32
      %mul3A_185 = arith.muli %mul3A_127, %mul3A_184 : i32
      %add3A_186 = arith.constant 0 : i32
      %add3A_187 = arith.addi %mul3A_185, %add3A_186 : i32
      %dma_start3A_188 = arith.constant 0 : i32
      %dma_start3A_189 = arith.constant 0 : i32
      %dma_start3A_190 = tpu.memref_slice %arg9[%dma_start3A_188, %dma_start3A_189] : memref<512x48xf32, #tpu.memory_space<vmem>> -> memref<128x48xf32, #tpu.memory_space<vmem>>
      %dma_start3A_191 = arith.constant 0 : i32
      %dma_start3A_192 = tpu.memref_slice %arg8[%add3A_187, %dma_start3A_191] : memref<80x128xi32, #tpu.memory_space<vmem>> -> memref<1x128xi32, #tpu.memory_space<vmem>>
      %dma_start3A_193 = tpu.memref_squeeze %dma_start3A_192 : memref<1x128xi32, #tpu.memory_space<vmem>> -> memref<128xi32, #tpu.memory_space<vmem>>
      %dma_start3A_194 = arith.constant 0 : i32
      %dma_start3A_195 = arith.constant 0 : i32
      %dma_start3A_196 = tpu.memref_slice %arg11[%dma_start3A_194, %dma_start3A_195] : memref<10240x48xf32, #tpu.memory_space<vmem_shared>> -> memref<10240x48xf32, #tpu.memory_space<vmem_shared>>
      tpu.enqueue_indirect_dma source(%dma_start3A_190 : memref<128x48xf32, #tpu.memory_space<vmem>>) target(%dma_start3A_196 : memref<10240x48xf32, #tpu.memory_space<vmem_shared>>) offsets(%dma_start3A_193 : memref<128xi32, #tpu.memory_space<vmem>>) semaphore(%arg15 : memref<!tpu.dma_semaphore, #tpu.memory_space<semaphore_mem>>) {add = true}
      %mul3A_197 = arith.constant 4 : i32
      %mul3A_198 = arith.muli %mul3A_127, %mul3A_197 : i32
      %add3A_199 = arith.constant 1 : i32
      %add3A_200 = arith.addi %mul3A_198, %add3A_199 : i32
      %dma_start3A_201 = arith.constant 128 : i32
      %dma_start3A_202 = arith.constant 0 : i32
      %dma_start3A_203 = tpu.memref_slice %arg9[%dma_start3A_201, %dma_start3A_202] : memref<512x48xf32, #tpu.memory_space<vmem>> -> memref<128x48xf32, #tpu.memory_space<vmem>>
      %dma_start3A_204 = arith.constant 0 : i32
      %dma_start3A_205 = tpu.memref_slice %arg8[%add3A_200, %dma_start3A_204] : memref<80x128xi32, #tpu.memory_space<vmem>> -> memref<1x128xi32, #tpu.memory_space<vmem>>
      %dma_start3A_206 = tpu.memref_squeeze %dma_start3A_205 : memref<1x128xi32, #tpu.memory_space<vmem>> -> memref<128xi32, #tpu.memory_space<vmem>>
      %dma_start3A_207 = arith.constant 0 : i32
      %dma_start3A_208 = arith.constant 0 : i32
      %dma_start3A_209 = tpu.memref_slice %arg11[%dma_start3A_207, %dma_start3A_208] : memref<10240x48xf32, #tpu.memory_space<vmem_shared>> -> memref<10240x48xf32, #tpu.memory_space<vmem_shared>>
      tpu.enqueue_indirect_dma source(%dma_start3A_203 : memref<128x48xf32, #tpu.memory_space<vmem>>) target(%dma_start3A_209 : memref<10240x48xf32, #tpu.memory_space<vmem_shared>>) offsets(%dma_start3A_206 : memref<128xi32, #tpu.memory_space<vmem>>) semaphore(%arg15 : memref<!tpu.dma_semaphore, #tpu.memory_space<semaphore_mem>>) {add = true}
      %mul3A_210 = arith.constant 4 : i32
      %mul3A_211 = arith.muli %mul3A_127, %mul3A_210 : i32
      %add3A_212 = arith.constant 2 : i32
      %add3A_213 = arith.addi %mul3A_211, %add3A_212 : i32
      %dma_start3A_214 = arith.constant 256 : i32
      %dma_start3A_215 = arith.constant 0 : i32
      %dma_start3A_216 = tpu.memref_slice %arg9[%dma_start3A_214, %dma_start3A_215] : memref<512x48xf32, #tpu.memory_space<vmem>> -> memref<128x48xf32, #tpu.memory_space<vmem>>
      %dma_start3A_217 = arith.constant 0 : i32
      %dma_start3A_218 = tpu.memref_slice %arg8[%add3A_213, %dma_start3A_217] : memref<80x128xi32, #tpu.memory_space<vmem>> -> memref<1x128xi32, #tpu.memory_space<vmem>>
      %dma_start3A_219 = tpu.memref_squeeze %dma_start3A_218 : memref<1x128xi32, #tpu.memory_space<vmem>> -> memref<128xi32, #tpu.memory_space<vmem>>
      %dma_start3A_220 = arith.constant 0 : i32
      %dma_start3A_221 = arith.constant 0 : i32
      %dma_start3A_222 = tpu.memref_slice %arg11[%dma_start3A_220, %dma_start3A_221] : memref<10240x48xf32, #tpu.memory_space<vmem_shared>> -> memref<10240x48xf32, #tpu.memory_space<vmem_shared>>
      tpu.enqueue_indirect_dma source(%dma_start3A_216 : memref<128x48xf32, #tpu.memory_space<vmem>>) target(%dma_start3A_222 : memref<10240x48xf32, #tpu.memory_space<vmem_shared>>) offsets(%dma_start3A_219 : memref<128xi32, #tpu.memory_space<vmem>>) semaphore(%arg15 : memref<!tpu.dma_semaphore, #tpu.memory_space<semaphore_mem>>) {add = true}
      %mul3A_223 = arith.constant 4 : i32
      %mul3A_224 = arith.muli %mul3A_127, %mul3A_223 : i32
      %add3A_225 = arith.constant 3 : i32
      %add3A_226 = arith.addi %mul3A_224, %add3A_225 : i32
      %dma_start3A_227 = arith.constant 384 : i32
      %dma_start3A_228 = arith.constant 0 : i32
      %dma_start3A_229 = tpu.memref_slice %arg9[%dma_start3A_227, %dma_start3A_228] : memref<512x48xf32, #tpu.memory_space<vmem>> -> memref<128x48xf32, #tpu.memory_space<vmem>>
      %dma_start3A_230 = arith.constant 0 : i32
      %dma_start3A_231 = tpu.memref_slice %arg8[%add3A_226, %dma_start3A_230] : memref<80x128xi32, #tpu.memory_space<vmem>> -> memref<1x128xi32, #tpu.memory_space<vmem>>
      %dma_start3A_232 = tpu.memref_squeeze %dma_start3A_231 : memref<1x128xi32, #tpu.memory_space<vmem>> -> memref<128xi32, #tpu.memory_space<vmem>>
      %dma_start3A_233 = arith.constant 0 : i32
      %dma_start3A_234 = arith.constant 0 : i32
      %dma_start3A_235 = tpu.memref_slice %arg11[%dma_start3A_233, %dma_start3A_234] : memref<10240x48xf32, #tpu.memory_space<vmem_shared>> -> memref<10240x48xf32, #tpu.memory_space<vmem_shared>>
      tpu.enqueue_indirect_dma source(%dma_start3A_229 : memref<128x48xf32, #tpu.memory_space<vmem>>) target(%dma_start3A_235 : memref<10240x48xf32, #tpu.memory_space<vmem_shared>>) offsets(%dma_start3A_232 : memref<128xi32, #tpu.memory_space<vmem>>) semaphore(%arg15 : memref<!tpu.dma_semaphore, #tpu.memory_space<semaphore_mem>>) {add = true}
      %ge3A = arith.constant 1 : i32
      %ge3A_236 = arith.cmpi sge, %scan3A_124, %ge3A : i32
      %convert_element_type3A = arith.extui %ge3A_236 : i1 to i32
      %cond3A = arith.constant 0 : i32
      %cond3A_237 = arith.cmpi ne, %convert_element_type3A, %cond3A : i32
      scf.if %cond3A_237 {
        %sub3A = arith.constant 2 : i32
        %sub3A_451 = arith.subi %add3A_131, %sub3A : i32
        %mul3A_452 = arith.constant 4 : i32
        %mul3A_453 = arith.muli %sub3A_451, %mul3A_452 : i32
        %add3A_454 = arith.constant 0 : i32
        %add3A_455 = arith.addi %mul3A_453, %add3A_454 : i32
        %dma_wait3A_456 = arith.constant 0 : i32
        %dma_wait3A_457 = arith.constant 0 : i32
        %dma_wait3A_458 = tpu.memref_slice %arg10[%dma_wait3A_456, %dma_wait3A_457] : memref<512x48xf32, #tpu.memory_space<vmem>> -> memref<128x48xf32, #tpu.memory_space<vmem>>
        %dma_wait3A_459 = arith.constant 0 : i32
        %dma_wait3A_460 = tpu.memref_slice %arg8[%add3A_455, %dma_wait3A_459] : memref<80x128xi32, #tpu.memory_space<vmem>> -> memref<1x128xi32, #tpu.memory_space<vmem>>
        %dma_wait3A_461 = tpu.memref_squeeze %dma_wait3A_460 : memref<1x128xi32, #tpu.memory_space<vmem>> -> memref<128xi32, #tpu.memory_space<vmem>>
        %dma_wait3A_462 = arith.constant 0 : i32
        %dma_wait3A_463 = arith.constant 0 : i32
        %dma_wait3A_464 = tpu.memref_slice %arg11[%dma_wait3A_462, %dma_wait3A_463] : memref<10240x48xf32, #tpu.memory_space<vmem_shared>> -> memref<10240x48xf32, #tpu.memory_space<vmem_shared>>
        tpu.wait_indirect_dma semaphore(%arg16 : memref<!tpu.dma_semaphore, #tpu.memory_space<semaphore_mem>>) src(%dma_wait3A_458 : memref<128x48xf32, #tpu.memory_space<vmem>>) dst(%dma_wait3A_464 : memref<10240x48xf32, #tpu.memory_space<vmem_shared>>)
        %mul3A_465 = arith.constant 4 : i32
        %mul3A_466 = arith.muli %sub3A_451, %mul3A_465 : i32
        %add3A_467 = arith.constant 1 : i32
        %add3A_468 = arith.addi %mul3A_466, %add3A_467 : i32
        %dma_wait3A_469 = arith.constant 128 : i32
        %dma_wait3A_470 = arith.constant 0 : i32
        %dma_wait3A_471 = tpu.memref_slice %arg10[%dma_wait3A_469, %dma_wait3A_470] : memref<512x48xf32, #tpu.memory_space<vmem>> -> memref<128x48xf32, #tpu.memory_space<vmem>>
        %dma_wait3A_472 = arith.constant 0 : i32
        %dma_wait3A_473 = tpu.memref_slice %arg8[%add3A_468, %dma_wait3A_472] : memref<80x128xi32, #tpu.memory_space<vmem>> -> memref<1x128xi32, #tpu.memory_space<vmem>>
        %dma_wait3A_474 = tpu.memref_squeeze %dma_wait3A_473 : memref<1x128xi32, #tpu.memory_space<vmem>> -> memref<128xi32, #tpu.memory_space<vmem>>
        %dma_wait3A_475 = arith.constant 0 : i32
        %dma_wait3A_476 = arith.constant 0 : i32
        %dma_wait3A_477 = tpu.memref_slice %arg11[%dma_wait3A_475, %dma_wait3A_476] : memref<10240x48xf32, #tpu.memory_space<vmem_shared>> -> memref<10240x48xf32, #tpu.memory_space<vmem_shared>>
        tpu.wait_indirect_dma semaphore(%arg16 : memref<!tpu.dma_semaphore, #tpu.memory_space<semaphore_mem>>) src(%dma_wait3A_471 : memref<128x48xf32, #tpu.memory_space<vmem>>) dst(%dma_wait3A_477 : memref<10240x48xf32, #tpu.memory_space<vmem_shared>>)
        %mul3A_478 = arith.constant 4 : i32
        %mul3A_479 = arith.muli %sub3A_451, %mul3A_478 : i32
        %add3A_480 = arith.constant 2 : i32
        %add3A_481 = arith.addi %mul3A_479, %add3A_480 : i32
        %dma_wait3A_482 = arith.constant 256 : i32
        %dma_wait3A_483 = arith.constant 0 : i32
        %dma_wait3A_484 = tpu.memref_slice %arg10[%dma_wait3A_482, %dma_wait3A_483] : memref<512x48xf32, #tpu.memory_space<vmem>> -> memref<128x48xf32, #tpu.memory_space<vmem>>
        %dma_wait3A_485 = arith.constant 0 : i32
        %dma_wait3A_486 = tpu.memref_slice %arg8[%add3A_481, %dma_wait3A_485] : memref<80x128xi32, #tpu.memory_space<vmem>> -> memref<1x128xi32, #tpu.memory_space<vmem>>
        %dma_wait3A_487 = tpu.memref_squeeze %dma_wait3A_486 : memref<1x128xi32, #tpu.memory_space<vmem>> -> memref<128xi32, #tpu.memory_space<vmem>>
        %dma_wait3A_488 = arith.constant 0 : i32
        %dma_wait3A_489 = arith.constant 0 : i32
        %dma_wait3A_490 = tpu.memref_slice %arg11[%dma_wait3A_488, %dma_wait3A_489] : memref<10240x48xf32, #tpu.memory_space<vmem_shared>> -> memref<10240x48xf32, #tpu.memory_space<vmem_shared>>
        tpu.wait_indirect_dma semaphore(%arg16 : memref<!tpu.dma_semaphore, #tpu.memory_space<semaphore_mem>>) src(%dma_wait3A_484 : memref<128x48xf32, #tpu.memory_space<vmem>>) dst(%dma_wait3A_490 : memref<10240x48xf32, #tpu.memory_space<vmem_shared>>)
        %mul3A_491 = arith.constant 4 : i32
        %mul3A_492 = arith.muli %sub3A_451, %mul3A_491 : i32
        %add3A_493 = arith.constant 3 : i32
        %add3A_494 = arith.addi %mul3A_492, %add3A_493 : i32
        %dma_wait3A_495 = arith.constant 384 : i32
        %dma_wait3A_496 = arith.constant 0 : i32
        %dma_wait3A_497 = tpu.memref_slice %arg10[%dma_wait3A_495, %dma_wait3A_496] : memref<512x48xf32, #tpu.memory_space<vmem>> -> memref<128x48xf32, #tpu.memory_space<vmem>>
        %dma_wait3A_498 = arith.constant 0 : i32
        %dma_wait3A_499 = tpu.memref_slice %arg8[%add3A_494, %dma_wait3A_498] : memref<80x128xi32, #tpu.memory_space<vmem>> -> memref<1x128xi32, #tpu.memory_space<vmem>>
        %dma_wait3A_500 = tpu.memref_squeeze %dma_wait3A_499 : memref<1x128xi32, #tpu.memory_space<vmem>> -> memref<128xi32, #tpu.memory_space<vmem>>
        %dma_wait3A_501 = arith.constant 0 : i32
        %dma_wait3A_502 = arith.constant 0 : i32
        %dma_wait3A_503 = tpu.memref_slice %arg11[%dma_wait3A_501, %dma_wait3A_502] : memref<10240x48xf32, #tpu.memory_space<vmem_shared>> -> memref<10240x48xf32, #tpu.memory_space<vmem_shared>>
        tpu.wait_indirect_dma semaphore(%arg16 : memref<!tpu.dma_semaphore, #tpu.memory_space<semaphore_mem>>) src(%dma_wait3A_497 : memref<128x48xf32, #tpu.memory_space<vmem>>) dst(%dma_wait3A_503 : memref<10240x48xf32, #tpu.memory_space<vmem_shared>>)
      } else {
      }
      %mul3A_238 = arith.constant 4 : i32
      %mul3A_239 = arith.muli %add3A_131, %mul3A_238 : i32
      %add3A_240 = arith.constant 0 : i32
      %add3A_241 = arith.addi %mul3A_239, %add3A_240 : i32
      %dma_start3A_242 = arith.constant 0 : i32
      %dma_start3A_243 = arith.constant 0 : i32
      %dma_start3A_244 = tpu.memref_slice %arg10[%dma_start3A_242, %dma_start3A_243] : memref<512x48xf32, #tpu.memory_space<vmem>> -> memref<128x48xf32, #tpu.memory_space<vmem>>
      %dma_start3A_245 = arith.constant 0 : i32
      %dma_start3A_246 = tpu.memref_slice %arg7[%add3A_241, %dma_start3A_245] : memref<80x128xi32, #tpu.memory_space<vmem>> -> memref<1x128xi32, #tpu.memory_space<vmem>>
      %dma_start3A_247 = tpu.memref_squeeze %dma_start3A_246 : memref<1x128xi32, #tpu.memory_space<vmem>> -> memref<128xi32, #tpu.memory_space<vmem>>
      %dma_start3A_248 = arith.constant 0 : i32
      %dma_start3A_249 = arith.constant 0 : i32
      %dma_start3A_250 = tpu.memref_slice %arg12[%dma_start3A_248, %dma_start3A_249] : memref<10240x48xf32, #tpu.memory_space<vmem_shared>> -> memref<10240x48xf32, #tpu.memory_space<vmem_shared>>
      tpu.enqueue_indirect_dma source(%dma_start3A_250 : memref<10240x48xf32, #tpu.memory_space<vmem_shared>>) target(%dma_start3A_244 : memref<128x48xf32, #tpu.memory_space<vmem>>) offsets(%dma_start3A_247 : memref<128xi32, #tpu.memory_space<vmem>>) semaphore(%arg14 : memref<!tpu.dma_semaphore, #tpu.memory_space<semaphore_mem>>)
      %mul3A_251 = arith.constant 4 : i32
      %mul3A_252 = arith.muli %add3A_131, %mul3A_251 : i32
      %add3A_253 = arith.constant 1 : i32
      %add3A_254 = arith.addi %mul3A_252, %add3A_253 : i32
      %dma_start3A_255 = arith.constant 128 : i32
      %dma_start3A_256 = arith.constant 0 : i32
      %dma_start3A_257 = tpu.memref_slice %arg10[%dma_start3A_255, %dma_start3A_256] : memref<512x48xf32, #tpu.memory_space<vmem>> -> memref<128x48xf32, #tpu.memory_space<vmem>>
      %dma_start3A_258 = arith.constant 0 : i32
      %dma_start3A_259 = tpu.memref_slice %arg7[%add3A_254, %dma_start3A_258] : memref<80x128xi32, #tpu.memory_space<vmem>> -> memref<1x128xi32, #tpu.memory_space<vmem>>
      %dma_start3A_260 = tpu.memref_squeeze %dma_start3A_259 : memref<1x128xi32, #tpu.memory_space<vmem>> -> memref<128xi32, #tpu.memory_space<vmem>>
      %dma_start3A_261 = arith.constant 0 : i32
      %dma_start3A_262 = arith.constant 0 : i32
      %dma_start3A_263 = tpu.memref_slice %arg12[%dma_start3A_261, %dma_start3A_262] : memref<10240x48xf32, #tpu.memory_space<vmem_shared>> -> memref<10240x48xf32, #tpu.memory_space<vmem_shared>>
      tpu.enqueue_indirect_dma source(%dma_start3A_263 : memref<10240x48xf32, #tpu.memory_space<vmem_shared>>) target(%dma_start3A_257 : memref<128x48xf32, #tpu.memory_space<vmem>>) offsets(%dma_start3A_260 : memref<128xi32, #tpu.memory_space<vmem>>) semaphore(%arg14 : memref<!tpu.dma_semaphore, #tpu.memory_space<semaphore_mem>>)
      %mul3A_264 = arith.constant 4 : i32
      %mul3A_265 = arith.muli %add3A_131, %mul3A_264 : i32
      %add3A_266 = arith.constant 2 : i32
      %add3A_267 = arith.addi %mul3A_265, %add3A_266 : i32
      %dma_start3A_268 = arith.constant 256 : i32
      %dma_start3A_269 = arith.constant 0 : i32
      %dma_start3A_270 = tpu.memref_slice %arg10[%dma_start3A_268, %dma_start3A_269] : memref<512x48xf32, #tpu.memory_space<vmem>> -> memref<128x48xf32, #tpu.memory_space<vmem>>
      %dma_start3A_271 = arith.constant 0 : i32
      %dma_start3A_272 = tpu.memref_slice %arg7[%add3A_267, %dma_start3A_271] : memref<80x128xi32, #tpu.memory_space<vmem>> -> memref<1x128xi32, #tpu.memory_space<vmem>>
      %dma_start3A_273 = tpu.memref_squeeze %dma_start3A_272 : memref<1x128xi32, #tpu.memory_space<vmem>> -> memref<128xi32, #tpu.memory_space<vmem>>
      %dma_start3A_274 = arith.constant 0 : i32
      %dma_start3A_275 = arith.constant 0 : i32
      %dma_start3A_276 = tpu.memref_slice %arg12[%dma_start3A_274, %dma_start3A_275] : memref<10240x48xf32, #tpu.memory_space<vmem_shared>> -> memref<10240x48xf32, #tpu.memory_space<vmem_shared>>
      tpu.enqueue_indirect_dma source(%dma_start3A_276 : memref<10240x48xf32, #tpu.memory_space<vmem_shared>>) target(%dma_start3A_270 : memref<128x48xf32, #tpu.memory_space<vmem>>) offsets(%dma_start3A_273 : memref<128xi32, #tpu.memory_space<vmem>>) semaphore(%arg14 : memref<!tpu.dma_semaphore, #tpu.memory_space<semaphore_mem>>)
      %mul3A_277 = arith.constant 4 : i32
      %mul3A_278 = arith.muli %add3A_131, %mul3A_277 : i32
      %add3A_279 = arith.constant 3 : i32
      %add3A_280 = arith.addi %mul3A_278, %add3A_279 : i32
      %dma_start3A_281 = arith.constant 384 : i32
      %dma_start3A_282 = arith.constant 0 : i32
      %dma_start3A_283 = tpu.memref_slice %arg10[%dma_start3A_281, %dma_start3A_282] : memref<512x48xf32, #tpu.memory_space<vmem>> -> memref<128x48xf32, #tpu.memory_space<vmem>>
      %dma_start3A_284 = arith.constant 0 : i32
      %dma_start3A_285 = tpu.memref_slice %arg7[%add3A_280, %dma_start3A_284] : memref<80x128xi32, #tpu.memory_space<vmem>> -> memref<1x128xi32, #tpu.memory_space<vmem>>
      %dma_start3A_286 = tpu.memref_squeeze %dma_start3A_285 : memref<1x128xi32, #tpu.memory_space<vmem>> -> memref<128xi32, #tpu.memory_space<vmem>>
      %dma_start3A_287 = arith.constant 0 : i32
      %dma_start3A_288 = arith.constant 0 : i32
      %dma_start3A_289 = tpu.memref_slice %arg12[%dma_start3A_287, %dma_start3A_288] : memref<10240x48xf32, #tpu.memory_space<vmem_shared>> -> memref<10240x48xf32, #tpu.memory_space<vmem_shared>>
      tpu.enqueue_indirect_dma source(%dma_start3A_289 : memref<10240x48xf32, #tpu.memory_space<vmem_shared>>) target(%dma_start3A_283 : memref<128x48xf32, #tpu.memory_space<vmem>>) offsets(%dma_start3A_286 : memref<128xi32, #tpu.memory_space<vmem>>) semaphore(%arg14 : memref<!tpu.dma_semaphore, #tpu.memory_space<semaphore_mem>>)
      %mul3A_290 = arith.constant 4 : i32
      %mul3A_291 = arith.muli %add3A_131, %mul3A_290 : i32
      %add3A_292 = arith.constant 0 : i32
      %add3A_293 = arith.addi %mul3A_291, %add3A_292 : i32
      %dma_wait3A_294 = arith.constant 0 : i32
      %dma_wait3A_295 = arith.constant 0 : i32
      %dma_wait3A_296 = tpu.memref_slice %arg10[%dma_wait3A_294, %dma_wait3A_295] : memref<512x48xf32, #tpu.memory_space<vmem>> -> memref<128x48xf32, #tpu.memory_space<vmem>>
      %dma_wait3A_297 = arith.constant 0 : i32
      %dma_wait3A_298 = tpu.memref_slice %arg7[%add3A_293, %dma_wait3A_297] : memref<80x128xi32, #tpu.memory_space<vmem>> -> memref<1x128xi32, #tpu.memory_space<vmem>>
      %dma_wait3A_299 = tpu.memref_squeeze %dma_wait3A_298 : memref<1x128xi32, #tpu.memory_space<vmem>> -> memref<128xi32, #tpu.memory_space<vmem>>
      %dma_wait3A_300 = arith.constant 0 : i32
      %dma_wait3A_301 = arith.constant 0 : i32
      %dma_wait3A_302 = tpu.memref_slice %arg12[%dma_wait3A_300, %dma_wait3A_301] : memref<10240x48xf32, #tpu.memory_space<vmem_shared>> -> memref<10240x48xf32, #tpu.memory_space<vmem_shared>>
      tpu.wait_indirect_dma semaphore(%arg14 : memref<!tpu.dma_semaphore, #tpu.memory_space<semaphore_mem>>) src(%dma_wait3A_302 : memref<10240x48xf32, #tpu.memory_space<vmem_shared>>) dst(%dma_wait3A_296 : memref<128x48xf32, #tpu.memory_space<vmem>>)
      %mul3A_303 = arith.constant 4 : i32
      %mul3A_304 = arith.muli %add3A_131, %mul3A_303 : i32
      %add3A_305 = arith.constant 1 : i32
      %add3A_306 = arith.addi %mul3A_304, %add3A_305 : i32
      %dma_wait3A_307 = arith.constant 128 : i32
      %dma_wait3A_308 = arith.constant 0 : i32
      %dma_wait3A_309 = tpu.memref_slice %arg10[%dma_wait3A_307, %dma_wait3A_308] : memref<512x48xf32, #tpu.memory_space<vmem>> -> memref<128x48xf32, #tpu.memory_space<vmem>>
      %dma_wait3A_310 = arith.constant 0 : i32
      %dma_wait3A_311 = tpu.memref_slice %arg7[%add3A_306, %dma_wait3A_310] : memref<80x128xi32, #tpu.memory_space<vmem>> -> memref<1x128xi32, #tpu.memory_space<vmem>>
      %dma_wait3A_312 = tpu.memref_squeeze %dma_wait3A_311 : memref<1x128xi32, #tpu.memory_space<vmem>> -> memref<128xi32, #tpu.memory_space<vmem>>
      %dma_wait3A_313 = arith.constant 0 : i32
      %dma_wait3A_314 = arith.constant 0 : i32
      %dma_wait3A_315 = tpu.memref_slice %arg12[%dma_wait3A_313, %dma_wait3A_314] : memref<10240x48xf32, #tpu.memory_space<vmem_shared>> -> memref<10240x48xf32, #tpu.memory_space<vmem_shared>>
      tpu.wait_indirect_dma semaphore(%arg14 : memref<!tpu.dma_semaphore, #tpu.memory_space<semaphore_mem>>) src(%dma_wait3A_315 : memref<10240x48xf32, #tpu.memory_space<vmem_shared>>) dst(%dma_wait3A_309 : memref<128x48xf32, #tpu.memory_space<vmem>>)
      %mul3A_316 = arith.constant 4 : i32
      %mul3A_317 = arith.muli %add3A_131, %mul3A_316 : i32
      %add3A_318 = arith.constant 2 : i32
      %add3A_319 = arith.addi %mul3A_317, %add3A_318 : i32
      %dma_wait3A_320 = arith.constant 256 : i32
      %dma_wait3A_321 = arith.constant 0 : i32
      %dma_wait3A_322 = tpu.memref_slice %arg10[%dma_wait3A_320, %dma_wait3A_321] : memref<512x48xf32, #tpu.memory_space<vmem>> -> memref<128x48xf32, #tpu.memory_space<vmem>>
      %dma_wait3A_323 = arith.constant 0 : i32
      %dma_wait3A_324 = tpu.memref_slice %arg7[%add3A_319, %dma_wait3A_323] : memref<80x128xi32, #tpu.memory_space<vmem>> -> memref<1x128xi32, #tpu.memory_space<vmem>>
      %dma_wait3A_325 = tpu.memref_squeeze %dma_wait3A_324 : memref<1x128xi32, #tpu.memory_space<vmem>> -> memref<128xi32, #tpu.memory_space<vmem>>
      %dma_wait3A_326 = arith.constant 0 : i32
      %dma_wait3A_327 = arith.constant 0 : i32
      %dma_wait3A_328 = tpu.memref_slice %arg12[%dma_wait3A_326, %dma_wait3A_327] : memref<10240x48xf32, #tpu.memory_space<vmem_shared>> -> memref<10240x48xf32, #tpu.memory_space<vmem_shared>>
      tpu.wait_indirect_dma semaphore(%arg14 : memref<!tpu.dma_semaphore, #tpu.memory_space<semaphore_mem>>) src(%dma_wait3A_328 : memref<10240x48xf32, #tpu.memory_space<vmem_shared>>) dst(%dma_wait3A_322 : memref<128x48xf32, #tpu.memory_space<vmem>>)
      %mul3A_329 = arith.constant 4 : i32
      %mul3A_330 = arith.muli %add3A_131, %mul3A_329 : i32
      %add3A_331 = arith.constant 3 : i32
      %add3A_332 = arith.addi %mul3A_330, %add3A_331 : i32
      %dma_wait3A_333 = arith.constant 384 : i32
      %dma_wait3A_334 = arith.constant 0 : i32
      %dma_wait3A_335 = tpu.memref_slice %arg10[%dma_wait3A_333, %dma_wait3A_334] : memref<512x48xf32, #tpu.memory_space<vmem>> -> memref<128x48xf32, #tpu.memory_space<vmem>>
      %dma_wait3A_336 = arith.constant 0 : i32
      %dma_wait3A_337 = tpu.memref_slice %arg7[%add3A_332, %dma_wait3A_336] : memref<80x128xi32, #tpu.memory_space<vmem>> -> memref<1x128xi32, #tpu.memory_space<vmem>>
      %dma_wait3A_338 = tpu.memref_squeeze %dma_wait3A_337 : memref<1x128xi32, #tpu.memory_space<vmem>> -> memref<128xi32, #tpu.memory_space<vmem>>
      %dma_wait3A_339 = arith.constant 0 : i32
      %dma_wait3A_340 = arith.constant 0 : i32
      %dma_wait3A_341 = tpu.memref_slice %arg12[%dma_wait3A_339, %dma_wait3A_340] : memref<10240x48xf32, #tpu.memory_space<vmem_shared>> -> memref<10240x48xf32, #tpu.memory_space<vmem_shared>>
      tpu.wait_indirect_dma semaphore(%arg14 : memref<!tpu.dma_semaphore, #tpu.memory_space<semaphore_mem>>) src(%dma_wait3A_341 : memref<10240x48xf32, #tpu.memory_space<vmem_shared>>) dst(%dma_wait3A_335 : memref<128x48xf32, #tpu.memory_space<vmem>>)
      %mul3A_342 = arith.constant 4 : i32
      %mul3A_343 = arith.muli %add3A_131, %mul3A_342 : i32
      %add3A_344 = arith.constant 0 : i32
      %add3A_345 = arith.addi %mul3A_343, %add3A_344 : i32
      %dma_start3A_346 = arith.constant 0 : i32
      %dma_start3A_347 = arith.constant 0 : i32
      %dma_start3A_348 = tpu.memref_slice %arg10[%dma_start3A_346, %dma_start3A_347] : memref<512x48xf32, #tpu.memory_space<vmem>> -> memref<128x48xf32, #tpu.memory_space<vmem>>
      %dma_start3A_349 = arith.constant 0 : i32
      %dma_start3A_350 = tpu.memref_slice %arg8[%add3A_345, %dma_start3A_349] : memref<80x128xi32, #tpu.memory_space<vmem>> -> memref<1x128xi32, #tpu.memory_space<vmem>>
      %dma_start3A_351 = tpu.memref_squeeze %dma_start3A_350 : memref<1x128xi32, #tpu.memory_space<vmem>> -> memref<128xi32, #tpu.memory_space<vmem>>
      %dma_start3A_352 = arith.constant 0 : i32
      %dma_start3A_353 = arith.constant 0 : i32
      %dma_start3A_354 = tpu.memref_slice %arg11[%dma_start3A_352, %dma_start3A_353] : memref<10240x48xf32, #tpu.memory_space<vmem_shared>> -> memref<10240x48xf32, #tpu.memory_space<vmem_shared>>
      tpu.enqueue_indirect_dma source(%dma_start3A_348 : memref<128x48xf32, #tpu.memory_space<vmem>>) target(%dma_start3A_354 : memref<10240x48xf32, #tpu.memory_space<vmem_shared>>) offsets(%dma_start3A_351 : memref<128xi32, #tpu.memory_space<vmem>>) semaphore(%arg16 : memref<!tpu.dma_semaphore, #tpu.memory_space<semaphore_mem>>) {add = true}
      %mul3A_355 = arith.constant 4 : i32
      %mul3A_356 = arith.muli %add3A_131, %mul3A_355 : i32
      %add3A_357 = arith.constant 1 : i32
      %add3A_358 = arith.addi %mul3A_356, %add3A_357 : i32
      %dma_start3A_359 = arith.constant 128 : i32
      %dma_start3A_360 = arith.constant 0 : i32
      %dma_start3A_361 = tpu.memref_slice %arg10[%dma_start3A_359, %dma_start3A_360] : memref<512x48xf32, #tpu.memory_space<vmem>> -> memref<128x48xf32, #tpu.memory_space<vmem>>
      %dma_start3A_362 = arith.constant 0 : i32
      %dma_start3A_363 = tpu.memref_slice %arg8[%add3A_358, %dma_start3A_362] : memref<80x128xi32, #tpu.memory_space<vmem>> -> memref<1x128xi32, #tpu.memory_space<vmem>>
      %dma_start3A_364 = tpu.memref_squeeze %dma_start3A_363 : memref<1x128xi32, #tpu.memory_space<vmem>> -> memref<128xi32, #tpu.memory_space<vmem>>
      %dma_start3A_365 = arith.constant 0 : i32
      %dma_start3A_366 = arith.constant 0 : i32
      %dma_start3A_367 = tpu.memref_slice %arg11[%dma_start3A_365, %dma_start3A_366] : memref<10240x48xf32, #tpu.memory_space<vmem_shared>> -> memref<10240x48xf32, #tpu.memory_space<vmem_shared>>
      tpu.enqueue_indirect_dma source(%dma_start3A_361 : memref<128x48xf32, #tpu.memory_space<vmem>>) target(%dma_start3A_367 : memref<10240x48xf32, #tpu.memory_space<vmem_shared>>) offsets(%dma_start3A_364 : memref<128xi32, #tpu.memory_space<vmem>>) semaphore(%arg16 : memref<!tpu.dma_semaphore, #tpu.memory_space<semaphore_mem>>) {add = true}
      %mul3A_368 = arith.constant 4 : i32
      %mul3A_369 = arith.muli %add3A_131, %mul3A_368 : i32
      %add3A_370 = arith.constant 2 : i32
      %add3A_371 = arith.addi %mul3A_369, %add3A_370 : i32
      %dma_start3A_372 = arith.constant 256 : i32
      %dma_start3A_373 = arith.constant 0 : i32
      %dma_start3A_374 = tpu.memref_slice %arg10[%dma_start3A_372, %dma_start3A_373] : memref<512x48xf32, #tpu.memory_space<vmem>> -> memref<128x48xf32, #tpu.memory_space<vmem>>
      %dma_start3A_375 = arith.constant 0 : i32
      %dma_start3A_376 = tpu.memref_slice %arg8[%add3A_371, %dma_start3A_375] : memref<80x128xi32, #tpu.memory_space<vmem>> -> memref<1x128xi32, #tpu.memory_space<vmem>>
      %dma_start3A_377 = tpu.memref_squeeze %dma_start3A_376 : memref<1x128xi32, #tpu.memory_space<vmem>> -> memref<128xi32, #tpu.memory_space<vmem>>
      %dma_start3A_378 = arith.constant 0 : i32
      %dma_start3A_379 = arith.constant 0 : i32
      %dma_start3A_380 = tpu.memref_slice %arg11[%dma_start3A_378, %dma_start3A_379] : memref<10240x48xf32, #tpu.memory_space<vmem_shared>> -> memref<10240x48xf32, #tpu.memory_space<vmem_shared>>
      tpu.enqueue_indirect_dma source(%dma_start3A_374 : memref<128x48xf32, #tpu.memory_space<vmem>>) target(%dma_start3A_380 : memref<10240x48xf32, #tpu.memory_space<vmem_shared>>) offsets(%dma_start3A_377 : memref<128xi32, #tpu.memory_space<vmem>>) semaphore(%arg16 : memref<!tpu.dma_semaphore, #tpu.memory_space<semaphore_mem>>) {add = true}
      %mul3A_381 = arith.constant 4 : i32
      %mul3A_382 = arith.muli %add3A_131, %mul3A_381 : i32
      %add3A_383 = arith.constant 3 : i32
      %add3A_384 = arith.addi %mul3A_382, %add3A_383 : i32
      %dma_start3A_385 = arith.constant 384 : i32
      %dma_start3A_386 = arith.constant 0 : i32
      %dma_start3A_387 = tpu.memref_slice %arg10[%dma_start3A_385, %dma_start3A_386] : memref<512x48xf32, #tpu.memory_space<vmem>> -> memref<128x48xf32, #tpu.memory_space<vmem>>
      %dma_start3A_388 = arith.constant 0 : i32
      %dma_start3A_389 = tpu.memref_slice %arg8[%add3A_384, %dma_start3A_388] : memref<80x128xi32, #tpu.memory_space<vmem>> -> memref<1x128xi32, #tpu.memory_space<vmem>>
      %dma_start3A_390 = tpu.memref_squeeze %dma_start3A_389 : memref<1x128xi32, #tpu.memory_space<vmem>> -> memref<128xi32, #tpu.memory_space<vmem>>
      %dma_start3A_391 = arith.constant 0 : i32
      %dma_start3A_392 = arith.constant 0 : i32
      %dma_start3A_393 = tpu.memref_slice %arg11[%dma_start3A_391, %dma_start3A_392] : memref<10240x48xf32, #tpu.memory_space<vmem_shared>> -> memref<10240x48xf32, #tpu.memory_space<vmem_shared>>
      tpu.enqueue_indirect_dma source(%dma_start3A_387 : memref<128x48xf32, #tpu.memory_space<vmem>>) target(%dma_start3A_393 : memref<10240x48xf32, #tpu.memory_space<vmem_shared>>) offsets(%dma_start3A_390 : memref<128xi32, #tpu.memory_space<vmem>>) semaphore(%arg16 : memref<!tpu.dma_semaphore, #tpu.memory_space<semaphore_mem>>) {add = true}
      %mul3A_394 = arith.constant 4 : i32
      %mul3A_395 = arith.muli %mul3A_127, %mul3A_394 : i32
      %add3A_396 = arith.constant 0 : i32
      %add3A_397 = arith.addi %mul3A_395, %add3A_396 : i32
      %dma_wait3A_398 = arith.constant 0 : i32
      %dma_wait3A_399 = arith.constant 0 : i32
      %dma_wait3A_400 = tpu.memref_slice %arg9[%dma_wait3A_398, %dma_wait3A_399] : memref<512x48xf32, #tpu.memory_space<vmem>> -> memref<128x48xf32, #tpu.memory_space<vmem>>
      %dma_wait3A_401 = arith.constant 0 : i32
      %dma_wait3A_402 = tpu.memref_slice %arg8[%add3A_397, %dma_wait3A_401] : memref<80x128xi32, #tpu.memory_space<vmem>> -> memref<1x128xi32, #tpu.memory_space<vmem>>
      %dma_wait3A_403 = tpu.memref_squeeze %dma_wait3A_402 : memref<1x128xi32, #tpu.memory_space<vmem>> -> memref<128xi32, #tpu.memory_space<vmem>>
      %dma_wait3A_404 = arith.constant 0 : i32
      %dma_wait3A_405 = arith.constant 0 : i32
      %dma_wait3A_406 = tpu.memref_slice %arg11[%dma_wait3A_404, %dma_wait3A_405] : memref<10240x48xf32, #tpu.memory_space<vmem_shared>> -> memref<10240x48xf32, #tpu.memory_space<vmem_shared>>
      tpu.wait_indirect_dma semaphore(%arg15 : memref<!tpu.dma_semaphore, #tpu.memory_space<semaphore_mem>>) src(%dma_wait3A_400 : memref<128x48xf32, #tpu.memory_space<vmem>>) dst(%dma_wait3A_406 : memref<10240x48xf32, #tpu.memory_space<vmem_shared>>)
      %mul3A_407 = arith.constant 4 : i32
      %mul3A_408 = arith.muli %mul3A_127, %mul3A_407 : i32
      %add3A_409 = arith.constant 1 : i32
      %add3A_410 = arith.addi %mul3A_408, %add3A_409 : i32
      %dma_wait3A_411 = arith.constant 128 : i32
      %dma_wait3A_412 = arith.constant 0 : i32
      %dma_wait3A_413 = tpu.memref_slice %arg9[%dma_wait3A_411, %dma_wait3A_412] : memref<512x48xf32, #tpu.memory_space<vmem>> -> memref<128x48xf32, #tpu.memory_space<vmem>>
      %dma_wait3A_414 = arith.constant 0 : i32
      %dma_wait3A_415 = tpu.memref_slice %arg8[%add3A_410, %dma_wait3A_414] : memref<80x128xi32, #tpu.memory_space<vmem>> -> memref<1x128xi32, #tpu.memory_space<vmem>>
      %dma_wait3A_416 = tpu.memref_squeeze %dma_wait3A_415 : memref<1x128xi32, #tpu.memory_space<vmem>> -> memref<128xi32, #tpu.memory_space<vmem>>
      %dma_wait3A_417 = arith.constant 0 : i32
      %dma_wait3A_418 = arith.constant 0 : i32
      %dma_wait3A_419 = tpu.memref_slice %arg11[%dma_wait3A_417, %dma_wait3A_418] : memref<10240x48xf32, #tpu.memory_space<vmem_shared>> -> memref<10240x48xf32, #tpu.memory_space<vmem_shared>>
      tpu.wait_indirect_dma semaphore(%arg15 : memref<!tpu.dma_semaphore, #tpu.memory_space<semaphore_mem>>) src(%dma_wait3A_413 : memref<128x48xf32, #tpu.memory_space<vmem>>) dst(%dma_wait3A_419 : memref<10240x48xf32, #tpu.memory_space<vmem_shared>>)
      %mul3A_420 = arith.constant 4 : i32
      %mul3A_421 = arith.muli %mul3A_127, %mul3A_420 : i32
      %add3A_422 = arith.constant 2 : i32
      %add3A_423 = arith.addi %mul3A_421, %add3A_422 : i32
      %dma_wait3A_424 = arith.constant 256 : i32
      %dma_wait3A_425 = arith.constant 0 : i32
      %dma_wait3A_426 = tpu.memref_slice %arg9[%dma_wait3A_424, %dma_wait3A_425] : memref<512x48xf32, #tpu.memory_space<vmem>> -> memref<128x48xf32, #tpu.memory_space<vmem>>
      %dma_wait3A_427 = arith.constant 0 : i32
      %dma_wait3A_428 = tpu.memref_slice %arg8[%add3A_423, %dma_wait3A_427] : memref<80x128xi32, #tpu.memory_space<vmem>> -> memref<1x128xi32, #tpu.memory_space<vmem>>
      %dma_wait3A_429 = tpu.memref_squeeze %dma_wait3A_428 : memref<1x128xi32, #tpu.memory_space<vmem>> -> memref<128xi32, #tpu.memory_space<vmem>>
      %dma_wait3A_430 = arith.constant 0 : i32
      %dma_wait3A_431 = arith.constant 0 : i32
      %dma_wait3A_432 = tpu.memref_slice %arg11[%dma_wait3A_430, %dma_wait3A_431] : memref<10240x48xf32, #tpu.memory_space<vmem_shared>> -> memref<10240x48xf32, #tpu.memory_space<vmem_shared>>
      tpu.wait_indirect_dma semaphore(%arg15 : memref<!tpu.dma_semaphore, #tpu.memory_space<semaphore_mem>>) src(%dma_wait3A_426 : memref<128x48xf32, #tpu.memory_space<vmem>>) dst(%dma_wait3A_432 : memref<10240x48xf32, #tpu.memory_space<vmem_shared>>)
      %mul3A_433 = arith.constant 4 : i32
      %mul3A_434 = arith.muli %mul3A_127, %mul3A_433 : i32
      %add3A_435 = arith.constant 3 : i32
      %add3A_436 = arith.addi %mul3A_434, %add3A_435 : i32
      %dma_wait3A_437 = arith.constant 384 : i32
      %dma_wait3A_438 = arith.constant 0 : i32
      %dma_wait3A_439 = tpu.memref_slice %arg9[%dma_wait3A_437, %dma_wait3A_438] : memref<512x48xf32, #tpu.memory_space<vmem>> -> memref<128x48xf32, #tpu.memory_space<vmem>>
      %dma_wait3A_440 = arith.constant 0 : i32
      %dma_wait3A_441 = tpu.memref_slice %arg8[%add3A_436, %dma_wait3A_440] : memref<80x128xi32, #tpu.memory_space<vmem>> -> memref<1x128xi32, #tpu.memory_space<vmem>>
      %dma_wait3A_442 = tpu.memref_squeeze %dma_wait3A_441 : memref<1x128xi32, #tpu.memory_space<vmem>> -> memref<128xi32, #tpu.memory_space<vmem>>
      %dma_wait3A_443 = arith.constant 0 : i32
      %dma_wait3A_444 = arith.constant 0 : i32
      %dma_wait3A_445 = tpu.memref_slice %arg11[%dma_wait3A_443, %dma_wait3A_444] : memref<10240x48xf32, #tpu.memory_space<vmem_shared>> -> memref<10240x48xf32, #tpu.memory_space<vmem_shared>>
      tpu.wait_indirect_dma semaphore(%arg15 : memref<!tpu.dma_semaphore, #tpu.memory_space<semaphore_mem>>) src(%dma_wait3A_439 : memref<128x48xf32, #tpu.memory_space<vmem>>) dst(%dma_wait3A_445 : memref<10240x48xf32, #tpu.memory_space<vmem_shared>>)
      %le3A = arith.constant 8 : i32
      %le3A_446 = arith.cmpi sle, %scan3A_124, %le3A : i32
      %convert_element_type3A_447 = arith.extui %le3A_446 : i1 to i32
      %cond3A_448 = arith.constant 0 : i32
      %cond3A_449 = arith.cmpi ne, %convert_element_type3A_447, %cond3A_448 : i32
      scf.if %cond3A_449 {
        %add3A_451 = arith.constant 2 : i32
        %add3A_452 = arith.addi %mul3A_127, %add3A_451 : i32
        %mul3A_453 = arith.constant 4 : i32
        %mul3A_454 = arith.muli %add3A_452, %mul3A_453 : i32
        %add3A_455 = arith.constant 0 : i32
        %add3A_456 = arith.addi %mul3A_454, %add3A_455 : i32
        %dma_start3A_457 = arith.constant 0 : i32
        %dma_start3A_458 = arith.constant 0 : i32
        %dma_start3A_459 = tpu.memref_slice %arg9[%dma_start3A_457, %dma_start3A_458] : memref<512x48xf32, #tpu.memory_space<vmem>> -> memref<128x48xf32, #tpu.memory_space<vmem>>
        %dma_start3A_460 = arith.constant 0 : i32
        %dma_start3A_461 = tpu.memref_slice %arg7[%add3A_456, %dma_start3A_460] : memref<80x128xi32, #tpu.memory_space<vmem>> -> memref<1x128xi32, #tpu.memory_space<vmem>>
        %dma_start3A_462 = tpu.memref_squeeze %dma_start3A_461 : memref<1x128xi32, #tpu.memory_space<vmem>> -> memref<128xi32, #tpu.memory_space<vmem>>
        %dma_start3A_463 = arith.constant 0 : i32
        %dma_start3A_464 = arith.constant 0 : i32
        %dma_start3A_465 = tpu.memref_slice %arg12[%dma_start3A_463, %dma_start3A_464] : memref<10240x48xf32, #tpu.memory_space<vmem_shared>> -> memref<10240x48xf32, #tpu.memory_space<vmem_shared>>
        tpu.enqueue_indirect_dma source(%dma_start3A_465 : memref<10240x48xf32, #tpu.memory_space<vmem_shared>>) target(%dma_start3A_459 : memref<128x48xf32, #tpu.memory_space<vmem>>) offsets(%dma_start3A_462 : memref<128xi32, #tpu.memory_space<vmem>>) semaphore(%arg13 : memref<!tpu.dma_semaphore, #tpu.memory_space<semaphore_mem>>)
        %mul3A_466 = arith.constant 4 : i32
        %mul3A_467 = arith.muli %add3A_452, %mul3A_466 : i32
        %add3A_468 = arith.constant 1 : i32
        %add3A_469 = arith.addi %mul3A_467, %add3A_468 : i32
        %dma_start3A_470 = arith.constant 128 : i32
        %dma_start3A_471 = arith.constant 0 : i32
        %dma_start3A_472 = tpu.memref_slice %arg9[%dma_start3A_470, %dma_start3A_471] : memref<512x48xf32, #tpu.memory_space<vmem>> -> memref<128x48xf32, #tpu.memory_space<vmem>>
        %dma_start3A_473 = arith.constant 0 : i32
        %dma_start3A_474 = tpu.memref_slice %arg7[%add3A_469, %dma_start3A_473] : memref<80x128xi32, #tpu.memory_space<vmem>> -> memref<1x128xi32, #tpu.memory_space<vmem>>
        %dma_start3A_475 = tpu.memref_squeeze %dma_start3A_474 : memref<1x128xi32, #tpu.memory_space<vmem>> -> memref<128xi32, #tpu.memory_space<vmem>>
        %dma_start3A_476 = arith.constant 0 : i32
        %dma_start3A_477 = arith.constant 0 : i32
        %dma_start3A_478 = tpu.memref_slice %arg12[%dma_start3A_476, %dma_start3A_477] : memref<10240x48xf32, #tpu.memory_space<vmem_shared>> -> memref<10240x48xf32, #tpu.memory_space<vmem_shared>>
        tpu.enqueue_indirect_dma source(%dma_start3A_478 : memref<10240x48xf32, #tpu.memory_space<vmem_shared>>) target(%dma_start3A_472 : memref<128x48xf32, #tpu.memory_space<vmem>>) offsets(%dma_start3A_475 : memref<128xi32, #tpu.memory_space<vmem>>) semaphore(%arg13 : memref<!tpu.dma_semaphore, #tpu.memory_space<semaphore_mem>>)
        %mul3A_479 = arith.constant 4 : i32
        %mul3A_480 = arith.muli %add3A_452, %mul3A_479 : i32
        %add3A_481 = arith.constant 2 : i32
        %add3A_482 = arith.addi %mul3A_480, %add3A_481 : i32
        %dma_start3A_483 = arith.constant 256 : i32
        %dma_start3A_484 = arith.constant 0 : i32
        %dma_start3A_485 = tpu.memref_slice %arg9[%dma_start3A_483, %dma_start3A_484] : memref<512x48xf32, #tpu.memory_space<vmem>> -> memref<128x48xf32, #tpu.memory_space<vmem>>
        %dma_start3A_486 = arith.constant 0 : i32
        %dma_start3A_487 = tpu.memref_slice %arg7[%add3A_482, %dma_start3A_486] : memref<80x128xi32, #tpu.memory_space<vmem>> -> memref<1x128xi32, #tpu.memory_space<vmem>>
        %dma_start3A_488 = tpu.memref_squeeze %dma_start3A_487 : memref<1x128xi32, #tpu.memory_space<vmem>> -> memref<128xi32, #tpu.memory_space<vmem>>
        %dma_start3A_489 = arith.constant 0 : i32
        %dma_start3A_490 = arith.constant 0 : i32
        %dma_start3A_491 = tpu.memref_slice %arg12[%dma_start3A_489, %dma_start3A_490] : memref<10240x48xf32, #tpu.memory_space<vmem_shared>> -> memref<10240x48xf32, #tpu.memory_space<vmem_shared>>
        tpu.enqueue_indirect_dma source(%dma_start3A_491 : memref<10240x48xf32, #tpu.memory_space<vmem_shared>>) target(%dma_start3A_485 : memref<128x48xf32, #tpu.memory_space<vmem>>) offsets(%dma_start3A_488 : memref<128xi32, #tpu.memory_space<vmem>>) semaphore(%arg13 : memref<!tpu.dma_semaphore, #tpu.memory_space<semaphore_mem>>)
        %mul3A_492 = arith.constant 4 : i32
        %mul3A_493 = arith.muli %add3A_452, %mul3A_492 : i32
        %add3A_494 = arith.constant 3 : i32
        %add3A_495 = arith.addi %mul3A_493, %add3A_494 : i32
        %dma_start3A_496 = arith.constant 384 : i32
        %dma_start3A_497 = arith.constant 0 : i32
        %dma_start3A_498 = tpu.memref_slice %arg9[%dma_start3A_496, %dma_start3A_497] : memref<512x48xf32, #tpu.memory_space<vmem>> -> memref<128x48xf32, #tpu.memory_space<vmem>>
        %dma_start3A_499 = arith.constant 0 : i32
        %dma_start3A_500 = tpu.memref_slice %arg7[%add3A_495, %dma_start3A_499] : memref<80x128xi32, #tpu.memory_space<vmem>> -> memref<1x128xi32, #tpu.memory_space<vmem>>
        %dma_start3A_501 = tpu.memref_squeeze %dma_start3A_500 : memref<1x128xi32, #tpu.memory_space<vmem>> -> memref<128xi32, #tpu.memory_space<vmem>>
        %dma_start3A_502 = arith.constant 0 : i32
        %dma_start3A_503 = arith.constant 0 : i32
        %dma_start3A_504 = tpu.memref_slice %arg12[%dma_start3A_502, %dma_start3A_503] : memref<10240x48xf32, #tpu.memory_space<vmem_shared>> -> memref<10240x48xf32, #tpu.memory_space<vmem_shared>>
        tpu.enqueue_indirect_dma source(%dma_start3A_504 : memref<10240x48xf32, #tpu.memory_space<vmem_shared>>) target(%dma_start3A_498 : memref<128x48xf32, #tpu.memory_space<vmem>>) offsets(%dma_start3A_501 : memref<128xi32, #tpu.memory_space<vmem>>) semaphore(%arg13 : memref<!tpu.dma_semaphore, #tpu.memory_space<semaphore_mem>>)
      } else {
      }
      %scan3A_450 = arith.constant 0 : i32
      scf.yield %scan3A_450 : i32
    }
    %scan3A_80 = arith.constant 10 : i32
    %dma_wait3A_81 = arith.constant 76 : i32
    %dma_wait3A_82 = arith.constant 0 : i32
    %dma_wait3A_83 = arith.constant 0 : i32
    %dma_wait3A_84 = tpu.memref_slice %arg10[%dma_wait3A_82, %dma_wait3A_83] : memref<512x48xf32, #tpu.memory_space<vmem>> -> memref<128x48xf32, #tpu.memory_space<vmem>>
    %dma_wait3A_85 = arith.constant 0 : i32
    %dma_wait3A_86 = tpu.memref_slice %arg8[%dma_wait3A_81, %dma_wait3A_85] : memref<80x128xi32, #tpu.memory_space<vmem>> -> memref<1x128xi32, #tpu.memory_space<vmem>>
    %dma_wait3A_87 = tpu.memref_squeeze %dma_wait3A_86 : memref<1x128xi32, #tpu.memory_space<vmem>> -> memref<128xi32, #tpu.memory_space<vmem>>
    %dma_wait3A_88 = arith.constant 0 : i32
    %dma_wait3A_89 = arith.constant 0 : i32
    %dma_wait3A_90 = tpu.memref_slice %arg11[%dma_wait3A_88, %dma_wait3A_89] : memref<10240x48xf32, #tpu.memory_space<vmem_shared>> -> memref<10240x48xf32, #tpu.memory_space<vmem_shared>>
    tpu.wait_indirect_dma semaphore(%arg16 : memref<!tpu.dma_semaphore, #tpu.memory_space<semaphore_mem>>) src(%dma_wait3A_84 : memref<128x48xf32, #tpu.memory_space<vmem>>) dst(%dma_wait3A_90 : memref<10240x48xf32, #tpu.memory_space<vmem_shared>>)
    %dma_wait3A_91 = arith.constant 77 : i32
    %dma_wait3A_92 = arith.constant 128 : i32
    %dma_wait3A_93 = arith.constant 0 : i32
    %dma_wait3A_94 = tpu.memref_slice %arg10[%dma_wait3A_92, %dma_wait3A_93] : memref<512x48xf32, #tpu.memory_space<vmem>> -> memref<128x48xf32, #tpu.memory_space<vmem>>
    %dma_wait3A_95 = arith.constant 0 : i32
    %dma_wait3A_96 = tpu.memref_slice %arg8[%dma_wait3A_91, %dma_wait3A_95] : memref<80x128xi32, #tpu.memory_space<vmem>> -> memref<1x128xi32, #tpu.memory_space<vmem>>
    %dma_wait3A_97 = tpu.memref_squeeze %dma_wait3A_96 : memref<1x128xi32, #tpu.memory_space<vmem>> -> memref<128xi32, #tpu.memory_space<vmem>>
    %dma_wait3A_98 = arith.constant 0 : i32
    %dma_wait3A_99 = arith.constant 0 : i32
    %dma_wait3A_100 = tpu.memref_slice %arg11[%dma_wait3A_98, %dma_wait3A_99] : memref<10240x48xf32, #tpu.memory_space<vmem_shared>> -> memref<10240x48xf32, #tpu.memory_space<vmem_shared>>
    tpu.wait_indirect_dma semaphore(%arg16 : memref<!tpu.dma_semaphore, #tpu.memory_space<semaphore_mem>>) src(%dma_wait3A_94 : memref<128x48xf32, #tpu.memory_space<vmem>>) dst(%dma_wait3A_100 : memref<10240x48xf32, #tpu.memory_space<vmem_shared>>)
    %dma_wait3A_101 = arith.constant 78 : i32
    %dma_wait3A_102 = arith.constant 256 : i32
    %dma_wait3A_103 = arith.constant 0 : i32
    %dma_wait3A_104 = tpu.memref_slice %arg10[%dma_wait3A_102, %dma_wait3A_103] : memref<512x48xf32, #tpu.memory_space<vmem>> -> memref<128x48xf32, #tpu.memory_space<vmem>>
    %dma_wait3A_105 = arith.constant 0 : i32
    %dma_wait3A_106 = tpu.memref_slice %arg8[%dma_wait3A_101, %dma_wait3A_105] : memref<80x128xi32, #tpu.memory_space<vmem>> -> memref<1x128xi32, #tpu.memory_space<vmem>>
    %dma_wait3A_107 = tpu.memref_squeeze %dma_wait3A_106 : memref<1x128xi32, #tpu.memory_space<vmem>> -> memref<128xi32, #tpu.memory_space<vmem>>
    %dma_wait3A_108 = arith.constant 0 : i32
    %dma_wait3A_109 = arith.constant 0 : i32
    %dma_wait3A_110 = tpu.memref_slice %arg11[%dma_wait3A_108, %dma_wait3A_109] : memref<10240x48xf32, #tpu.memory_space<vmem_shared>> -> memref<10240x48xf32, #tpu.memory_space<vmem_shared>>
    tpu.wait_indirect_dma semaphore(%arg16 : memref<!tpu.dma_semaphore, #tpu.memory_space<semaphore_mem>>) src(%dma_wait3A_104 : memref<128x48xf32, #tpu.memory_space<vmem>>) dst(%dma_wait3A_110 : memref<10240x48xf32, #tpu.memory_space<vmem_shared>>)
    %dma_wait3A_111 = arith.constant 79 : i32
    %dma_wait3A_112 = arith.constant 384 : i32
    %dma_wait3A_113 = arith.constant 0 : i32
    %dma_wait3A_114 = tpu.memref_slice %arg10[%dma_wait3A_112, %dma_wait3A_113] : memref<512x48xf32, #tpu.memory_space<vmem>> -> memref<128x48xf32, #tpu.memory_space<vmem>>
    %dma_wait3A_115 = arith.constant 0 : i32
    %dma_wait3A_116 = tpu.memref_slice %arg8[%dma_wait3A_111, %dma_wait3A_115] : memref<80x128xi32, #tpu.memory_space<vmem>> -> memref<1x128xi32, #tpu.memory_space<vmem>>
    %dma_wait3A_117 = tpu.memref_squeeze %dma_wait3A_116 : memref<1x128xi32, #tpu.memory_space<vmem>> -> memref<128xi32, #tpu.memory_space<vmem>>
    %dma_wait3A_118 = arith.constant 0 : i32
    %dma_wait3A_119 = arith.constant 0 : i32
    %dma_wait3A_120 = tpu.memref_slice %arg11[%dma_wait3A_118, %dma_wait3A_119] : memref<10240x48xf32, #tpu.memory_space<vmem_shared>> -> memref<10240x48xf32, #tpu.memory_space<vmem_shared>>
    tpu.wait_indirect_dma semaphore(%arg16 : memref<!tpu.dma_semaphore, #tpu.memory_space<semaphore_mem>>) src(%dma_wait3A_114 : memref<128x48xf32, #tpu.memory_space<vmem>>) dst(%dma_wait3A_120 : memref<10240x48xf32, #tpu.memory_space<vmem_shared>>)
    %barrier3A_121 = arith.constant 0 : index
    tpu.barrier barrier_id(%barrier3A_121)
    %mul3A_122 = arith.constant 640 : i32
    %mul3A_123 = arith.muli %arg1, %mul3A_122 : i32
    "tpu.region"() ({
      %run_scoped3A = tpu.sem_alloc : memref<!tpu.dma_semaphore, #tpu.memory_space<semaphore_mem>>
      %dma_start3A_124 = arith.constant 0 : i32
      %dma_start3A_125 = tpu.memref_slice %arg6[%arg0, %mul3A_123, %dma_start3A_124] : memref<2x10240x48xf32, #tpu.memory_space<hbm>> -> memref<1x640x48xf32, #tpu.memory_space<hbm>>
      %dma_start3A_126 = tpu.memref_squeeze %dma_start3A_125 : memref<1x640x48xf32, #tpu.memory_space<hbm>> -> memref<640x48xf32, #tpu.memory_space<hbm>>
      %dma_start3A_127 = arith.constant 0 : i32
      %dma_start3A_128 = tpu.memref_slice %arg11[%mul3A_123, %dma_start3A_127] : memref<10240x48xf32, #tpu.memory_space<vmem_shared>> -> memref<640x48xf32, #tpu.memory_space<vmem_shared>>
      tpu.enqueue_dma source(%dma_start3A_128 : memref<640x48xf32, #tpu.memory_space<vmem_shared>>) target(%dma_start3A_126 : memref<640x48xf32, #tpu.memory_space<hbm>>) target_semaphore(%run_scoped3A : memref<!tpu.dma_semaphore, #tpu.memory_space<semaphore_mem>>)
      %dma_wait3A_129 = arith.constant 0 : i32
      %dma_wait3A_130 = tpu.memref_slice %arg6[%arg0, %mul3A_123, %dma_wait3A_129] : memref<2x10240x48xf32, #tpu.memory_space<hbm>> -> memref<1x640x48xf32, #tpu.memory_space<hbm>>
      %dma_wait3A_131 = tpu.memref_squeeze %dma_wait3A_130 : memref<1x640x48xf32, #tpu.memory_space<hbm>> -> memref<640x48xf32, #tpu.memory_space<hbm>>
      %dma_wait3A_132 = arith.constant 0 : i32
      %dma_wait3A_133 = tpu.memref_slice %arg11[%mul3A_123, %dma_wait3A_132] : memref<10240x48xf32, #tpu.memory_space<vmem_shared>> -> memref<640x48xf32, #tpu.memory_space<vmem_shared>>
      tpu.wait_dma2 semaphore(%run_scoped3A : memref<!tpu.dma_semaphore, #tpu.memory_space<semaphore_mem>>) src(%dma_wait3A_133 : memref<640x48xf32, #tpu.memory_space<vmem_shared>>) dst(%dma_wait3A_131 : memref<640x48xf32, #tpu.memory_space<hbm>>)
      tpu.yield
    }) : () -> ()
    return
  }
}

#map = affine_map<(d0, d1) -> (0, 0)>
#map1 = affine_map<(d0, d1) -> (0, 0, 0)>
module attributes {stable_mosaic.version = 14 : i64} {
  func.func @_prop(%arg0: i32, %arg1: i32, %arg2: memref<10240x48xf32, #tpu.memory_space<hbm>>, %arg3: memref<10240x48xf32, #tpu.memory_space<hbm>>, %arg4: memref<2560x128xi32, #tpu.memory_space<hbm>>, %arg5: memref<2560x128xi32, #tpu.memory_space<hbm>>, %arg6: memref<2x10240x48xf32, #tpu.memory_space<hbm>>, %arg7: memref<80x128xi32, #tpu.memory_space<vmem>>, %arg8: memref<80x128xi32, #tpu.memory_space<vmem>>, %arg9: memref<512x48xf32, #tpu.memory_space<vmem>>, %arg10: memref<512x48xf32, #tpu.memory_space<vmem>>, %arg11: memref<10240x48xf32, #tpu.memory_space<vmem_shared>>, %arg12: memref<10240x48xf32, #tpu.memory_space<vmem_shared>>, %arg13: memref<!tpu.dma_semaphore, #tpu.memory_space<semaphore_mem>>, %arg14: memref<!tpu.dma_semaphore, #tpu.memory_space<semaphore_mem>>, %arg15: memref<!tpu.dma_semaphore, #tpu.memory_space<semaphore_mem>>, %arg16: memref<!tpu.dma_semaphore, #tpu.memory_space<semaphore_mem>>) attributes {dimension_semantics = [#tpu.dimension_semantics<core_parallel>, #tpu.dimension_semantics<subcore_parallel>], iteration_bounds = array<i64: 2, 16>, scalar_prefetch = 0 : i64, scratch_operands = 10 : i64, tpu.core_type = #tpu.core_type<sc_vector_subcore>, window_params = [{transform_indices = #map}, {transform_indices = #map}, {transform_indices = #map}, {transform_indices = #map}, {transform_indices = #map1}]} {
    %mul3A = arith.constant 16 : i32
    %mul3A_0 = arith.muli %arg0, %mul3A : i32
    %add3A = arith.addi %mul3A_0, %arg1 : i32
    %mul3A_1 = arith.constant 80 : i32
    %mul3A_2 = arith.muli %add3A, %mul3A_1 : i32
    %mul3A_3 = arith.constant 640 : i32
    %mul3A_4 = arith.muli %arg1, %mul3A_3 : i32
    %dma_start3A = arith.constant 0 : i32
    %dma_start3A_5 = tpu.memref_slice %arg4[%mul3A_2, %dma_start3A] : memref<2560x128xi32, #tpu.memory_space<hbm>> -> memref<80x128xi32, #tpu.memory_space<hbm>>
    %dma_start3A_6 = arith.constant 0 : i32
    %dma_start3A_7 = tpu.memref_slice %arg4[%mul3A_2, %dma_start3A_6] : memref<2560x128xi32, #tpu.memory_space<hbm>> -> memref<80x128xi32, #tpu.memory_space<hbm>>
    tpu.enqueue_dma source(%dma_start3A_7 : memref<80x128xi32, #tpu.memory_space<hbm>>) target(%arg7 : memref<80x128xi32, #tpu.memory_space<vmem>>) target_semaphore(%arg13 : memref<!tpu.dma_semaphore, #tpu.memory_space<semaphore_mem>>)
    %dma_start3A_8 = arith.constant 0 : i32
    %dma_start3A_9 = tpu.memref_slice %arg5[%mul3A_2, %dma_start3A_8] : memref<2560x128xi32, #tpu.memory_space<hbm>> -> memref<80x128xi32, #tpu.memory_space<hbm>>
    %dma_start3A_10 = arith.constant 0 : i32
    %dma_start3A_11 = tpu.memref_slice %arg5[%mul3A_2, %dma_start3A_10] : memref<2560x128xi32, #tpu.memory_space<hbm>> -> memref<80x128xi32, #tpu.memory_space<hbm>>
    tpu.enqueue_dma source(%dma_start3A_11 : memref<80x128xi32, #tpu.memory_space<hbm>>) target(%arg8 : memref<80x128xi32, #tpu.memory_space<vmem>>) target_semaphore(%arg13 : memref<!tpu.dma_semaphore, #tpu.memory_space<semaphore_mem>>)
    %dma_start3A_12 = arith.constant 0 : i32
    %dma_start3A_13 = tpu.memref_slice %arg11[%mul3A_4, %dma_start3A_12] : memref<10240x48xf32, #tpu.memory_space<vmem_shared>> -> memref<640x48xf32, #tpu.memory_space<vmem_shared>>
    %dma_start3A_14 = arith.constant 0 : i32
    %dma_start3A_15 = tpu.memref_slice %arg3[%mul3A_4, %dma_start3A_14] : memref<10240x48xf32, #tpu.memory_space<hbm>> -> memref<640x48xf32, #tpu.memory_space<hbm>>
    tpu.enqueue_dma source(%dma_start3A_15 : memref<640x48xf32, #tpu.memory_space<hbm>>) target(%dma_start3A_13 : memref<640x48xf32, #tpu.memory_space<vmem_shared>>) target_semaphore(%arg13 : memref<!tpu.dma_semaphore, #tpu.memory_space<semaphore_mem>>)
    %dma_start3A_16 = arith.constant 0 : i32
    %dma_start3A_17 = tpu.memref_slice %arg12[%mul3A_4, %dma_start3A_16] : memref<10240x48xf32, #tpu.memory_space<vmem_shared>> -> memref<640x48xf32, #tpu.memory_space<vmem_shared>>
    %dma_start3A_18 = arith.constant 0 : i32
    %dma_start3A_19 = tpu.memref_slice %arg2[%mul3A_4, %dma_start3A_18] : memref<10240x48xf32, #tpu.memory_space<hbm>> -> memref<640x48xf32, #tpu.memory_space<hbm>>
    tpu.enqueue_dma source(%dma_start3A_19 : memref<640x48xf32, #tpu.memory_space<hbm>>) target(%dma_start3A_17 : memref<640x48xf32, #tpu.memory_space<vmem_shared>>) target_semaphore(%arg13 : memref<!tpu.dma_semaphore, #tpu.memory_space<semaphore_mem>>)
    %dma_wait3A = arith.constant 0 : i32
    %dma_wait3A_20 = tpu.memref_slice %arg4[%mul3A_2, %dma_wait3A] : memref<2560x128xi32, #tpu.memory_space<hbm>> -> memref<80x128xi32, #tpu.memory_space<hbm>>
    %dma_wait3A_21 = arith.constant 0 : i32
    %dma_wait3A_22 = tpu.memref_slice %arg4[%mul3A_2, %dma_wait3A_21] : memref<2560x128xi32, #tpu.memory_space<hbm>> -> memref<80x128xi32, #tpu.memory_space<hbm>>
    tpu.wait_dma2 semaphore(%arg13 : memref<!tpu.dma_semaphore, #tpu.memory_space<semaphore_mem>>) src(%dma_wait3A_22 : memref<80x128xi32, #tpu.memory_space<hbm>>) dst(%arg7 : memref<80x128xi32, #tpu.memory_space<vmem>>)
    %dma_wait3A_23 = arith.constant 0 : i32
    %dma_wait3A_24 = tpu.memref_slice %arg5[%mul3A_2, %dma_wait3A_23] : memref<2560x128xi32, #tpu.memory_space<hbm>> -> memref<80x128xi32, #tpu.memory_space<hbm>>
    %dma_wait3A_25 = arith.constant 0 : i32
    %dma_wait3A_26 = tpu.memref_slice %arg5[%mul3A_2, %dma_wait3A_25] : memref<2560x128xi32, #tpu.memory_space<hbm>> -> memref<80x128xi32, #tpu.memory_space<hbm>>
    tpu.wait_dma2 semaphore(%arg13 : memref<!tpu.dma_semaphore, #tpu.memory_space<semaphore_mem>>) src(%dma_wait3A_26 : memref<80x128xi32, #tpu.memory_space<hbm>>) dst(%arg8 : memref<80x128xi32, #tpu.memory_space<vmem>>)
    %dma_wait3A_27 = arith.constant 0 : i32
    %dma_wait3A_28 = tpu.memref_slice %arg11[%mul3A_4, %dma_wait3A_27] : memref<10240x48xf32, #tpu.memory_space<vmem_shared>> -> memref<640x48xf32, #tpu.memory_space<vmem_shared>>
    %dma_wait3A_29 = arith.constant 0 : i32
    %dma_wait3A_30 = tpu.memref_slice %arg3[%mul3A_4, %dma_wait3A_29] : memref<10240x48xf32, #tpu.memory_space<hbm>> -> memref<640x48xf32, #tpu.memory_space<hbm>>
    tpu.wait_dma2 semaphore(%arg13 : memref<!tpu.dma_semaphore, #tpu.memory_space<semaphore_mem>>) src(%dma_wait3A_30 : memref<640x48xf32, #tpu.memory_space<hbm>>) dst(%dma_wait3A_28 : memref<640x48xf32, #tpu.memory_space<vmem_shared>>)
    %dma_wait3A_31 = arith.constant 0 : i32
    %dma_wait3A_32 = tpu.memref_slice %arg12[%mul3A_4, %dma_wait3A_31] : memref<10240x48xf32, #tpu.memory_space<vmem_shared>> -> memref<640x48xf32, #tpu.memory_space<vmem_shared>>
    %dma_wait3A_33 = arith.constant 0 : i32
    %dma_wait3A_34 = tpu.memref_slice %arg2[%mul3A_4, %dma_wait3A_33] : memref<10240x48xf32, #tpu.memory_space<hbm>> -> memref<640x48xf32, #tpu.memory_space<hbm>>
    tpu.wait_dma2 semaphore(%arg13 : memref<!tpu.dma_semaphore, #tpu.memory_space<semaphore_mem>>) src(%dma_wait3A_34 : memref<640x48xf32, #tpu.memory_space<hbm>>) dst(%dma_wait3A_32 : memref<640x48xf32, #tpu.memory_space<vmem_shared>>)
    %barrier3A = arith.constant 0 : index
    tpu.barrier barrier_id(%barrier3A)
    %dma_start3A_35 = arith.constant 0 : i32
    %dma_start3A_36 = arith.constant 0 : i32
    %dma_start3A_37 = arith.constant 0 : i32
    %dma_start3A_38 = tpu.memref_slice %arg9[%dma_start3A_36, %dma_start3A_37] : memref<512x48xf32, #tpu.memory_space<vmem>> -> memref<128x48xf32, #tpu.memory_space<vmem>>
    %dma_start3A_39 = arith.constant 0 : i32
    %dma_start3A_40 = tpu.memref_slice %arg7[%dma_start3A_35, %dma_start3A_39] : memref<80x128xi32, #tpu.memory_space<vmem>> -> memref<1x128xi32, #tpu.memory_space<vmem>>
    %dma_start3A_41 = tpu.memref_squeeze %dma_start3A_40 : memref<1x128xi32, #tpu.memory_space<vmem>> -> memref<128xi32, #tpu.memory_space<vmem>>
    %dma_start3A_42 = arith.constant 0 : i32
    %dma_start3A_43 = arith.constant 0 : i32
    %dma_start3A_44 = tpu.memref_slice %arg12[%dma_start3A_42, %dma_start3A_43] : memref<10240x48xf32, #tpu.memory_space<vmem_shared>> -> memref<10240x48xf32, #tpu.memory_space<vmem_shared>>
    tpu.enqueue_indirect_dma source(%dma_start3A_44 : memref<10240x48xf32, #tpu.memory_space<vmem_shared>>) target(%dma_start3A_38 : memref<128x48xf32, #tpu.memory_space<vmem>>) offsets(%dma_start3A_41 : memref<128xi32, #tpu.memory_space<vmem>>) semaphore(%arg13 : memref<!tpu.dma_semaphore, #tpu.memory_space<semaphore_mem>>)
    %dma_start3A_45 = arith.constant 1 : i32
    %dma_start3A_46 = arith.constant 128 : i32
    %dma_start3A_47 = arith.constant 0 : i32
    %dma_start3A_48 = tpu.memref_slice %arg9[%dma_start3A_46, %dma_start3A_47] : memref<512x48xf32, #tpu.memory_space<vmem>> -> memref<128x48xf32, #tpu.memory_space<vmem>>
    %dma_start3A_49 = arith.constant 0 : i32
    %dma_start3A_50 = tpu.memref_slice %arg7[%dma_start3A_45, %dma_start3A_49] : memref<80x128xi32, #tpu.memory_space<vmem>> -> memref<1x128xi32, #tpu.memory_space<vmem>>
    %dma_start3A_51 = tpu.memref_squeeze %dma_start3A_50 : memref<1x128xi32, #tpu.memory_space<vmem>> -> memref<128xi32, #tpu.memory_space<vmem>>
    %dma_start3A_52 = arith.constant 0 : i32
    %dma_start3A_53 = arith.constant 0 : i32
    %dma_start3A_54 = tpu.memref_slice %arg12[%dma_start3A_52, %dma_start3A_53] : memref<10240x48xf32, #tpu.memory_space<vmem_shared>> -> memref<10240x48xf32, #tpu.memory_space<vmem_shared>>
    tpu.enqueue_indirect_dma source(%dma_start3A_54 : memref<10240x48xf32, #tpu.memory_space<vmem_shared>>) target(%dma_start3A_48 : memref<128x48xf32, #tpu.memory_space<vmem>>) offsets(%dma_start3A_51 : memref<128xi32, #tpu.memory_space<vmem>>) semaphore(%arg13 : memref<!tpu.dma_semaphore, #tpu.memory_space<semaphore_mem>>)
    %dma_start3A_55 = arith.constant 2 : i32
    %dma_start3A_56 = arith.constant 256 : i32
    %dma_start3A_57 = arith.constant 0 : i32
    %dma_start3A_58 = tpu.memref_slice %arg9[%dma_start3A_56, %dma_start3A_57] : memref<512x48xf32, #tpu.memory_space<vmem>> -> memref<128x48xf32, #tpu.memory_space<vmem>>
    %dma_start3A_59 = arith.constant 0 : i32
    %dma_start3A_60 = tpu.memref_slice %arg7[%dma_start3A_55, %dma_start3A_59] : memref<80x128xi32, #tpu.memory_space<vmem>> -> memref<1x128xi32, #tpu.memory_space<vmem>>
    %dma_start3A_61 = tpu.memref_squeeze %dma_start3A_60 : memref<1x128xi32, #tpu.memory_space<vmem>> -> memref<128xi32, #tpu.memory_space<vmem>>
    %dma_start3A_62 = arith.constant 0 : i32
    %dma_start3A_63 = arith.constant 0 : i32
    %dma_start3A_64 = tpu.memref_slice %arg12[%dma_start3A_62, %dma_start3A_63] : memref<10240x48xf32, #tpu.memory_space<vmem_shared>> -> memref<10240x48xf32, #tpu.memory_space<vmem_shared>>
    tpu.enqueue_indirect_dma source(%dma_start3A_64 : memref<10240x48xf32, #tpu.memory_space<vmem_shared>>) target(%dma_start3A_58 : memref<128x48xf32, #tpu.memory_space<vmem>>) offsets(%dma_start3A_61 : memref<128xi32, #tpu.memory_space<vmem>>) semaphore(%arg13 : memref<!tpu.dma_semaphore, #tpu.memory_space<semaphore_mem>>)
    %dma_start3A_65 = arith.constant 3 : i32
    %dma_start3A_66 = arith.constant 384 : i32
    %dma_start3A_67 = arith.constant 0 : i32
    %dma_start3A_68 = tpu.memref_slice %arg9[%dma_start3A_66, %dma_start3A_67] : memref<512x48xf32, #tpu.memory_space<vmem>> -> memref<128x48xf32, #tpu.memory_space<vmem>>
    %dma_start3A_69 = arith.constant 0 : i32
    %dma_start3A_70 = tpu.memref_slice %arg7[%dma_start3A_65, %dma_start3A_69] : memref<80x128xi32, #tpu.memory_space<vmem>> -> memref<1x128xi32, #tpu.memory_space<vmem>>
    %dma_start3A_71 = tpu.memref_squeeze %dma_start3A_70 : memref<1x128xi32, #tpu.memory_space<vmem>> -> memref<128xi32, #tpu.memory_space<vmem>>
    %dma_start3A_72 = arith.constant 0 : i32
    %dma_start3A_73 = arith.constant 0 : i32
    %dma_start3A_74 = tpu.memref_slice %arg12[%dma_start3A_72, %dma_start3A_73] : memref<10240x48xf32, #tpu.memory_space<vmem_shared>> -> memref<10240x48xf32, #tpu.memory_space<vmem_shared>>
    tpu.enqueue_indirect_dma source(%dma_start3A_74 : memref<10240x48xf32, #tpu.memory_space<vmem_shared>>) target(%dma_start3A_68 : memref<128x48xf32, #tpu.memory_space<vmem>>) offsets(%dma_start3A_71 : memref<128xi32, #tpu.memory_space<vmem>>) semaphore(%arg13 : memref<!tpu.dma_semaphore, #tpu.memory_space<semaphore_mem>>)
    %scan3A = arith.constant 0 : i32
    %scan3A_75 = arith.constant 0 : i32
    %scan3A_76 = arith.constant 10 : i32
    %scan3A_77 = arith.addi %scan3A_75, %scan3A_76 : i32
    %scan3A_78 = arith.constant 1 : i32
    %scan3A_79 = scf.for %scan3A_124 = %scan3A_75 to %scan3A_77 step %scan3A_78 iter_args(%scan3A_125 = %scan3A) -> (i32)  : i32 {
      %mul3A_126 = arith.constant 2 : i32
      %mul3A_127 = arith.muli %mul3A_126, %scan3A_124 : i32
      %mul3A_128 = arith.constant 2 : i32
      %mul3A_129 = arith.muli %mul3A_128, %scan3A_124 : i32
      %add3A_130 = arith.constant 1 : i32
      %add3A_131 = arith.addi %mul3A_129, %add3A_130 : i32
      %mul3A_132 = arith.constant 4 : i32
      %mul3A_133 = arith.muli %mul3A_127, %mul3A_132 : i32
      %add3A_134 = arith.constant 0 : i32
      %add3A_135 = arith.addi %mul3A_133, %add3A_134 : i32
      %dma_wait3A_136 = arith.constant 0 : i32
      %dma_wait3A_137 = arith.constant 0 : i32
      %dma_wait3A_138 = tpu.memref_slice %arg9[%dma_wait3A_136, %dma_wait3A_137] : memref<512x48xf32, #tpu.memory_space<vmem>> -> memref<128x48xf32, #tpu.memory_space<vmem>>
      %dma_wait3A_139 = arith.constant 0 : i32
      %dma_wait3A_140 = tpu.memref_slice %arg7[%add3A_135, %dma_wait3A_139] : memref<80x128xi32, #tpu.memory_space<vmem>> -> memref<1x128xi32, #tpu.memory_space<vmem>>
      %dma_wait3A_141 = tpu.memref_squeeze %dma_wait3A_140 : memref<1x128xi32, #tpu.memory_space<vmem>> -> memref<128xi32, #tpu.memory_space<vmem>>
      %dma_wait3A_142 = arith.constant 0 : i32
      %dma_wait3A_143 = arith.constant 0 : i32
      %dma_wait3A_144 = tpu.memref_slice %arg12[%dma_wait3A_142, %dma_wait3A_143] : memref<10240x48xf32, #tpu.memory_space<vmem_shared>> -> memref<10240x48xf32, #tpu.memory_space<vmem_shared>>
      tpu.wait_indirect_dma semaphore(%arg13 : memref<!tpu.dma_semaphore, #tpu.memory_space<semaphore_mem>>) src(%dma_wait3A_144 : memref<10240x48xf32, #tpu.memory_space<vmem_shared>>) dst(%dma_wait3A_138 : memref<128x48xf32, #tpu.memory_space<vmem>>)
      %mul3A_145 = arith.constant 4 : i32
      %mul3A_146 = arith.muli %mul3A_127, %mul3A_145 : i32
      %add3A_147 = arith.constant 1 : i32
      %add3A_148 = arith.addi %mul3A_146, %add3A_147 : i32
      %dma_wait3A_149 = arith.constant 128 : i32
      %dma_wait3A_150 = arith.constant 0 : i32
      %dma_wait3A_151 = tpu.memref_slice %arg9[%dma_wait3A_149, %dma_wait3A_150] : memref<512x48xf32, #tpu.memory_space<vmem>> -> memref<128x48xf32, #tpu.memory_space<vmem>>
      %dma_wait3A_152 = arith.constant 0 : i32
      %dma_wait3A_153 = tpu.memref_slice %arg7[%add3A_148, %dma_wait3A_152] : memref<80x128xi32, #tpu.memory_space<vmem>> -> memref<1x128xi32, #tpu.memory_space<vmem>>
      %dma_wait3A_154 = tpu.memref_squeeze %dma_wait3A_153 : memref<1x128xi32, #tpu.memory_space<vmem>> -> memref<128xi32, #tpu.memory_space<vmem>>
      %dma_wait3A_155 = arith.constant 0 : i32
      %dma_wait3A_156 = arith.constant 0 : i32
      %dma_wait3A_157 = tpu.memref_slice %arg12[%dma_wait3A_155, %dma_wait3A_156] : memref<10240x48xf32, #tpu.memory_space<vmem_shared>> -> memref<10240x48xf32, #tpu.memory_space<vmem_shared>>
      tpu.wait_indirect_dma semaphore(%arg13 : memref<!tpu.dma_semaphore, #tpu.memory_space<semaphore_mem>>) src(%dma_wait3A_157 : memref<10240x48xf32, #tpu.memory_space<vmem_shared>>) dst(%dma_wait3A_151 : memref<128x48xf32, #tpu.memory_space<vmem>>)
      %mul3A_158 = arith.constant 4 : i32
      %mul3A_159 = arith.muli %mul3A_127, %mul3A_158 : i32
      %add3A_160 = arith.constant 2 : i32
      %add3A_161 = arith.addi %mul3A_159, %add3A_160 : i32
      %dma_wait3A_162 = arith.constant 256 : i32
      %dma_wait3A_163 = arith.constant 0 : i32
      %dma_wait3A_164 = tpu.memref_slice %arg9[%dma_wait3A_162, %dma_wait3A_163] : memref<512x48xf32, #tpu.memory_space<vmem>> -> memref<128x48xf32, #tpu.memory_space<vmem>>
      %dma_wait3A_165 = arith.constant 0 : i32
      %dma_wait3A_166 = tpu.memref_slice %arg7[%add3A_161, %dma_wait3A_165] : memref<80x128xi32, #tpu.memory_space<vmem>> -> memref<1x128xi32, #tpu.memory_space<vmem>>
      %dma_wait3A_167 = tpu.memref_squeeze %dma_wait3A_166 : memref<1x128xi32, #tpu.memory_space<vmem>> -> memref<128xi32, #tpu.memory_space<vmem>>
      %dma_wait3A_168 = arith.constant 0 : i32
      %dma_wait3A_169 = arith.constant 0 : i32
      %dma_wait3A_170 = tpu.memref_slice %arg12[%dma_wait3A_168, %dma_wait3A_169] : memref<10240x48xf32, #tpu.memory_space<vmem_shared>> -> memref<10240x48xf32, #tpu.memory_space<vmem_shared>>
      tpu.wait_indirect_dma semaphore(%arg13 : memref<!tpu.dma_semaphore, #tpu.memory_space<semaphore_mem>>) src(%dma_wait3A_170 : memref<10240x48xf32, #tpu.memory_space<vmem_shared>>) dst(%dma_wait3A_164 : memref<128x48xf32, #tpu.memory_space<vmem>>)
      %mul3A_171 = arith.constant 4 : i32
      %mul3A_172 = arith.muli %mul3A_127, %mul3A_171 : i32
      %add3A_173 = arith.constant 3 : i32
      %add3A_174 = arith.addi %mul3A_172, %add3A_173 : i32
      %dma_wait3A_175 = arith.constant 384 : i32
      %dma_wait3A_176 = arith.constant 0 : i32
      %dma_wait3A_177 = tpu.memref_slice %arg9[%dma_wait3A_175, %dma_wait3A_176] : memref<512x48xf32, #tpu.memory_space<vmem>> -> memref<128x48xf32, #tpu.memory_space<vmem>>
      %dma_wait3A_178 = arith.constant 0 : i32
      %dma_wait3A_179 = tpu.memref_slice %arg7[%add3A_174, %dma_wait3A_178] : memref<80x128xi32, #tpu.memory_space<vmem>> -> memref<1x128xi32, #tpu.memory_space<vmem>>
      %dma_wait3A_180 = tpu.memref_squeeze %dma_wait3A_179 : memref<1x128xi32, #tpu.memory_space<vmem>> -> memref<128xi32, #tpu.memory_space<vmem>>
      %dma_wait3A_181 = arith.constant 0 : i32
      %dma_wait3A_182 = arith.constant 0 : i32
      %dma_wait3A_183 = tpu.memref_slice %arg12[%dma_wait3A_181, %dma_wait3A_182] : memref<10240x48xf32, #tpu.memory_space<vmem_shared>> -> memref<10240x48xf32, #tpu.memory_space<vmem_shared>>
      tpu.wait_indirect_dma semaphore(%arg13 : memref<!tpu.dma_semaphore, #tpu.memory_space<semaphore_mem>>) src(%dma_wait3A_183 : memref<10240x48xf32, #tpu.memory_space<vmem_shared>>) dst(%dma_wait3A_177 : memref<128x48xf32, #tpu.memory_space<vmem>>)
      %mul3A_184 = arith.constant 4 : i32
      %mul3A_185 = arith.muli %mul3A_127, %mul3A_184 : i32
      %add3A_186 = arith.constant 0 : i32
      %add3A_187 = arith.addi %mul3A_185, %add3A_186 : i32
      %dma_start3A_188 = arith.constant 0 : i32
      %dma_start3A_189 = arith.constant 0 : i32
      %dma_start3A_190 = tpu.memref_slice %arg9[%dma_start3A_188, %dma_start3A_189] : memref<512x48xf32, #tpu.memory_space<vmem>> -> memref<128x48xf32, #tpu.memory_space<vmem>>
      %dma_start3A_191 = arith.constant 0 : i32
      %dma_start3A_192 = tpu.memref_slice %arg8[%add3A_187, %dma_start3A_191] : memref<80x128xi32, #tpu.memory_space<vmem>> -> memref<1x128xi32, #tpu.memory_space<vmem>>
      %dma_start3A_193 = tpu.memref_squeeze %dma_start3A_192 : memref<1x128xi32, #tpu.memory_space<vmem>> -> memref<128xi32, #tpu.memory_space<vmem>>
      %dma_start3A_194 = arith.constant 0 : i32
      %dma_start3A_195 = arith.constant 0 : i32
      %dma_start3A_196 = tpu.memref_slice %arg11[%dma_start3A_194, %dma_start3A_195] : memref<10240x48xf32, #tpu.memory_space<vmem_shared>> -> memref<10240x48xf32, #tpu.memory_space<vmem_shared>>
      tpu.enqueue_indirect_dma source(%dma_start3A_190 : memref<128x48xf32, #tpu.memory_space<vmem>>) target(%dma_start3A_196 : memref<10240x48xf32, #tpu.memory_space<vmem_shared>>) offsets(%dma_start3A_193 : memref<128xi32, #tpu.memory_space<vmem>>) semaphore(%arg15 : memref<!tpu.dma_semaphore, #tpu.memory_space<semaphore_mem>>) {add = true}
      %mul3A_197 = arith.constant 4 : i32
      %mul3A_198 = arith.muli %mul3A_127, %mul3A_197 : i32
      %add3A_199 = arith.constant 1 : i32
      %add3A_200 = arith.addi %mul3A_198, %add3A_199 : i32
      %dma_start3A_201 = arith.constant 128 : i32
      %dma_start3A_202 = arith.constant 0 : i32
      %dma_start3A_203 = tpu.memref_slice %arg9[%dma_start3A_201, %dma_start3A_202] : memref<512x48xf32, #tpu.memory_space<vmem>> -> memref<128x48xf32, #tpu.memory_space<vmem>>
      %dma_start3A_204 = arith.constant 0 : i32
      %dma_start3A_205 = tpu.memref_slice %arg8[%add3A_200, %dma_start3A_204] : memref<80x128xi32, #tpu.memory_space<vmem>> -> memref<1x128xi32, #tpu.memory_space<vmem>>
      %dma_start3A_206 = tpu.memref_squeeze %dma_start3A_205 : memref<1x128xi32, #tpu.memory_space<vmem>> -> memref<128xi32, #tpu.memory_space<vmem>>
      %dma_start3A_207 = arith.constant 0 : i32
      %dma_start3A_208 = arith.constant 0 : i32
      %dma_start3A_209 = tpu.memref_slice %arg11[%dma_start3A_207, %dma_start3A_208] : memref<10240x48xf32, #tpu.memory_space<vmem_shared>> -> memref<10240x48xf32, #tpu.memory_space<vmem_shared>>
      tpu.enqueue_indirect_dma source(%dma_start3A_203 : memref<128x48xf32, #tpu.memory_space<vmem>>) target(%dma_start3A_209 : memref<10240x48xf32, #tpu.memory_space<vmem_shared>>) offsets(%dma_start3A_206 : memref<128xi32, #tpu.memory_space<vmem>>) semaphore(%arg15 : memref<!tpu.dma_semaphore, #tpu.memory_space<semaphore_mem>>) {add = true}
      %mul3A_210 = arith.constant 4 : i32
      %mul3A_211 = arith.muli %mul3A_127, %mul3A_210 : i32
      %add3A_212 = arith.constant 2 : i32
      %add3A_213 = arith.addi %mul3A_211, %add3A_212 : i32
      %dma_start3A_214 = arith.constant 256 : i32
      %dma_start3A_215 = arith.constant 0 : i32
      %dma_start3A_216 = tpu.memref_slice %arg9[%dma_start3A_214, %dma_start3A_215] : memref<512x48xf32, #tpu.memory_space<vmem>> -> memref<128x48xf32, #tpu.memory_space<vmem>>
      %dma_start3A_217 = arith.constant 0 : i32
      %dma_start3A_218 = tpu.memref_slice %arg8[%add3A_213, %dma_start3A_217] : memref<80x128xi32, #tpu.memory_space<vmem>> -> memref<1x128xi32, #tpu.memory_space<vmem>>
      %dma_start3A_219 = tpu.memref_squeeze %dma_start3A_218 : memref<1x128xi32, #tpu.memory_space<vmem>> -> memref<128xi32, #tpu.memory_space<vmem>>
      %dma_start3A_220 = arith.constant 0 : i32
      %dma_start3A_221 = arith.constant 0 : i32
      %dma_start3A_222 = tpu.memref_slice %arg11[%dma_start3A_220, %dma_start3A_221] : memref<10240x48xf32, #tpu.memory_space<vmem_shared>> -> memref<10240x48xf32, #tpu.memory_space<vmem_shared>>
      tpu.enqueue_indirect_dma source(%dma_start3A_216 : memref<128x48xf32, #tpu.memory_space<vmem>>) target(%dma_start3A_222 : memref<10240x48xf32, #tpu.memory_space<vmem_shared>>) offsets(%dma_start3A_219 : memref<128xi32, #tpu.memory_space<vmem>>) semaphore(%arg15 : memref<!tpu.dma_semaphore, #tpu.memory_space<semaphore_mem>>) {add = true}
      %mul3A_223 = arith.constant 4 : i32
      %mul3A_224 = arith.muli %mul3A_127, %mul3A_223 : i32
      %add3A_225 = arith.constant 3 : i32
      %add3A_226 = arith.addi %mul3A_224, %add3A_225 : i32
      %dma_start3A_227 = arith.constant 384 : i32
      %dma_start3A_228 = arith.constant 0 : i32
      %dma_start3A_229 = tpu.memref_slice %arg9[%dma_start3A_227, %dma_start3A_228] : memref<512x48xf32, #tpu.memory_space<vmem>> -> memref<128x48xf32, #tpu.memory_space<vmem>>
      %dma_start3A_230 = arith.constant 0 : i32
      %dma_start3A_231 = tpu.memref_slice %arg8[%add3A_226, %dma_start3A_230] : memref<80x128xi32, #tpu.memory_space<vmem>> -> memref<1x128xi32, #tpu.memory_space<vmem>>
      %dma_start3A_232 = tpu.memref_squeeze %dma_start3A_231 : memref<1x128xi32, #tpu.memory_space<vmem>> -> memref<128xi32, #tpu.memory_space<vmem>>
      %dma_start3A_233 = arith.constant 0 : i32
      %dma_start3A_234 = arith.constant 0 : i32
      %dma_start3A_235 = tpu.memref_slice %arg11[%dma_start3A_233, %dma_start3A_234] : memref<10240x48xf32, #tpu.memory_space<vmem_shared>> -> memref<10240x48xf32, #tpu.memory_space<vmem_shared>>
      tpu.enqueue_indirect_dma source(%dma_start3A_229 : memref<128x48xf32, #tpu.memory_space<vmem>>) target(%dma_start3A_235 : memref<10240x48xf32, #tpu.memory_space<vmem_shared>>) offsets(%dma_start3A_232 : memref<128xi32, #tpu.memory_space<vmem>>) semaphore(%arg15 : memref<!tpu.dma_semaphore, #tpu.memory_space<semaphore_mem>>) {add = true}
      %ge3A = arith.constant 1 : i32
      %ge3A_236 = arith.cmpi sge, %scan3A_124, %ge3A : i32
      %convert_element_type3A = arith.extui %ge3A_236 : i1 to i32
      %cond3A = arith.constant 0 : i32
      %cond3A_237 = arith.cmpi ne, %convert_element_type3A, %cond3A : i32
      scf.if %cond3A_237 {
        %sub3A = arith.constant 2 : i32
        %sub3A_451 = arith.subi %add3A_131, %sub3A : i32
        %mul3A_452 = arith.constant 4 : i32
        %mul3A_453 = arith.muli %sub3A_451, %mul3A_452 : i32
        %add3A_454 = arith.constant 0 : i32
        %add3A_455 = arith.addi %mul3A_453, %add3A_454 : i32
        %dma_wait3A_456 = arith.constant 0 : i32
        %dma_wait3A_457 = arith.constant 0 : i32
        %dma_wait3A_458 = tpu.memref_slice %arg10[%dma_wait3A_456, %dma_wait3A_457] : memref<512x48xf32, #tpu.memory_space<vmem>> -> memref<128x48xf32, #tpu.memory_space<vmem>>
        %dma_wait3A_459 = arith.constant 0 : i32
        %dma_wait3A_460 = tpu.memref_slice %arg8[%add3A_455, %dma_wait3A_459] : memref<80x128xi32, #tpu.memory_space<vmem>> -> memref<1x128xi32, #tpu.memory_space<vmem>>
        %dma_wait3A_461 = tpu.memref_squeeze %dma_wait3A_460 : memref<1x128xi32, #tpu.memory_space<vmem>> -> memref<128xi32, #tpu.memory_space<vmem>>
        %dma_wait3A_462 = arith.constant 0 : i32
        %dma_wait3A_463 = arith.constant 0 : i32
        %dma_wait3A_464 = tpu.memref_slice %arg11[%dma_wait3A_462, %dma_wait3A_463] : memref<10240x48xf32, #tpu.memory_space<vmem_shared>> -> memref<10240x48xf32, #tpu.memory_space<vmem_shared>>
        tpu.wait_indirect_dma semaphore(%arg16 : memref<!tpu.dma_semaphore, #tpu.memory_space<semaphore_mem>>) src(%dma_wait3A_458 : memref<128x48xf32, #tpu.memory_space<vmem>>) dst(%dma_wait3A_464 : memref<10240x48xf32, #tpu.memory_space<vmem_shared>>)
        %mul3A_465 = arith.constant 4 : i32
        %mul3A_466 = arith.muli %sub3A_451, %mul3A_465 : i32
        %add3A_467 = arith.constant 1 : i32
        %add3A_468 = arith.addi %mul3A_466, %add3A_467 : i32
        %dma_wait3A_469 = arith.constant 128 : i32
        %dma_wait3A_470 = arith.constant 0 : i32
        %dma_wait3A_471 = tpu.memref_slice %arg10[%dma_wait3A_469, %dma_wait3A_470] : memref<512x48xf32, #tpu.memory_space<vmem>> -> memref<128x48xf32, #tpu.memory_space<vmem>>
        %dma_wait3A_472 = arith.constant 0 : i32
        %dma_wait3A_473 = tpu.memref_slice %arg8[%add3A_468, %dma_wait3A_472] : memref<80x128xi32, #tpu.memory_space<vmem>> -> memref<1x128xi32, #tpu.memory_space<vmem>>
        %dma_wait3A_474 = tpu.memref_squeeze %dma_wait3A_473 : memref<1x128xi32, #tpu.memory_space<vmem>> -> memref<128xi32, #tpu.memory_space<vmem>>
        %dma_wait3A_475 = arith.constant 0 : i32
        %dma_wait3A_476 = arith.constant 0 : i32
        %dma_wait3A_477 = tpu.memref_slice %arg11[%dma_wait3A_475, %dma_wait3A_476] : memref<10240x48xf32, #tpu.memory_space<vmem_shared>> -> memref<10240x48xf32, #tpu.memory_space<vmem_shared>>
        tpu.wait_indirect_dma semaphore(%arg16 : memref<!tpu.dma_semaphore, #tpu.memory_space<semaphore_mem>>) src(%dma_wait3A_471 : memref<128x48xf32, #tpu.memory_space<vmem>>) dst(%dma_wait3A_477 : memref<10240x48xf32, #tpu.memory_space<vmem_shared>>)
        %mul3A_478 = arith.constant 4 : i32
        %mul3A_479 = arith.muli %sub3A_451, %mul3A_478 : i32
        %add3A_480 = arith.constant 2 : i32
        %add3A_481 = arith.addi %mul3A_479, %add3A_480 : i32
        %dma_wait3A_482 = arith.constant 256 : i32
        %dma_wait3A_483 = arith.constant 0 : i32
        %dma_wait3A_484 = tpu.memref_slice %arg10[%dma_wait3A_482, %dma_wait3A_483] : memref<512x48xf32, #tpu.memory_space<vmem>> -> memref<128x48xf32, #tpu.memory_space<vmem>>
        %dma_wait3A_485 = arith.constant 0 : i32
        %dma_wait3A_486 = tpu.memref_slice %arg8[%add3A_481, %dma_wait3A_485] : memref<80x128xi32, #tpu.memory_space<vmem>> -> memref<1x128xi32, #tpu.memory_space<vmem>>
        %dma_wait3A_487 = tpu.memref_squeeze %dma_wait3A_486 : memref<1x128xi32, #tpu.memory_space<vmem>> -> memref<128xi32, #tpu.memory_space<vmem>>
        %dma_wait3A_488 = arith.constant 0 : i32
        %dma_wait3A_489 = arith.constant 0 : i32
        %dma_wait3A_490 = tpu.memref_slice %arg11[%dma_wait3A_488, %dma_wait3A_489] : memref<10240x48xf32, #tpu.memory_space<vmem_shared>> -> memref<10240x48xf32, #tpu.memory_space<vmem_shared>>
        tpu.wait_indirect_dma semaphore(%arg16 : memref<!tpu.dma_semaphore, #tpu.memory_space<semaphore_mem>>) src(%dma_wait3A_484 : memref<128x48xf32, #tpu.memory_space<vmem>>) dst(%dma_wait3A_490 : memref<10240x48xf32, #tpu.memory_space<vmem_shared>>)
        %mul3A_491 = arith.constant 4 : i32
        %mul3A_492 = arith.muli %sub3A_451, %mul3A_491 : i32
        %add3A_493 = arith.constant 3 : i32
        %add3A_494 = arith.addi %mul3A_492, %add3A_493 : i32
        %dma_wait3A_495 = arith.constant 384 : i32
        %dma_wait3A_496 = arith.constant 0 : i32
        %dma_wait3A_497 = tpu.memref_slice %arg10[%dma_wait3A_495, %dma_wait3A_496] : memref<512x48xf32, #tpu.memory_space<vmem>> -> memref<128x48xf32, #tpu.memory_space<vmem>>
        %dma_wait3A_498 = arith.constant 0 : i32
        %dma_wait3A_499 = tpu.memref_slice %arg8[%add3A_494, %dma_wait3A_498] : memref<80x128xi32, #tpu.memory_space<vmem>> -> memref<1x128xi32, #tpu.memory_space<vmem>>
        %dma_wait3A_500 = tpu.memref_squeeze %dma_wait3A_499 : memref<1x128xi32, #tpu.memory_space<vmem>> -> memref<128xi32, #tpu.memory_space<vmem>>
        %dma_wait3A_501 = arith.constant 0 : i32
        %dma_wait3A_502 = arith.constant 0 : i32
        %dma_wait3A_503 = tpu.memref_slice %arg11[%dma_wait3A_501, %dma_wait3A_502] : memref<10240x48xf32, #tpu.memory_space<vmem_shared>> -> memref<10240x48xf32, #tpu.memory_space<vmem_shared>>
        tpu.wait_indirect_dma semaphore(%arg16 : memref<!tpu.dma_semaphore, #tpu.memory_space<semaphore_mem>>) src(%dma_wait3A_497 : memref<128x48xf32, #tpu.memory_space<vmem>>) dst(%dma_wait3A_503 : memref<10240x48xf32, #tpu.memory_space<vmem_shared>>)
      } else {
      }
      %mul3A_238 = arith.constant 4 : i32
      %mul3A_239 = arith.muli %add3A_131, %mul3A_238 : i32
      %add3A_240 = arith.constant 0 : i32
      %add3A_241 = arith.addi %mul3A_239, %add3A_240 : i32
      %dma_start3A_242 = arith.constant 0 : i32
      %dma_start3A_243 = arith.constant 0 : i32
      %dma_start3A_244 = tpu.memref_slice %arg10[%dma_start3A_242, %dma_start3A_243] : memref<512x48xf32, #tpu.memory_space<vmem>> -> memref<128x48xf32, #tpu.memory_space<vmem>>
      %dma_start3A_245 = arith.constant 0 : i32
      %dma_start3A_246 = tpu.memref_slice %arg7[%add3A_241, %dma_start3A_245] : memref<80x128xi32, #tpu.memory_space<vmem>> -> memref<1x128xi32, #tpu.memory_space<vmem>>
      %dma_start3A_247 = tpu.memref_squeeze %dma_start3A_246 : memref<1x128xi32, #tpu.memory_space<vmem>> -> memref<128xi32, #tpu.memory_space<vmem>>
      %dma_start3A_248 = arith.constant 0 : i32
      %dma_start3A_249 = arith.constant 0 : i32
      %dma_start3A_250 = tpu.memref_slice %arg12[%dma_start3A_248, %dma_start3A_249] : memref<10240x48xf32, #tpu.memory_space<vmem_shared>> -> memref<10240x48xf32, #tpu.memory_space<vmem_shared>>
      tpu.enqueue_indirect_dma source(%dma_start3A_250 : memref<10240x48xf32, #tpu.memory_space<vmem_shared>>) target(%dma_start3A_244 : memref<128x48xf32, #tpu.memory_space<vmem>>) offsets(%dma_start3A_247 : memref<128xi32, #tpu.memory_space<vmem>>) semaphore(%arg14 : memref<!tpu.dma_semaphore, #tpu.memory_space<semaphore_mem>>)
      %mul3A_251 = arith.constant 4 : i32
      %mul3A_252 = arith.muli %add3A_131, %mul3A_251 : i32
      %add3A_253 = arith.constant 1 : i32
      %add3A_254 = arith.addi %mul3A_252, %add3A_253 : i32
      %dma_start3A_255 = arith.constant 128 : i32
      %dma_start3A_256 = arith.constant 0 : i32
      %dma_start3A_257 = tpu.memref_slice %arg10[%dma_start3A_255, %dma_start3A_256] : memref<512x48xf32, #tpu.memory_space<vmem>> -> memref<128x48xf32, #tpu.memory_space<vmem>>
      %dma_start3A_258 = arith.constant 0 : i32
      %dma_start3A_259 = tpu.memref_slice %arg7[%add3A_254, %dma_start3A_258] : memref<80x128xi32, #tpu.memory_space<vmem>> -> memref<1x128xi32, #tpu.memory_space<vmem>>
      %dma_start3A_260 = tpu.memref_squeeze %dma_start3A_259 : memref<1x128xi32, #tpu.memory_space<vmem>> -> memref<128xi32, #tpu.memory_space<vmem>>
      %dma_start3A_261 = arith.constant 0 : i32
      %dma_start3A_262 = arith.constant 0 : i32
      %dma_start3A_263 = tpu.memref_slice %arg12[%dma_start3A_261, %dma_start3A_262] : memref<10240x48xf32, #tpu.memory_space<vmem_shared>> -> memref<10240x48xf32, #tpu.memory_space<vmem_shared>>
      tpu.enqueue_indirect_dma source(%dma_start3A_263 : memref<10240x48xf32, #tpu.memory_space<vmem_shared>>) target(%dma_start3A_257 : memref<128x48xf32, #tpu.memory_space<vmem>>) offsets(%dma_start3A_260 : memref<128xi32, #tpu.memory_space<vmem>>) semaphore(%arg14 : memref<!tpu.dma_semaphore, #tpu.memory_space<semaphore_mem>>)
      %mul3A_264 = arith.constant 4 : i32
      %mul3A_265 = arith.muli %add3A_131, %mul3A_264 : i32
      %add3A_266 = arith.constant 2 : i32
      %add3A_267 = arith.addi %mul3A_265, %add3A_266 : i32
      %dma_start3A_268 = arith.constant 256 : i32
      %dma_start3A_269 = arith.constant 0 : i32
      %dma_start3A_270 = tpu.memref_slice %arg10[%dma_start3A_268, %dma_start3A_269] : memref<512x48xf32, #tpu.memory_space<vmem>> -> memref<128x48xf32, #tpu.memory_space<vmem>>
      %dma_start3A_271 = arith.constant 0 : i32
      %dma_start3A_272 = tpu.memref_slice %arg7[%add3A_267, %dma_start3A_271] : memref<80x128xi32, #tpu.memory_space<vmem>> -> memref<1x128xi32, #tpu.memory_space<vmem>>
      %dma_start3A_273 = tpu.memref_squeeze %dma_start3A_272 : memref<1x128xi32, #tpu.memory_space<vmem>> -> memref<128xi32, #tpu.memory_space<vmem>>
      %dma_start3A_274 = arith.constant 0 : i32
      %dma_start3A_275 = arith.constant 0 : i32
      %dma_start3A_276 = tpu.memref_slice %arg12[%dma_start3A_274, %dma_start3A_275] : memref<10240x48xf32, #tpu.memory_space<vmem_shared>> -> memref<10240x48xf32, #tpu.memory_space<vmem_shared>>
      tpu.enqueue_indirect_dma source(%dma_start3A_276 : memref<10240x48xf32, #tpu.memory_space<vmem_shared>>) target(%dma_start3A_270 : memref<128x48xf32, #tpu.memory_space<vmem>>) offsets(%dma_start3A_273 : memref<128xi32, #tpu.memory_space<vmem>>) semaphore(%arg14 : memref<!tpu.dma_semaphore, #tpu.memory_space<semaphore_mem>>)
      %mul3A_277 = arith.constant 4 : i32
      %mul3A_278 = arith.muli %add3A_131, %mul3A_277 : i32
      %add3A_279 = arith.constant 3 : i32
      %add3A_280 = arith.addi %mul3A_278, %add3A_279 : i32
      %dma_start3A_281 = arith.constant 384 : i32
      %dma_start3A_282 = arith.constant 0 : i32
      %dma_start3A_283 = tpu.memref_slice %arg10[%dma_start3A_281, %dma_start3A_282] : memref<512x48xf32, #tpu.memory_space<vmem>> -> memref<128x48xf32, #tpu.memory_space<vmem>>
      %dma_start3A_284 = arith.constant 0 : i32
      %dma_start3A_285 = tpu.memref_slice %arg7[%add3A_280, %dma_start3A_284] : memref<80x128xi32, #tpu.memory_space<vmem>> -> memref<1x128xi32, #tpu.memory_space<vmem>>
      %dma_start3A_286 = tpu.memref_squeeze %dma_start3A_285 : memref<1x128xi32, #tpu.memory_space<vmem>> -> memref<128xi32, #tpu.memory_space<vmem>>
      %dma_start3A_287 = arith.constant 0 : i32
      %dma_start3A_288 = arith.constant 0 : i32
      %dma_start3A_289 = tpu.memref_slice %arg12[%dma_start3A_287, %dma_start3A_288] : memref<10240x48xf32, #tpu.memory_space<vmem_shared>> -> memref<10240x48xf32, #tpu.memory_space<vmem_shared>>
      tpu.enqueue_indirect_dma source(%dma_start3A_289 : memref<10240x48xf32, #tpu.memory_space<vmem_shared>>) target(%dma_start3A_283 : memref<128x48xf32, #tpu.memory_space<vmem>>) offsets(%dma_start3A_286 : memref<128xi32, #tpu.memory_space<vmem>>) semaphore(%arg14 : memref<!tpu.dma_semaphore, #tpu.memory_space<semaphore_mem>>)
      %mul3A_290 = arith.constant 4 : i32
      %mul3A_291 = arith.muli %add3A_131, %mul3A_290 : i32
      %add3A_292 = arith.constant 0 : i32
      %add3A_293 = arith.addi %mul3A_291, %add3A_292 : i32
      %dma_wait3A_294 = arith.constant 0 : i32
      %dma_wait3A_295 = arith.constant 0 : i32
      %dma_wait3A_296 = tpu.memref_slice %arg10[%dma_wait3A_294, %dma_wait3A_295] : memref<512x48xf32, #tpu.memory_space<vmem>> -> memref<128x48xf32, #tpu.memory_space<vmem>>
      %dma_wait3A_297 = arith.constant 0 : i32
      %dma_wait3A_298 = tpu.memref_slice %arg7[%add3A_293, %dma_wait3A_297] : memref<80x128xi32, #tpu.memory_space<vmem>> -> memref<1x128xi32, #tpu.memory_space<vmem>>
      %dma_wait3A_299 = tpu.memref_squeeze %dma_wait3A_298 : memref<1x128xi32, #tpu.memory_space<vmem>> -> memref<128xi32, #tpu.memory_space<vmem>>
      %dma_wait3A_300 = arith.constant 0 : i32
      %dma_wait3A_301 = arith.constant 0 : i32
      %dma_wait3A_302 = tpu.memref_slice %arg12[%dma_wait3A_300, %dma_wait3A_301] : memref<10240x48xf32, #tpu.memory_space<vmem_shared>> -> memref<10240x48xf32, #tpu.memory_space<vmem_shared>>
      tpu.wait_indirect_dma semaphore(%arg14 : memref<!tpu.dma_semaphore, #tpu.memory_space<semaphore_mem>>) src(%dma_wait3A_302 : memref<10240x48xf32, #tpu.memory_space<vmem_shared>>) dst(%dma_wait3A_296 : memref<128x48xf32, #tpu.memory_space<vmem>>)
      %mul3A_303 = arith.constant 4 : i32
      %mul3A_304 = arith.muli %add3A_131, %mul3A_303 : i32
      %add3A_305 = arith.constant 1 : i32
      %add3A_306 = arith.addi %mul3A_304, %add3A_305 : i32
      %dma_wait3A_307 = arith.constant 128 : i32
      %dma_wait3A_308 = arith.constant 0 : i32
      %dma_wait3A_309 = tpu.memref_slice %arg10[%dma_wait3A_307, %dma_wait3A_308] : memref<512x48xf32, #tpu.memory_space<vmem>> -> memref<128x48xf32, #tpu.memory_space<vmem>>
      %dma_wait3A_310 = arith.constant 0 : i32
      %dma_wait3A_311 = tpu.memref_slice %arg7[%add3A_306, %dma_wait3A_310] : memref<80x128xi32, #tpu.memory_space<vmem>> -> memref<1x128xi32, #tpu.memory_space<vmem>>
      %dma_wait3A_312 = tpu.memref_squeeze %dma_wait3A_311 : memref<1x128xi32, #tpu.memory_space<vmem>> -> memref<128xi32, #tpu.memory_space<vmem>>
      %dma_wait3A_313 = arith.constant 0 : i32
      %dma_wait3A_314 = arith.constant 0 : i32
      %dma_wait3A_315 = tpu.memref_slice %arg12[%dma_wait3A_313, %dma_wait3A_314] : memref<10240x48xf32, #tpu.memory_space<vmem_shared>> -> memref<10240x48xf32, #tpu.memory_space<vmem_shared>>
      tpu.wait_indirect_dma semaphore(%arg14 : memref<!tpu.dma_semaphore, #tpu.memory_space<semaphore_mem>>) src(%dma_wait3A_315 : memref<10240x48xf32, #tpu.memory_space<vmem_shared>>) dst(%dma_wait3A_309 : memref<128x48xf32, #tpu.memory_space<vmem>>)
      %mul3A_316 = arith.constant 4 : i32
      %mul3A_317 = arith.muli %add3A_131, %mul3A_316 : i32
      %add3A_318 = arith.constant 2 : i32
      %add3A_319 = arith.addi %mul3A_317, %add3A_318 : i32
      %dma_wait3A_320 = arith.constant 256 : i32
      %dma_wait3A_321 = arith.constant 0 : i32
      %dma_wait3A_322 = tpu.memref_slice %arg10[%dma_wait3A_320, %dma_wait3A_321] : memref<512x48xf32, #tpu.memory_space<vmem>> -> memref<128x48xf32, #tpu.memory_space<vmem>>
      %dma_wait3A_323 = arith.constant 0 : i32
      %dma_wait3A_324 = tpu.memref_slice %arg7[%add3A_319, %dma_wait3A_323] : memref<80x128xi32, #tpu.memory_space<vmem>> -> memref<1x128xi32, #tpu.memory_space<vmem>>
      %dma_wait3A_325 = tpu.memref_squeeze %dma_wait3A_324 : memref<1x128xi32, #tpu.memory_space<vmem>> -> memref<128xi32, #tpu.memory_space<vmem>>
      %dma_wait3A_326 = arith.constant 0 : i32
      %dma_wait3A_327 = arith.constant 0 : i32
      %dma_wait3A_328 = tpu.memref_slice %arg12[%dma_wait3A_326, %dma_wait3A_327] : memref<10240x48xf32, #tpu.memory_space<vmem_shared>> -> memref<10240x48xf32, #tpu.memory_space<vmem_shared>>
      tpu.wait_indirect_dma semaphore(%arg14 : memref<!tpu.dma_semaphore, #tpu.memory_space<semaphore_mem>>) src(%dma_wait3A_328 : memref<10240x48xf32, #tpu.memory_space<vmem_shared>>) dst(%dma_wait3A_322 : memref<128x48xf32, #tpu.memory_space<vmem>>)
      %mul3A_329 = arith.constant 4 : i32
      %mul3A_330 = arith.muli %add3A_131, %mul3A_329 : i32
      %add3A_331 = arith.constant 3 : i32
      %add3A_332 = arith.addi %mul3A_330, %add3A_331 : i32
      %dma_wait3A_333 = arith.constant 384 : i32
      %dma_wait3A_334 = arith.constant 0 : i32
      %dma_wait3A_335 = tpu.memref_slice %arg10[%dma_wait3A_333, %dma_wait3A_334] : memref<512x48xf32, #tpu.memory_space<vmem>> -> memref<128x48xf32, #tpu.memory_space<vmem>>
      %dma_wait3A_336 = arith.constant 0 : i32
      %dma_wait3A_337 = tpu.memref_slice %arg7[%add3A_332, %dma_wait3A_336] : memref<80x128xi32, #tpu.memory_space<vmem>> -> memref<1x128xi32, #tpu.memory_space<vmem>>
      %dma_wait3A_338 = tpu.memref_squeeze %dma_wait3A_337 : memref<1x128xi32, #tpu.memory_space<vmem>> -> memref<128xi32, #tpu.memory_space<vmem>>
      %dma_wait3A_339 = arith.constant 0 : i32
      %dma_wait3A_340 = arith.constant 0 : i32
      %dma_wait3A_341 = tpu.memref_slice %arg12[%dma_wait3A_339, %dma_wait3A_340] : memref<10240x48xf32, #tpu.memory_space<vmem_shared>> -> memref<10240x48xf32, #tpu.memory_space<vmem_shared>>
      tpu.wait_indirect_dma semaphore(%arg14 : memref<!tpu.dma_semaphore, #tpu.memory_space<semaphore_mem>>) src(%dma_wait3A_341 : memref<10240x48xf32, #tpu.memory_space<vmem_shared>>) dst(%dma_wait3A_335 : memref<128x48xf32, #tpu.memory_space<vmem>>)
      %mul3A_342 = arith.constant 4 : i32
      %mul3A_343 = arith.muli %add3A_131, %mul3A_342 : i32
      %add3A_344 = arith.constant 0 : i32
      %add3A_345 = arith.addi %mul3A_343, %add3A_344 : i32
      %dma_start3A_346 = arith.constant 0 : i32
      %dma_start3A_347 = arith.constant 0 : i32
      %dma_start3A_348 = tpu.memref_slice %arg10[%dma_start3A_346, %dma_start3A_347] : memref<512x48xf32, #tpu.memory_space<vmem>> -> memref<128x48xf32, #tpu.memory_space<vmem>>
      %dma_start3A_349 = arith.constant 0 : i32
      %dma_start3A_350 = tpu.memref_slice %arg8[%add3A_345, %dma_start3A_349] : memref<80x128xi32, #tpu.memory_space<vmem>> -> memref<1x128xi32, #tpu.memory_space<vmem>>
      %dma_start3A_351 = tpu.memref_squeeze %dma_start3A_350 : memref<1x128xi32, #tpu.memory_space<vmem>> -> memref<128xi32, #tpu.memory_space<vmem>>
      %dma_start3A_352 = arith.constant 0 : i32
      %dma_start3A_353 = arith.constant 0 : i32
      %dma_start3A_354 = tpu.memref_slice %arg11[%dma_start3A_352, %dma_start3A_353] : memref<10240x48xf32, #tpu.memory_space<vmem_shared>> -> memref<10240x48xf32, #tpu.memory_space<vmem_shared>>
      tpu.enqueue_indirect_dma source(%dma_start3A_348 : memref<128x48xf32, #tpu.memory_space<vmem>>) target(%dma_start3A_354 : memref<10240x48xf32, #tpu.memory_space<vmem_shared>>) offsets(%dma_start3A_351 : memref<128xi32, #tpu.memory_space<vmem>>) semaphore(%arg16 : memref<!tpu.dma_semaphore, #tpu.memory_space<semaphore_mem>>) {add = true}
      %mul3A_355 = arith.constant 4 : i32
      %mul3A_356 = arith.muli %add3A_131, %mul3A_355 : i32
      %add3A_357 = arith.constant 1 : i32
      %add3A_358 = arith.addi %mul3A_356, %add3A_357 : i32
      %dma_start3A_359 = arith.constant 128 : i32
      %dma_start3A_360 = arith.constant 0 : i32
      %dma_start3A_361 = tpu.memref_slice %arg10[%dma_start3A_359, %dma_start3A_360] : memref<512x48xf32, #tpu.memory_space<vmem>> -> memref<128x48xf32, #tpu.memory_space<vmem>>
      %dma_start3A_362 = arith.constant 0 : i32
      %dma_start3A_363 = tpu.memref_slice %arg8[%add3A_358, %dma_start3A_362] : memref<80x128xi32, #tpu.memory_space<vmem>> -> memref<1x128xi32, #tpu.memory_space<vmem>>
      %dma_start3A_364 = tpu.memref_squeeze %dma_start3A_363 : memref<1x128xi32, #tpu.memory_space<vmem>> -> memref<128xi32, #tpu.memory_space<vmem>>
      %dma_start3A_365 = arith.constant 0 : i32
      %dma_start3A_366 = arith.constant 0 : i32
      %dma_start3A_367 = tpu.memref_slice %arg11[%dma_start3A_365, %dma_start3A_366] : memref<10240x48xf32, #tpu.memory_space<vmem_shared>> -> memref<10240x48xf32, #tpu.memory_space<vmem_shared>>
      tpu.enqueue_indirect_dma source(%dma_start3A_361 : memref<128x48xf32, #tpu.memory_space<vmem>>) target(%dma_start3A_367 : memref<10240x48xf32, #tpu.memory_space<vmem_shared>>) offsets(%dma_start3A_364 : memref<128xi32, #tpu.memory_space<vmem>>) semaphore(%arg16 : memref<!tpu.dma_semaphore, #tpu.memory_space<semaphore_mem>>) {add = true}
      %mul3A_368 = arith.constant 4 : i32
      %mul3A_369 = arith.muli %add3A_131, %mul3A_368 : i32
      %add3A_370 = arith.constant 2 : i32
      %add3A_371 = arith.addi %mul3A_369, %add3A_370 : i32
      %dma_start3A_372 = arith.constant 256 : i32
      %dma_start3A_373 = arith.constant 0 : i32
      %dma_start3A_374 = tpu.memref_slice %arg10[%dma_start3A_372, %dma_start3A_373] : memref<512x48xf32, #tpu.memory_space<vmem>> -> memref<128x48xf32, #tpu.memory_space<vmem>>
      %dma_start3A_375 = arith.constant 0 : i32
      %dma_start3A_376 = tpu.memref_slice %arg8[%add3A_371, %dma_start3A_375] : memref<80x128xi32, #tpu.memory_space<vmem>> -> memref<1x128xi32, #tpu.memory_space<vmem>>
      %dma_start3A_377 = tpu.memref_squeeze %dma_start3A_376 : memref<1x128xi32, #tpu.memory_space<vmem>> -> memref<128xi32, #tpu.memory_space<vmem>>
      %dma_start3A_378 = arith.constant 0 : i32
      %dma_start3A_379 = arith.constant 0 : i32
      %dma_start3A_380 = tpu.memref_slice %arg11[%dma_start3A_378, %dma_start3A_379] : memref<10240x48xf32, #tpu.memory_space<vmem_shared>> -> memref<10240x48xf32, #tpu.memory_space<vmem_shared>>
      tpu.enqueue_indirect_dma source(%dma_start3A_374 : memref<128x48xf32, #tpu.memory_space<vmem>>) target(%dma_start3A_380 : memref<10240x48xf32, #tpu.memory_space<vmem_shared>>) offsets(%dma_start3A_377 : memref<128xi32, #tpu.memory_space<vmem>>) semaphore(%arg16 : memref<!tpu.dma_semaphore, #tpu.memory_space<semaphore_mem>>) {add = true}
      %mul3A_381 = arith.constant 4 : i32
      %mul3A_382 = arith.muli %add3A_131, %mul3A_381 : i32
      %add3A_383 = arith.constant 3 : i32
      %add3A_384 = arith.addi %mul3A_382, %add3A_383 : i32
      %dma_start3A_385 = arith.constant 384 : i32
      %dma_start3A_386 = arith.constant 0 : i32
      %dma_start3A_387 = tpu.memref_slice %arg10[%dma_start3A_385, %dma_start3A_386] : memref<512x48xf32, #tpu.memory_space<vmem>> -> memref<128x48xf32, #tpu.memory_space<vmem>>
      %dma_start3A_388 = arith.constant 0 : i32
      %dma_start3A_389 = tpu.memref_slice %arg8[%add3A_384, %dma_start3A_388] : memref<80x128xi32, #tpu.memory_space<vmem>> -> memref<1x128xi32, #tpu.memory_space<vmem>>
      %dma_start3A_390 = tpu.memref_squeeze %dma_start3A_389 : memref<1x128xi32, #tpu.memory_space<vmem>> -> memref<128xi32, #tpu.memory_space<vmem>>
      %dma_start3A_391 = arith.constant 0 : i32
      %dma_start3A_392 = arith.constant 0 : i32
      %dma_start3A_393 = tpu.memref_slice %arg11[%dma_start3A_391, %dma_start3A_392] : memref<10240x48xf32, #tpu.memory_space<vmem_shared>> -> memref<10240x48xf32, #tpu.memory_space<vmem_shared>>
      tpu.enqueue_indirect_dma source(%dma_start3A_387 : memref<128x48xf32, #tpu.memory_space<vmem>>) target(%dma_start3A_393 : memref<10240x48xf32, #tpu.memory_space<vmem_shared>>) offsets(%dma_start3A_390 : memref<128xi32, #tpu.memory_space<vmem>>) semaphore(%arg16 : memref<!tpu.dma_semaphore, #tpu.memory_space<semaphore_mem>>) {add = true}
      %mul3A_394 = arith.constant 4 : i32
      %mul3A_395 = arith.muli %mul3A_127, %mul3A_394 : i32
      %add3A_396 = arith.constant 0 : i32
      %add3A_397 = arith.addi %mul3A_395, %add3A_396 : i32
      %dma_wait3A_398 = arith.constant 0 : i32
      %dma_wait3A_399 = arith.constant 0 : i32
      %dma_wait3A_400 = tpu.memref_slice %arg9[%dma_wait3A_398, %dma_wait3A_399] : memref<512x48xf32, #tpu.memory_space<vmem>> -> memref<128x48xf32, #tpu.memory_space<vmem>>
      %dma_wait3A_401 = arith.constant 0 : i32
      %dma_wait3A_402 = tpu.memref_slice %arg8[%add3A_397, %dma_wait3A_401] : memref<80x128xi32, #tpu.memory_space<vmem>> -> memref<1x128xi32, #tpu.memory_space<vmem>>
      %dma_wait3A_403 = tpu.memref_squeeze %dma_wait3A_402 : memref<1x128xi32, #tpu.memory_space<vmem>> -> memref<128xi32, #tpu.memory_space<vmem>>
      %dma_wait3A_404 = arith.constant 0 : i32
      %dma_wait3A_405 = arith.constant 0 : i32
      %dma_wait3A_406 = tpu.memref_slice %arg11[%dma_wait3A_404, %dma_wait3A_405] : memref<10240x48xf32, #tpu.memory_space<vmem_shared>> -> memref<10240x48xf32, #tpu.memory_space<vmem_shared>>
      tpu.wait_indirect_dma semaphore(%arg15 : memref<!tpu.dma_semaphore, #tpu.memory_space<semaphore_mem>>) src(%dma_wait3A_400 : memref<128x48xf32, #tpu.memory_space<vmem>>) dst(%dma_wait3A_406 : memref<10240x48xf32, #tpu.memory_space<vmem_shared>>)
      %mul3A_407 = arith.constant 4 : i32
      %mul3A_408 = arith.muli %mul3A_127, %mul3A_407 : i32
      %add3A_409 = arith.constant 1 : i32
      %add3A_410 = arith.addi %mul3A_408, %add3A_409 : i32
      %dma_wait3A_411 = arith.constant 128 : i32
      %dma_wait3A_412 = arith.constant 0 : i32
      %dma_wait3A_413 = tpu.memref_slice %arg9[%dma_wait3A_411, %dma_wait3A_412] : memref<512x48xf32, #tpu.memory_space<vmem>> -> memref<128x48xf32, #tpu.memory_space<vmem>>
      %dma_wait3A_414 = arith.constant 0 : i32
      %dma_wait3A_415 = tpu.memref_slice %arg8[%add3A_410, %dma_wait3A_414] : memref<80x128xi32, #tpu.memory_space<vmem>> -> memref<1x128xi32, #tpu.memory_space<vmem>>
      %dma_wait3A_416 = tpu.memref_squeeze %dma_wait3A_415 : memref<1x128xi32, #tpu.memory_space<vmem>> -> memref<128xi32, #tpu.memory_space<vmem>>
      %dma_wait3A_417 = arith.constant 0 : i32
      %dma_wait3A_418 = arith.constant 0 : i32
      %dma_wait3A_419 = tpu.memref_slice %arg11[%dma_wait3A_417, %dma_wait3A_418] : memref<10240x48xf32, #tpu.memory_space<vmem_shared>> -> memref<10240x48xf32, #tpu.memory_space<vmem_shared>>
      tpu.wait_indirect_dma semaphore(%arg15 : memref<!tpu.dma_semaphore, #tpu.memory_space<semaphore_mem>>) src(%dma_wait3A_413 : memref<128x48xf32, #tpu.memory_space<vmem>>) dst(%dma_wait3A_419 : memref<10240x48xf32, #tpu.memory_space<vmem_shared>>)
      %mul3A_420 = arith.constant 4 : i32
      %mul3A_421 = arith.muli %mul3A_127, %mul3A_420 : i32
      %add3A_422 = arith.constant 2 : i32
      %add3A_423 = arith.addi %mul3A_421, %add3A_422 : i32
      %dma_wait3A_424 = arith.constant 256 : i32
      %dma_wait3A_425 = arith.constant 0 : i32
      %dma_wait3A_426 = tpu.memref_slice %arg9[%dma_wait3A_424, %dma_wait3A_425] : memref<512x48xf32, #tpu.memory_space<vmem>> -> memref<128x48xf32, #tpu.memory_space<vmem>>
      %dma_wait3A_427 = arith.constant 0 : i32
      %dma_wait3A_428 = tpu.memref_slice %arg8[%add3A_423, %dma_wait3A_427] : memref<80x128xi32, #tpu.memory_space<vmem>> -> memref<1x128xi32, #tpu.memory_space<vmem>>
      %dma_wait3A_429 = tpu.memref_squeeze %dma_wait3A_428 : memref<1x128xi32, #tpu.memory_space<vmem>> -> memref<128xi32, #tpu.memory_space<vmem>>
      %dma_wait3A_430 = arith.constant 0 : i32
      %dma_wait3A_431 = arith.constant 0 : i32
      %dma_wait3A_432 = tpu.memref_slice %arg11[%dma_wait3A_430, %dma_wait3A_431] : memref<10240x48xf32, #tpu.memory_space<vmem_shared>> -> memref<10240x48xf32, #tpu.memory_space<vmem_shared>>
      tpu.wait_indirect_dma semaphore(%arg15 : memref<!tpu.dma_semaphore, #tpu.memory_space<semaphore_mem>>) src(%dma_wait3A_426 : memref<128x48xf32, #tpu.memory_space<vmem>>) dst(%dma_wait3A_432 : memref<10240x48xf32, #tpu.memory_space<vmem_shared>>)
      %mul3A_433 = arith.constant 4 : i32
      %mul3A_434 = arith.muli %mul3A_127, %mul3A_433 : i32
      %add3A_435 = arith.constant 3 : i32
      %add3A_436 = arith.addi %mul3A_434, %add3A_435 : i32
      %dma_wait3A_437 = arith.constant 384 : i32
      %dma_wait3A_438 = arith.constant 0 : i32
      %dma_wait3A_439 = tpu.memref_slice %arg9[%dma_wait3A_437, %dma_wait3A_438] : memref<512x48xf32, #tpu.memory_space<vmem>> -> memref<128x48xf32, #tpu.memory_space<vmem>>
      %dma_wait3A_440 = arith.constant 0 : i32
      %dma_wait3A_441 = tpu.memref_slice %arg8[%add3A_436, %dma_wait3A_440] : memref<80x128xi32, #tpu.memory_space<vmem>> -> memref<1x128xi32, #tpu.memory_space<vmem>>
      %dma_wait3A_442 = tpu.memref_squeeze %dma_wait3A_441 : memref<1x128xi32, #tpu.memory_space<vmem>> -> memref<128xi32, #tpu.memory_space<vmem>>
      %dma_wait3A_443 = arith.constant 0 : i32
      %dma_wait3A_444 = arith.constant 0 : i32
      %dma_wait3A_445 = tpu.memref_slice %arg11[%dma_wait3A_443, %dma_wait3A_444] : memref<10240x48xf32, #tpu.memory_space<vmem_shared>> -> memref<10240x48xf32, #tpu.memory_space<vmem_shared>>
      tpu.wait_indirect_dma semaphore(%arg15 : memref<!tpu.dma_semaphore, #tpu.memory_space<semaphore_mem>>) src(%dma_wait3A_439 : memref<128x48xf32, #tpu.memory_space<vmem>>) dst(%dma_wait3A_445 : memref<10240x48xf32, #tpu.memory_space<vmem_shared>>)
      %le3A = arith.constant 8 : i32
      %le3A_446 = arith.cmpi sle, %scan3A_124, %le3A : i32
      %convert_element_type3A_447 = arith.extui %le3A_446 : i1 to i32
      %cond3A_448 = arith.constant 0 : i32
      %cond3A_449 = arith.cmpi ne, %convert_element_type3A_447, %cond3A_448 : i32
      scf.if %cond3A_449 {
        %add3A_451 = arith.constant 2 : i32
        %add3A_452 = arith.addi %mul3A_127, %add3A_451 : i32
        %mul3A_453 = arith.constant 4 : i32
        %mul3A_454 = arith.muli %add3A_452, %mul3A_453 : i32
        %add3A_455 = arith.constant 0 : i32
        %add3A_456 = arith.addi %mul3A_454, %add3A_455 : i32
        %dma_start3A_457 = arith.constant 0 : i32
        %dma_start3A_458 = arith.constant 0 : i32
        %dma_start3A_459 = tpu.memref_slice %arg9[%dma_start3A_457, %dma_start3A_458] : memref<512x48xf32, #tpu.memory_space<vmem>> -> memref<128x48xf32, #tpu.memory_space<vmem>>
        %dma_start3A_460 = arith.constant 0 : i32
        %dma_start3A_461 = tpu.memref_slice %arg7[%add3A_456, %dma_start3A_460] : memref<80x128xi32, #tpu.memory_space<vmem>> -> memref<1x128xi32, #tpu.memory_space<vmem>>
        %dma_start3A_462 = tpu.memref_squeeze %dma_start3A_461 : memref<1x128xi32, #tpu.memory_space<vmem>> -> memref<128xi32, #tpu.memory_space<vmem>>
        %dma_start3A_463 = arith.constant 0 : i32
        %dma_start3A_464 = arith.constant 0 : i32
        %dma_start3A_465 = tpu.memref_slice %arg12[%dma_start3A_463, %dma_start3A_464] : memref<10240x48xf32, #tpu.memory_space<vmem_shared>> -> memref<10240x48xf32, #tpu.memory_space<vmem_shared>>
        tpu.enqueue_indirect_dma source(%dma_start3A_465 : memref<10240x48xf32, #tpu.memory_space<vmem_shared>>) target(%dma_start3A_459 : memref<128x48xf32, #tpu.memory_space<vmem>>) offsets(%dma_start3A_462 : memref<128xi32, #tpu.memory_space<vmem>>) semaphore(%arg13 : memref<!tpu.dma_semaphore, #tpu.memory_space<semaphore_mem>>)
        %mul3A_466 = arith.constant 4 : i32
        %mul3A_467 = arith.muli %add3A_452, %mul3A_466 : i32
        %add3A_468 = arith.constant 1 : i32
        %add3A_469 = arith.addi %mul3A_467, %add3A_468 : i32
        %dma_start3A_470 = arith.constant 128 : i32
        %dma_start3A_471 = arith.constant 0 : i32
        %dma_start3A_472 = tpu.memref_slice %arg9[%dma_start3A_470, %dma_start3A_471] : memref<512x48xf32, #tpu.memory_space<vmem>> -> memref<128x48xf32, #tpu.memory_space<vmem>>
        %dma_start3A_473 = arith.constant 0 : i32
        %dma_start3A_474 = tpu.memref_slice %arg7[%add3A_469, %dma_start3A_473] : memref<80x128xi32, #tpu.memory_space<vmem>> -> memref<1x128xi32, #tpu.memory_space<vmem>>
        %dma_start3A_475 = tpu.memref_squeeze %dma_start3A_474 : memref<1x128xi32, #tpu.memory_space<vmem>> -> memref<128xi32, #tpu.memory_space<vmem>>
        %dma_start3A_476 = arith.constant 0 : i32
        %dma_start3A_477 = arith.constant 0 : i32
        %dma_start3A_478 = tpu.memref_slice %arg12[%dma_start3A_476, %dma_start3A_477] : memref<10240x48xf32, #tpu.memory_space<vmem_shared>> -> memref<10240x48xf32, #tpu.memory_space<vmem_shared>>
        tpu.enqueue_indirect_dma source(%dma_start3A_478 : memref<10240x48xf32, #tpu.memory_space<vmem_shared>>) target(%dma_start3A_472 : memref<128x48xf32, #tpu.memory_space<vmem>>) offsets(%dma_start3A_475 : memref<128xi32, #tpu.memory_space<vmem>>) semaphore(%arg13 : memref<!tpu.dma_semaphore, #tpu.memory_space<semaphore_mem>>)
        %mul3A_479 = arith.constant 4 : i32
        %mul3A_480 = arith.muli %add3A_452, %mul3A_479 : i32
        %add3A_481 = arith.constant 2 : i32
        %add3A_482 = arith.addi %mul3A_480, %add3A_481 : i32
        %dma_start3A_483 = arith.constant 256 : i32
        %dma_start3A_484 = arith.constant 0 : i32
        %dma_start3A_485 = tpu.memref_slice %arg9[%dma_start3A_483, %dma_start3A_484] : memref<512x48xf32, #tpu.memory_space<vmem>> -> memref<128x48xf32, #tpu.memory_space<vmem>>
        %dma_start3A_486 = arith.constant 0 : i32
        %dma_start3A_487 = tpu.memref_slice %arg7[%add3A_482, %dma_start3A_486] : memref<80x128xi32, #tpu.memory_space<vmem>> -> memref<1x128xi32, #tpu.memory_space<vmem>>
        %dma_start3A_488 = tpu.memref_squeeze %dma_start3A_487 : memref<1x128xi32, #tpu.memory_space<vmem>> -> memref<128xi32, #tpu.memory_space<vmem>>
        %dma_start3A_489 = arith.constant 0 : i32
        %dma_start3A_490 = arith.constant 0 : i32
        %dma_start3A_491 = tpu.memref_slice %arg12[%dma_start3A_489, %dma_start3A_490] : memref<10240x48xf32, #tpu.memory_space<vmem_shared>> -> memref<10240x48xf32, #tpu.memory_space<vmem_shared>>
        tpu.enqueue_indirect_dma source(%dma_start3A_491 : memref<10240x48xf32, #tpu.memory_space<vmem_shared>>) target(%dma_start3A_485 : memref<128x48xf32, #tpu.memory_space<vmem>>) offsets(%dma_start3A_488 : memref<128xi32, #tpu.memory_space<vmem>>) semaphore(%arg13 : memref<!tpu.dma_semaphore, #tpu.memory_space<semaphore_mem>>)
        %mul3A_492 = arith.constant 4 : i32
        %mul3A_493 = arith.muli %add3A_452, %mul3A_492 : i32
        %add3A_494 = arith.constant 3 : i32
        %add3A_495 = arith.addi %mul3A_493, %add3A_494 : i32
        %dma_start3A_496 = arith.constant 384 : i32
        %dma_start3A_497 = arith.constant 0 : i32
        %dma_start3A_498 = tpu.memref_slice %arg9[%dma_start3A_496, %dma_start3A_497] : memref<512x48xf32, #tpu.memory_space<vmem>> -> memref<128x48xf32, #tpu.memory_space<vmem>>
        %dma_start3A_499 = arith.constant 0 : i32
        %dma_start3A_500 = tpu.memref_slice %arg7[%add3A_495, %dma_start3A_499] : memref<80x128xi32, #tpu.memory_space<vmem>> -> memref<1x128xi32, #tpu.memory_space<vmem>>
        %dma_start3A_501 = tpu.memref_squeeze %dma_start3A_500 : memref<1x128xi32, #tpu.memory_space<vmem>> -> memref<128xi32, #tpu.memory_space<vmem>>
        %dma_start3A_502 = arith.constant 0 : i32
        %dma_start3A_503 = arith.constant 0 : i32
        %dma_start3A_504 = tpu.memref_slice %arg12[%dma_start3A_502, %dma_start3A_503] : memref<10240x48xf32, #tpu.memory_space<vmem_shared>> -> memref<10240x48xf32, #tpu.memory_space<vmem_shared>>
        tpu.enqueue_indirect_dma source(%dma_start3A_504 : memref<10240x48xf32, #tpu.memory_space<vmem_shared>>) target(%dma_start3A_498 : memref<128x48xf32, #tpu.memory_space<vmem>>) offsets(%dma_start3A_501 : memref<128xi32, #tpu.memory_space<vmem>>) semaphore(%arg13 : memref<!tpu.dma_semaphore, #tpu.memory_space<semaphore_mem>>)
      } else {
      }
      %scan3A_450 = arith.constant 0 : i32
      scf.yield %scan3A_450 : i32
    }
    %scan3A_80 = arith.constant 10 : i32
    %dma_wait3A_81 = arith.constant 76 : i32
    %dma_wait3A_82 = arith.constant 0 : i32
    %dma_wait3A_83 = arith.constant 0 : i32
    %dma_wait3A_84 = tpu.memref_slice %arg10[%dma_wait3A_82, %dma_wait3A_83] : memref<512x48xf32, #tpu.memory_space<vmem>> -> memref<128x48xf32, #tpu.memory_space<vmem>>
    %dma_wait3A_85 = arith.constant 0 : i32
    %dma_wait3A_86 = tpu.memref_slice %arg8[%dma_wait3A_81, %dma_wait3A_85] : memref<80x128xi32, #tpu.memory_space<vmem>> -> memref<1x128xi32, #tpu.memory_space<vmem>>
    %dma_wait3A_87 = tpu.memref_squeeze %dma_wait3A_86 : memref<1x128xi32, #tpu.memory_space<vmem>> -> memref<128xi32, #tpu.memory_space<vmem>>
    %dma_wait3A_88 = arith.constant 0 : i32
    %dma_wait3A_89 = arith.constant 0 : i32
    %dma_wait3A_90 = tpu.memref_slice %arg11[%dma_wait3A_88, %dma_wait3A_89] : memref<10240x48xf32, #tpu.memory_space<vmem_shared>> -> memref<10240x48xf32, #tpu.memory_space<vmem_shared>>
    tpu.wait_indirect_dma semaphore(%arg16 : memref<!tpu.dma_semaphore, #tpu.memory_space<semaphore_mem>>) src(%dma_wait3A_84 : memref<128x48xf32, #tpu.memory_space<vmem>>) dst(%dma_wait3A_90 : memref<10240x48xf32, #tpu.memory_space<vmem_shared>>)
    %dma_wait3A_91 = arith.constant 77 : i32
    %dma_wait3A_92 = arith.constant 128 : i32
    %dma_wait3A_93 = arith.constant 0 : i32
    %dma_wait3A_94 = tpu.memref_slice %arg10[%dma_wait3A_92, %dma_wait3A_93] : memref<512x48xf32, #tpu.memory_space<vmem>> -> memref<128x48xf32, #tpu.memory_space<vmem>>
    %dma_wait3A_95 = arith.constant 0 : i32
    %dma_wait3A_96 = tpu.memref_slice %arg8[%dma_wait3A_91, %dma_wait3A_95] : memref<80x128xi32, #tpu.memory_space<vmem>> -> memref<1x128xi32, #tpu.memory_space<vmem>>
    %dma_wait3A_97 = tpu.memref_squeeze %dma_wait3A_96 : memref<1x128xi32, #tpu.memory_space<vmem>> -> memref<128xi32, #tpu.memory_space<vmem>>
    %dma_wait3A_98 = arith.constant 0 : i32
    %dma_wait3A_99 = arith.constant 0 : i32
    %dma_wait3A_100 = tpu.memref_slice %arg11[%dma_wait3A_98, %dma_wait3A_99] : memref<10240x48xf32, #tpu.memory_space<vmem_shared>> -> memref<10240x48xf32, #tpu.memory_space<vmem_shared>>
    tpu.wait_indirect_dma semaphore(%arg16 : memref<!tpu.dma_semaphore, #tpu.memory_space<semaphore_mem>>) src(%dma_wait3A_94 : memref<128x48xf32, #tpu.memory_space<vmem>>) dst(%dma_wait3A_100 : memref<10240x48xf32, #tpu.memory_space<vmem_shared>>)
    %dma_wait3A_101 = arith.constant 78 : i32
    %dma_wait3A_102 = arith.constant 256 : i32
    %dma_wait3A_103 = arith.constant 0 : i32
    %dma_wait3A_104 = tpu.memref_slice %arg10[%dma_wait3A_102, %dma_wait3A_103] : memref<512x48xf32, #tpu.memory_space<vmem>> -> memref<128x48xf32, #tpu.memory_space<vmem>>
    %dma_wait3A_105 = arith.constant 0 : i32
    %dma_wait3A_106 = tpu.memref_slice %arg8[%dma_wait3A_101, %dma_wait3A_105] : memref<80x128xi32, #tpu.memory_space<vmem>> -> memref<1x128xi32, #tpu.memory_space<vmem>>
    %dma_wait3A_107 = tpu.memref_squeeze %dma_wait3A_106 : memref<1x128xi32, #tpu.memory_space<vmem>> -> memref<128xi32, #tpu.memory_space<vmem>>
    %dma_wait3A_108 = arith.constant 0 : i32
    %dma_wait3A_109 = arith.constant 0 : i32
    %dma_wait3A_110 = tpu.memref_slice %arg11[%dma_wait3A_108, %dma_wait3A_109] : memref<10240x48xf32, #tpu.memory_space<vmem_shared>> -> memref<10240x48xf32, #tpu.memory_space<vmem_shared>>
    tpu.wait_indirect_dma semaphore(%arg16 : memref<!tpu.dma_semaphore, #tpu.memory_space<semaphore_mem>>) src(%dma_wait3A_104 : memref<128x48xf32, #tpu.memory_space<vmem>>) dst(%dma_wait3A_110 : memref<10240x48xf32, #tpu.memory_space<vmem_shared>>)
    %dma_wait3A_111 = arith.constant 79 : i32
    %dma_wait3A_112 = arith.constant 384 : i32
    %dma_wait3A_113 = arith.constant 0 : i32
    %dma_wait3A_114 = tpu.memref_slice %arg10[%dma_wait3A_112, %dma_wait3A_113] : memref<512x48xf32, #tpu.memory_space<vmem>> -> memref<128x48xf32, #tpu.memory_space<vmem>>
    %dma_wait3A_115 = arith.constant 0 : i32
    %dma_wait3A_116 = tpu.memref_slice %arg8[%dma_wait3A_111, %dma_wait3A_115] : memref<80x128xi32, #tpu.memory_space<vmem>> -> memref<1x128xi32, #tpu.memory_space<vmem>>
    %dma_wait3A_117 = tpu.memref_squeeze %dma_wait3A_116 : memref<1x128xi32, #tpu.memory_space<vmem>> -> memref<128xi32, #tpu.memory_space<vmem>>
    %dma_wait3A_118 = arith.constant 0 : i32
    %dma_wait3A_119 = arith.constant 0 : i32
    %dma_wait3A_120 = tpu.memref_slice %arg11[%dma_wait3A_118, %dma_wait3A_119] : memref<10240x48xf32, #tpu.memory_space<vmem_shared>> -> memref<10240x48xf32, #tpu.memory_space<vmem_shared>>
    tpu.wait_indirect_dma semaphore(%arg16 : memref<!tpu.dma_semaphore, #tpu.memory_space<semaphore_mem>>) src(%dma_wait3A_114 : memref<128x48xf32, #tpu.memory_space<vmem>>) dst(%dma_wait3A_120 : memref<10240x48xf32, #tpu.memory_space<vmem_shared>>)
    %barrier3A_121 = arith.constant 0 : index
    tpu.barrier barrier_id(%barrier3A_121)
    %mul3A_122 = arith.constant 640 : i32
    %mul3A_123 = arith.muli %arg1, %mul3A_122 : i32
    "tpu.region"() ({
      %run_scoped3A = tpu.sem_alloc : memref<!tpu.dma_semaphore, #tpu.memory_space<semaphore_mem>>
      %dma_start3A_124 = arith.constant 0 : i32
      %dma_start3A_125 = tpu.memref_slice %arg6[%arg0, %mul3A_123, %dma_start3A_124] : memref<2x10240x48xf32, #tpu.memory_space<hbm>> -> memref<1x640x48xf32, #tpu.memory_space<hbm>>
      %dma_start3A_126 = tpu.memref_squeeze %dma_start3A_125 : memref<1x640x48xf32, #tpu.memory_space<hbm>> -> memref<640x48xf32, #tpu.memory_space<hbm>>
      %dma_start3A_127 = arith.constant 0 : i32
      %dma_start3A_128 = tpu.memref_slice %arg11[%mul3A_123, %dma_start3A_127] : memref<10240x48xf32, #tpu.memory_space<vmem_shared>> -> memref<640x48xf32, #tpu.memory_space<vmem_shared>>
      tpu.enqueue_dma source(%dma_start3A_128 : memref<640x48xf32, #tpu.memory_space<vmem_shared>>) target(%dma_start3A_126 : memref<640x48xf32, #tpu.memory_space<hbm>>) target_semaphore(%run_scoped3A : memref<!tpu.dma_semaphore, #tpu.memory_space<semaphore_mem>>)
      %dma_wait3A_129 = arith.constant 0 : i32
      %dma_wait3A_130 = tpu.memref_slice %arg6[%arg0, %mul3A_123, %dma_wait3A_129] : memref<2x10240x48xf32, #tpu.memory_space<hbm>> -> memref<1x640x48xf32, #tpu.memory_space<hbm>>
      %dma_wait3A_131 = tpu.memref_squeeze %dma_wait3A_130 : memref<1x640x48xf32, #tpu.memory_space<hbm>> -> memref<640x48xf32, #tpu.memory_space<hbm>>
      %dma_wait3A_132 = arith.constant 0 : i32
      %dma_wait3A_133 = tpu.memref_slice %arg11[%mul3A_123, %dma_wait3A_132] : memref<10240x48xf32, #tpu.memory_space<vmem_shared>> -> memref<640x48xf32, #tpu.memory_space<vmem_shared>>
      tpu.wait_dma2 semaphore(%run_scoped3A : memref<!tpu.dma_semaphore, #tpu.memory_space<semaphore_mem>>) src(%dma_wait3A_133 : memref<640x48xf32, #tpu.memory_space<vmem_shared>>) dst(%dma_wait3A_131 : memref<640x48xf32, #tpu.memory_space<hbm>>)
      tpu.yield
    }) : () -> ()
    return
  }
}

#map = affine_map<(d0, d1) -> (0, 0)>
#map1 = affine_map<(d0, d1) -> (0, 0, 0)>
module attributes {stable_mosaic.version = 14 : i64} {
  func.func @_prop(%arg0: i32, %arg1: i32, %arg2: memref<10240x48xf32, #tpu.memory_space<hbm>>, %arg3: memref<10240x48xf32, #tpu.memory_space<hbm>>, %arg4: memref<2560x128xi32, #tpu.memory_space<hbm>>, %arg5: memref<2560x128xi32, #tpu.memory_space<hbm>>, %arg6: memref<2x10240x48xf32, #tpu.memory_space<hbm>>, %arg7: memref<80x128xi32, #tpu.memory_space<vmem>>, %arg8: memref<80x128xi32, #tpu.memory_space<vmem>>, %arg9: memref<512x48xf32, #tpu.memory_space<vmem>>, %arg10: memref<512x48xf32, #tpu.memory_space<vmem>>, %arg11: memref<10240x48xf32, #tpu.memory_space<vmem_shared>>, %arg12: memref<10240x48xf32, #tpu.memory_space<vmem_shared>>, %arg13: memref<!tpu.dma_semaphore, #tpu.memory_space<semaphore_mem>>, %arg14: memref<!tpu.dma_semaphore, #tpu.memory_space<semaphore_mem>>, %arg15: memref<!tpu.dma_semaphore, #tpu.memory_space<semaphore_mem>>, %arg16: memref<!tpu.dma_semaphore, #tpu.memory_space<semaphore_mem>>) attributes {dimension_semantics = [#tpu.dimension_semantics<core_parallel>, #tpu.dimension_semantics<subcore_parallel>], iteration_bounds = array<i64: 2, 16>, scalar_prefetch = 0 : i64, scratch_operands = 10 : i64, tpu.core_type = #tpu.core_type<sc_vector_subcore>, window_params = [{transform_indices = #map}, {transform_indices = #map}, {transform_indices = #map}, {transform_indices = #map}, {transform_indices = #map1}]} {
    %mul3A = arith.constant 16 : i32
    %mul3A_0 = arith.muli %arg0, %mul3A : i32
    %add3A = arith.addi %mul3A_0, %arg1 : i32
    %mul3A_1 = arith.constant 80 : i32
    %mul3A_2 = arith.muli %add3A, %mul3A_1 : i32
    %mul3A_3 = arith.constant 640 : i32
    %mul3A_4 = arith.muli %arg1, %mul3A_3 : i32
    %dma_start3A = arith.constant 0 : i32
    %dma_start3A_5 = tpu.memref_slice %arg4[%mul3A_2, %dma_start3A] : memref<2560x128xi32, #tpu.memory_space<hbm>> -> memref<80x128xi32, #tpu.memory_space<hbm>>
    %dma_start3A_6 = arith.constant 0 : i32
    %dma_start3A_7 = tpu.memref_slice %arg4[%mul3A_2, %dma_start3A_6] : memref<2560x128xi32, #tpu.memory_space<hbm>> -> memref<80x128xi32, #tpu.memory_space<hbm>>
    tpu.enqueue_dma source(%dma_start3A_7 : memref<80x128xi32, #tpu.memory_space<hbm>>) target(%arg7 : memref<80x128xi32, #tpu.memory_space<vmem>>) target_semaphore(%arg13 : memref<!tpu.dma_semaphore, #tpu.memory_space<semaphore_mem>>)
    %dma_start3A_8 = arith.constant 0 : i32
    %dma_start3A_9 = tpu.memref_slice %arg5[%mul3A_2, %dma_start3A_8] : memref<2560x128xi32, #tpu.memory_space<hbm>> -> memref<80x128xi32, #tpu.memory_space<hbm>>
    %dma_start3A_10 = arith.constant 0 : i32
    %dma_start3A_11 = tpu.memref_slice %arg5[%mul3A_2, %dma_start3A_10] : memref<2560x128xi32, #tpu.memory_space<hbm>> -> memref<80x128xi32, #tpu.memory_space<hbm>>
    tpu.enqueue_dma source(%dma_start3A_11 : memref<80x128xi32, #tpu.memory_space<hbm>>) target(%arg8 : memref<80x128xi32, #tpu.memory_space<vmem>>) target_semaphore(%arg13 : memref<!tpu.dma_semaphore, #tpu.memory_space<semaphore_mem>>)
    %dma_start3A_12 = arith.constant 0 : i32
    %dma_start3A_13 = tpu.memref_slice %arg11[%mul3A_4, %dma_start3A_12] : memref<10240x48xf32, #tpu.memory_space<vmem_shared>> -> memref<640x48xf32, #tpu.memory_space<vmem_shared>>
    %dma_start3A_14 = arith.constant 0 : i32
    %dma_start3A_15 = tpu.memref_slice %arg3[%mul3A_4, %dma_start3A_14] : memref<10240x48xf32, #tpu.memory_space<hbm>> -> memref<640x48xf32, #tpu.memory_space<hbm>>
    tpu.enqueue_dma source(%dma_start3A_15 : memref<640x48xf32, #tpu.memory_space<hbm>>) target(%dma_start3A_13 : memref<640x48xf32, #tpu.memory_space<vmem_shared>>) target_semaphore(%arg13 : memref<!tpu.dma_semaphore, #tpu.memory_space<semaphore_mem>>)
    %dma_start3A_16 = arith.constant 0 : i32
    %dma_start3A_17 = tpu.memref_slice %arg12[%mul3A_4, %dma_start3A_16] : memref<10240x48xf32, #tpu.memory_space<vmem_shared>> -> memref<640x48xf32, #tpu.memory_space<vmem_shared>>
    %dma_start3A_18 = arith.constant 0 : i32
    %dma_start3A_19 = tpu.memref_slice %arg2[%mul3A_4, %dma_start3A_18] : memref<10240x48xf32, #tpu.memory_space<hbm>> -> memref<640x48xf32, #tpu.memory_space<hbm>>
    tpu.enqueue_dma source(%dma_start3A_19 : memref<640x48xf32, #tpu.memory_space<hbm>>) target(%dma_start3A_17 : memref<640x48xf32, #tpu.memory_space<vmem_shared>>) target_semaphore(%arg13 : memref<!tpu.dma_semaphore, #tpu.memory_space<semaphore_mem>>)
    %dma_wait3A = arith.constant 0 : i32
    %dma_wait3A_20 = tpu.memref_slice %arg4[%mul3A_2, %dma_wait3A] : memref<2560x128xi32, #tpu.memory_space<hbm>> -> memref<80x128xi32, #tpu.memory_space<hbm>>
    %dma_wait3A_21 = arith.constant 0 : i32
    %dma_wait3A_22 = tpu.memref_slice %arg4[%mul3A_2, %dma_wait3A_21] : memref<2560x128xi32, #tpu.memory_space<hbm>> -> memref<80x128xi32, #tpu.memory_space<hbm>>
    tpu.wait_dma2 semaphore(%arg13 : memref<!tpu.dma_semaphore, #tpu.memory_space<semaphore_mem>>) src(%dma_wait3A_22 : memref<80x128xi32, #tpu.memory_space<hbm>>) dst(%arg7 : memref<80x128xi32, #tpu.memory_space<vmem>>)
    %dma_wait3A_23 = arith.constant 0 : i32
    %dma_wait3A_24 = tpu.memref_slice %arg5[%mul3A_2, %dma_wait3A_23] : memref<2560x128xi32, #tpu.memory_space<hbm>> -> memref<80x128xi32, #tpu.memory_space<hbm>>
    %dma_wait3A_25 = arith.constant 0 : i32
    %dma_wait3A_26 = tpu.memref_slice %arg5[%mul3A_2, %dma_wait3A_25] : memref<2560x128xi32, #tpu.memory_space<hbm>> -> memref<80x128xi32, #tpu.memory_space<hbm>>
    tpu.wait_dma2 semaphore(%arg13 : memref<!tpu.dma_semaphore, #tpu.memory_space<semaphore_mem>>) src(%dma_wait3A_26 : memref<80x128xi32, #tpu.memory_space<hbm>>) dst(%arg8 : memref<80x128xi32, #tpu.memory_space<vmem>>)
    %dma_wait3A_27 = arith.constant 0 : i32
    %dma_wait3A_28 = tpu.memref_slice %arg11[%mul3A_4, %dma_wait3A_27] : memref<10240x48xf32, #tpu.memory_space<vmem_shared>> -> memref<640x48xf32, #tpu.memory_space<vmem_shared>>
    %dma_wait3A_29 = arith.constant 0 : i32
    %dma_wait3A_30 = tpu.memref_slice %arg3[%mul3A_4, %dma_wait3A_29] : memref<10240x48xf32, #tpu.memory_space<hbm>> -> memref<640x48xf32, #tpu.memory_space<hbm>>
    tpu.wait_dma2 semaphore(%arg13 : memref<!tpu.dma_semaphore, #tpu.memory_space<semaphore_mem>>) src(%dma_wait3A_30 : memref<640x48xf32, #tpu.memory_space<hbm>>) dst(%dma_wait3A_28 : memref<640x48xf32, #tpu.memory_space<vmem_shared>>)
    %dma_wait3A_31 = arith.constant 0 : i32
    %dma_wait3A_32 = tpu.memref_slice %arg12[%mul3A_4, %dma_wait3A_31] : memref<10240x48xf32, #tpu.memory_space<vmem_shared>> -> memref<640x48xf32, #tpu.memory_space<vmem_shared>>
    %dma_wait3A_33 = arith.constant 0 : i32
    %dma_wait3A_34 = tpu.memref_slice %arg2[%mul3A_4, %dma_wait3A_33] : memref<10240x48xf32, #tpu.memory_space<hbm>> -> memref<640x48xf32, #tpu.memory_space<hbm>>
    tpu.wait_dma2 semaphore(%arg13 : memref<!tpu.dma_semaphore, #tpu.memory_space<semaphore_mem>>) src(%dma_wait3A_34 : memref<640x48xf32, #tpu.memory_space<hbm>>) dst(%dma_wait3A_32 : memref<640x48xf32, #tpu.memory_space<vmem_shared>>)
    %barrier3A = arith.constant 0 : index
    tpu.barrier barrier_id(%barrier3A)
    %dma_start3A_35 = arith.constant 0 : i32
    %dma_start3A_36 = arith.constant 0 : i32
    %dma_start3A_37 = arith.constant 0 : i32
    %dma_start3A_38 = tpu.memref_slice %arg9[%dma_start3A_36, %dma_start3A_37] : memref<512x48xf32, #tpu.memory_space<vmem>> -> memref<128x48xf32, #tpu.memory_space<vmem>>
    %dma_start3A_39 = arith.constant 0 : i32
    %dma_start3A_40 = tpu.memref_slice %arg7[%dma_start3A_35, %dma_start3A_39] : memref<80x128xi32, #tpu.memory_space<vmem>> -> memref<1x128xi32, #tpu.memory_space<vmem>>
    %dma_start3A_41 = tpu.memref_squeeze %dma_start3A_40 : memref<1x128xi32, #tpu.memory_space<vmem>> -> memref<128xi32, #tpu.memory_space<vmem>>
    %dma_start3A_42 = arith.constant 0 : i32
    %dma_start3A_43 = arith.constant 0 : i32
    %dma_start3A_44 = tpu.memref_slice %arg12[%dma_start3A_42, %dma_start3A_43] : memref<10240x48xf32, #tpu.memory_space<vmem_shared>> -> memref<10240x48xf32, #tpu.memory_space<vmem_shared>>
    tpu.enqueue_indirect_dma source(%dma_start3A_44 : memref<10240x48xf32, #tpu.memory_space<vmem_shared>>) target(%dma_start3A_38 : memref<128x48xf32, #tpu.memory_space<vmem>>) offsets(%dma_start3A_41 : memref<128xi32, #tpu.memory_space<vmem>>) semaphore(%arg13 : memref<!tpu.dma_semaphore, #tpu.memory_space<semaphore_mem>>)
    %dma_start3A_45 = arith.constant 1 : i32
    %dma_start3A_46 = arith.constant 128 : i32
    %dma_start3A_47 = arith.constant 0 : i32
    %dma_start3A_48 = tpu.memref_slice %arg9[%dma_start3A_46, %dma_start3A_47] : memref<512x48xf32, #tpu.memory_space<vmem>> -> memref<128x48xf32, #tpu.memory_space<vmem>>
    %dma_start3A_49 = arith.constant 0 : i32
    %dma_start3A_50 = tpu.memref_slice %arg7[%dma_start3A_45, %dma_start3A_49] : memref<80x128xi32, #tpu.memory_space<vmem>> -> memref<1x128xi32, #tpu.memory_space<vmem>>
    %dma_start3A_51 = tpu.memref_squeeze %dma_start3A_50 : memref<1x128xi32, #tpu.memory_space<vmem>> -> memref<128xi32, #tpu.memory_space<vmem>>
    %dma_start3A_52 = arith.constant 0 : i32
    %dma_start3A_53 = arith.constant 0 : i32
    %dma_start3A_54 = tpu.memref_slice %arg12[%dma_start3A_52, %dma_start3A_53] : memref<10240x48xf32, #tpu.memory_space<vmem_shared>> -> memref<10240x48xf32, #tpu.memory_space<vmem_shared>>
    tpu.enqueue_indirect_dma source(%dma_start3A_54 : memref<10240x48xf32, #tpu.memory_space<vmem_shared>>) target(%dma_start3A_48 : memref<128x48xf32, #tpu.memory_space<vmem>>) offsets(%dma_start3A_51 : memref<128xi32, #tpu.memory_space<vmem>>) semaphore(%arg13 : memref<!tpu.dma_semaphore, #tpu.memory_space<semaphore_mem>>)
    %dma_start3A_55 = arith.constant 2 : i32
    %dma_start3A_56 = arith.constant 256 : i32
    %dma_start3A_57 = arith.constant 0 : i32
    %dma_start3A_58 = tpu.memref_slice %arg9[%dma_start3A_56, %dma_start3A_57] : memref<512x48xf32, #tpu.memory_space<vmem>> -> memref<128x48xf32, #tpu.memory_space<vmem>>
    %dma_start3A_59 = arith.constant 0 : i32
    %dma_start3A_60 = tpu.memref_slice %arg7[%dma_start3A_55, %dma_start3A_59] : memref<80x128xi32, #tpu.memory_space<vmem>> -> memref<1x128xi32, #tpu.memory_space<vmem>>
    %dma_start3A_61 = tpu.memref_squeeze %dma_start3A_60 : memref<1x128xi32, #tpu.memory_space<vmem>> -> memref<128xi32, #tpu.memory_space<vmem>>
    %dma_start3A_62 = arith.constant 0 : i32
    %dma_start3A_63 = arith.constant 0 : i32
    %dma_start3A_64 = tpu.memref_slice %arg12[%dma_start3A_62, %dma_start3A_63] : memref<10240x48xf32, #tpu.memory_space<vmem_shared>> -> memref<10240x48xf32, #tpu.memory_space<vmem_shared>>
    tpu.enqueue_indirect_dma source(%dma_start3A_64 : memref<10240x48xf32, #tpu.memory_space<vmem_shared>>) target(%dma_start3A_58 : memref<128x48xf32, #tpu.memory_space<vmem>>) offsets(%dma_start3A_61 : memref<128xi32, #tpu.memory_space<vmem>>) semaphore(%arg13 : memref<!tpu.dma_semaphore, #tpu.memory_space<semaphore_mem>>)
    %dma_start3A_65 = arith.constant 3 : i32
    %dma_start3A_66 = arith.constant 384 : i32
    %dma_start3A_67 = arith.constant 0 : i32
    %dma_start3A_68 = tpu.memref_slice %arg9[%dma_start3A_66, %dma_start3A_67] : memref<512x48xf32, #tpu.memory_space<vmem>> -> memref<128x48xf32, #tpu.memory_space<vmem>>
    %dma_start3A_69 = arith.constant 0 : i32
    %dma_start3A_70 = tpu.memref_slice %arg7[%dma_start3A_65, %dma_start3A_69] : memref<80x128xi32, #tpu.memory_space<vmem>> -> memref<1x128xi32, #tpu.memory_space<vmem>>
    %dma_start3A_71 = tpu.memref_squeeze %dma_start3A_70 : memref<1x128xi32, #tpu.memory_space<vmem>> -> memref<128xi32, #tpu.memory_space<vmem>>
    %dma_start3A_72 = arith.constant 0 : i32
    %dma_start3A_73 = arith.constant 0 : i32
    %dma_start3A_74 = tpu.memref_slice %arg12[%dma_start3A_72, %dma_start3A_73] : memref<10240x48xf32, #tpu.memory_space<vmem_shared>> -> memref<10240x48xf32, #tpu.memory_space<vmem_shared>>
    tpu.enqueue_indirect_dma source(%dma_start3A_74 : memref<10240x48xf32, #tpu.memory_space<vmem_shared>>) target(%dma_start3A_68 : memref<128x48xf32, #tpu.memory_space<vmem>>) offsets(%dma_start3A_71 : memref<128xi32, #tpu.memory_space<vmem>>) semaphore(%arg13 : memref<!tpu.dma_semaphore, #tpu.memory_space<semaphore_mem>>)
    %scan3A = arith.constant 0 : i32
    %scan3A_75 = arith.constant 0 : i32
    %scan3A_76 = arith.constant 10 : i32
    %scan3A_77 = arith.addi %scan3A_75, %scan3A_76 : i32
    %scan3A_78 = arith.constant 1 : i32
    %scan3A_79 = scf.for %scan3A_124 = %scan3A_75 to %scan3A_77 step %scan3A_78 iter_args(%scan3A_125 = %scan3A) -> (i32)  : i32 {
      %mul3A_126 = arith.constant 2 : i32
      %mul3A_127 = arith.muli %mul3A_126, %scan3A_124 : i32
      %mul3A_128 = arith.constant 2 : i32
      %mul3A_129 = arith.muli %mul3A_128, %scan3A_124 : i32
      %add3A_130 = arith.constant 1 : i32
      %add3A_131 = arith.addi %mul3A_129, %add3A_130 : i32
      %mul3A_132 = arith.constant 4 : i32
      %mul3A_133 = arith.muli %mul3A_127, %mul3A_132 : i32
      %add3A_134 = arith.constant 0 : i32
      %add3A_135 = arith.addi %mul3A_133, %add3A_134 : i32
      %dma_wait3A_136 = arith.constant 0 : i32
      %dma_wait3A_137 = arith.constant 0 : i32
      %dma_wait3A_138 = tpu.memref_slice %arg9[%dma_wait3A_136, %dma_wait3A_137] : memref<512x48xf32, #tpu.memory_space<vmem>> -> memref<128x48xf32, #tpu.memory_space<vmem>>
      %dma_wait3A_139 = arith.constant 0 : i32
      %dma_wait3A_140 = tpu.memref_slice %arg7[%add3A_135, %dma_wait3A_139] : memref<80x128xi32, #tpu.memory_space<vmem>> -> memref<1x128xi32, #tpu.memory_space<vmem>>
      %dma_wait3A_141 = tpu.memref_squeeze %dma_wait3A_140 : memref<1x128xi32, #tpu.memory_space<vmem>> -> memref<128xi32, #tpu.memory_space<vmem>>
      %dma_wait3A_142 = arith.constant 0 : i32
      %dma_wait3A_143 = arith.constant 0 : i32
      %dma_wait3A_144 = tpu.memref_slice %arg12[%dma_wait3A_142, %dma_wait3A_143] : memref<10240x48xf32, #tpu.memory_space<vmem_shared>> -> memref<10240x48xf32, #tpu.memory_space<vmem_shared>>
      tpu.wait_indirect_dma semaphore(%arg13 : memref<!tpu.dma_semaphore, #tpu.memory_space<semaphore_mem>>) src(%dma_wait3A_144 : memref<10240x48xf32, #tpu.memory_space<vmem_shared>>) dst(%dma_wait3A_138 : memref<128x48xf32, #tpu.memory_space<vmem>>)
      %mul3A_145 = arith.constant 4 : i32
      %mul3A_146 = arith.muli %mul3A_127, %mul3A_145 : i32
      %add3A_147 = arith.constant 1 : i32
      %add3A_148 = arith.addi %mul3A_146, %add3A_147 : i32
      %dma_wait3A_149 = arith.constant 128 : i32
      %dma_wait3A_150 = arith.constant 0 : i32
      %dma_wait3A_151 = tpu.memref_slice %arg9[%dma_wait3A_149, %dma_wait3A_150] : memref<512x48xf32, #tpu.memory_space<vmem>> -> memref<128x48xf32, #tpu.memory_space<vmem>>
      %dma_wait3A_152 = arith.constant 0 : i32
      %dma_wait3A_153 = tpu.memref_slice %arg7[%add3A_148, %dma_wait3A_152] : memref<80x128xi32, #tpu.memory_space<vmem>> -> memref<1x128xi32, #tpu.memory_space<vmem>>
      %dma_wait3A_154 = tpu.memref_squeeze %dma_wait3A_153 : memref<1x128xi32, #tpu.memory_space<vmem>> -> memref<128xi32, #tpu.memory_space<vmem>>
      %dma_wait3A_155 = arith.constant 0 : i32
      %dma_wait3A_156 = arith.constant 0 : i32
      %dma_wait3A_157 = tpu.memref_slice %arg12[%dma_wait3A_155, %dma_wait3A_156] : memref<10240x48xf32, #tpu.memory_space<vmem_shared>> -> memref<10240x48xf32, #tpu.memory_space<vmem_shared>>
      tpu.wait_indirect_dma semaphore(%arg13 : memref<!tpu.dma_semaphore, #tpu.memory_space<semaphore_mem>>) src(%dma_wait3A_157 : memref<10240x48xf32, #tpu.memory_space<vmem_shared>>) dst(%dma_wait3A_151 : memref<128x48xf32, #tpu.memory_space<vmem>>)
      %mul3A_158 = arith.constant 4 : i32
      %mul3A_159 = arith.muli %mul3A_127, %mul3A_158 : i32
      %add3A_160 = arith.constant 2 : i32
      %add3A_161 = arith.addi %mul3A_159, %add3A_160 : i32
      %dma_wait3A_162 = arith.constant 256 : i32
      %dma_wait3A_163 = arith.constant 0 : i32
      %dma_wait3A_164 = tpu.memref_slice %arg9[%dma_wait3A_162, %dma_wait3A_163] : memref<512x48xf32, #tpu.memory_space<vmem>> -> memref<128x48xf32, #tpu.memory_space<vmem>>
      %dma_wait3A_165 = arith.constant 0 : i32
      %dma_wait3A_166 = tpu.memref_slice %arg7[%add3A_161, %dma_wait3A_165] : memref<80x128xi32, #tpu.memory_space<vmem>> -> memref<1x128xi32, #tpu.memory_space<vmem>>
      %dma_wait3A_167 = tpu.memref_squeeze %dma_wait3A_166 : memref<1x128xi32, #tpu.memory_space<vmem>> -> memref<128xi32, #tpu.memory_space<vmem>>
      %dma_wait3A_168 = arith.constant 0 : i32
      %dma_wait3A_169 = arith.constant 0 : i32
      %dma_wait3A_170 = tpu.memref_slice %arg12[%dma_wait3A_168, %dma_wait3A_169] : memref<10240x48xf32, #tpu.memory_space<vmem_shared>> -> memref<10240x48xf32, #tpu.memory_space<vmem_shared>>
      tpu.wait_indirect_dma semaphore(%arg13 : memref<!tpu.dma_semaphore, #tpu.memory_space<semaphore_mem>>) src(%dma_wait3A_170 : memref<10240x48xf32, #tpu.memory_space<vmem_shared>>) dst(%dma_wait3A_164 : memref<128x48xf32, #tpu.memory_space<vmem>>)
      %mul3A_171 = arith.constant 4 : i32
      %mul3A_172 = arith.muli %mul3A_127, %mul3A_171 : i32
      %add3A_173 = arith.constant 3 : i32
      %add3A_174 = arith.addi %mul3A_172, %add3A_173 : i32
      %dma_wait3A_175 = arith.constant 384 : i32
      %dma_wait3A_176 = arith.constant 0 : i32
      %dma_wait3A_177 = tpu.memref_slice %arg9[%dma_wait3A_175, %dma_wait3A_176] : memref<512x48xf32, #tpu.memory_space<vmem>> -> memref<128x48xf32, #tpu.memory_space<vmem>>
      %dma_wait3A_178 = arith.constant 0 : i32
      %dma_wait3A_179 = tpu.memref_slice %arg7[%add3A_174, %dma_wait3A_178] : memref<80x128xi32, #tpu.memory_space<vmem>> -> memref<1x128xi32, #tpu.memory_space<vmem>>
      %dma_wait3A_180 = tpu.memref_squeeze %dma_wait3A_179 : memref<1x128xi32, #tpu.memory_space<vmem>> -> memref<128xi32, #tpu.memory_space<vmem>>
      %dma_wait3A_181 = arith.constant 0 : i32
      %dma_wait3A_182 = arith.constant 0 : i32
      %dma_wait3A_183 = tpu.memref_slice %arg12[%dma_wait3A_181, %dma_wait3A_182] : memref<10240x48xf32, #tpu.memory_space<vmem_shared>> -> memref<10240x48xf32, #tpu.memory_space<vmem_shared>>
      tpu.wait_indirect_dma semaphore(%arg13 : memref<!tpu.dma_semaphore, #tpu.memory_space<semaphore_mem>>) src(%dma_wait3A_183 : memref<10240x48xf32, #tpu.memory_space<vmem_shared>>) dst(%dma_wait3A_177 : memref<128x48xf32, #tpu.memory_space<vmem>>)
      %mul3A_184 = arith.constant 4 : i32
      %mul3A_185 = arith.muli %mul3A_127, %mul3A_184 : i32
      %add3A_186 = arith.constant 0 : i32
      %add3A_187 = arith.addi %mul3A_185, %add3A_186 : i32
      %dma_start3A_188 = arith.constant 0 : i32
      %dma_start3A_189 = arith.constant 0 : i32
      %dma_start3A_190 = tpu.memref_slice %arg9[%dma_start3A_188, %dma_start3A_189] : memref<512x48xf32, #tpu.memory_space<vmem>> -> memref<128x48xf32, #tpu.memory_space<vmem>>
      %dma_start3A_191 = arith.constant 0 : i32
      %dma_start3A_192 = tpu.memref_slice %arg8[%add3A_187, %dma_start3A_191] : memref<80x128xi32, #tpu.memory_space<vmem>> -> memref<1x128xi32, #tpu.memory_space<vmem>>
      %dma_start3A_193 = tpu.memref_squeeze %dma_start3A_192 : memref<1x128xi32, #tpu.memory_space<vmem>> -> memref<128xi32, #tpu.memory_space<vmem>>
      %dma_start3A_194 = arith.constant 0 : i32
      %dma_start3A_195 = arith.constant 0 : i32
      %dma_start3A_196 = tpu.memref_slice %arg11[%dma_start3A_194, %dma_start3A_195] : memref<10240x48xf32, #tpu.memory_space<vmem_shared>> -> memref<10240x48xf32, #tpu.memory_space<vmem_shared>>
      tpu.enqueue_indirect_dma source(%dma_start3A_190 : memref<128x48xf32, #tpu.memory_space<vmem>>) target(%dma_start3A_196 : memref<10240x48xf32, #tpu.memory_space<vmem_shared>>) offsets(%dma_start3A_193 : memref<128xi32, #tpu.memory_space<vmem>>) semaphore(%arg15 : memref<!tpu.dma_semaphore, #tpu.memory_space<semaphore_mem>>) {add = true}
      %mul3A_197 = arith.constant 4 : i32
      %mul3A_198 = arith.muli %mul3A_127, %mul3A_197 : i32
      %add3A_199 = arith.constant 1 : i32
      %add3A_200 = arith.addi %mul3A_198, %add3A_199 : i32
      %dma_start3A_201 = arith.constant 128 : i32
      %dma_start3A_202 = arith.constant 0 : i32
      %dma_start3A_203 = tpu.memref_slice %arg9[%dma_start3A_201, %dma_start3A_202] : memref<512x48xf32, #tpu.memory_space<vmem>> -> memref<128x48xf32, #tpu.memory_space<vmem>>
      %dma_start3A_204 = arith.constant 0 : i32
      %dma_start3A_205 = tpu.memref_slice %arg8[%add3A_200, %dma_start3A_204] : memref<80x128xi32, #tpu.memory_space<vmem>> -> memref<1x128xi32, #tpu.memory_space<vmem>>
      %dma_start3A_206 = tpu.memref_squeeze %dma_start3A_205 : memref<1x128xi32, #tpu.memory_space<vmem>> -> memref<128xi32, #tpu.memory_space<vmem>>
      %dma_start3A_207 = arith.constant 0 : i32
      %dma_start3A_208 = arith.constant 0 : i32
      %dma_start3A_209 = tpu.memref_slice %arg11[%dma_start3A_207, %dma_start3A_208] : memref<10240x48xf32, #tpu.memory_space<vmem_shared>> -> memref<10240x48xf32, #tpu.memory_space<vmem_shared>>
      tpu.enqueue_indirect_dma source(%dma_start3A_203 : memref<128x48xf32, #tpu.memory_space<vmem>>) target(%dma_start3A_209 : memref<10240x48xf32, #tpu.memory_space<vmem_shared>>) offsets(%dma_start3A_206 : memref<128xi32, #tpu.memory_space<vmem>>) semaphore(%arg15 : memref<!tpu.dma_semaphore, #tpu.memory_space<semaphore_mem>>) {add = true}
      %mul3A_210 = arith.constant 4 : i32
      %mul3A_211 = arith.muli %mul3A_127, %mul3A_210 : i32
      %add3A_212 = arith.constant 2 : i32
      %add3A_213 = arith.addi %mul3A_211, %add3A_212 : i32
      %dma_start3A_214 = arith.constant 256 : i32
      %dma_start3A_215 = arith.constant 0 : i32
      %dma_start3A_216 = tpu.memref_slice %arg9[%dma_start3A_214, %dma_start3A_215] : memref<512x48xf32, #tpu.memory_space<vmem>> -> memref<128x48xf32, #tpu.memory_space<vmem>>
      %dma_start3A_217 = arith.constant 0 : i32
      %dma_start3A_218 = tpu.memref_slice %arg8[%add3A_213, %dma_start3A_217] : memref<80x128xi32, #tpu.memory_space<vmem>> -> memref<1x128xi32, #tpu.memory_space<vmem>>
      %dma_start3A_219 = tpu.memref_squeeze %dma_start3A_218 : memref<1x128xi32, #tpu.memory_space<vmem>> -> memref<128xi32, #tpu.memory_space<vmem>>
      %dma_start3A_220 = arith.constant 0 : i32
      %dma_start3A_221 = arith.constant 0 : i32
      %dma_start3A_222 = tpu.memref_slice %arg11[%dma_start3A_220, %dma_start3A_221] : memref<10240x48xf32, #tpu.memory_space<vmem_shared>> -> memref<10240x48xf32, #tpu.memory_space<vmem_shared>>
      tpu.enqueue_indirect_dma source(%dma_start3A_216 : memref<128x48xf32, #tpu.memory_space<vmem>>) target(%dma_start3A_222 : memref<10240x48xf32, #tpu.memory_space<vmem_shared>>) offsets(%dma_start3A_219 : memref<128xi32, #tpu.memory_space<vmem>>) semaphore(%arg15 : memref<!tpu.dma_semaphore, #tpu.memory_space<semaphore_mem>>) {add = true}
      %mul3A_223 = arith.constant 4 : i32
      %mul3A_224 = arith.muli %mul3A_127, %mul3A_223 : i32
      %add3A_225 = arith.constant 3 : i32
      %add3A_226 = arith.addi %mul3A_224, %add3A_225 : i32
      %dma_start3A_227 = arith.constant 384 : i32
      %dma_start3A_228 = arith.constant 0 : i32
      %dma_start3A_229 = tpu.memref_slice %arg9[%dma_start3A_227, %dma_start3A_228] : memref<512x48xf32, #tpu.memory_space<vmem>> -> memref<128x48xf32, #tpu.memory_space<vmem>>
      %dma_start3A_230 = arith.constant 0 : i32
      %dma_start3A_231 = tpu.memref_slice %arg8[%add3A_226, %dma_start3A_230] : memref<80x128xi32, #tpu.memory_space<vmem>> -> memref<1x128xi32, #tpu.memory_space<vmem>>
      %dma_start3A_232 = tpu.memref_squeeze %dma_start3A_231 : memref<1x128xi32, #tpu.memory_space<vmem>> -> memref<128xi32, #tpu.memory_space<vmem>>
      %dma_start3A_233 = arith.constant 0 : i32
      %dma_start3A_234 = arith.constant 0 : i32
      %dma_start3A_235 = tpu.memref_slice %arg11[%dma_start3A_233, %dma_start3A_234] : memref<10240x48xf32, #tpu.memory_space<vmem_shared>> -> memref<10240x48xf32, #tpu.memory_space<vmem_shared>>
      tpu.enqueue_indirect_dma source(%dma_start3A_229 : memref<128x48xf32, #tpu.memory_space<vmem>>) target(%dma_start3A_235 : memref<10240x48xf32, #tpu.memory_space<vmem_shared>>) offsets(%dma_start3A_232 : memref<128xi32, #tpu.memory_space<vmem>>) semaphore(%arg15 : memref<!tpu.dma_semaphore, #tpu.memory_space<semaphore_mem>>) {add = true}
      %ge3A = arith.constant 1 : i32
      %ge3A_236 = arith.cmpi sge, %scan3A_124, %ge3A : i32
      %convert_element_type3A = arith.extui %ge3A_236 : i1 to i32
      %cond3A = arith.constant 0 : i32
      %cond3A_237 = arith.cmpi ne, %convert_element_type3A, %cond3A : i32
      scf.if %cond3A_237 {
        %sub3A = arith.constant 2 : i32
        %sub3A_451 = arith.subi %add3A_131, %sub3A : i32
        %mul3A_452 = arith.constant 4 : i32
        %mul3A_453 = arith.muli %sub3A_451, %mul3A_452 : i32
        %add3A_454 = arith.constant 0 : i32
        %add3A_455 = arith.addi %mul3A_453, %add3A_454 : i32
        %dma_wait3A_456 = arith.constant 0 : i32
        %dma_wait3A_457 = arith.constant 0 : i32
        %dma_wait3A_458 = tpu.memref_slice %arg10[%dma_wait3A_456, %dma_wait3A_457] : memref<512x48xf32, #tpu.memory_space<vmem>> -> memref<128x48xf32, #tpu.memory_space<vmem>>
        %dma_wait3A_459 = arith.constant 0 : i32
        %dma_wait3A_460 = tpu.memref_slice %arg8[%add3A_455, %dma_wait3A_459] : memref<80x128xi32, #tpu.memory_space<vmem>> -> memref<1x128xi32, #tpu.memory_space<vmem>>
        %dma_wait3A_461 = tpu.memref_squeeze %dma_wait3A_460 : memref<1x128xi32, #tpu.memory_space<vmem>> -> memref<128xi32, #tpu.memory_space<vmem>>
        %dma_wait3A_462 = arith.constant 0 : i32
        %dma_wait3A_463 = arith.constant 0 : i32
        %dma_wait3A_464 = tpu.memref_slice %arg11[%dma_wait3A_462, %dma_wait3A_463] : memref<10240x48xf32, #tpu.memory_space<vmem_shared>> -> memref<10240x48xf32, #tpu.memory_space<vmem_shared>>
        tpu.wait_indirect_dma semaphore(%arg16 : memref<!tpu.dma_semaphore, #tpu.memory_space<semaphore_mem>>) src(%dma_wait3A_458 : memref<128x48xf32, #tpu.memory_space<vmem>>) dst(%dma_wait3A_464 : memref<10240x48xf32, #tpu.memory_space<vmem_shared>>)
        %mul3A_465 = arith.constant 4 : i32
        %mul3A_466 = arith.muli %sub3A_451, %mul3A_465 : i32
        %add3A_467 = arith.constant 1 : i32
        %add3A_468 = arith.addi %mul3A_466, %add3A_467 : i32
        %dma_wait3A_469 = arith.constant 128 : i32
        %dma_wait3A_470 = arith.constant 0 : i32
        %dma_wait3A_471 = tpu.memref_slice %arg10[%dma_wait3A_469, %dma_wait3A_470] : memref<512x48xf32, #tpu.memory_space<vmem>> -> memref<128x48xf32, #tpu.memory_space<vmem>>
        %dma_wait3A_472 = arith.constant 0 : i32
        %dma_wait3A_473 = tpu.memref_slice %arg8[%add3A_468, %dma_wait3A_472] : memref<80x128xi32, #tpu.memory_space<vmem>> -> memref<1x128xi32, #tpu.memory_space<vmem>>
        %dma_wait3A_474 = tpu.memref_squeeze %dma_wait3A_473 : memref<1x128xi32, #tpu.memory_space<vmem>> -> memref<128xi32, #tpu.memory_space<vmem>>
        %dma_wait3A_475 = arith.constant 0 : i32
        %dma_wait3A_476 = arith.constant 0 : i32
        %dma_wait3A_477 = tpu.memref_slice %arg11[%dma_wait3A_475, %dma_wait3A_476] : memref<10240x48xf32, #tpu.memory_space<vmem_shared>> -> memref<10240x48xf32, #tpu.memory_space<vmem_shared>>
        tpu.wait_indirect_dma semaphore(%arg16 : memref<!tpu.dma_semaphore, #tpu.memory_space<semaphore_mem>>) src(%dma_wait3A_471 : memref<128x48xf32, #tpu.memory_space<vmem>>) dst(%dma_wait3A_477 : memref<10240x48xf32, #tpu.memory_space<vmem_shared>>)
        %mul3A_478 = arith.constant 4 : i32
        %mul3A_479 = arith.muli %sub3A_451, %mul3A_478 : i32
        %add3A_480 = arith.constant 2 : i32
        %add3A_481 = arith.addi %mul3A_479, %add3A_480 : i32
        %dma_wait3A_482 = arith.constant 256 : i32
        %dma_wait3A_483 = arith.constant 0 : i32
        %dma_wait3A_484 = tpu.memref_slice %arg10[%dma_wait3A_482, %dma_wait3A_483] : memref<512x48xf32, #tpu.memory_space<vmem>> -> memref<128x48xf32, #tpu.memory_space<vmem>>
        %dma_wait3A_485 = arith.constant 0 : i32
        %dma_wait3A_486 = tpu.memref_slice %arg8[%add3A_481, %dma_wait3A_485] : memref<80x128xi32, #tpu.memory_space<vmem>> -> memref<1x128xi32, #tpu.memory_space<vmem>>
        %dma_wait3A_487 = tpu.memref_squeeze %dma_wait3A_486 : memref<1x128xi32, #tpu.memory_space<vmem>> -> memref<128xi32, #tpu.memory_space<vmem>>
        %dma_wait3A_488 = arith.constant 0 : i32
        %dma_wait3A_489 = arith.constant 0 : i32
        %dma_wait3A_490 = tpu.memref_slice %arg11[%dma_wait3A_488, %dma_wait3A_489] : memref<10240x48xf32, #tpu.memory_space<vmem_shared>> -> memref<10240x48xf32, #tpu.memory_space<vmem_shared>>
        tpu.wait_indirect_dma semaphore(%arg16 : memref<!tpu.dma_semaphore, #tpu.memory_space<semaphore_mem>>) src(%dma_wait3A_484 : memref<128x48xf32, #tpu.memory_space<vmem>>) dst(%dma_wait3A_490 : memref<10240x48xf32, #tpu.memory_space<vmem_shared>>)
        %mul3A_491 = arith.constant 4 : i32
        %mul3A_492 = arith.muli %sub3A_451, %mul3A_491 : i32
        %add3A_493 = arith.constant 3 : i32
        %add3A_494 = arith.addi %mul3A_492, %add3A_493 : i32
        %dma_wait3A_495 = arith.constant 384 : i32
        %dma_wait3A_496 = arith.constant 0 : i32
        %dma_wait3A_497 = tpu.memref_slice %arg10[%dma_wait3A_495, %dma_wait3A_496] : memref<512x48xf32, #tpu.memory_space<vmem>> -> memref<128x48xf32, #tpu.memory_space<vmem>>
        %dma_wait3A_498 = arith.constant 0 : i32
        %dma_wait3A_499 = tpu.memref_slice %arg8[%add3A_494, %dma_wait3A_498] : memref<80x128xi32, #tpu.memory_space<vmem>> -> memref<1x128xi32, #tpu.memory_space<vmem>>
        %dma_wait3A_500 = tpu.memref_squeeze %dma_wait3A_499 : memref<1x128xi32, #tpu.memory_space<vmem>> -> memref<128xi32, #tpu.memory_space<vmem>>
        %dma_wait3A_501 = arith.constant 0 : i32
        %dma_wait3A_502 = arith.constant 0 : i32
        %dma_wait3A_503 = tpu.memref_slice %arg11[%dma_wait3A_501, %dma_wait3A_502] : memref<10240x48xf32, #tpu.memory_space<vmem_shared>> -> memref<10240x48xf32, #tpu.memory_space<vmem_shared>>
        tpu.wait_indirect_dma semaphore(%arg16 : memref<!tpu.dma_semaphore, #tpu.memory_space<semaphore_mem>>) src(%dma_wait3A_497 : memref<128x48xf32, #tpu.memory_space<vmem>>) dst(%dma_wait3A_503 : memref<10240x48xf32, #tpu.memory_space<vmem_shared>>)
      } else {
      }
      %mul3A_238 = arith.constant 4 : i32
      %mul3A_239 = arith.muli %add3A_131, %mul3A_238 : i32
      %add3A_240 = arith.constant 0 : i32
      %add3A_241 = arith.addi %mul3A_239, %add3A_240 : i32
      %dma_start3A_242 = arith.constant 0 : i32
      %dma_start3A_243 = arith.constant 0 : i32
      %dma_start3A_244 = tpu.memref_slice %arg10[%dma_start3A_242, %dma_start3A_243] : memref<512x48xf32, #tpu.memory_space<vmem>> -> memref<128x48xf32, #tpu.memory_space<vmem>>
      %dma_start3A_245 = arith.constant 0 : i32
      %dma_start3A_246 = tpu.memref_slice %arg7[%add3A_241, %dma_start3A_245] : memref<80x128xi32, #tpu.memory_space<vmem>> -> memref<1x128xi32, #tpu.memory_space<vmem>>
      %dma_start3A_247 = tpu.memref_squeeze %dma_start3A_246 : memref<1x128xi32, #tpu.memory_space<vmem>> -> memref<128xi32, #tpu.memory_space<vmem>>
      %dma_start3A_248 = arith.constant 0 : i32
      %dma_start3A_249 = arith.constant 0 : i32
      %dma_start3A_250 = tpu.memref_slice %arg12[%dma_start3A_248, %dma_start3A_249] : memref<10240x48xf32, #tpu.memory_space<vmem_shared>> -> memref<10240x48xf32, #tpu.memory_space<vmem_shared>>
      tpu.enqueue_indirect_dma source(%dma_start3A_250 : memref<10240x48xf32, #tpu.memory_space<vmem_shared>>) target(%dma_start3A_244 : memref<128x48xf32, #tpu.memory_space<vmem>>) offsets(%dma_start3A_247 : memref<128xi32, #tpu.memory_space<vmem>>) semaphore(%arg14 : memref<!tpu.dma_semaphore, #tpu.memory_space<semaphore_mem>>)
      %mul3A_251 = arith.constant 4 : i32
      %mul3A_252 = arith.muli %add3A_131, %mul3A_251 : i32
      %add3A_253 = arith.constant 1 : i32
      %add3A_254 = arith.addi %mul3A_252, %add3A_253 : i32
      %dma_start3A_255 = arith.constant 128 : i32
      %dma_start3A_256 = arith.constant 0 : i32
      %dma_start3A_257 = tpu.memref_slice %arg10[%dma_start3A_255, %dma_start3A_256] : memref<512x48xf32, #tpu.memory_space<vmem>> -> memref<128x48xf32, #tpu.memory_space<vmem>>
      %dma_start3A_258 = arith.constant 0 : i32
      %dma_start3A_259 = tpu.memref_slice %arg7[%add3A_254, %dma_start3A_258] : memref<80x128xi32, #tpu.memory_space<vmem>> -> memref<1x128xi32, #tpu.memory_space<vmem>>
      %dma_start3A_260 = tpu.memref_squeeze %dma_start3A_259 : memref<1x128xi32, #tpu.memory_space<vmem>> -> memref<128xi32, #tpu.memory_space<vmem>>
      %dma_start3A_261 = arith.constant 0 : i32
      %dma_start3A_262 = arith.constant 0 : i32
      %dma_start3A_263 = tpu.memref_slice %arg12[%dma_start3A_261, %dma_start3A_262] : memref<10240x48xf32, #tpu.memory_space<vmem_shared>> -> memref<10240x48xf32, #tpu.memory_space<vmem_shared>>
      tpu.enqueue_indirect_dma source(%dma_start3A_263 : memref<10240x48xf32, #tpu.memory_space<vmem_shared>>) target(%dma_start3A_257 : memref<128x48xf32, #tpu.memory_space<vmem>>) offsets(%dma_start3A_260 : memref<128xi32, #tpu.memory_space<vmem>>) semaphore(%arg14 : memref<!tpu.dma_semaphore, #tpu.memory_space<semaphore_mem>>)
      %mul3A_264 = arith.constant 4 : i32
      %mul3A_265 = arith.muli %add3A_131, %mul3A_264 : i32
      %add3A_266 = arith.constant 2 : i32
      %add3A_267 = arith.addi %mul3A_265, %add3A_266 : i32
      %dma_start3A_268 = arith.constant 256 : i32
      %dma_start3A_269 = arith.constant 0 : i32
      %dma_start3A_270 = tpu.memref_slice %arg10[%dma_start3A_268, %dma_start3A_269] : memref<512x48xf32, #tpu.memory_space<vmem>> -> memref<128x48xf32, #tpu.memory_space<vmem>>
      %dma_start3A_271 = arith.constant 0 : i32
      %dma_start3A_272 = tpu.memref_slice %arg7[%add3A_267, %dma_start3A_271] : memref<80x128xi32, #tpu.memory_space<vmem>> -> memref<1x128xi32, #tpu.memory_space<vmem>>
      %dma_start3A_273 = tpu.memref_squeeze %dma_start3A_272 : memref<1x128xi32, #tpu.memory_space<vmem>> -> memref<128xi32, #tpu.memory_space<vmem>>
      %dma_start3A_274 = arith.constant 0 : i32
      %dma_start3A_275 = arith.constant 0 : i32
      %dma_start3A_276 = tpu.memref_slice %arg12[%dma_start3A_274, %dma_start3A_275] : memref<10240x48xf32, #tpu.memory_space<vmem_shared>> -> memref<10240x48xf32, #tpu.memory_space<vmem_shared>>
      tpu.enqueue_indirect_dma source(%dma_start3A_276 : memref<10240x48xf32, #tpu.memory_space<vmem_shared>>) target(%dma_start3A_270 : memref<128x48xf32, #tpu.memory_space<vmem>>) offsets(%dma_start3A_273 : memref<128xi32, #tpu.memory_space<vmem>>) semaphore(%arg14 : memref<!tpu.dma_semaphore, #tpu.memory_space<semaphore_mem>>)
      %mul3A_277 = arith.constant 4 : i32
      %mul3A_278 = arith.muli %add3A_131, %mul3A_277 : i32
      %add3A_279 = arith.constant 3 : i32
      %add3A_280 = arith.addi %mul3A_278, %add3A_279 : i32
      %dma_start3A_281 = arith.constant 384 : i32
      %dma_start3A_282 = arith.constant 0 : i32
      %dma_start3A_283 = tpu.memref_slice %arg10[%dma_start3A_281, %dma_start3A_282] : memref<512x48xf32, #tpu.memory_space<vmem>> -> memref<128x48xf32, #tpu.memory_space<vmem>>
      %dma_start3A_284 = arith.constant 0 : i32
      %dma_start3A_285 = tpu.memref_slice %arg7[%add3A_280, %dma_start3A_284] : memref<80x128xi32, #tpu.memory_space<vmem>> -> memref<1x128xi32, #tpu.memory_space<vmem>>
      %dma_start3A_286 = tpu.memref_squeeze %dma_start3A_285 : memref<1x128xi32, #tpu.memory_space<vmem>> -> memref<128xi32, #tpu.memory_space<vmem>>
      %dma_start3A_287 = arith.constant 0 : i32
      %dma_start3A_288 = arith.constant 0 : i32
      %dma_start3A_289 = tpu.memref_slice %arg12[%dma_start3A_287, %dma_start3A_288] : memref<10240x48xf32, #tpu.memory_space<vmem_shared>> -> memref<10240x48xf32, #tpu.memory_space<vmem_shared>>
      tpu.enqueue_indirect_dma source(%dma_start3A_289 : memref<10240x48xf32, #tpu.memory_space<vmem_shared>>) target(%dma_start3A_283 : memref<128x48xf32, #tpu.memory_space<vmem>>) offsets(%dma_start3A_286 : memref<128xi32, #tpu.memory_space<vmem>>) semaphore(%arg14 : memref<!tpu.dma_semaphore, #tpu.memory_space<semaphore_mem>>)
      %mul3A_290 = arith.constant 4 : i32
      %mul3A_291 = arith.muli %add3A_131, %mul3A_290 : i32
      %add3A_292 = arith.constant 0 : i32
      %add3A_293 = arith.addi %mul3A_291, %add3A_292 : i32
      %dma_wait3A_294 = arith.constant 0 : i32
      %dma_wait3A_295 = arith.constant 0 : i32
      %dma_wait3A_296 = tpu.memref_slice %arg10[%dma_wait3A_294, %dma_wait3A_295] : memref<512x48xf32, #tpu.memory_space<vmem>> -> memref<128x48xf32, #tpu.memory_space<vmem>>
      %dma_wait3A_297 = arith.constant 0 : i32
      %dma_wait3A_298 = tpu.memref_slice %arg7[%add3A_293, %dma_wait3A_297] : memref<80x128xi32, #tpu.memory_space<vmem>> -> memref<1x128xi32, #tpu.memory_space<vmem>>
      %dma_wait3A_299 = tpu.memref_squeeze %dma_wait3A_298 : memref<1x128xi32, #tpu.memory_space<vmem>> -> memref<128xi32, #tpu.memory_space<vmem>>
      %dma_wait3A_300 = arith.constant 0 : i32
      %dma_wait3A_301 = arith.constant 0 : i32
      %dma_wait3A_302 = tpu.memref_slice %arg12[%dma_wait3A_300, %dma_wait3A_301] : memref<10240x48xf32, #tpu.memory_space<vmem_shared>> -> memref<10240x48xf32, #tpu.memory_space<vmem_shared>>
      tpu.wait_indirect_dma semaphore(%arg14 : memref<!tpu.dma_semaphore, #tpu.memory_space<semaphore_mem>>) src(%dma_wait3A_302 : memref<10240x48xf32, #tpu.memory_space<vmem_shared>>) dst(%dma_wait3A_296 : memref<128x48xf32, #tpu.memory_space<vmem>>)
      %mul3A_303 = arith.constant 4 : i32
      %mul3A_304 = arith.muli %add3A_131, %mul3A_303 : i32
      %add3A_305 = arith.constant 1 : i32
      %add3A_306 = arith.addi %mul3A_304, %add3A_305 : i32
      %dma_wait3A_307 = arith.constant 128 : i32
      %dma_wait3A_308 = arith.constant 0 : i32
      %dma_wait3A_309 = tpu.memref_slice %arg10[%dma_wait3A_307, %dma_wait3A_308] : memref<512x48xf32, #tpu.memory_space<vmem>> -> memref<128x48xf32, #tpu.memory_space<vmem>>
      %dma_wait3A_310 = arith.constant 0 : i32
      %dma_wait3A_311 = tpu.memref_slice %arg7[%add3A_306, %dma_wait3A_310] : memref<80x128xi32, #tpu.memory_space<vmem>> -> memref<1x128xi32, #tpu.memory_space<vmem>>
      %dma_wait3A_312 = tpu.memref_squeeze %dma_wait3A_311 : memref<1x128xi32, #tpu.memory_space<vmem>> -> memref<128xi32, #tpu.memory_space<vmem>>
      %dma_wait3A_313 = arith.constant 0 : i32
      %dma_wait3A_314 = arith.constant 0 : i32
      %dma_wait3A_315 = tpu.memref_slice %arg12[%dma_wait3A_313, %dma_wait3A_314] : memref<10240x48xf32, #tpu.memory_space<vmem_shared>> -> memref<10240x48xf32, #tpu.memory_space<vmem_shared>>
      tpu.wait_indirect_dma semaphore(%arg14 : memref<!tpu.dma_semaphore, #tpu.memory_space<semaphore_mem>>) src(%dma_wait3A_315 : memref<10240x48xf32, #tpu.memory_space<vmem_shared>>) dst(%dma_wait3A_309 : memref<128x48xf32, #tpu.memory_space<vmem>>)
      %mul3A_316 = arith.constant 4 : i32
      %mul3A_317 = arith.muli %add3A_131, %mul3A_316 : i32
      %add3A_318 = arith.constant 2 : i32
      %add3A_319 = arith.addi %mul3A_317, %add3A_318 : i32
      %dma_wait3A_320 = arith.constant 256 : i32
      %dma_wait3A_321 = arith.constant 0 : i32
      %dma_wait3A_322 = tpu.memref_slice %arg10[%dma_wait3A_320, %dma_wait3A_321] : memref<512x48xf32, #tpu.memory_space<vmem>> -> memref<128x48xf32, #tpu.memory_space<vmem>>
      %dma_wait3A_323 = arith.constant 0 : i32
      %dma_wait3A_324 = tpu.memref_slice %arg7[%add3A_319, %dma_wait3A_323] : memref<80x128xi32, #tpu.memory_space<vmem>> -> memref<1x128xi32, #tpu.memory_space<vmem>>
      %dma_wait3A_325 = tpu.memref_squeeze %dma_wait3A_324 : memref<1x128xi32, #tpu.memory_space<vmem>> -> memref<128xi32, #tpu.memory_space<vmem>>
      %dma_wait3A_326 = arith.constant 0 : i32
      %dma_wait3A_327 = arith.constant 0 : i32
      %dma_wait3A_328 = tpu.memref_slice %arg12[%dma_wait3A_326, %dma_wait3A_327] : memref<10240x48xf32, #tpu.memory_space<vmem_shared>> -> memref<10240x48xf32, #tpu.memory_space<vmem_shared>>
      tpu.wait_indirect_dma semaphore(%arg14 : memref<!tpu.dma_semaphore, #tpu.memory_space<semaphore_mem>>) src(%dma_wait3A_328 : memref<10240x48xf32, #tpu.memory_space<vmem_shared>>) dst(%dma_wait3A_322 : memref<128x48xf32, #tpu.memory_space<vmem>>)
      %mul3A_329 = arith.constant 4 : i32
      %mul3A_330 = arith.muli %add3A_131, %mul3A_329 : i32
      %add3A_331 = arith.constant 3 : i32
      %add3A_332 = arith.addi %mul3A_330, %add3A_331 : i32
      %dma_wait3A_333 = arith.constant 384 : i32
      %dma_wait3A_334 = arith.constant 0 : i32
      %dma_wait3A_335 = tpu.memref_slice %arg10[%dma_wait3A_333, %dma_wait3A_334] : memref<512x48xf32, #tpu.memory_space<vmem>> -> memref<128x48xf32, #tpu.memory_space<vmem>>
      %dma_wait3A_336 = arith.constant 0 : i32
      %dma_wait3A_337 = tpu.memref_slice %arg7[%add3A_332, %dma_wait3A_336] : memref<80x128xi32, #tpu.memory_space<vmem>> -> memref<1x128xi32, #tpu.memory_space<vmem>>
      %dma_wait3A_338 = tpu.memref_squeeze %dma_wait3A_337 : memref<1x128xi32, #tpu.memory_space<vmem>> -> memref<128xi32, #tpu.memory_space<vmem>>
      %dma_wait3A_339 = arith.constant 0 : i32
      %dma_wait3A_340 = arith.constant 0 : i32
      %dma_wait3A_341 = tpu.memref_slice %arg12[%dma_wait3A_339, %dma_wait3A_340] : memref<10240x48xf32, #tpu.memory_space<vmem_shared>> -> memref<10240x48xf32, #tpu.memory_space<vmem_shared>>
      tpu.wait_indirect_dma semaphore(%arg14 : memref<!tpu.dma_semaphore, #tpu.memory_space<semaphore_mem>>) src(%dma_wait3A_341 : memref<10240x48xf32, #tpu.memory_space<vmem_shared>>) dst(%dma_wait3A_335 : memref<128x48xf32, #tpu.memory_space<vmem>>)
      %mul3A_342 = arith.constant 4 : i32
      %mul3A_343 = arith.muli %add3A_131, %mul3A_342 : i32
      %add3A_344 = arith.constant 0 : i32
      %add3A_345 = arith.addi %mul3A_343, %add3A_344 : i32
      %dma_start3A_346 = arith.constant 0 : i32
      %dma_start3A_347 = arith.constant 0 : i32
      %dma_start3A_348 = tpu.memref_slice %arg10[%dma_start3A_346, %dma_start3A_347] : memref<512x48xf32, #tpu.memory_space<vmem>> -> memref<128x48xf32, #tpu.memory_space<vmem>>
      %dma_start3A_349 = arith.constant 0 : i32
      %dma_start3A_350 = tpu.memref_slice %arg8[%add3A_345, %dma_start3A_349] : memref<80x128xi32, #tpu.memory_space<vmem>> -> memref<1x128xi32, #tpu.memory_space<vmem>>
      %dma_start3A_351 = tpu.memref_squeeze %dma_start3A_350 : memref<1x128xi32, #tpu.memory_space<vmem>> -> memref<128xi32, #tpu.memory_space<vmem>>
      %dma_start3A_352 = arith.constant 0 : i32
      %dma_start3A_353 = arith.constant 0 : i32
      %dma_start3A_354 = tpu.memref_slice %arg11[%dma_start3A_352, %dma_start3A_353] : memref<10240x48xf32, #tpu.memory_space<vmem_shared>> -> memref<10240x48xf32, #tpu.memory_space<vmem_shared>>
      tpu.enqueue_indirect_dma source(%dma_start3A_348 : memref<128x48xf32, #tpu.memory_space<vmem>>) target(%dma_start3A_354 : memref<10240x48xf32, #tpu.memory_space<vmem_shared>>) offsets(%dma_start3A_351 : memref<128xi32, #tpu.memory_space<vmem>>) semaphore(%arg16 : memref<!tpu.dma_semaphore, #tpu.memory_space<semaphore_mem>>) {add = true}
      %mul3A_355 = arith.constant 4 : i32
      %mul3A_356 = arith.muli %add3A_131, %mul3A_355 : i32
      %add3A_357 = arith.constant 1 : i32
      %add3A_358 = arith.addi %mul3A_356, %add3A_357 : i32
      %dma_start3A_359 = arith.constant 128 : i32
      %dma_start3A_360 = arith.constant 0 : i32
      %dma_start3A_361 = tpu.memref_slice %arg10[%dma_start3A_359, %dma_start3A_360] : memref<512x48xf32, #tpu.memory_space<vmem>> -> memref<128x48xf32, #tpu.memory_space<vmem>>
      %dma_start3A_362 = arith.constant 0 : i32
      %dma_start3A_363 = tpu.memref_slice %arg8[%add3A_358, %dma_start3A_362] : memref<80x128xi32, #tpu.memory_space<vmem>> -> memref<1x128xi32, #tpu.memory_space<vmem>>
      %dma_start3A_364 = tpu.memref_squeeze %dma_start3A_363 : memref<1x128xi32, #tpu.memory_space<vmem>> -> memref<128xi32, #tpu.memory_space<vmem>>
      %dma_start3A_365 = arith.constant 0 : i32
      %dma_start3A_366 = arith.constant 0 : i32
      %dma_start3A_367 = tpu.memref_slice %arg11[%dma_start3A_365, %dma_start3A_366] : memref<10240x48xf32, #tpu.memory_space<vmem_shared>> -> memref<10240x48xf32, #tpu.memory_space<vmem_shared>>
      tpu.enqueue_indirect_dma source(%dma_start3A_361 : memref<128x48xf32, #tpu.memory_space<vmem>>) target(%dma_start3A_367 : memref<10240x48xf32, #tpu.memory_space<vmem_shared>>) offsets(%dma_start3A_364 : memref<128xi32, #tpu.memory_space<vmem>>) semaphore(%arg16 : memref<!tpu.dma_semaphore, #tpu.memory_space<semaphore_mem>>) {add = true}
      %mul3A_368 = arith.constant 4 : i32
      %mul3A_369 = arith.muli %add3A_131, %mul3A_368 : i32
      %add3A_370 = arith.constant 2 : i32
      %add3A_371 = arith.addi %mul3A_369, %add3A_370 : i32
      %dma_start3A_372 = arith.constant 256 : i32
      %dma_start3A_373 = arith.constant 0 : i32
      %dma_start3A_374 = tpu.memref_slice %arg10[%dma_start3A_372, %dma_start3A_373] : memref<512x48xf32, #tpu.memory_space<vmem>> -> memref<128x48xf32, #tpu.memory_space<vmem>>
      %dma_start3A_375 = arith.constant 0 : i32
      %dma_start3A_376 = tpu.memref_slice %arg8[%add3A_371, %dma_start3A_375] : memref<80x128xi32, #tpu.memory_space<vmem>> -> memref<1x128xi32, #tpu.memory_space<vmem>>
      %dma_start3A_377 = tpu.memref_squeeze %dma_start3A_376 : memref<1x128xi32, #tpu.memory_space<vmem>> -> memref<128xi32, #tpu.memory_space<vmem>>
      %dma_start3A_378 = arith.constant 0 : i32
      %dma_start3A_379 = arith.constant 0 : i32
      %dma_start3A_380 = tpu.memref_slice %arg11[%dma_start3A_378, %dma_start3A_379] : memref<10240x48xf32, #tpu.memory_space<vmem_shared>> -> memref<10240x48xf32, #tpu.memory_space<vmem_shared>>
      tpu.enqueue_indirect_dma source(%dma_start3A_374 : memref<128x48xf32, #tpu.memory_space<vmem>>) target(%dma_start3A_380 : memref<10240x48xf32, #tpu.memory_space<vmem_shared>>) offsets(%dma_start3A_377 : memref<128xi32, #tpu.memory_space<vmem>>) semaphore(%arg16 : memref<!tpu.dma_semaphore, #tpu.memory_space<semaphore_mem>>) {add = true}
      %mul3A_381 = arith.constant 4 : i32
      %mul3A_382 = arith.muli %add3A_131, %mul3A_381 : i32
      %add3A_383 = arith.constant 3 : i32
      %add3A_384 = arith.addi %mul3A_382, %add3A_383 : i32
      %dma_start3A_385 = arith.constant 384 : i32
      %dma_start3A_386 = arith.constant 0 : i32
      %dma_start3A_387 = tpu.memref_slice %arg10[%dma_start3A_385, %dma_start3A_386] : memref<512x48xf32, #tpu.memory_space<vmem>> -> memref<128x48xf32, #tpu.memory_space<vmem>>
      %dma_start3A_388 = arith.constant 0 : i32
      %dma_start3A_389 = tpu.memref_slice %arg8[%add3A_384, %dma_start3A_388] : memref<80x128xi32, #tpu.memory_space<vmem>> -> memref<1x128xi32, #tpu.memory_space<vmem>>
      %dma_start3A_390 = tpu.memref_squeeze %dma_start3A_389 : memref<1x128xi32, #tpu.memory_space<vmem>> -> memref<128xi32, #tpu.memory_space<vmem>>
      %dma_start3A_391 = arith.constant 0 : i32
      %dma_start3A_392 = arith.constant 0 : i32
      %dma_start3A_393 = tpu.memref_slice %arg11[%dma_start3A_391, %dma_start3A_392] : memref<10240x48xf32, #tpu.memory_space<vmem_shared>> -> memref<10240x48xf32, #tpu.memory_space<vmem_shared>>
      tpu.enqueue_indirect_dma source(%dma_start3A_387 : memref<128x48xf32, #tpu.memory_space<vmem>>) target(%dma_start3A_393 : memref<10240x48xf32, #tpu.memory_space<vmem_shared>>) offsets(%dma_start3A_390 : memref<128xi32, #tpu.memory_space<vmem>>) semaphore(%arg16 : memref<!tpu.dma_semaphore, #tpu.memory_space<semaphore_mem>>) {add = true}
      %mul3A_394 = arith.constant 4 : i32
      %mul3A_395 = arith.muli %mul3A_127, %mul3A_394 : i32
      %add3A_396 = arith.constant 0 : i32
      %add3A_397 = arith.addi %mul3A_395, %add3A_396 : i32
      %dma_wait3A_398 = arith.constant 0 : i32
      %dma_wait3A_399 = arith.constant 0 : i32
      %dma_wait3A_400 = tpu.memref_slice %arg9[%dma_wait3A_398, %dma_wait3A_399] : memref<512x48xf32, #tpu.memory_space<vmem>> -> memref<128x48xf32, #tpu.memory_space<vmem>>
      %dma_wait3A_401 = arith.constant 0 : i32
      %dma_wait3A_402 = tpu.memref_slice %arg8[%add3A_397, %dma_wait3A_401] : memref<80x128xi32, #tpu.memory_space<vmem>> -> memref<1x128xi32, #tpu.memory_space<vmem>>
      %dma_wait3A_403 = tpu.memref_squeeze %dma_wait3A_402 : memref<1x128xi32, #tpu.memory_space<vmem>> -> memref<128xi32, #tpu.memory_space<vmem>>
      %dma_wait3A_404 = arith.constant 0 : i32
      %dma_wait3A_405 = arith.constant 0 : i32
      %dma_wait3A_406 = tpu.memref_slice %arg11[%dma_wait3A_404, %dma_wait3A_405] : memref<10240x48xf32, #tpu.memory_space<vmem_shared>> -> memref<10240x48xf32, #tpu.memory_space<vmem_shared>>
      tpu.wait_indirect_dma semaphore(%arg15 : memref<!tpu.dma_semaphore, #tpu.memory_space<semaphore_mem>>) src(%dma_wait3A_400 : memref<128x48xf32, #tpu.memory_space<vmem>>) dst(%dma_wait3A_406 : memref<10240x48xf32, #tpu.memory_space<vmem_shared>>)
      %mul3A_407 = arith.constant 4 : i32
      %mul3A_408 = arith.muli %mul3A_127, %mul3A_407 : i32
      %add3A_409 = arith.constant 1 : i32
      %add3A_410 = arith.addi %mul3A_408, %add3A_409 : i32
      %dma_wait3A_411 = arith.constant 128 : i32
      %dma_wait3A_412 = arith.constant 0 : i32
      %dma_wait3A_413 = tpu.memref_slice %arg9[%dma_wait3A_411, %dma_wait3A_412] : memref<512x48xf32, #tpu.memory_space<vmem>> -> memref<128x48xf32, #tpu.memory_space<vmem>>
      %dma_wait3A_414 = arith.constant 0 : i32
      %dma_wait3A_415 = tpu.memref_slice %arg8[%add3A_410, %dma_wait3A_414] : memref<80x128xi32, #tpu.memory_space<vmem>> -> memref<1x128xi32, #tpu.memory_space<vmem>>
      %dma_wait3A_416 = tpu.memref_squeeze %dma_wait3A_415 : memref<1x128xi32, #tpu.memory_space<vmem>> -> memref<128xi32, #tpu.memory_space<vmem>>
      %dma_wait3A_417 = arith.constant 0 : i32
      %dma_wait3A_418 = arith.constant 0 : i32
      %dma_wait3A_419 = tpu.memref_slice %arg11[%dma_wait3A_417, %dma_wait3A_418] : memref<10240x48xf32, #tpu.memory_space<vmem_shared>> -> memref<10240x48xf32, #tpu.memory_space<vmem_shared>>
      tpu.wait_indirect_dma semaphore(%arg15 : memref<!tpu.dma_semaphore, #tpu.memory_space<semaphore_mem>>) src(%dma_wait3A_413 : memref<128x48xf32, #tpu.memory_space<vmem>>) dst(%dma_wait3A_419 : memref<10240x48xf32, #tpu.memory_space<vmem_shared>>)
      %mul3A_420 = arith.constant 4 : i32
      %mul3A_421 = arith.muli %mul3A_127, %mul3A_420 : i32
      %add3A_422 = arith.constant 2 : i32
      %add3A_423 = arith.addi %mul3A_421, %add3A_422 : i32
      %dma_wait3A_424 = arith.constant 256 : i32
      %dma_wait3A_425 = arith.constant 0 : i32
      %dma_wait3A_426 = tpu.memref_slice %arg9[%dma_wait3A_424, %dma_wait3A_425] : memref<512x48xf32, #tpu.memory_space<vmem>> -> memref<128x48xf32, #tpu.memory_space<vmem>>
      %dma_wait3A_427 = arith.constant 0 : i32
      %dma_wait3A_428 = tpu.memref_slice %arg8[%add3A_423, %dma_wait3A_427] : memref<80x128xi32, #tpu.memory_space<vmem>> -> memref<1x128xi32, #tpu.memory_space<vmem>>
      %dma_wait3A_429 = tpu.memref_squeeze %dma_wait3A_428 : memref<1x128xi32, #tpu.memory_space<vmem>> -> memref<128xi32, #tpu.memory_space<vmem>>
      %dma_wait3A_430 = arith.constant 0 : i32
      %dma_wait3A_431 = arith.constant 0 : i32
      %dma_wait3A_432 = tpu.memref_slice %arg11[%dma_wait3A_430, %dma_wait3A_431] : memref<10240x48xf32, #tpu.memory_space<vmem_shared>> -> memref<10240x48xf32, #tpu.memory_space<vmem_shared>>
      tpu.wait_indirect_dma semaphore(%arg15 : memref<!tpu.dma_semaphore, #tpu.memory_space<semaphore_mem>>) src(%dma_wait3A_426 : memref<128x48xf32, #tpu.memory_space<vmem>>) dst(%dma_wait3A_432 : memref<10240x48xf32, #tpu.memory_space<vmem_shared>>)
      %mul3A_433 = arith.constant 4 : i32
      %mul3A_434 = arith.muli %mul3A_127, %mul3A_433 : i32
      %add3A_435 = arith.constant 3 : i32
      %add3A_436 = arith.addi %mul3A_434, %add3A_435 : i32
      %dma_wait3A_437 = arith.constant 384 : i32
      %dma_wait3A_438 = arith.constant 0 : i32
      %dma_wait3A_439 = tpu.memref_slice %arg9[%dma_wait3A_437, %dma_wait3A_438] : memref<512x48xf32, #tpu.memory_space<vmem>> -> memref<128x48xf32, #tpu.memory_space<vmem>>
      %dma_wait3A_440 = arith.constant 0 : i32
      %dma_wait3A_441 = tpu.memref_slice %arg8[%add3A_436, %dma_wait3A_440] : memref<80x128xi32, #tpu.memory_space<vmem>> -> memref<1x128xi32, #tpu.memory_space<vmem>>
      %dma_wait3A_442 = tpu.memref_squeeze %dma_wait3A_441 : memref<1x128xi32, #tpu.memory_space<vmem>> -> memref<128xi32, #tpu.memory_space<vmem>>
      %dma_wait3A_443 = arith.constant 0 : i32
      %dma_wait3A_444 = arith.constant 0 : i32
      %dma_wait3A_445 = tpu.memref_slice %arg11[%dma_wait3A_443, %dma_wait3A_444] : memref<10240x48xf32, #tpu.memory_space<vmem_shared>> -> memref<10240x48xf32, #tpu.memory_space<vmem_shared>>
      tpu.wait_indirect_dma semaphore(%arg15 : memref<!tpu.dma_semaphore, #tpu.memory_space<semaphore_mem>>) src(%dma_wait3A_439 : memref<128x48xf32, #tpu.memory_space<vmem>>) dst(%dma_wait3A_445 : memref<10240x48xf32, #tpu.memory_space<vmem_shared>>)
      %le3A = arith.constant 8 : i32
      %le3A_446 = arith.cmpi sle, %scan3A_124, %le3A : i32
      %convert_element_type3A_447 = arith.extui %le3A_446 : i1 to i32
      %cond3A_448 = arith.constant 0 : i32
      %cond3A_449 = arith.cmpi ne, %convert_element_type3A_447, %cond3A_448 : i32
      scf.if %cond3A_449 {
        %add3A_451 = arith.constant 2 : i32
        %add3A_452 = arith.addi %mul3A_127, %add3A_451 : i32
        %mul3A_453 = arith.constant 4 : i32
        %mul3A_454 = arith.muli %add3A_452, %mul3A_453 : i32
        %add3A_455 = arith.constant 0 : i32
        %add3A_456 = arith.addi %mul3A_454, %add3A_455 : i32
        %dma_start3A_457 = arith.constant 0 : i32
        %dma_start3A_458 = arith.constant 0 : i32
        %dma_start3A_459 = tpu.memref_slice %arg9[%dma_start3A_457, %dma_start3A_458] : memref<512x48xf32, #tpu.memory_space<vmem>> -> memref<128x48xf32, #tpu.memory_space<vmem>>
        %dma_start3A_460 = arith.constant 0 : i32
        %dma_start3A_461 = tpu.memref_slice %arg7[%add3A_456, %dma_start3A_460] : memref<80x128xi32, #tpu.memory_space<vmem>> -> memref<1x128xi32, #tpu.memory_space<vmem>>
        %dma_start3A_462 = tpu.memref_squeeze %dma_start3A_461 : memref<1x128xi32, #tpu.memory_space<vmem>> -> memref<128xi32, #tpu.memory_space<vmem>>
        %dma_start3A_463 = arith.constant 0 : i32
        %dma_start3A_464 = arith.constant 0 : i32
        %dma_start3A_465 = tpu.memref_slice %arg12[%dma_start3A_463, %dma_start3A_464] : memref<10240x48xf32, #tpu.memory_space<vmem_shared>> -> memref<10240x48xf32, #tpu.memory_space<vmem_shared>>
        tpu.enqueue_indirect_dma source(%dma_start3A_465 : memref<10240x48xf32, #tpu.memory_space<vmem_shared>>) target(%dma_start3A_459 : memref<128x48xf32, #tpu.memory_space<vmem>>) offsets(%dma_start3A_462 : memref<128xi32, #tpu.memory_space<vmem>>) semaphore(%arg13 : memref<!tpu.dma_semaphore, #tpu.memory_space<semaphore_mem>>)
        %mul3A_466 = arith.constant 4 : i32
        %mul3A_467 = arith.muli %add3A_452, %mul3A_466 : i32
        %add3A_468 = arith.constant 1 : i32
        %add3A_469 = arith.addi %mul3A_467, %add3A_468 : i32
        %dma_start3A_470 = arith.constant 128 : i32
        %dma_start3A_471 = arith.constant 0 : i32
        %dma_start3A_472 = tpu.memref_slice %arg9[%dma_start3A_470, %dma_start3A_471] : memref<512x48xf32, #tpu.memory_space<vmem>> -> memref<128x48xf32, #tpu.memory_space<vmem>>
        %dma_start3A_473 = arith.constant 0 : i32
        %dma_start3A_474 = tpu.memref_slice %arg7[%add3A_469, %dma_start3A_473] : memref<80x128xi32, #tpu.memory_space<vmem>> -> memref<1x128xi32, #tpu.memory_space<vmem>>
        %dma_start3A_475 = tpu.memref_squeeze %dma_start3A_474 : memref<1x128xi32, #tpu.memory_space<vmem>> -> memref<128xi32, #tpu.memory_space<vmem>>
        %dma_start3A_476 = arith.constant 0 : i32
        %dma_start3A_477 = arith.constant 0 : i32
        %dma_start3A_478 = tpu.memref_slice %arg12[%dma_start3A_476, %dma_start3A_477] : memref<10240x48xf32, #tpu.memory_space<vmem_shared>> -> memref<10240x48xf32, #tpu.memory_space<vmem_shared>>
        tpu.enqueue_indirect_dma source(%dma_start3A_478 : memref<10240x48xf32, #tpu.memory_space<vmem_shared>>) target(%dma_start3A_472 : memref<128x48xf32, #tpu.memory_space<vmem>>) offsets(%dma_start3A_475 : memref<128xi32, #tpu.memory_space<vmem>>) semaphore(%arg13 : memref<!tpu.dma_semaphore, #tpu.memory_space<semaphore_mem>>)
        %mul3A_479 = arith.constant 4 : i32
        %mul3A_480 = arith.muli %add3A_452, %mul3A_479 : i32
        %add3A_481 = arith.constant 2 : i32
        %add3A_482 = arith.addi %mul3A_480, %add3A_481 : i32
        %dma_start3A_483 = arith.constant 256 : i32
        %dma_start3A_484 = arith.constant 0 : i32
        %dma_start3A_485 = tpu.memref_slice %arg9[%dma_start3A_483, %dma_start3A_484] : memref<512x48xf32, #tpu.memory_space<vmem>> -> memref<128x48xf32, #tpu.memory_space<vmem>>
        %dma_start3A_486 = arith.constant 0 : i32
        %dma_start3A_487 = tpu.memref_slice %arg7[%add3A_482, %dma_start3A_486] : memref<80x128xi32, #tpu.memory_space<vmem>> -> memref<1x128xi32, #tpu.memory_space<vmem>>
        %dma_start3A_488 = tpu.memref_squeeze %dma_start3A_487 : memref<1x128xi32, #tpu.memory_space<vmem>> -> memref<128xi32, #tpu.memory_space<vmem>>
        %dma_start3A_489 = arith.constant 0 : i32
        %dma_start3A_490 = arith.constant 0 : i32
        %dma_start3A_491 = tpu.memref_slice %arg12[%dma_start3A_489, %dma_start3A_490] : memref<10240x48xf32, #tpu.memory_space<vmem_shared>> -> memref<10240x48xf32, #tpu.memory_space<vmem_shared>>
        tpu.enqueue_indirect_dma source(%dma_start3A_491 : memref<10240x48xf32, #tpu.memory_space<vmem_shared>>) target(%dma_start3A_485 : memref<128x48xf32, #tpu.memory_space<vmem>>) offsets(%dma_start3A_488 : memref<128xi32, #tpu.memory_space<vmem>>) semaphore(%arg13 : memref<!tpu.dma_semaphore, #tpu.memory_space<semaphore_mem>>)
        %mul3A_492 = arith.constant 4 : i32
        %mul3A_493 = arith.muli %add3A_452, %mul3A_492 : i32
        %add3A_494 = arith.constant 3 : i32
        %add3A_495 = arith.addi %mul3A_493, %add3A_494 : i32
        %dma_start3A_496 = arith.constant 384 : i32
        %dma_start3A_497 = arith.constant 0 : i32
        %dma_start3A_498 = tpu.memref_slice %arg9[%dma_start3A_496, %dma_start3A_497] : memref<512x48xf32, #tpu.memory_space<vmem>> -> memref<128x48xf32, #tpu.memory_space<vmem>>
        %dma_start3A_499 = arith.constant 0 : i32
        %dma_start3A_500 = tpu.memref_slice %arg7[%add3A_495, %dma_start3A_499] : memref<80x128xi32, #tpu.memory_space<vmem>> -> memref<1x128xi32, #tpu.memory_space<vmem>>
        %dma_start3A_501 = tpu.memref_squeeze %dma_start3A_500 : memref<1x128xi32, #tpu.memory_space<vmem>> -> memref<128xi32, #tpu.memory_space<vmem>>
        %dma_start3A_502 = arith.constant 0 : i32
        %dma_start3A_503 = arith.constant 0 : i32
        %dma_start3A_504 = tpu.memref_slice %arg12[%dma_start3A_502, %dma_start3A_503] : memref<10240x48xf32, #tpu.memory_space<vmem_shared>> -> memref<10240x48xf32, #tpu.memory_space<vmem_shared>>
        tpu.enqueue_indirect_dma source(%dma_start3A_504 : memref<10240x48xf32, #tpu.memory_space<vmem_shared>>) target(%dma_start3A_498 : memref<128x48xf32, #tpu.memory_space<vmem>>) offsets(%dma_start3A_501 : memref<128xi32, #tpu.memory_space<vmem>>) semaphore(%arg13 : memref<!tpu.dma_semaphore, #tpu.memory_space<semaphore_mem>>)
      } else {
      }
      %scan3A_450 = arith.constant 0 : i32
      scf.yield %scan3A_450 : i32
    }
    %scan3A_80 = arith.constant 10 : i32
    %dma_wait3A_81 = arith.constant 76 : i32
    %dma_wait3A_82 = arith.constant 0 : i32
    %dma_wait3A_83 = arith.constant 0 : i32
    %dma_wait3A_84 = tpu.memref_slice %arg10[%dma_wait3A_82, %dma_wait3A_83] : memref<512x48xf32, #tpu.memory_space<vmem>> -> memref<128x48xf32, #tpu.memory_space<vmem>>
    %dma_wait3A_85 = arith.constant 0 : i32
    %dma_wait3A_86 = tpu.memref_slice %arg8[%dma_wait3A_81, %dma_wait3A_85] : memref<80x128xi32, #tpu.memory_space<vmem>> -> memref<1x128xi32, #tpu.memory_space<vmem>>
    %dma_wait3A_87 = tpu.memref_squeeze %dma_wait3A_86 : memref<1x128xi32, #tpu.memory_space<vmem>> -> memref<128xi32, #tpu.memory_space<vmem>>
    %dma_wait3A_88 = arith.constant 0 : i32
    %dma_wait3A_89 = arith.constant 0 : i32
    %dma_wait3A_90 = tpu.memref_slice %arg11[%dma_wait3A_88, %dma_wait3A_89] : memref<10240x48xf32, #tpu.memory_space<vmem_shared>> -> memref<10240x48xf32, #tpu.memory_space<vmem_shared>>
    tpu.wait_indirect_dma semaphore(%arg16 : memref<!tpu.dma_semaphore, #tpu.memory_space<semaphore_mem>>) src(%dma_wait3A_84 : memref<128x48xf32, #tpu.memory_space<vmem>>) dst(%dma_wait3A_90 : memref<10240x48xf32, #tpu.memory_space<vmem_shared>>)
    %dma_wait3A_91 = arith.constant 77 : i32
    %dma_wait3A_92 = arith.constant 128 : i32
    %dma_wait3A_93 = arith.constant 0 : i32
    %dma_wait3A_94 = tpu.memref_slice %arg10[%dma_wait3A_92, %dma_wait3A_93] : memref<512x48xf32, #tpu.memory_space<vmem>> -> memref<128x48xf32, #tpu.memory_space<vmem>>
    %dma_wait3A_95 = arith.constant 0 : i32
    %dma_wait3A_96 = tpu.memref_slice %arg8[%dma_wait3A_91, %dma_wait3A_95] : memref<80x128xi32, #tpu.memory_space<vmem>> -> memref<1x128xi32, #tpu.memory_space<vmem>>
    %dma_wait3A_97 = tpu.memref_squeeze %dma_wait3A_96 : memref<1x128xi32, #tpu.memory_space<vmem>> -> memref<128xi32, #tpu.memory_space<vmem>>
    %dma_wait3A_98 = arith.constant 0 : i32
    %dma_wait3A_99 = arith.constant 0 : i32
    %dma_wait3A_100 = tpu.memref_slice %arg11[%dma_wait3A_98, %dma_wait3A_99] : memref<10240x48xf32, #tpu.memory_space<vmem_shared>> -> memref<10240x48xf32, #tpu.memory_space<vmem_shared>>
    tpu.wait_indirect_dma semaphore(%arg16 : memref<!tpu.dma_semaphore, #tpu.memory_space<semaphore_mem>>) src(%dma_wait3A_94 : memref<128x48xf32, #tpu.memory_space<vmem>>) dst(%dma_wait3A_100 : memref<10240x48xf32, #tpu.memory_space<vmem_shared>>)
    %dma_wait3A_101 = arith.constant 78 : i32
    %dma_wait3A_102 = arith.constant 256 : i32
    %dma_wait3A_103 = arith.constant 0 : i32
    %dma_wait3A_104 = tpu.memref_slice %arg10[%dma_wait3A_102, %dma_wait3A_103] : memref<512x48xf32, #tpu.memory_space<vmem>> -> memref<128x48xf32, #tpu.memory_space<vmem>>
    %dma_wait3A_105 = arith.constant 0 : i32
    %dma_wait3A_106 = tpu.memref_slice %arg8[%dma_wait3A_101, %dma_wait3A_105] : memref<80x128xi32, #tpu.memory_space<vmem>> -> memref<1x128xi32, #tpu.memory_space<vmem>>
    %dma_wait3A_107 = tpu.memref_squeeze %dma_wait3A_106 : memref<1x128xi32, #tpu.memory_space<vmem>> -> memref<128xi32, #tpu.memory_space<vmem>>
    %dma_wait3A_108 = arith.constant 0 : i32
    %dma_wait3A_109 = arith.constant 0 : i32
    %dma_wait3A_110 = tpu.memref_slice %arg11[%dma_wait3A_108, %dma_wait3A_109] : memref<10240x48xf32, #tpu.memory_space<vmem_shared>> -> memref<10240x48xf32, #tpu.memory_space<vmem_shared>>
    tpu.wait_indirect_dma semaphore(%arg16 : memref<!tpu.dma_semaphore, #tpu.memory_space<semaphore_mem>>) src(%dma_wait3A_104 : memref<128x48xf32, #tpu.memory_space<vmem>>) dst(%dma_wait3A_110 : memref<10240x48xf32, #tpu.memory_space<vmem_shared>>)
    %dma_wait3A_111 = arith.constant 79 : i32
    %dma_wait3A_112 = arith.constant 384 : i32
    %dma_wait3A_113 = arith.constant 0 : i32
    %dma_wait3A_114 = tpu.memref_slice %arg10[%dma_wait3A_112, %dma_wait3A_113] : memref<512x48xf32, #tpu.memory_space<vmem>> -> memref<128x48xf32, #tpu.memory_space<vmem>>
    %dma_wait3A_115 = arith.constant 0 : i32
    %dma_wait3A_116 = tpu.memref_slice %arg8[%dma_wait3A_111, %dma_wait3A_115] : memref<80x128xi32, #tpu.memory_space<vmem>> -> memref<1x128xi32, #tpu.memory_space<vmem>>
    %dma_wait3A_117 = tpu.memref_squeeze %dma_wait3A_116 : memref<1x128xi32, #tpu.memory_space<vmem>> -> memref<128xi32, #tpu.memory_space<vmem>>
    %dma_wait3A_118 = arith.constant 0 : i32
    %dma_wait3A_119 = arith.constant 0 : i32
    %dma_wait3A_120 = tpu.memref_slice %arg11[%dma_wait3A_118, %dma_wait3A_119] : memref<10240x48xf32, #tpu.memory_space<vmem_shared>> -> memref<10240x48xf32, #tpu.memory_space<vmem_shared>>
    tpu.wait_indirect_dma semaphore(%arg16 : memref<!tpu.dma_semaphore, #tpu.memory_space<semaphore_mem>>) src(%dma_wait3A_114 : memref<128x48xf32, #tpu.memory_space<vmem>>) dst(%dma_wait3A_120 : memref<10240x48xf32, #tpu.memory_space<vmem_shared>>)
    %barrier3A_121 = arith.constant 0 : index
    tpu.barrier barrier_id(%barrier3A_121)
    %mul3A_122 = arith.constant 640 : i32
    %mul3A_123 = arith.muli %arg1, %mul3A_122 : i32
    "tpu.region"() ({
      %run_scoped3A = tpu.sem_alloc : memref<!tpu.dma_semaphore, #tpu.memory_space<semaphore_mem>>
      %dma_start3A_124 = arith.constant 0 : i32
      %dma_start3A_125 = tpu.memref_slice %arg6[%arg0, %mul3A_123, %dma_start3A_124] : memref<2x10240x48xf32, #tpu.memory_space<hbm>> -> memref<1x640x48xf32, #tpu.memory_space<hbm>>
      %dma_start3A_126 = tpu.memref_squeeze %dma_start3A_125 : memref<1x640x48xf32, #tpu.memory_space<hbm>> -> memref<640x48xf32, #tpu.memory_space<hbm>>
      %dma_start3A_127 = arith.constant 0 : i32
      %dma_start3A_128 = tpu.memref_slice %arg11[%mul3A_123, %dma_start3A_127] : memref<10240x48xf32, #tpu.memory_space<vmem_shared>> -> memref<640x48xf32, #tpu.memory_space<vmem_shared>>
      tpu.enqueue_dma source(%dma_start3A_128 : memref<640x48xf32, #tpu.memory_space<vmem_shared>>) target(%dma_start3A_126 : memref<640x48xf32, #tpu.memory_space<hbm>>) target_semaphore(%run_scoped3A : memref<!tpu.dma_semaphore, #tpu.memory_space<semaphore_mem>>)
      %dma_wait3A_129 = arith.constant 0 : i32
      %dma_wait3A_130 = tpu.memref_slice %arg6[%arg0, %mul3A_123, %dma_wait3A_129] : memref<2x10240x48xf32, #tpu.memory_space<hbm>> -> memref<1x640x48xf32, #tpu.memory_space<hbm>>
      %dma_wait3A_131 = tpu.memref_squeeze %dma_wait3A_130 : memref<1x640x48xf32, #tpu.memory_space<hbm>> -> memref<640x48xf32, #tpu.memory_space<hbm>>
      %dma_wait3A_132 = arith.constant 0 : i32
      %dma_wait3A_133 = tpu.memref_slice %arg11[%mul3A_123, %dma_wait3A_132] : memref<10240x48xf32, #tpu.memory_space<vmem_shared>> -> memref<640x48xf32, #tpu.memory_space<vmem_shared>>
      tpu.wait_dma2 semaphore(%run_scoped3A : memref<!tpu.dma_semaphore, #tpu.memory_space<semaphore_mem>>) src(%dma_wait3A_133 : memref<640x48xf32, #tpu.memory_space<vmem_shared>>) dst(%dma_wait3A_131 : memref<640x48xf32, #tpu.memory_space<hbm>>)
      tpu.yield
    }) : () -> ()
    return
  }
}

#map = affine_map<(d0, d1) -> (0, 0)>
#map1 = affine_map<(d0, d1) -> (0, 0, 0)>
module attributes {stable_mosaic.version = 14 : i64} {
  func.func @_prop(%arg0: i32, %arg1: i32, %arg2: memref<10240x48xf32, #tpu.memory_space<hbm>>, %arg3: memref<10240x48xf32, #tpu.memory_space<hbm>>, %arg4: memref<2560x128xi32, #tpu.memory_space<hbm>>, %arg5: memref<2560x128xi32, #tpu.memory_space<hbm>>, %arg6: memref<2x10240x48xf32, #tpu.memory_space<hbm>>, %arg7: memref<80x128xi32, #tpu.memory_space<vmem>>, %arg8: memref<80x128xi32, #tpu.memory_space<vmem>>, %arg9: memref<512x48xf32, #tpu.memory_space<vmem>>, %arg10: memref<512x48xf32, #tpu.memory_space<vmem>>, %arg11: memref<10240x48xf32, #tpu.memory_space<vmem_shared>>, %arg12: memref<10240x48xf32, #tpu.memory_space<vmem_shared>>, %arg13: memref<!tpu.dma_semaphore, #tpu.memory_space<semaphore_mem>>, %arg14: memref<!tpu.dma_semaphore, #tpu.memory_space<semaphore_mem>>, %arg15: memref<!tpu.dma_semaphore, #tpu.memory_space<semaphore_mem>>, %arg16: memref<!tpu.dma_semaphore, #tpu.memory_space<semaphore_mem>>) attributes {dimension_semantics = [#tpu.dimension_semantics<core_parallel>, #tpu.dimension_semantics<subcore_parallel>], iteration_bounds = array<i64: 2, 16>, scalar_prefetch = 0 : i64, scratch_operands = 10 : i64, tpu.core_type = #tpu.core_type<sc_vector_subcore>, window_params = [{transform_indices = #map}, {transform_indices = #map}, {transform_indices = #map}, {transform_indices = #map}, {transform_indices = #map1}]} {
    %mul3A = arith.constant 16 : i32
    %mul3A_0 = arith.muli %arg0, %mul3A : i32
    %add3A = arith.addi %mul3A_0, %arg1 : i32
    %mul3A_1 = arith.constant 80 : i32
    %mul3A_2 = arith.muli %add3A, %mul3A_1 : i32
    %mul3A_3 = arith.constant 640 : i32
    %mul3A_4 = arith.muli %arg1, %mul3A_3 : i32
    %dma_start3A = arith.constant 0 : i32
    %dma_start3A_5 = tpu.memref_slice %arg4[%mul3A_2, %dma_start3A] : memref<2560x128xi32, #tpu.memory_space<hbm>> -> memref<80x128xi32, #tpu.memory_space<hbm>>
    %dma_start3A_6 = arith.constant 0 : i32
    %dma_start3A_7 = tpu.memref_slice %arg4[%mul3A_2, %dma_start3A_6] : memref<2560x128xi32, #tpu.memory_space<hbm>> -> memref<80x128xi32, #tpu.memory_space<hbm>>
    tpu.enqueue_dma source(%dma_start3A_7 : memref<80x128xi32, #tpu.memory_space<hbm>>) target(%arg7 : memref<80x128xi32, #tpu.memory_space<vmem>>) target_semaphore(%arg13 : memref<!tpu.dma_semaphore, #tpu.memory_space<semaphore_mem>>)
    %dma_start3A_8 = arith.constant 0 : i32
    %dma_start3A_9 = tpu.memref_slice %arg5[%mul3A_2, %dma_start3A_8] : memref<2560x128xi32, #tpu.memory_space<hbm>> -> memref<80x128xi32, #tpu.memory_space<hbm>>
    %dma_start3A_10 = arith.constant 0 : i32
    %dma_start3A_11 = tpu.memref_slice %arg5[%mul3A_2, %dma_start3A_10] : memref<2560x128xi32, #tpu.memory_space<hbm>> -> memref<80x128xi32, #tpu.memory_space<hbm>>
    tpu.enqueue_dma source(%dma_start3A_11 : memref<80x128xi32, #tpu.memory_space<hbm>>) target(%arg8 : memref<80x128xi32, #tpu.memory_space<vmem>>) target_semaphore(%arg13 : memref<!tpu.dma_semaphore, #tpu.memory_space<semaphore_mem>>)
    %dma_start3A_12 = arith.constant 0 : i32
    %dma_start3A_13 = tpu.memref_slice %arg11[%mul3A_4, %dma_start3A_12] : memref<10240x48xf32, #tpu.memory_space<vmem_shared>> -> memref<640x48xf32, #tpu.memory_space<vmem_shared>>
    %dma_start3A_14 = arith.constant 0 : i32
    %dma_start3A_15 = tpu.memref_slice %arg3[%mul3A_4, %dma_start3A_14] : memref<10240x48xf32, #tpu.memory_space<hbm>> -> memref<640x48xf32, #tpu.memory_space<hbm>>
    tpu.enqueue_dma source(%dma_start3A_15 : memref<640x48xf32, #tpu.memory_space<hbm>>) target(%dma_start3A_13 : memref<640x48xf32, #tpu.memory_space<vmem_shared>>) target_semaphore(%arg13 : memref<!tpu.dma_semaphore, #tpu.memory_space<semaphore_mem>>)
    %dma_start3A_16 = arith.constant 0 : i32
    %dma_start3A_17 = tpu.memref_slice %arg12[%mul3A_4, %dma_start3A_16] : memref<10240x48xf32, #tpu.memory_space<vmem_shared>> -> memref<640x48xf32, #tpu.memory_space<vmem_shared>>
    %dma_start3A_18 = arith.constant 0 : i32
    %dma_start3A_19 = tpu.memref_slice %arg2[%mul3A_4, %dma_start3A_18] : memref<10240x48xf32, #tpu.memory_space<hbm>> -> memref<640x48xf32, #tpu.memory_space<hbm>>
    tpu.enqueue_dma source(%dma_start3A_19 : memref<640x48xf32, #tpu.memory_space<hbm>>) target(%dma_start3A_17 : memref<640x48xf32, #tpu.memory_space<vmem_shared>>) target_semaphore(%arg13 : memref<!tpu.dma_semaphore, #tpu.memory_space<semaphore_mem>>)
    %dma_wait3A = arith.constant 0 : i32
    %dma_wait3A_20 = tpu.memref_slice %arg4[%mul3A_2, %dma_wait3A] : memref<2560x128xi32, #tpu.memory_space<hbm>> -> memref<80x128xi32, #tpu.memory_space<hbm>>
    %dma_wait3A_21 = arith.constant 0 : i32
    %dma_wait3A_22 = tpu.memref_slice %arg4[%mul3A_2, %dma_wait3A_21] : memref<2560x128xi32, #tpu.memory_space<hbm>> -> memref<80x128xi32, #tpu.memory_space<hbm>>
    tpu.wait_dma2 semaphore(%arg13 : memref<!tpu.dma_semaphore, #tpu.memory_space<semaphore_mem>>) src(%dma_wait3A_22 : memref<80x128xi32, #tpu.memory_space<hbm>>) dst(%arg7 : memref<80x128xi32, #tpu.memory_space<vmem>>)
    %dma_wait3A_23 = arith.constant 0 : i32
    %dma_wait3A_24 = tpu.memref_slice %arg5[%mul3A_2, %dma_wait3A_23] : memref<2560x128xi32, #tpu.memory_space<hbm>> -> memref<80x128xi32, #tpu.memory_space<hbm>>
    %dma_wait3A_25 = arith.constant 0 : i32
    %dma_wait3A_26 = tpu.memref_slice %arg5[%mul3A_2, %dma_wait3A_25] : memref<2560x128xi32, #tpu.memory_space<hbm>> -> memref<80x128xi32, #tpu.memory_space<hbm>>
    tpu.wait_dma2 semaphore(%arg13 : memref<!tpu.dma_semaphore, #tpu.memory_space<semaphore_mem>>) src(%dma_wait3A_26 : memref<80x128xi32, #tpu.memory_space<hbm>>) dst(%arg8 : memref<80x128xi32, #tpu.memory_space<vmem>>)
    %dma_wait3A_27 = arith.constant 0 : i32
    %dma_wait3A_28 = tpu.memref_slice %arg11[%mul3A_4, %dma_wait3A_27] : memref<10240x48xf32, #tpu.memory_space<vmem_shared>> -> memref<640x48xf32, #tpu.memory_space<vmem_shared>>
    %dma_wait3A_29 = arith.constant 0 : i32
    %dma_wait3A_30 = tpu.memref_slice %arg3[%mul3A_4, %dma_wait3A_29] : memref<10240x48xf32, #tpu.memory_space<hbm>> -> memref<640x48xf32, #tpu.memory_space<hbm>>
    tpu.wait_dma2 semaphore(%arg13 : memref<!tpu.dma_semaphore, #tpu.memory_space<semaphore_mem>>) src(%dma_wait3A_30 : memref<640x48xf32, #tpu.memory_space<hbm>>) dst(%dma_wait3A_28 : memref<640x48xf32, #tpu.memory_space<vmem_shared>>)
    %dma_wait3A_31 = arith.constant 0 : i32
    %dma_wait3A_32 = tpu.memref_slice %arg12[%mul3A_4, %dma_wait3A_31] : memref<10240x48xf32, #tpu.memory_space<vmem_shared>> -> memref<640x48xf32, #tpu.memory_space<vmem_shared>>
    %dma_wait3A_33 = arith.constant 0 : i32
    %dma_wait3A_34 = tpu.memref_slice %arg2[%mul3A_4, %dma_wait3A_33] : memref<10240x48xf32, #tpu.memory_space<hbm>> -> memref<640x48xf32, #tpu.memory_space<hbm>>
    tpu.wait_dma2 semaphore(%arg13 : memref<!tpu.dma_semaphore, #tpu.memory_space<semaphore_mem>>) src(%dma_wait3A_34 : memref<640x48xf32, #tpu.memory_space<hbm>>) dst(%dma_wait3A_32 : memref<640x48xf32, #tpu.memory_space<vmem_shared>>)
    %barrier3A = arith.constant 0 : index
    tpu.barrier barrier_id(%barrier3A)
    %dma_start3A_35 = arith.constant 0 : i32
    %dma_start3A_36 = arith.constant 0 : i32
    %dma_start3A_37 = arith.constant 0 : i32
    %dma_start3A_38 = tpu.memref_slice %arg9[%dma_start3A_36, %dma_start3A_37] : memref<512x48xf32, #tpu.memory_space<vmem>> -> memref<128x48xf32, #tpu.memory_space<vmem>>
    %dma_start3A_39 = arith.constant 0 : i32
    %dma_start3A_40 = tpu.memref_slice %arg7[%dma_start3A_35, %dma_start3A_39] : memref<80x128xi32, #tpu.memory_space<vmem>> -> memref<1x128xi32, #tpu.memory_space<vmem>>
    %dma_start3A_41 = tpu.memref_squeeze %dma_start3A_40 : memref<1x128xi32, #tpu.memory_space<vmem>> -> memref<128xi32, #tpu.memory_space<vmem>>
    %dma_start3A_42 = arith.constant 0 : i32
    %dma_start3A_43 = arith.constant 0 : i32
    %dma_start3A_44 = tpu.memref_slice %arg12[%dma_start3A_42, %dma_start3A_43] : memref<10240x48xf32, #tpu.memory_space<vmem_shared>> -> memref<10240x48xf32, #tpu.memory_space<vmem_shared>>
    tpu.enqueue_indirect_dma source(%dma_start3A_44 : memref<10240x48xf32, #tpu.memory_space<vmem_shared>>) target(%dma_start3A_38 : memref<128x48xf32, #tpu.memory_space<vmem>>) offsets(%dma_start3A_41 : memref<128xi32, #tpu.memory_space<vmem>>) semaphore(%arg13 : memref<!tpu.dma_semaphore, #tpu.memory_space<semaphore_mem>>)
    %dma_start3A_45 = arith.constant 1 : i32
    %dma_start3A_46 = arith.constant 128 : i32
    %dma_start3A_47 = arith.constant 0 : i32
    %dma_start3A_48 = tpu.memref_slice %arg9[%dma_start3A_46, %dma_start3A_47] : memref<512x48xf32, #tpu.memory_space<vmem>> -> memref<128x48xf32, #tpu.memory_space<vmem>>
    %dma_start3A_49 = arith.constant 0 : i32
    %dma_start3A_50 = tpu.memref_slice %arg7[%dma_start3A_45, %dma_start3A_49] : memref<80x128xi32, #tpu.memory_space<vmem>> -> memref<1x128xi32, #tpu.memory_space<vmem>>
    %dma_start3A_51 = tpu.memref_squeeze %dma_start3A_50 : memref<1x128xi32, #tpu.memory_space<vmem>> -> memref<128xi32, #tpu.memory_space<vmem>>
    %dma_start3A_52 = arith.constant 0 : i32
    %dma_start3A_53 = arith.constant 0 : i32
    %dma_start3A_54 = tpu.memref_slice %arg12[%dma_start3A_52, %dma_start3A_53] : memref<10240x48xf32, #tpu.memory_space<vmem_shared>> -> memref<10240x48xf32, #tpu.memory_space<vmem_shared>>
    tpu.enqueue_indirect_dma source(%dma_start3A_54 : memref<10240x48xf32, #tpu.memory_space<vmem_shared>>) target(%dma_start3A_48 : memref<128x48xf32, #tpu.memory_space<vmem>>) offsets(%dma_start3A_51 : memref<128xi32, #tpu.memory_space<vmem>>) semaphore(%arg13 : memref<!tpu.dma_semaphore, #tpu.memory_space<semaphore_mem>>)
    %dma_start3A_55 = arith.constant 2 : i32
    %dma_start3A_56 = arith.constant 256 : i32
    %dma_start3A_57 = arith.constant 0 : i32
    %dma_start3A_58 = tpu.memref_slice %arg9[%dma_start3A_56, %dma_start3A_57] : memref<512x48xf32, #tpu.memory_space<vmem>> -> memref<128x48xf32, #tpu.memory_space<vmem>>
    %dma_start3A_59 = arith.constant 0 : i32
    %dma_start3A_60 = tpu.memref_slice %arg7[%dma_start3A_55, %dma_start3A_59] : memref<80x128xi32, #tpu.memory_space<vmem>> -> memref<1x128xi32, #tpu.memory_space<vmem>>
    %dma_start3A_61 = tpu.memref_squeeze %dma_start3A_60 : memref<1x128xi32, #tpu.memory_space<vmem>> -> memref<128xi32, #tpu.memory_space<vmem>>
    %dma_start3A_62 = arith.constant 0 : i32
    %dma_start3A_63 = arith.constant 0 : i32
    %dma_start3A_64 = tpu.memref_slice %arg12[%dma_start3A_62, %dma_start3A_63] : memref<10240x48xf32, #tpu.memory_space<vmem_shared>> -> memref<10240x48xf32, #tpu.memory_space<vmem_shared>>
    tpu.enqueue_indirect_dma source(%dma_start3A_64 : memref<10240x48xf32, #tpu.memory_space<vmem_shared>>) target(%dma_start3A_58 : memref<128x48xf32, #tpu.memory_space<vmem>>) offsets(%dma_start3A_61 : memref<128xi32, #tpu.memory_space<vmem>>) semaphore(%arg13 : memref<!tpu.dma_semaphore, #tpu.memory_space<semaphore_mem>>)
    %dma_start3A_65 = arith.constant 3 : i32
    %dma_start3A_66 = arith.constant 384 : i32
    %dma_start3A_67 = arith.constant 0 : i32
    %dma_start3A_68 = tpu.memref_slice %arg9[%dma_start3A_66, %dma_start3A_67] : memref<512x48xf32, #tpu.memory_space<vmem>> -> memref<128x48xf32, #tpu.memory_space<vmem>>
    %dma_start3A_69 = arith.constant 0 : i32
    %dma_start3A_70 = tpu.memref_slice %arg7[%dma_start3A_65, %dma_start3A_69] : memref<80x128xi32, #tpu.memory_space<vmem>> -> memref<1x128xi32, #tpu.memory_space<vmem>>
    %dma_start3A_71 = tpu.memref_squeeze %dma_start3A_70 : memref<1x128xi32, #tpu.memory_space<vmem>> -> memref<128xi32, #tpu.memory_space<vmem>>
    %dma_start3A_72 = arith.constant 0 : i32
    %dma_start3A_73 = arith.constant 0 : i32
    %dma_start3A_74 = tpu.memref_slice %arg12[%dma_start3A_72, %dma_start3A_73] : memref<10240x48xf32, #tpu.memory_space<vmem_shared>> -> memref<10240x48xf32, #tpu.memory_space<vmem_shared>>
    tpu.enqueue_indirect_dma source(%dma_start3A_74 : memref<10240x48xf32, #tpu.memory_space<vmem_shared>>) target(%dma_start3A_68 : memref<128x48xf32, #tpu.memory_space<vmem>>) offsets(%dma_start3A_71 : memref<128xi32, #tpu.memory_space<vmem>>) semaphore(%arg13 : memref<!tpu.dma_semaphore, #tpu.memory_space<semaphore_mem>>)
    %scan3A = arith.constant 0 : i32
    %scan3A_75 = arith.constant 0 : i32
    %scan3A_76 = arith.constant 10 : i32
    %scan3A_77 = arith.addi %scan3A_75, %scan3A_76 : i32
    %scan3A_78 = arith.constant 1 : i32
    %scan3A_79 = scf.for %scan3A_124 = %scan3A_75 to %scan3A_77 step %scan3A_78 iter_args(%scan3A_125 = %scan3A) -> (i32)  : i32 {
      %mul3A_126 = arith.constant 2 : i32
      %mul3A_127 = arith.muli %mul3A_126, %scan3A_124 : i32
      %mul3A_128 = arith.constant 2 : i32
      %mul3A_129 = arith.muli %mul3A_128, %scan3A_124 : i32
      %add3A_130 = arith.constant 1 : i32
      %add3A_131 = arith.addi %mul3A_129, %add3A_130 : i32
      %mul3A_132 = arith.constant 4 : i32
      %mul3A_133 = arith.muli %mul3A_127, %mul3A_132 : i32
      %add3A_134 = arith.constant 0 : i32
      %add3A_135 = arith.addi %mul3A_133, %add3A_134 : i32
      %dma_wait3A_136 = arith.constant 0 : i32
      %dma_wait3A_137 = arith.constant 0 : i32
      %dma_wait3A_138 = tpu.memref_slice %arg9[%dma_wait3A_136, %dma_wait3A_137] : memref<512x48xf32, #tpu.memory_space<vmem>> -> memref<128x48xf32, #tpu.memory_space<vmem>>
      %dma_wait3A_139 = arith.constant 0 : i32
      %dma_wait3A_140 = tpu.memref_slice %arg7[%add3A_135, %dma_wait3A_139] : memref<80x128xi32, #tpu.memory_space<vmem>> -> memref<1x128xi32, #tpu.memory_space<vmem>>
      %dma_wait3A_141 = tpu.memref_squeeze %dma_wait3A_140 : memref<1x128xi32, #tpu.memory_space<vmem>> -> memref<128xi32, #tpu.memory_space<vmem>>
      %dma_wait3A_142 = arith.constant 0 : i32
      %dma_wait3A_143 = arith.constant 0 : i32
      %dma_wait3A_144 = tpu.memref_slice %arg12[%dma_wait3A_142, %dma_wait3A_143] : memref<10240x48xf32, #tpu.memory_space<vmem_shared>> -> memref<10240x48xf32, #tpu.memory_space<vmem_shared>>
      tpu.wait_indirect_dma semaphore(%arg13 : memref<!tpu.dma_semaphore, #tpu.memory_space<semaphore_mem>>) src(%dma_wait3A_144 : memref<10240x48xf32, #tpu.memory_space<vmem_shared>>) dst(%dma_wait3A_138 : memref<128x48xf32, #tpu.memory_space<vmem>>)
      %mul3A_145 = arith.constant 4 : i32
      %mul3A_146 = arith.muli %mul3A_127, %mul3A_145 : i32
      %add3A_147 = arith.constant 1 : i32
      %add3A_148 = arith.addi %mul3A_146, %add3A_147 : i32
      %dma_wait3A_149 = arith.constant 128 : i32
      %dma_wait3A_150 = arith.constant 0 : i32
      %dma_wait3A_151 = tpu.memref_slice %arg9[%dma_wait3A_149, %dma_wait3A_150] : memref<512x48xf32, #tpu.memory_space<vmem>> -> memref<128x48xf32, #tpu.memory_space<vmem>>
      %dma_wait3A_152 = arith.constant 0 : i32
      %dma_wait3A_153 = tpu.memref_slice %arg7[%add3A_148, %dma_wait3A_152] : memref<80x128xi32, #tpu.memory_space<vmem>> -> memref<1x128xi32, #tpu.memory_space<vmem>>
      %dma_wait3A_154 = tpu.memref_squeeze %dma_wait3A_153 : memref<1x128xi32, #tpu.memory_space<vmem>> -> memref<128xi32, #tpu.memory_space<vmem>>
      %dma_wait3A_155 = arith.constant 0 : i32
      %dma_wait3A_156 = arith.constant 0 : i32
      %dma_wait3A_157 = tpu.memref_slice %arg12[%dma_wait3A_155, %dma_wait3A_156] : memref<10240x48xf32, #tpu.memory_space<vmem_shared>> -> memref<10240x48xf32, #tpu.memory_space<vmem_shared>>
      tpu.wait_indirect_dma semaphore(%arg13 : memref<!tpu.dma_semaphore, #tpu.memory_space<semaphore_mem>>) src(%dma_wait3A_157 : memref<10240x48xf32, #tpu.memory_space<vmem_shared>>) dst(%dma_wait3A_151 : memref<128x48xf32, #tpu.memory_space<vmem>>)
      %mul3A_158 = arith.constant 4 : i32
      %mul3A_159 = arith.muli %mul3A_127, %mul3A_158 : i32
      %add3A_160 = arith.constant 2 : i32
      %add3A_161 = arith.addi %mul3A_159, %add3A_160 : i32
      %dma_wait3A_162 = arith.constant 256 : i32
      %dma_wait3A_163 = arith.constant 0 : i32
      %dma_wait3A_164 = tpu.memref_slice %arg9[%dma_wait3A_162, %dma_wait3A_163] : memref<512x48xf32, #tpu.memory_space<vmem>> -> memref<128x48xf32, #tpu.memory_space<vmem>>
      %dma_wait3A_165 = arith.constant 0 : i32
      %dma_wait3A_166 = tpu.memref_slice %arg7[%add3A_161, %dma_wait3A_165] : memref<80x128xi32, #tpu.memory_space<vmem>> -> memref<1x128xi32, #tpu.memory_space<vmem>>
      %dma_wait3A_167 = tpu.memref_squeeze %dma_wait3A_166 : memref<1x128xi32, #tpu.memory_space<vmem>> -> memref<128xi32, #tpu.memory_space<vmem>>
      %dma_wait3A_168 = arith.constant 0 : i32
      %dma_wait3A_169 = arith.constant 0 : i32
      %dma_wait3A_170 = tpu.memref_slice %arg12[%dma_wait3A_168, %dma_wait3A_169] : memref<10240x48xf32, #tpu.memory_space<vmem_shared>> -> memref<10240x48xf32, #tpu.memory_space<vmem_shared>>
      tpu.wait_indirect_dma semaphore(%arg13 : memref<!tpu.dma_semaphore, #tpu.memory_space<semaphore_mem>>) src(%dma_wait3A_170 : memref<10240x48xf32, #tpu.memory_space<vmem_shared>>) dst(%dma_wait3A_164 : memref<128x48xf32, #tpu.memory_space<vmem>>)
      %mul3A_171 = arith.constant 4 : i32
      %mul3A_172 = arith.muli %mul3A_127, %mul3A_171 : i32
      %add3A_173 = arith.constant 3 : i32
      %add3A_174 = arith.addi %mul3A_172, %add3A_173 : i32
      %dma_wait3A_175 = arith.constant 384 : i32
      %dma_wait3A_176 = arith.constant 0 : i32
      %dma_wait3A_177 = tpu.memref_slice %arg9[%dma_wait3A_175, %dma_wait3A_176] : memref<512x48xf32, #tpu.memory_space<vmem>> -> memref<128x48xf32, #tpu.memory_space<vmem>>
      %dma_wait3A_178 = arith.constant 0 : i32
      %dma_wait3A_179 = tpu.memref_slice %arg7[%add3A_174, %dma_wait3A_178] : memref<80x128xi32, #tpu.memory_space<vmem>> -> memref<1x128xi32, #tpu.memory_space<vmem>>
      %dma_wait3A_180 = tpu.memref_squeeze %dma_wait3A_179 : memref<1x128xi32, #tpu.memory_space<vmem>> -> memref<128xi32, #tpu.memory_space<vmem>>
      %dma_wait3A_181 = arith.constant 0 : i32
      %dma_wait3A_182 = arith.constant 0 : i32
      %dma_wait3A_183 = tpu.memref_slice %arg12[%dma_wait3A_181, %dma_wait3A_182] : memref<10240x48xf32, #tpu.memory_space<vmem_shared>> -> memref<10240x48xf32, #tpu.memory_space<vmem_shared>>
      tpu.wait_indirect_dma semaphore(%arg13 : memref<!tpu.dma_semaphore, #tpu.memory_space<semaphore_mem>>) src(%dma_wait3A_183 : memref<10240x48xf32, #tpu.memory_space<vmem_shared>>) dst(%dma_wait3A_177 : memref<128x48xf32, #tpu.memory_space<vmem>>)
      %mul3A_184 = arith.constant 4 : i32
      %mul3A_185 = arith.muli %mul3A_127, %mul3A_184 : i32
      %add3A_186 = arith.constant 0 : i32
      %add3A_187 = arith.addi %mul3A_185, %add3A_186 : i32
      %dma_start3A_188 = arith.constant 0 : i32
      %dma_start3A_189 = arith.constant 0 : i32
      %dma_start3A_190 = tpu.memref_slice %arg9[%dma_start3A_188, %dma_start3A_189] : memref<512x48xf32, #tpu.memory_space<vmem>> -> memref<128x48xf32, #tpu.memory_space<vmem>>
      %dma_start3A_191 = arith.constant 0 : i32
      %dma_start3A_192 = tpu.memref_slice %arg8[%add3A_187, %dma_start3A_191] : memref<80x128xi32, #tpu.memory_space<vmem>> -> memref<1x128xi32, #tpu.memory_space<vmem>>
      %dma_start3A_193 = tpu.memref_squeeze %dma_start3A_192 : memref<1x128xi32, #tpu.memory_space<vmem>> -> memref<128xi32, #tpu.memory_space<vmem>>
      %dma_start3A_194 = arith.constant 0 : i32
      %dma_start3A_195 = arith.constant 0 : i32
      %dma_start3A_196 = tpu.memref_slice %arg11[%dma_start3A_194, %dma_start3A_195] : memref<10240x48xf32, #tpu.memory_space<vmem_shared>> -> memref<10240x48xf32, #tpu.memory_space<vmem_shared>>
      tpu.enqueue_indirect_dma source(%dma_start3A_190 : memref<128x48xf32, #tpu.memory_space<vmem>>) target(%dma_start3A_196 : memref<10240x48xf32, #tpu.memory_space<vmem_shared>>) offsets(%dma_start3A_193 : memref<128xi32, #tpu.memory_space<vmem>>) semaphore(%arg15 : memref<!tpu.dma_semaphore, #tpu.memory_space<semaphore_mem>>) {add = true}
      %mul3A_197 = arith.constant 4 : i32
      %mul3A_198 = arith.muli %mul3A_127, %mul3A_197 : i32
      %add3A_199 = arith.constant 1 : i32
      %add3A_200 = arith.addi %mul3A_198, %add3A_199 : i32
      %dma_start3A_201 = arith.constant 128 : i32
      %dma_start3A_202 = arith.constant 0 : i32
      %dma_start3A_203 = tpu.memref_slice %arg9[%dma_start3A_201, %dma_start3A_202] : memref<512x48xf32, #tpu.memory_space<vmem>> -> memref<128x48xf32, #tpu.memory_space<vmem>>
      %dma_start3A_204 = arith.constant 0 : i32
      %dma_start3A_205 = tpu.memref_slice %arg8[%add3A_200, %dma_start3A_204] : memref<80x128xi32, #tpu.memory_space<vmem>> -> memref<1x128xi32, #tpu.memory_space<vmem>>
      %dma_start3A_206 = tpu.memref_squeeze %dma_start3A_205 : memref<1x128xi32, #tpu.memory_space<vmem>> -> memref<128xi32, #tpu.memory_space<vmem>>
      %dma_start3A_207 = arith.constant 0 : i32
      %dma_start3A_208 = arith.constant 0 : i32
      %dma_start3A_209 = tpu.memref_slice %arg11[%dma_start3A_207, %dma_start3A_208] : memref<10240x48xf32, #tpu.memory_space<vmem_shared>> -> memref<10240x48xf32, #tpu.memory_space<vmem_shared>>
      tpu.enqueue_indirect_dma source(%dma_start3A_203 : memref<128x48xf32, #tpu.memory_space<vmem>>) target(%dma_start3A_209 : memref<10240x48xf32, #tpu.memory_space<vmem_shared>>) offsets(%dma_start3A_206 : memref<128xi32, #tpu.memory_space<vmem>>) semaphore(%arg15 : memref<!tpu.dma_semaphore, #tpu.memory_space<semaphore_mem>>) {add = true}
      %mul3A_210 = arith.constant 4 : i32
      %mul3A_211 = arith.muli %mul3A_127, %mul3A_210 : i32
      %add3A_212 = arith.constant 2 : i32
      %add3A_213 = arith.addi %mul3A_211, %add3A_212 : i32
      %dma_start3A_214 = arith.constant 256 : i32
      %dma_start3A_215 = arith.constant 0 : i32
      %dma_start3A_216 = tpu.memref_slice %arg9[%dma_start3A_214, %dma_start3A_215] : memref<512x48xf32, #tpu.memory_space<vmem>> -> memref<128x48xf32, #tpu.memory_space<vmem>>
      %dma_start3A_217 = arith.constant 0 : i32
      %dma_start3A_218 = tpu.memref_slice %arg8[%add3A_213, %dma_start3A_217] : memref<80x128xi32, #tpu.memory_space<vmem>> -> memref<1x128xi32, #tpu.memory_space<vmem>>
      %dma_start3A_219 = tpu.memref_squeeze %dma_start3A_218 : memref<1x128xi32, #tpu.memory_space<vmem>> -> memref<128xi32, #tpu.memory_space<vmem>>
      %dma_start3A_220 = arith.constant 0 : i32
      %dma_start3A_221 = arith.constant 0 : i32
      %dma_start3A_222 = tpu.memref_slice %arg11[%dma_start3A_220, %dma_start3A_221] : memref<10240x48xf32, #tpu.memory_space<vmem_shared>> -> memref<10240x48xf32, #tpu.memory_space<vmem_shared>>
      tpu.enqueue_indirect_dma source(%dma_start3A_216 : memref<128x48xf32, #tpu.memory_space<vmem>>) target(%dma_start3A_222 : memref<10240x48xf32, #tpu.memory_space<vmem_shared>>) offsets(%dma_start3A_219 : memref<128xi32, #tpu.memory_space<vmem>>) semaphore(%arg15 : memref<!tpu.dma_semaphore, #tpu.memory_space<semaphore_mem>>) {add = true}
      %mul3A_223 = arith.constant 4 : i32
      %mul3A_224 = arith.muli %mul3A_127, %mul3A_223 : i32
      %add3A_225 = arith.constant 3 : i32
      %add3A_226 = arith.addi %mul3A_224, %add3A_225 : i32
      %dma_start3A_227 = arith.constant 384 : i32
      %dma_start3A_228 = arith.constant 0 : i32
      %dma_start3A_229 = tpu.memref_slice %arg9[%dma_start3A_227, %dma_start3A_228] : memref<512x48xf32, #tpu.memory_space<vmem>> -> memref<128x48xf32, #tpu.memory_space<vmem>>
      %dma_start3A_230 = arith.constant 0 : i32
      %dma_start3A_231 = tpu.memref_slice %arg8[%add3A_226, %dma_start3A_230] : memref<80x128xi32, #tpu.memory_space<vmem>> -> memref<1x128xi32, #tpu.memory_space<vmem>>
      %dma_start3A_232 = tpu.memref_squeeze %dma_start3A_231 : memref<1x128xi32, #tpu.memory_space<vmem>> -> memref<128xi32, #tpu.memory_space<vmem>>
      %dma_start3A_233 = arith.constant 0 : i32
      %dma_start3A_234 = arith.constant 0 : i32
      %dma_start3A_235 = tpu.memref_slice %arg11[%dma_start3A_233, %dma_start3A_234] : memref<10240x48xf32, #tpu.memory_space<vmem_shared>> -> memref<10240x48xf32, #tpu.memory_space<vmem_shared>>
      tpu.enqueue_indirect_dma source(%dma_start3A_229 : memref<128x48xf32, #tpu.memory_space<vmem>>) target(%dma_start3A_235 : memref<10240x48xf32, #tpu.memory_space<vmem_shared>>) offsets(%dma_start3A_232 : memref<128xi32, #tpu.memory_space<vmem>>) semaphore(%arg15 : memref<!tpu.dma_semaphore, #tpu.memory_space<semaphore_mem>>) {add = true}
      %ge3A = arith.constant 1 : i32
      %ge3A_236 = arith.cmpi sge, %scan3A_124, %ge3A : i32
      %convert_element_type3A = arith.extui %ge3A_236 : i1 to i32
      %cond3A = arith.constant 0 : i32
      %cond3A_237 = arith.cmpi ne, %convert_element_type3A, %cond3A : i32
      scf.if %cond3A_237 {
        %sub3A = arith.constant 2 : i32
        %sub3A_451 = arith.subi %add3A_131, %sub3A : i32
        %mul3A_452 = arith.constant 4 : i32
        %mul3A_453 = arith.muli %sub3A_451, %mul3A_452 : i32
        %add3A_454 = arith.constant 0 : i32
        %add3A_455 = arith.addi %mul3A_453, %add3A_454 : i32
        %dma_wait3A_456 = arith.constant 0 : i32
        %dma_wait3A_457 = arith.constant 0 : i32
        %dma_wait3A_458 = tpu.memref_slice %arg10[%dma_wait3A_456, %dma_wait3A_457] : memref<512x48xf32, #tpu.memory_space<vmem>> -> memref<128x48xf32, #tpu.memory_space<vmem>>
        %dma_wait3A_459 = arith.constant 0 : i32
        %dma_wait3A_460 = tpu.memref_slice %arg8[%add3A_455, %dma_wait3A_459] : memref<80x128xi32, #tpu.memory_space<vmem>> -> memref<1x128xi32, #tpu.memory_space<vmem>>
        %dma_wait3A_461 = tpu.memref_squeeze %dma_wait3A_460 : memref<1x128xi32, #tpu.memory_space<vmem>> -> memref<128xi32, #tpu.memory_space<vmem>>
        %dma_wait3A_462 = arith.constant 0 : i32
        %dma_wait3A_463 = arith.constant 0 : i32
        %dma_wait3A_464 = tpu.memref_slice %arg11[%dma_wait3A_462, %dma_wait3A_463] : memref<10240x48xf32, #tpu.memory_space<vmem_shared>> -> memref<10240x48xf32, #tpu.memory_space<vmem_shared>>
        tpu.wait_indirect_dma semaphore(%arg16 : memref<!tpu.dma_semaphore, #tpu.memory_space<semaphore_mem>>) src(%dma_wait3A_458 : memref<128x48xf32, #tpu.memory_space<vmem>>) dst(%dma_wait3A_464 : memref<10240x48xf32, #tpu.memory_space<vmem_shared>>)
        %mul3A_465 = arith.constant 4 : i32
        %mul3A_466 = arith.muli %sub3A_451, %mul3A_465 : i32
        %add3A_467 = arith.constant 1 : i32
        %add3A_468 = arith.addi %mul3A_466, %add3A_467 : i32
        %dma_wait3A_469 = arith.constant 128 : i32
        %dma_wait3A_470 = arith.constant 0 : i32
        %dma_wait3A_471 = tpu.memref_slice %arg10[%dma_wait3A_469, %dma_wait3A_470] : memref<512x48xf32, #tpu.memory_space<vmem>> -> memref<128x48xf32, #tpu.memory_space<vmem>>
        %dma_wait3A_472 = arith.constant 0 : i32
        %dma_wait3A_473 = tpu.memref_slice %arg8[%add3A_468, %dma_wait3A_472] : memref<80x128xi32, #tpu.memory_space<vmem>> -> memref<1x128xi32, #tpu.memory_space<vmem>>
        %dma_wait3A_474 = tpu.memref_squeeze %dma_wait3A_473 : memref<1x128xi32, #tpu.memory_space<vmem>> -> memref<128xi32, #tpu.memory_space<vmem>>
        %dma_wait3A_475 = arith.constant 0 : i32
        %dma_wait3A_476 = arith.constant 0 : i32
        %dma_wait3A_477 = tpu.memref_slice %arg11[%dma_wait3A_475, %dma_wait3A_476] : memref<10240x48xf32, #tpu.memory_space<vmem_shared>> -> memref<10240x48xf32, #tpu.memory_space<vmem_shared>>
        tpu.wait_indirect_dma semaphore(%arg16 : memref<!tpu.dma_semaphore, #tpu.memory_space<semaphore_mem>>) src(%dma_wait3A_471 : memref<128x48xf32, #tpu.memory_space<vmem>>) dst(%dma_wait3A_477 : memref<10240x48xf32, #tpu.memory_space<vmem_shared>>)
        %mul3A_478 = arith.constant 4 : i32
        %mul3A_479 = arith.muli %sub3A_451, %mul3A_478 : i32
        %add3A_480 = arith.constant 2 : i32
        %add3A_481 = arith.addi %mul3A_479, %add3A_480 : i32
        %dma_wait3A_482 = arith.constant 256 : i32
        %dma_wait3A_483 = arith.constant 0 : i32
        %dma_wait3A_484 = tpu.memref_slice %arg10[%dma_wait3A_482, %dma_wait3A_483] : memref<512x48xf32, #tpu.memory_space<vmem>> -> memref<128x48xf32, #tpu.memory_space<vmem>>
        %dma_wait3A_485 = arith.constant 0 : i32
        %dma_wait3A_486 = tpu.memref_slice %arg8[%add3A_481, %dma_wait3A_485] : memref<80x128xi32, #tpu.memory_space<vmem>> -> memref<1x128xi32, #tpu.memory_space<vmem>>
        %dma_wait3A_487 = tpu.memref_squeeze %dma_wait3A_486 : memref<1x128xi32, #tpu.memory_space<vmem>> -> memref<128xi32, #tpu.memory_space<vmem>>
        %dma_wait3A_488 = arith.constant 0 : i32
        %dma_wait3A_489 = arith.constant 0 : i32
        %dma_wait3A_490 = tpu.memref_slice %arg11[%dma_wait3A_488, %dma_wait3A_489] : memref<10240x48xf32, #tpu.memory_space<vmem_shared>> -> memref<10240x48xf32, #tpu.memory_space<vmem_shared>>
        tpu.wait_indirect_dma semaphore(%arg16 : memref<!tpu.dma_semaphore, #tpu.memory_space<semaphore_mem>>) src(%dma_wait3A_484 : memref<128x48xf32, #tpu.memory_space<vmem>>) dst(%dma_wait3A_490 : memref<10240x48xf32, #tpu.memory_space<vmem_shared>>)
        %mul3A_491 = arith.constant 4 : i32
        %mul3A_492 = arith.muli %sub3A_451, %mul3A_491 : i32
        %add3A_493 = arith.constant 3 : i32
        %add3A_494 = arith.addi %mul3A_492, %add3A_493 : i32
        %dma_wait3A_495 = arith.constant 384 : i32
        %dma_wait3A_496 = arith.constant 0 : i32
        %dma_wait3A_497 = tpu.memref_slice %arg10[%dma_wait3A_495, %dma_wait3A_496] : memref<512x48xf32, #tpu.memory_space<vmem>> -> memref<128x48xf32, #tpu.memory_space<vmem>>
        %dma_wait3A_498 = arith.constant 0 : i32
        %dma_wait3A_499 = tpu.memref_slice %arg8[%add3A_494, %dma_wait3A_498] : memref<80x128xi32, #tpu.memory_space<vmem>> -> memref<1x128xi32, #tpu.memory_space<vmem>>
        %dma_wait3A_500 = tpu.memref_squeeze %dma_wait3A_499 : memref<1x128xi32, #tpu.memory_space<vmem>> -> memref<128xi32, #tpu.memory_space<vmem>>
        %dma_wait3A_501 = arith.constant 0 : i32
        %dma_wait3A_502 = arith.constant 0 : i32
        %dma_wait3A_503 = tpu.memref_slice %arg11[%dma_wait3A_501, %dma_wait3A_502] : memref<10240x48xf32, #tpu.memory_space<vmem_shared>> -> memref<10240x48xf32, #tpu.memory_space<vmem_shared>>
        tpu.wait_indirect_dma semaphore(%arg16 : memref<!tpu.dma_semaphore, #tpu.memory_space<semaphore_mem>>) src(%dma_wait3A_497 : memref<128x48xf32, #tpu.memory_space<vmem>>) dst(%dma_wait3A_503 : memref<10240x48xf32, #tpu.memory_space<vmem_shared>>)
      } else {
      }
      %mul3A_238 = arith.constant 4 : i32
      %mul3A_239 = arith.muli %add3A_131, %mul3A_238 : i32
      %add3A_240 = arith.constant 0 : i32
      %add3A_241 = arith.addi %mul3A_239, %add3A_240 : i32
      %dma_start3A_242 = arith.constant 0 : i32
      %dma_start3A_243 = arith.constant 0 : i32
      %dma_start3A_244 = tpu.memref_slice %arg10[%dma_start3A_242, %dma_start3A_243] : memref<512x48xf32, #tpu.memory_space<vmem>> -> memref<128x48xf32, #tpu.memory_space<vmem>>
      %dma_start3A_245 = arith.constant 0 : i32
      %dma_start3A_246 = tpu.memref_slice %arg7[%add3A_241, %dma_start3A_245] : memref<80x128xi32, #tpu.memory_space<vmem>> -> memref<1x128xi32, #tpu.memory_space<vmem>>
      %dma_start3A_247 = tpu.memref_squeeze %dma_start3A_246 : memref<1x128xi32, #tpu.memory_space<vmem>> -> memref<128xi32, #tpu.memory_space<vmem>>
      %dma_start3A_248 = arith.constant 0 : i32
      %dma_start3A_249 = arith.constant 0 : i32
      %dma_start3A_250 = tpu.memref_slice %arg12[%dma_start3A_248, %dma_start3A_249] : memref<10240x48xf32, #tpu.memory_space<vmem_shared>> -> memref<10240x48xf32, #tpu.memory_space<vmem_shared>>
      tpu.enqueue_indirect_dma source(%dma_start3A_250 : memref<10240x48xf32, #tpu.memory_space<vmem_shared>>) target(%dma_start3A_244 : memref<128x48xf32, #tpu.memory_space<vmem>>) offsets(%dma_start3A_247 : memref<128xi32, #tpu.memory_space<vmem>>) semaphore(%arg14 : memref<!tpu.dma_semaphore, #tpu.memory_space<semaphore_mem>>)
      %mul3A_251 = arith.constant 4 : i32
      %mul3A_252 = arith.muli %add3A_131, %mul3A_251 : i32
      %add3A_253 = arith.constant 1 : i32
      %add3A_254 = arith.addi %mul3A_252, %add3A_253 : i32
      %dma_start3A_255 = arith.constant 128 : i32
      %dma_start3A_256 = arith.constant 0 : i32
      %dma_start3A_257 = tpu.memref_slice %arg10[%dma_start3A_255, %dma_start3A_256] : memref<512x48xf32, #tpu.memory_space<vmem>> -> memref<128x48xf32, #tpu.memory_space<vmem>>
      %dma_start3A_258 = arith.constant 0 : i32
      %dma_start3A_259 = tpu.memref_slice %arg7[%add3A_254, %dma_start3A_258] : memref<80x128xi32, #tpu.memory_space<vmem>> -> memref<1x128xi32, #tpu.memory_space<vmem>>
      %dma_start3A_260 = tpu.memref_squeeze %dma_start3A_259 : memref<1x128xi32, #tpu.memory_space<vmem>> -> memref<128xi32, #tpu.memory_space<vmem>>
      %dma_start3A_261 = arith.constant 0 : i32
      %dma_start3A_262 = arith.constant 0 : i32
      %dma_start3A_263 = tpu.memref_slice %arg12[%dma_start3A_261, %dma_start3A_262] : memref<10240x48xf32, #tpu.memory_space<vmem_shared>> -> memref<10240x48xf32, #tpu.memory_space<vmem_shared>>
      tpu.enqueue_indirect_dma source(%dma_start3A_263 : memref<10240x48xf32, #tpu.memory_space<vmem_shared>>) target(%dma_start3A_257 : memref<128x48xf32, #tpu.memory_space<vmem>>) offsets(%dma_start3A_260 : memref<128xi32, #tpu.memory_space<vmem>>) semaphore(%arg14 : memref<!tpu.dma_semaphore, #tpu.memory_space<semaphore_mem>>)
      %mul3A_264 = arith.constant 4 : i32
      %mul3A_265 = arith.muli %add3A_131, %mul3A_264 : i32
      %add3A_266 = arith.constant 2 : i32
      %add3A_267 = arith.addi %mul3A_265, %add3A_266 : i32
      %dma_start3A_268 = arith.constant 256 : i32
      %dma_start3A_269 = arith.constant 0 : i32
      %dma_start3A_270 = tpu.memref_slice %arg10[%dma_start3A_268, %dma_start3A_269] : memref<512x48xf32, #tpu.memory_space<vmem>> -> memref<128x48xf32, #tpu.memory_space<vmem>>
      %dma_start3A_271 = arith.constant 0 : i32
      %dma_start3A_272 = tpu.memref_slice %arg7[%add3A_267, %dma_start3A_271] : memref<80x128xi32, #tpu.memory_space<vmem>> -> memref<1x128xi32, #tpu.memory_space<vmem>>
      %dma_start3A_273 = tpu.memref_squeeze %dma_start3A_272 : memref<1x128xi32, #tpu.memory_space<vmem>> -> memref<128xi32, #tpu.memory_space<vmem>>
      %dma_start3A_274 = arith.constant 0 : i32
      %dma_start3A_275 = arith.constant 0 : i32
      %dma_start3A_276 = tpu.memref_slice %arg12[%dma_start3A_274, %dma_start3A_275] : memref<10240x48xf32, #tpu.memory_space<vmem_shared>> -> memref<10240x48xf32, #tpu.memory_space<vmem_shared>>
      tpu.enqueue_indirect_dma source(%dma_start3A_276 : memref<10240x48xf32, #tpu.memory_space<vmem_shared>>) target(%dma_start3A_270 : memref<128x48xf32, #tpu.memory_space<vmem>>) offsets(%dma_start3A_273 : memref<128xi32, #tpu.memory_space<vmem>>) semaphore(%arg14 : memref<!tpu.dma_semaphore, #tpu.memory_space<semaphore_mem>>)
      %mul3A_277 = arith.constant 4 : i32
      %mul3A_278 = arith.muli %add3A_131, %mul3A_277 : i32
      %add3A_279 = arith.constant 3 : i32
      %add3A_280 = arith.addi %mul3A_278, %add3A_279 : i32
      %dma_start3A_281 = arith.constant 384 : i32
      %dma_start3A_282 = arith.constant 0 : i32
      %dma_start3A_283 = tpu.memref_slice %arg10[%dma_start3A_281, %dma_start3A_282] : memref<512x48xf32, #tpu.memory_space<vmem>> -> memref<128x48xf32, #tpu.memory_space<vmem>>
      %dma_start3A_284 = arith.constant 0 : i32
      %dma_start3A_285 = tpu.memref_slice %arg7[%add3A_280, %dma_start3A_284] : memref<80x128xi32, #tpu.memory_space<vmem>> -> memref<1x128xi32, #tpu.memory_space<vmem>>
      %dma_start3A_286 = tpu.memref_squeeze %dma_start3A_285 : memref<1x128xi32, #tpu.memory_space<vmem>> -> memref<128xi32, #tpu.memory_space<vmem>>
      %dma_start3A_287 = arith.constant 0 : i32
      %dma_start3A_288 = arith.constant 0 : i32
      %dma_start3A_289 = tpu.memref_slice %arg12[%dma_start3A_287, %dma_start3A_288] : memref<10240x48xf32, #tpu.memory_space<vmem_shared>> -> memref<10240x48xf32, #tpu.memory_space<vmem_shared>>
      tpu.enqueue_indirect_dma source(%dma_start3A_289 : memref<10240x48xf32, #tpu.memory_space<vmem_shared>>) target(%dma_start3A_283 : memref<128x48xf32, #tpu.memory_space<vmem>>) offsets(%dma_start3A_286 : memref<128xi32, #tpu.memory_space<vmem>>) semaphore(%arg14 : memref<!tpu.dma_semaphore, #tpu.memory_space<semaphore_mem>>)
      %mul3A_290 = arith.constant 4 : i32
      %mul3A_291 = arith.muli %add3A_131, %mul3A_290 : i32
      %add3A_292 = arith.constant 0 : i32
      %add3A_293 = arith.addi %mul3A_291, %add3A_292 : i32
      %dma_wait3A_294 = arith.constant 0 : i32
      %dma_wait3A_295 = arith.constant 0 : i32
      %dma_wait3A_296 = tpu.memref_slice %arg10[%dma_wait3A_294, %dma_wait3A_295] : memref<512x48xf32, #tpu.memory_space<vmem>> -> memref<128x48xf32, #tpu.memory_space<vmem>>
      %dma_wait3A_297 = arith.constant 0 : i32
      %dma_wait3A_298 = tpu.memref_slice %arg7[%add3A_293, %dma_wait3A_297] : memref<80x128xi32, #tpu.memory_space<vmem>> -> memref<1x128xi32, #tpu.memory_space<vmem>>
      %dma_wait3A_299 = tpu.memref_squeeze %dma_wait3A_298 : memref<1x128xi32, #tpu.memory_space<vmem>> -> memref<128xi32, #tpu.memory_space<vmem>>
      %dma_wait3A_300 = arith.constant 0 : i32
      %dma_wait3A_301 = arith.constant 0 : i32
      %dma_wait3A_302 = tpu.memref_slice %arg12[%dma_wait3A_300, %dma_wait3A_301] : memref<10240x48xf32, #tpu.memory_space<vmem_shared>> -> memref<10240x48xf32, #tpu.memory_space<vmem_shared>>
      tpu.wait_indirect_dma semaphore(%arg14 : memref<!tpu.dma_semaphore, #tpu.memory_space<semaphore_mem>>) src(%dma_wait3A_302 : memref<10240x48xf32, #tpu.memory_space<vmem_shared>>) dst(%dma_wait3A_296 : memref<128x48xf32, #tpu.memory_space<vmem>>)
      %mul3A_303 = arith.constant 4 : i32
      %mul3A_304 = arith.muli %add3A_131, %mul3A_303 : i32
      %add3A_305 = arith.constant 1 : i32
      %add3A_306 = arith.addi %mul3A_304, %add3A_305 : i32
      %dma_wait3A_307 = arith.constant 128 : i32
      %dma_wait3A_308 = arith.constant 0 : i32
      %dma_wait3A_309 = tpu.memref_slice %arg10[%dma_wait3A_307, %dma_wait3A_308] : memref<512x48xf32, #tpu.memory_space<vmem>> -> memref<128x48xf32, #tpu.memory_space<vmem>>
      %dma_wait3A_310 = arith.constant 0 : i32
      %dma_wait3A_311 = tpu.memref_slice %arg7[%add3A_306, %dma_wait3A_310] : memref<80x128xi32, #tpu.memory_space<vmem>> -> memref<1x128xi32, #tpu.memory_space<vmem>>
      %dma_wait3A_312 = tpu.memref_squeeze %dma_wait3A_311 : memref<1x128xi32, #tpu.memory_space<vmem>> -> memref<128xi32, #tpu.memory_space<vmem>>
      %dma_wait3A_313 = arith.constant 0 : i32
      %dma_wait3A_314 = arith.constant 0 : i32
      %dma_wait3A_315 = tpu.memref_slice %arg12[%dma_wait3A_313, %dma_wait3A_314] : memref<10240x48xf32, #tpu.memory_space<vmem_shared>> -> memref<10240x48xf32, #tpu.memory_space<vmem_shared>>
      tpu.wait_indirect_dma semaphore(%arg14 : memref<!tpu.dma_semaphore, #tpu.memory_space<semaphore_mem>>) src(%dma_wait3A_315 : memref<10240x48xf32, #tpu.memory_space<vmem_shared>>) dst(%dma_wait3A_309 : memref<128x48xf32, #tpu.memory_space<vmem>>)
      %mul3A_316 = arith.constant 4 : i32
      %mul3A_317 = arith.muli %add3A_131, %mul3A_316 : i32
      %add3A_318 = arith.constant 2 : i32
      %add3A_319 = arith.addi %mul3A_317, %add3A_318 : i32
      %dma_wait3A_320 = arith.constant 256 : i32
      %dma_wait3A_321 = arith.constant 0 : i32
      %dma_wait3A_322 = tpu.memref_slice %arg10[%dma_wait3A_320, %dma_wait3A_321] : memref<512x48xf32, #tpu.memory_space<vmem>> -> memref<128x48xf32, #tpu.memory_space<vmem>>
      %dma_wait3A_323 = arith.constant 0 : i32
      %dma_wait3A_324 = tpu.memref_slice %arg7[%add3A_319, %dma_wait3A_323] : memref<80x128xi32, #tpu.memory_space<vmem>> -> memref<1x128xi32, #tpu.memory_space<vmem>>
      %dma_wait3A_325 = tpu.memref_squeeze %dma_wait3A_324 : memref<1x128xi32, #tpu.memory_space<vmem>> -> memref<128xi32, #tpu.memory_space<vmem>>
      %dma_wait3A_326 = arith.constant 0 : i32
      %dma_wait3A_327 = arith.constant 0 : i32
      %dma_wait3A_328 = tpu.memref_slice %arg12[%dma_wait3A_326, %dma_wait3A_327] : memref<10240x48xf32, #tpu.memory_space<vmem_shared>> -> memref<10240x48xf32, #tpu.memory_space<vmem_shared>>
      tpu.wait_indirect_dma semaphore(%arg14 : memref<!tpu.dma_semaphore, #tpu.memory_space<semaphore_mem>>) src(%dma_wait3A_328 : memref<10240x48xf32, #tpu.memory_space<vmem_shared>>) dst(%dma_wait3A_322 : memref<128x48xf32, #tpu.memory_space<vmem>>)
      %mul3A_329 = arith.constant 4 : i32
      %mul3A_330 = arith.muli %add3A_131, %mul3A_329 : i32
      %add3A_331 = arith.constant 3 : i32
      %add3A_332 = arith.addi %mul3A_330, %add3A_331 : i32
      %dma_wait3A_333 = arith.constant 384 : i32
      %dma_wait3A_334 = arith.constant 0 : i32
      %dma_wait3A_335 = tpu.memref_slice %arg10[%dma_wait3A_333, %dma_wait3A_334] : memref<512x48xf32, #tpu.memory_space<vmem>> -> memref<128x48xf32, #tpu.memory_space<vmem>>
      %dma_wait3A_336 = arith.constant 0 : i32
      %dma_wait3A_337 = tpu.memref_slice %arg7[%add3A_332, %dma_wait3A_336] : memref<80x128xi32, #tpu.memory_space<vmem>> -> memref<1x128xi32, #tpu.memory_space<vmem>>
      %dma_wait3A_338 = tpu.memref_squeeze %dma_wait3A_337 : memref<1x128xi32, #tpu.memory_space<vmem>> -> memref<128xi32, #tpu.memory_space<vmem>>
      %dma_wait3A_339 = arith.constant 0 : i32
      %dma_wait3A_340 = arith.constant 0 : i32
      %dma_wait3A_341 = tpu.memref_slice %arg12[%dma_wait3A_339, %dma_wait3A_340] : memref<10240x48xf32, #tpu.memory_space<vmem_shared>> -> memref<10240x48xf32, #tpu.memory_space<vmem_shared>>
      tpu.wait_indirect_dma semaphore(%arg14 : memref<!tpu.dma_semaphore, #tpu.memory_space<semaphore_mem>>) src(%dma_wait3A_341 : memref<10240x48xf32, #tpu.memory_space<vmem_shared>>) dst(%dma_wait3A_335 : memref<128x48xf32, #tpu.memory_space<vmem>>)
      %mul3A_342 = arith.constant 4 : i32
      %mul3A_343 = arith.muli %add3A_131, %mul3A_342 : i32
      %add3A_344 = arith.constant 0 : i32
      %add3A_345 = arith.addi %mul3A_343, %add3A_344 : i32
      %dma_start3A_346 = arith.constant 0 : i32
      %dma_start3A_347 = arith.constant 0 : i32
      %dma_start3A_348 = tpu.memref_slice %arg10[%dma_start3A_346, %dma_start3A_347] : memref<512x48xf32, #tpu.memory_space<vmem>> -> memref<128x48xf32, #tpu.memory_space<vmem>>
      %dma_start3A_349 = arith.constant 0 : i32
      %dma_start3A_350 = tpu.memref_slice %arg8[%add3A_345, %dma_start3A_349] : memref<80x128xi32, #tpu.memory_space<vmem>> -> memref<1x128xi32, #tpu.memory_space<vmem>>
      %dma_start3A_351 = tpu.memref_squeeze %dma_start3A_350 : memref<1x128xi32, #tpu.memory_space<vmem>> -> memref<128xi32, #tpu.memory_space<vmem>>
      %dma_start3A_352 = arith.constant 0 : i32
      %dma_start3A_353 = arith.constant 0 : i32
      %dma_start3A_354 = tpu.memref_slice %arg11[%dma_start3A_352, %dma_start3A_353] : memref<10240x48xf32, #tpu.memory_space<vmem_shared>> -> memref<10240x48xf32, #tpu.memory_space<vmem_shared>>
      tpu.enqueue_indirect_dma source(%dma_start3A_348 : memref<128x48xf32, #tpu.memory_space<vmem>>) target(%dma_start3A_354 : memref<10240x48xf32, #tpu.memory_space<vmem_shared>>) offsets(%dma_start3A_351 : memref<128xi32, #tpu.memory_space<vmem>>) semaphore(%arg16 : memref<!tpu.dma_semaphore, #tpu.memory_space<semaphore_mem>>) {add = true}
      %mul3A_355 = arith.constant 4 : i32
      %mul3A_356 = arith.muli %add3A_131, %mul3A_355 : i32
      %add3A_357 = arith.constant 1 : i32
      %add3A_358 = arith.addi %mul3A_356, %add3A_357 : i32
      %dma_start3A_359 = arith.constant 128 : i32
      %dma_start3A_360 = arith.constant 0 : i32
      %dma_start3A_361 = tpu.memref_slice %arg10[%dma_start3A_359, %dma_start3A_360] : memref<512x48xf32, #tpu.memory_space<vmem>> -> memref<128x48xf32, #tpu.memory_space<vmem>>
      %dma_start3A_362 = arith.constant 0 : i32
      %dma_start3A_363 = tpu.memref_slice %arg8[%add3A_358, %dma_start3A_362] : memref<80x128xi32, #tpu.memory_space<vmem>> -> memref<1x128xi32, #tpu.memory_space<vmem>>
      %dma_start3A_364 = tpu.memref_squeeze %dma_start3A_363 : memref<1x128xi32, #tpu.memory_space<vmem>> -> memref<128xi32, #tpu.memory_space<vmem>>
      %dma_start3A_365 = arith.constant 0 : i32
      %dma_start3A_366 = arith.constant 0 : i32
      %dma_start3A_367 = tpu.memref_slice %arg11[%dma_start3A_365, %dma_start3A_366] : memref<10240x48xf32, #tpu.memory_space<vmem_shared>> -> memref<10240x48xf32, #tpu.memory_space<vmem_shared>>
      tpu.enqueue_indirect_dma source(%dma_start3A_361 : memref<128x48xf32, #tpu.memory_space<vmem>>) target(%dma_start3A_367 : memref<10240x48xf32, #tpu.memory_space<vmem_shared>>) offsets(%dma_start3A_364 : memref<128xi32, #tpu.memory_space<vmem>>) semaphore(%arg16 : memref<!tpu.dma_semaphore, #tpu.memory_space<semaphore_mem>>) {add = true}
      %mul3A_368 = arith.constant 4 : i32
      %mul3A_369 = arith.muli %add3A_131, %mul3A_368 : i32
      %add3A_370 = arith.constant 2 : i32
      %add3A_371 = arith.addi %mul3A_369, %add3A_370 : i32
      %dma_start3A_372 = arith.constant 256 : i32
      %dma_start3A_373 = arith.constant 0 : i32
      %dma_start3A_374 = tpu.memref_slice %arg10[%dma_start3A_372, %dma_start3A_373] : memref<512x48xf32, #tpu.memory_space<vmem>> -> memref<128x48xf32, #tpu.memory_space<vmem>>
      %dma_start3A_375 = arith.constant 0 : i32
      %dma_start3A_376 = tpu.memref_slice %arg8[%add3A_371, %dma_start3A_375] : memref<80x128xi32, #tpu.memory_space<vmem>> -> memref<1x128xi32, #tpu.memory_space<vmem>>
      %dma_start3A_377 = tpu.memref_squeeze %dma_start3A_376 : memref<1x128xi32, #tpu.memory_space<vmem>> -> memref<128xi32, #tpu.memory_space<vmem>>
      %dma_start3A_378 = arith.constant 0 : i32
      %dma_start3A_379 = arith.constant 0 : i32
      %dma_start3A_380 = tpu.memref_slice %arg11[%dma_start3A_378, %dma_start3A_379] : memref<10240x48xf32, #tpu.memory_space<vmem_shared>> -> memref<10240x48xf32, #tpu.memory_space<vmem_shared>>
      tpu.enqueue_indirect_dma source(%dma_start3A_374 : memref<128x48xf32, #tpu.memory_space<vmem>>) target(%dma_start3A_380 : memref<10240x48xf32, #tpu.memory_space<vmem_shared>>) offsets(%dma_start3A_377 : memref<128xi32, #tpu.memory_space<vmem>>) semaphore(%arg16 : memref<!tpu.dma_semaphore, #tpu.memory_space<semaphore_mem>>) {add = true}
      %mul3A_381 = arith.constant 4 : i32
      %mul3A_382 = arith.muli %add3A_131, %mul3A_381 : i32
      %add3A_383 = arith.constant 3 : i32
      %add3A_384 = arith.addi %mul3A_382, %add3A_383 : i32
      %dma_start3A_385 = arith.constant 384 : i32
      %dma_start3A_386 = arith.constant 0 : i32
      %dma_start3A_387 = tpu.memref_slice %arg10[%dma_start3A_385, %dma_start3A_386] : memref<512x48xf32, #tpu.memory_space<vmem>> -> memref<128x48xf32, #tpu.memory_space<vmem>>
      %dma_start3A_388 = arith.constant 0 : i32
      %dma_start3A_389 = tpu.memref_slice %arg8[%add3A_384, %dma_start3A_388] : memref<80x128xi32, #tpu.memory_space<vmem>> -> memref<1x128xi32, #tpu.memory_space<vmem>>
      %dma_start3A_390 = tpu.memref_squeeze %dma_start3A_389 : memref<1x128xi32, #tpu.memory_space<vmem>> -> memref<128xi32, #tpu.memory_space<vmem>>
      %dma_start3A_391 = arith.constant 0 : i32
      %dma_start3A_392 = arith.constant 0 : i32
      %dma_start3A_393 = tpu.memref_slice %arg11[%dma_start3A_391, %dma_start3A_392] : memref<10240x48xf32, #tpu.memory_space<vmem_shared>> -> memref<10240x48xf32, #tpu.memory_space<vmem_shared>>
      tpu.enqueue_indirect_dma source(%dma_start3A_387 : memref<128x48xf32, #tpu.memory_space<vmem>>) target(%dma_start3A_393 : memref<10240x48xf32, #tpu.memory_space<vmem_shared>>) offsets(%dma_start3A_390 : memref<128xi32, #tpu.memory_space<vmem>>) semaphore(%arg16 : memref<!tpu.dma_semaphore, #tpu.memory_space<semaphore_mem>>) {add = true}
      %mul3A_394 = arith.constant 4 : i32
      %mul3A_395 = arith.muli %mul3A_127, %mul3A_394 : i32
      %add3A_396 = arith.constant 0 : i32
      %add3A_397 = arith.addi %mul3A_395, %add3A_396 : i32
      %dma_wait3A_398 = arith.constant 0 : i32
      %dma_wait3A_399 = arith.constant 0 : i32
      %dma_wait3A_400 = tpu.memref_slice %arg9[%dma_wait3A_398, %dma_wait3A_399] : memref<512x48xf32, #tpu.memory_space<vmem>> -> memref<128x48xf32, #tpu.memory_space<vmem>>
      %dma_wait3A_401 = arith.constant 0 : i32
      %dma_wait3A_402 = tpu.memref_slice %arg8[%add3A_397, %dma_wait3A_401] : memref<80x128xi32, #tpu.memory_space<vmem>> -> memref<1x128xi32, #tpu.memory_space<vmem>>
      %dma_wait3A_403 = tpu.memref_squeeze %dma_wait3A_402 : memref<1x128xi32, #tpu.memory_space<vmem>> -> memref<128xi32, #tpu.memory_space<vmem>>
      %dma_wait3A_404 = arith.constant 0 : i32
      %dma_wait3A_405 = arith.constant 0 : i32
      %dma_wait3A_406 = tpu.memref_slice %arg11[%dma_wait3A_404, %dma_wait3A_405] : memref<10240x48xf32, #tpu.memory_space<vmem_shared>> -> memref<10240x48xf32, #tpu.memory_space<vmem_shared>>
      tpu.wait_indirect_dma semaphore(%arg15 : memref<!tpu.dma_semaphore, #tpu.memory_space<semaphore_mem>>) src(%dma_wait3A_400 : memref<128x48xf32, #tpu.memory_space<vmem>>) dst(%dma_wait3A_406 : memref<10240x48xf32, #tpu.memory_space<vmem_shared>>)
      %mul3A_407 = arith.constant 4 : i32
      %mul3A_408 = arith.muli %mul3A_127, %mul3A_407 : i32
      %add3A_409 = arith.constant 1 : i32
      %add3A_410 = arith.addi %mul3A_408, %add3A_409 : i32
      %dma_wait3A_411 = arith.constant 128 : i32
      %dma_wait3A_412 = arith.constant 0 : i32
      %dma_wait3A_413 = tpu.memref_slice %arg9[%dma_wait3A_411, %dma_wait3A_412] : memref<512x48xf32, #tpu.memory_space<vmem>> -> memref<128x48xf32, #tpu.memory_space<vmem>>
      %dma_wait3A_414 = arith.constant 0 : i32
      %dma_wait3A_415 = tpu.memref_slice %arg8[%add3A_410, %dma_wait3A_414] : memref<80x128xi32, #tpu.memory_space<vmem>> -> memref<1x128xi32, #tpu.memory_space<vmem>>
      %dma_wait3A_416 = tpu.memref_squeeze %dma_wait3A_415 : memref<1x128xi32, #tpu.memory_space<vmem>> -> memref<128xi32, #tpu.memory_space<vmem>>
      %dma_wait3A_417 = arith.constant 0 : i32
      %dma_wait3A_418 = arith.constant 0 : i32
      %dma_wait3A_419 = tpu.memref_slice %arg11[%dma_wait3A_417, %dma_wait3A_418] : memref<10240x48xf32, #tpu.memory_space<vmem_shared>> -> memref<10240x48xf32, #tpu.memory_space<vmem_shared>>
      tpu.wait_indirect_dma semaphore(%arg15 : memref<!tpu.dma_semaphore, #tpu.memory_space<semaphore_mem>>) src(%dma_wait3A_413 : memref<128x48xf32, #tpu.memory_space<vmem>>) dst(%dma_wait3A_419 : memref<10240x48xf32, #tpu.memory_space<vmem_shared>>)
      %mul3A_420 = arith.constant 4 : i32
      %mul3A_421 = arith.muli %mul3A_127, %mul3A_420 : i32
      %add3A_422 = arith.constant 2 : i32
      %add3A_423 = arith.addi %mul3A_421, %add3A_422 : i32
      %dma_wait3A_424 = arith.constant 256 : i32
      %dma_wait3A_425 = arith.constant 0 : i32
      %dma_wait3A_426 = tpu.memref_slice %arg9[%dma_wait3A_424, %dma_wait3A_425] : memref<512x48xf32, #tpu.memory_space<vmem>> -> memref<128x48xf32, #tpu.memory_space<vmem>>
      %dma_wait3A_427 = arith.constant 0 : i32
      %dma_wait3A_428 = tpu.memref_slice %arg8[%add3A_423, %dma_wait3A_427] : memref<80x128xi32, #tpu.memory_space<vmem>> -> memref<1x128xi32, #tpu.memory_space<vmem>>
      %dma_wait3A_429 = tpu.memref_squeeze %dma_wait3A_428 : memref<1x128xi32, #tpu.memory_space<vmem>> -> memref<128xi32, #tpu.memory_space<vmem>>
      %dma_wait3A_430 = arith.constant 0 : i32
      %dma_wait3A_431 = arith.constant 0 : i32
      %dma_wait3A_432 = tpu.memref_slice %arg11[%dma_wait3A_430, %dma_wait3A_431] : memref<10240x48xf32, #tpu.memory_space<vmem_shared>> -> memref<10240x48xf32, #tpu.memory_space<vmem_shared>>
      tpu.wait_indirect_dma semaphore(%arg15 : memref<!tpu.dma_semaphore, #tpu.memory_space<semaphore_mem>>) src(%dma_wait3A_426 : memref<128x48xf32, #tpu.memory_space<vmem>>) dst(%dma_wait3A_432 : memref<10240x48xf32, #tpu.memory_space<vmem_shared>>)
      %mul3A_433 = arith.constant 4 : i32
      %mul3A_434 = arith.muli %mul3A_127, %mul3A_433 : i32
      %add3A_435 = arith.constant 3 : i32
      %add3A_436 = arith.addi %mul3A_434, %add3A_435 : i32
      %dma_wait3A_437 = arith.constant 384 : i32
      %dma_wait3A_438 = arith.constant 0 : i32
      %dma_wait3A_439 = tpu.memref_slice %arg9[%dma_wait3A_437, %dma_wait3A_438] : memref<512x48xf32, #tpu.memory_space<vmem>> -> memref<128x48xf32, #tpu.memory_space<vmem>>
      %dma_wait3A_440 = arith.constant 0 : i32
      %dma_wait3A_441 = tpu.memref_slice %arg8[%add3A_436, %dma_wait3A_440] : memref<80x128xi32, #tpu.memory_space<vmem>> -> memref<1x128xi32, #tpu.memory_space<vmem>>
      %dma_wait3A_442 = tpu.memref_squeeze %dma_wait3A_441 : memref<1x128xi32, #tpu.memory_space<vmem>> -> memref<128xi32, #tpu.memory_space<vmem>>
      %dma_wait3A_443 = arith.constant 0 : i32
      %dma_wait3A_444 = arith.constant 0 : i32
      %dma_wait3A_445 = tpu.memref_slice %arg11[%dma_wait3A_443, %dma_wait3A_444] : memref<10240x48xf32, #tpu.memory_space<vmem_shared>> -> memref<10240x48xf32, #tpu.memory_space<vmem_shared>>
      tpu.wait_indirect_dma semaphore(%arg15 : memref<!tpu.dma_semaphore, #tpu.memory_space<semaphore_mem>>) src(%dma_wait3A_439 : memref<128x48xf32, #tpu.memory_space<vmem>>) dst(%dma_wait3A_445 : memref<10240x48xf32, #tpu.memory_space<vmem_shared>>)
      %le3A = arith.constant 8 : i32
      %le3A_446 = arith.cmpi sle, %scan3A_124, %le3A : i32
      %convert_element_type3A_447 = arith.extui %le3A_446 : i1 to i32
      %cond3A_448 = arith.constant 0 : i32
      %cond3A_449 = arith.cmpi ne, %convert_element_type3A_447, %cond3A_448 : i32
      scf.if %cond3A_449 {
        %add3A_451 = arith.constant 2 : i32
        %add3A_452 = arith.addi %mul3A_127, %add3A_451 : i32
        %mul3A_453 = arith.constant 4 : i32
        %mul3A_454 = arith.muli %add3A_452, %mul3A_453 : i32
        %add3A_455 = arith.constant 0 : i32
        %add3A_456 = arith.addi %mul3A_454, %add3A_455 : i32
        %dma_start3A_457 = arith.constant 0 : i32
        %dma_start3A_458 = arith.constant 0 : i32
        %dma_start3A_459 = tpu.memref_slice %arg9[%dma_start3A_457, %dma_start3A_458] : memref<512x48xf32, #tpu.memory_space<vmem>> -> memref<128x48xf32, #tpu.memory_space<vmem>>
        %dma_start3A_460 = arith.constant 0 : i32
        %dma_start3A_461 = tpu.memref_slice %arg7[%add3A_456, %dma_start3A_460] : memref<80x128xi32, #tpu.memory_space<vmem>> -> memref<1x128xi32, #tpu.memory_space<vmem>>
        %dma_start3A_462 = tpu.memref_squeeze %dma_start3A_461 : memref<1x128xi32, #tpu.memory_space<vmem>> -> memref<128xi32, #tpu.memory_space<vmem>>
        %dma_start3A_463 = arith.constant 0 : i32
        %dma_start3A_464 = arith.constant 0 : i32
        %dma_start3A_465 = tpu.memref_slice %arg12[%dma_start3A_463, %dma_start3A_464] : memref<10240x48xf32, #tpu.memory_space<vmem_shared>> -> memref<10240x48xf32, #tpu.memory_space<vmem_shared>>
        tpu.enqueue_indirect_dma source(%dma_start3A_465 : memref<10240x48xf32, #tpu.memory_space<vmem_shared>>) target(%dma_start3A_459 : memref<128x48xf32, #tpu.memory_space<vmem>>) offsets(%dma_start3A_462 : memref<128xi32, #tpu.memory_space<vmem>>) semaphore(%arg13 : memref<!tpu.dma_semaphore, #tpu.memory_space<semaphore_mem>>)
        %mul3A_466 = arith.constant 4 : i32
        %mul3A_467 = arith.muli %add3A_452, %mul3A_466 : i32
        %add3A_468 = arith.constant 1 : i32
        %add3A_469 = arith.addi %mul3A_467, %add3A_468 : i32
        %dma_start3A_470 = arith.constant 128 : i32
        %dma_start3A_471 = arith.constant 0 : i32
        %dma_start3A_472 = tpu.memref_slice %arg9[%dma_start3A_470, %dma_start3A_471] : memref<512x48xf32, #tpu.memory_space<vmem>> -> memref<128x48xf32, #tpu.memory_space<vmem>>
        %dma_start3A_473 = arith.constant 0 : i32
        %dma_start3A_474 = tpu.memref_slice %arg7[%add3A_469, %dma_start3A_473] : memref<80x128xi32, #tpu.memory_space<vmem>> -> memref<1x128xi32, #tpu.memory_space<vmem>>
        %dma_start3A_475 = tpu.memref_squeeze %dma_start3A_474 : memref<1x128xi32, #tpu.memory_space<vmem>> -> memref<128xi32, #tpu.memory_space<vmem>>
        %dma_start3A_476 = arith.constant 0 : i32
        %dma_start3A_477 = arith.constant 0 : i32
        %dma_start3A_478 = tpu.memref_slice %arg12[%dma_start3A_476, %dma_start3A_477] : memref<10240x48xf32, #tpu.memory_space<vmem_shared>> -> memref<10240x48xf32, #tpu.memory_space<vmem_shared>>
        tpu.enqueue_indirect_dma source(%dma_start3A_478 : memref<10240x48xf32, #tpu.memory_space<vmem_shared>>) target(%dma_start3A_472 : memref<128x48xf32, #tpu.memory_space<vmem>>) offsets(%dma_start3A_475 : memref<128xi32, #tpu.memory_space<vmem>>) semaphore(%arg13 : memref<!tpu.dma_semaphore, #tpu.memory_space<semaphore_mem>>)
        %mul3A_479 = arith.constant 4 : i32
        %mul3A_480 = arith.muli %add3A_452, %mul3A_479 : i32
        %add3A_481 = arith.constant 2 : i32
        %add3A_482 = arith.addi %mul3A_480, %add3A_481 : i32
        %dma_start3A_483 = arith.constant 256 : i32
        %dma_start3A_484 = arith.constant 0 : i32
        %dma_start3A_485 = tpu.memref_slice %arg9[%dma_start3A_483, %dma_start3A_484] : memref<512x48xf32, #tpu.memory_space<vmem>> -> memref<128x48xf32, #tpu.memory_space<vmem>>
        %dma_start3A_486 = arith.constant 0 : i32
        %dma_start3A_487 = tpu.memref_slice %arg7[%add3A_482, %dma_start3A_486] : memref<80x128xi32, #tpu.memory_space<vmem>> -> memref<1x128xi32, #tpu.memory_space<vmem>>
        %dma_start3A_488 = tpu.memref_squeeze %dma_start3A_487 : memref<1x128xi32, #tpu.memory_space<vmem>> -> memref<128xi32, #tpu.memory_space<vmem>>
        %dma_start3A_489 = arith.constant 0 : i32
        %dma_start3A_490 = arith.constant 0 : i32
        %dma_start3A_491 = tpu.memref_slice %arg12[%dma_start3A_489, %dma_start3A_490] : memref<10240x48xf32, #tpu.memory_space<vmem_shared>> -> memref<10240x48xf32, #tpu.memory_space<vmem_shared>>
        tpu.enqueue_indirect_dma source(%dma_start3A_491 : memref<10240x48xf32, #tpu.memory_space<vmem_shared>>) target(%dma_start3A_485 : memref<128x48xf32, #tpu.memory_space<vmem>>) offsets(%dma_start3A_488 : memref<128xi32, #tpu.memory_space<vmem>>) semaphore(%arg13 : memref<!tpu.dma_semaphore, #tpu.memory_space<semaphore_mem>>)
        %mul3A_492 = arith.constant 4 : i32
        %mul3A_493 = arith.muli %add3A_452, %mul3A_492 : i32
        %add3A_494 = arith.constant 3 : i32
        %add3A_495 = arith.addi %mul3A_493, %add3A_494 : i32
        %dma_start3A_496 = arith.constant 384 : i32
        %dma_start3A_497 = arith.constant 0 : i32
        %dma_start3A_498 = tpu.memref_slice %arg9[%dma_start3A_496, %dma_start3A_497] : memref<512x48xf32, #tpu.memory_space<vmem>> -> memref<128x48xf32, #tpu.memory_space<vmem>>
        %dma_start3A_499 = arith.constant 0 : i32
        %dma_start3A_500 = tpu.memref_slice %arg7[%add3A_495, %dma_start3A_499] : memref<80x128xi32, #tpu.memory_space<vmem>> -> memref<1x128xi32, #tpu.memory_space<vmem>>
        %dma_start3A_501 = tpu.memref_squeeze %dma_start3A_500 : memref<1x128xi32, #tpu.memory_space<vmem>> -> memref<128xi32, #tpu.memory_space<vmem>>
        %dma_start3A_502 = arith.constant 0 : i32
        %dma_start3A_503 = arith.constant 0 : i32
        %dma_start3A_504 = tpu.memref_slice %arg12[%dma_start3A_502, %dma_start3A_503] : memref<10240x48xf32, #tpu.memory_space<vmem_shared>> -> memref<10240x48xf32, #tpu.memory_space<vmem_shared>>
        tpu.enqueue_indirect_dma source(%dma_start3A_504 : memref<10240x48xf32, #tpu.memory_space<vmem_shared>>) target(%dma_start3A_498 : memref<128x48xf32, #tpu.memory_space<vmem>>) offsets(%dma_start3A_501 : memref<128xi32, #tpu.memory_space<vmem>>) semaphore(%arg13 : memref<!tpu.dma_semaphore, #tpu.memory_space<semaphore_mem>>)
      } else {
      }
      %scan3A_450 = arith.constant 0 : i32
      scf.yield %scan3A_450 : i32
    }
    %scan3A_80 = arith.constant 10 : i32
    %dma_wait3A_81 = arith.constant 76 : i32
    %dma_wait3A_82 = arith.constant 0 : i32
    %dma_wait3A_83 = arith.constant 0 : i32
    %dma_wait3A_84 = tpu.memref_slice %arg10[%dma_wait3A_82, %dma_wait3A_83] : memref<512x48xf32, #tpu.memory_space<vmem>> -> memref<128x48xf32, #tpu.memory_space<vmem>>
    %dma_wait3A_85 = arith.constant 0 : i32
    %dma_wait3A_86 = tpu.memref_slice %arg8[%dma_wait3A_81, %dma_wait3A_85] : memref<80x128xi32, #tpu.memory_space<vmem>> -> memref<1x128xi32, #tpu.memory_space<vmem>>
    %dma_wait3A_87 = tpu.memref_squeeze %dma_wait3A_86 : memref<1x128xi32, #tpu.memory_space<vmem>> -> memref<128xi32, #tpu.memory_space<vmem>>
    %dma_wait3A_88 = arith.constant 0 : i32
    %dma_wait3A_89 = arith.constant 0 : i32
    %dma_wait3A_90 = tpu.memref_slice %arg11[%dma_wait3A_88, %dma_wait3A_89] : memref<10240x48xf32, #tpu.memory_space<vmem_shared>> -> memref<10240x48xf32, #tpu.memory_space<vmem_shared>>
    tpu.wait_indirect_dma semaphore(%arg16 : memref<!tpu.dma_semaphore, #tpu.memory_space<semaphore_mem>>) src(%dma_wait3A_84 : memref<128x48xf32, #tpu.memory_space<vmem>>) dst(%dma_wait3A_90 : memref<10240x48xf32, #tpu.memory_space<vmem_shared>>)
    %dma_wait3A_91 = arith.constant 77 : i32
    %dma_wait3A_92 = arith.constant 128 : i32
    %dma_wait3A_93 = arith.constant 0 : i32
    %dma_wait3A_94 = tpu.memref_slice %arg10[%dma_wait3A_92, %dma_wait3A_93] : memref<512x48xf32, #tpu.memory_space<vmem>> -> memref<128x48xf32, #tpu.memory_space<vmem>>
    %dma_wait3A_95 = arith.constant 0 : i32
    %dma_wait3A_96 = tpu.memref_slice %arg8[%dma_wait3A_91, %dma_wait3A_95] : memref<80x128xi32, #tpu.memory_space<vmem>> -> memref<1x128xi32, #tpu.memory_space<vmem>>
    %dma_wait3A_97 = tpu.memref_squeeze %dma_wait3A_96 : memref<1x128xi32, #tpu.memory_space<vmem>> -> memref<128xi32, #tpu.memory_space<vmem>>
    %dma_wait3A_98 = arith.constant 0 : i32
    %dma_wait3A_99 = arith.constant 0 : i32
    %dma_wait3A_100 = tpu.memref_slice %arg11[%dma_wait3A_98, %dma_wait3A_99] : memref<10240x48xf32, #tpu.memory_space<vmem_shared>> -> memref<10240x48xf32, #tpu.memory_space<vmem_shared>>
    tpu.wait_indirect_dma semaphore(%arg16 : memref<!tpu.dma_semaphore, #tpu.memory_space<semaphore_mem>>) src(%dma_wait3A_94 : memref<128x48xf32, #tpu.memory_space<vmem>>) dst(%dma_wait3A_100 : memref<10240x48xf32, #tpu.memory_space<vmem_shared>>)
    %dma_wait3A_101 = arith.constant 78 : i32
    %dma_wait3A_102 = arith.constant 256 : i32
    %dma_wait3A_103 = arith.constant 0 : i32
    %dma_wait3A_104 = tpu.memref_slice %arg10[%dma_wait3A_102, %dma_wait3A_103] : memref<512x48xf32, #tpu.memory_space<vmem>> -> memref<128x48xf32, #tpu.memory_space<vmem>>
    %dma_wait3A_105 = arith.constant 0 : i32
    %dma_wait3A_106 = tpu.memref_slice %arg8[%dma_wait3A_101, %dma_wait3A_105] : memref<80x128xi32, #tpu.memory_space<vmem>> -> memref<1x128xi32, #tpu.memory_space<vmem>>
    %dma_wait3A_107 = tpu.memref_squeeze %dma_wait3A_106 : memref<1x128xi32, #tpu.memory_space<vmem>> -> memref<128xi32, #tpu.memory_space<vmem>>
    %dma_wait3A_108 = arith.constant 0 : i32
    %dma_wait3A_109 = arith.constant 0 : i32
    %dma_wait3A_110 = tpu.memref_slice %arg11[%dma_wait3A_108, %dma_wait3A_109] : memref<10240x48xf32, #tpu.memory_space<vmem_shared>> -> memref<10240x48xf32, #tpu.memory_space<vmem_shared>>
    tpu.wait_indirect_dma semaphore(%arg16 : memref<!tpu.dma_semaphore, #tpu.memory_space<semaphore_mem>>) src(%dma_wait3A_104 : memref<128x48xf32, #tpu.memory_space<vmem>>) dst(%dma_wait3A_110 : memref<10240x48xf32, #tpu.memory_space<vmem_shared>>)
    %dma_wait3A_111 = arith.constant 79 : i32
    %dma_wait3A_112 = arith.constant 384 : i32
    %dma_wait3A_113 = arith.constant 0 : i32
    %dma_wait3A_114 = tpu.memref_slice %arg10[%dma_wait3A_112, %dma_wait3A_113] : memref<512x48xf32, #tpu.memory_space<vmem>> -> memref<128x48xf32, #tpu.memory_space<vmem>>
    %dma_wait3A_115 = arith.constant 0 : i32
    %dma_wait3A_116 = tpu.memref_slice %arg8[%dma_wait3A_111, %dma_wait3A_115] : memref<80x128xi32, #tpu.memory_space<vmem>> -> memref<1x128xi32, #tpu.memory_space<vmem>>
    %dma_wait3A_117 = tpu.memref_squeeze %dma_wait3A_116 : memref<1x128xi32, #tpu.memory_space<vmem>> -> memref<128xi32, #tpu.memory_space<vmem>>
    %dma_wait3A_118 = arith.constant 0 : i32
    %dma_wait3A_119 = arith.constant 0 : i32
    %dma_wait3A_120 = tpu.memref_slice %arg11[%dma_wait3A_118, %dma_wait3A_119] : memref<10240x48xf32, #tpu.memory_space<vmem_shared>> -> memref<10240x48xf32, #tpu.memory_space<vmem_shared>>
    tpu.wait_indirect_dma semaphore(%arg16 : memref<!tpu.dma_semaphore, #tpu.memory_space<semaphore_mem>>) src(%dma_wait3A_114 : memref<128x48xf32, #tpu.memory_space<vmem>>) dst(%dma_wait3A_120 : memref<10240x48xf32, #tpu.memory_space<vmem_shared>>)
    %barrier3A_121 = arith.constant 0 : index
    tpu.barrier barrier_id(%barrier3A_121)
    %mul3A_122 = arith.constant 640 : i32
    %mul3A_123 = arith.muli %arg1, %mul3A_122 : i32
    "tpu.region"() ({
      %run_scoped3A = tpu.sem_alloc : memref<!tpu.dma_semaphore, #tpu.memory_space<semaphore_mem>>
      %dma_start3A_124 = arith.constant 0 : i32
      %dma_start3A_125 = tpu.memref_slice %arg6[%arg0, %mul3A_123, %dma_start3A_124] : memref<2x10240x48xf32, #tpu.memory_space<hbm>> -> memref<1x640x48xf32, #tpu.memory_space<hbm>>
      %dma_start3A_126 = tpu.memref_squeeze %dma_start3A_125 : memref<1x640x48xf32, #tpu.memory_space<hbm>> -> memref<640x48xf32, #tpu.memory_space<hbm>>
      %dma_start3A_127 = arith.constant 0 : i32
      %dma_start3A_128 = tpu.memref_slice %arg11[%mul3A_123, %dma_start3A_127] : memref<10240x48xf32, #tpu.memory_space<vmem_shared>> -> memref<640x48xf32, #tpu.memory_space<vmem_shared>>
      tpu.enqueue_dma source(%dma_start3A_128 : memref<640x48xf32, #tpu.memory_space<vmem_shared>>) target(%dma_start3A_126 : memref<640x48xf32, #tpu.memory_space<hbm>>) target_semaphore(%run_scoped3A : memref<!tpu.dma_semaphore, #tpu.memory_space<semaphore_mem>>)
      %dma_wait3A_129 = arith.constant 0 : i32
      %dma_wait3A_130 = tpu.memref_slice %arg6[%arg0, %mul3A_123, %dma_wait3A_129] : memref<2x10240x48xf32, #tpu.memory_space<hbm>> -> memref<1x640x48xf32, #tpu.memory_space<hbm>>
      %dma_wait3A_131 = tpu.memref_squeeze %dma_wait3A_130 : memref<1x640x48xf32, #tpu.memory_space<hbm>> -> memref<640x48xf32, #tpu.memory_space<hbm>>
      %dma_wait3A_132 = arith.constant 0 : i32
      %dma_wait3A_133 = tpu.memref_slice %arg11[%mul3A_123, %dma_wait3A_132] : memref<10240x48xf32, #tpu.memory_space<vmem_shared>> -> memref<640x48xf32, #tpu.memory_space<vmem_shared>>
      tpu.wait_dma2 semaphore(%run_scoped3A : memref<!tpu.dma_semaphore, #tpu.memory_space<semaphore_mem>>) src(%dma_wait3A_133 : memref<640x48xf32, #tpu.memory_space<vmem_shared>>) dst(%dma_wait3A_131 : memref<640x48xf32, #tpu.memory_space<hbm>>)
      tpu.yield
    }) : () -> ()
    return
  }
}

module attributes {stable_mosaic.version = 14 : i64} {
  func.func @_mm1_body(%arg0: i32, %arg1: memref<1024x128xf32, #tpu.memory_space<vmem>>, %arg2: memref<128x48xf32, #tpu.memory_space<vmem>>, %arg3: memref<1024x48xf32, #tpu.memory_space<vmem>>) attributes {dimension_semantics = [#tpu.dimension_semantics<arbitrary>], iteration_bounds = array<i64: 10>, scalar_prefetch = 0 : i64, scratch_operands = 0 : i64, tpu.core_type = #tpu.core_type<tc>, window_params = [{transform_indices = @transform_0, window_bounds = array<i64: 1024, 128>}, {pipeline_mode = #tpu.pipeline_mode<synchronous>, transform_indices = @transform_1, window_bounds = array<i64: 128, 48>}, {transform_indices = @transform_2, window_bounds = array<i64: 1024, 48>}]} {
    %get3A = arith.constant 0 : index
    %get3A_0 = arith.constant 0 : index
    %get3A_1 = vector.load %arg1[%get3A, %get3A_0] : memref<1024x128xf32, #tpu.memory_space<vmem>>, vector<1024x128xf32>
    %get3A_2 = arith.constant 0 : index
    %get3A_3 = arith.constant 0 : index
    %get3A_4 = vector.load %arg2[%get3A_2, %get3A_3] : memref<128x48xf32, #tpu.memory_space<vmem>>, vector<128x48xf32>
    %dot_general3A = arith.constant dense<0.000000e+00> : vector<1024x48xf32>
    %dot_general3A_5 = tpu.matmul %get3A_1, %get3A_4, %dot_general3A {dimension_numbers = #tpu.dot_dimension_numbers<[1], [0], [0], [1], [0, 0, 1, 1], [], []>, transpose_lhs_hint = false} : vector<1024x128xf32>, vector<128x48xf32>, vector<1024x48xf32> -> vector<1024x48xf32>
    %iota3A = tpu.iota {dimensions = array<i32: 1>} : vector<1024x48xi32>
    %eq3A = arith.constant 32 : i32
    %eq3A_6 = vector.broadcast %eq3A : i32 to vector<1024x48xi32>
    %eq3A_7 = arith.cmpi eq, %iota3A, %eq3A_6 : vector<1024x48xi32>
    %jit3A = arith.constant 1.000000e+00 : f32
    %jit3A_8 = arith.constant 0.000000e+00 : f32
    %broadcast_in_dim3A = vector.broadcast %jit3A : f32 to vector<1024x48xf32>
    %broadcast_in_dim3A_9 = vector.broadcast %jit3A_8 : f32 to vector<1024x48xf32>
    %select_n3A = arith.select %eq3A_7, %broadcast_in_dim3A, %broadcast_in_dim3A_9 : vector<1024x48xi1>, vector<1024x48xf32>
    %add3A = arith.addf %dot_general3A_5, %select_n3A : vector<1024x48xf32>
    %swap3A = arith.constant 0 : index
    %swap3A_10 = arith.constant 0 : index
    %swap3A_11 = vector.load %arg3[%swap3A, %swap3A_10] : memref<1024x48xf32, #tpu.memory_space<vmem>>, vector<1024x48xf32>
    tpu.vector_store %arg3[%swap3A, %swap3A_10], %add3A {strides = array<i32>} : memref<1024x48xf32, #tpu.memory_space<vmem>>, vector<1024x48xf32>,
    return
  }
  func.func @transform_0(%arg0: i32) -> (i32, i32) {
    %c0_i32 = arith.constant 0 : i32
    %c0_i32_0 = arith.constant 0 : i32
    return %arg0, %c0_i32 : i32, i32
  }
  func.func @transform_1(%arg0: i32) -> (i32, i32) {
    %c0_i32 = arith.constant 0 : i32
    %c0_i32_0 = arith.constant 0 : i32
    %c0_i32_1 = arith.constant 0 : i32
    return %c0_i32, %c0_i32_0 : i32, i32
  }
  func.func @transform_2(%arg0: i32) -> (i32, i32) {
    %c0_i32 = arith.constant 0 : i32
    %c0_i32_0 = arith.constant 0 : i32
    return %arg0, %c0_i32 : i32, i32
  }
}

module attributes {stable_mosaic.version = 14 : i64} {
  func.func @_scale1_body(%arg0: memref<2x10240x48xf32, #tpu.memory_space<vmem>>, %arg1: memref<10240x48xf32, #tpu.memory_space<vmem>>, %arg2: memref<10240x8xf32, #tpu.memory_space<vmem>>) attributes {dimension_semantics = [], scalar_prefetch = 0 : i64, scratch_operands = 0 : i64, tpu.core_type = #tpu.core_type<tc>} {
    %get3A = arith.constant 0 : index
    %get3A_0 = arith.constant 0 : index
    %get3A_1 = arith.constant 0 : index
    %get3A_2 = vector.load %arg0[%get3A, %get3A_0, %get3A_1] : memref<2x10240x48xf32, #tpu.memory_space<vmem>>, vector<1x10240x48xf32>
    %get3A_3 = vector.shape_cast %get3A_2 : vector<1x10240x48xf32> to vector<10240x48xf32>
    %get3A_4 = arith.constant 1 : index
    %get3A_5 = arith.constant 0 : index
    %get3A_6 = arith.constant 0 : index
    %get3A_7 = vector.load %arg0[%get3A_4, %get3A_5, %get3A_6] : memref<2x10240x48xf32, #tpu.memory_space<vmem>>, vector<1x10240x48xf32>
    %get3A_8 = vector.shape_cast %get3A_7 : vector<1x10240x48xf32> to vector<10240x48xf32>
    %add3A = arith.addf %get3A_3, %get3A_8 : vector<10240x48xf32>
    %slice3A = vector.extract_strided_slice %add3A {offsets = [0, 32], sizes = [10240, 1], strides = [1, 1]} : vector<10240x48xf32> to vector<10240x1xf32>
    %gt3A = arith.constant 0.000000e+00 : f32
    %gt3A_9 = vector.broadcast %gt3A : f32 to vector<10240x1xf32>
    %gt3A_10 = arith.cmpf ogt, %slice3A, %gt3A_9 : vector<10240x1xf32>
    %div3A = arith.constant 1.000000e+00 : f32
    %div3A_11 = vector.broadcast %div3A : f32 to vector<10240x1xf32>
    %div3A_12 = arith.divf %div3A_11, %slice3A : vector<10240x1xf32>
    %jit3A = arith.constant 0.000000e+00 : f32
    %broadcast_in_dim3A = vector.broadcast %jit3A : f32 to vector<10240x1xf32>
    %select_n3A = arith.select %gt3A_10, %div3A_12, %broadcast_in_dim3A : vector<10240x1xi1>, vector<10240x1xf32>
    %mul3A = vector.broadcast %select_n3A : vector<10240x1xf32> to vector<10240x48xf32>
    %mul3A_13 = arith.mulf %mul3A, %add3A : vector<10240x48xf32>
    %swap3A = arith.constant 0 : index
    %swap3A_14 = arith.constant 0 : index
    %swap3A_15 = vector.load %arg1[%swap3A, %swap3A_14] : memref<10240x48xf32, #tpu.memory_space<vmem>>, vector<10240x48xf32>
    tpu.vector_store %arg1[%swap3A, %swap3A_14], %mul3A_13 {strides = array<i32>} : memref<10240x48xf32, #tpu.memory_space<vmem>>, vector<10240x48xf32>,
    %broadcast_in_dim3A_16 = vector.shape_cast %select_n3A : vector<10240x1xf32> to vector<10240x1xf32>
    %broadcast_in_dim3A_17 = vector.broadcast %broadcast_in_dim3A_16 : vector<10240x1xf32> to vector<10240x8xf32>
    %swap3A_18 = arith.constant 0 : index
    %swap3A_19 = arith.constant 0 : index
    %swap3A_20 = vector.load %arg2[%swap3A_18, %swap3A_19] : memref<10240x8xf32, #tpu.memory_space<vmem>>, vector<10240x8xf32>
    tpu.vector_store %arg2[%swap3A_18, %swap3A_19], %broadcast_in_dim3A_17 {strides = array<i32>} : memref<10240x8xf32, #tpu.memory_space<vmem>>, vector<10240x8xf32>,
    return
  }
}

module attributes {stable_mosaic.version = 14 : i64} {
  func.func @_hidden_body(%arg0: memref<2x10240x48xf32, #tpu.memory_space<vmem>>, %arg1: memref<8x32xf32, #tpu.memory_space<vmem>>, %arg2: memref<32x48xf32, #tpu.memory_space<vmem>>, %arg3: memref<10240x48xf32, #tpu.memory_space<vmem>>, %arg4: memref<10240x8xf32, #tpu.memory_space<vmem>>) attributes {dimension_semantics = [], scalar_prefetch = 0 : i64, scratch_operands = 0 : i64, tpu.core_type = #tpu.core_type<tc>} {
    %get3A = arith.constant 0 : index
    %get3A_0 = arith.constant 0 : index
    %get3A_1 = arith.constant 0 : index
    %get3A_2 = vector.load %arg0[%get3A, %get3A_0, %get3A_1] : memref<2x10240x48xf32, #tpu.memory_space<vmem>>, vector<1x10240x48xf32>
    %get3A_3 = vector.shape_cast %get3A_2 : vector<1x10240x48xf32> to vector<10240x48xf32>
    %get3A_4 = arith.constant 1 : index
    %get3A_5 = arith.constant 0 : index
    %get3A_6 = arith.constant 0 : index
    %get3A_7 = vector.load %arg0[%get3A_4, %get3A_5, %get3A_6] : memref<2x10240x48xf32, #tpu.memory_space<vmem>>, vector<1x10240x48xf32>
    %get3A_8 = vector.shape_cast %get3A_7 : vector<1x10240x48xf32> to vector<10240x48xf32>
    %add3A = arith.addf %get3A_3, %get3A_8 : vector<10240x48xf32>
    %slice3A = vector.extract_strided_slice %add3A {offsets = [0, 32], sizes = [10240, 1], strides = [1, 1]} : vector<10240x48xf32> to vector<10240x1xf32>
    %gt3A = arith.constant 0.000000e+00 : f32
    %gt3A_9 = vector.broadcast %gt3A : f32 to vector<10240x1xf32>
    %gt3A_10 = arith.cmpf ogt, %slice3A, %gt3A_9 : vector<10240x1xf32>
    %div3A = arith.constant 1.000000e+00 : f32
    %div3A_11 = vector.broadcast %div3A : f32 to vector<10240x1xf32>
    %div3A_12 = arith.divf %div3A_11, %slice3A : vector<10240x1xf32>
    %jit3A = arith.constant 0.000000e+00 : f32
    %broadcast_in_dim3A = vector.broadcast %jit3A : f32 to vector<10240x1xf32>
    %select_n3A = arith.select %gt3A_10, %div3A_12, %broadcast_in_dim3A : vector<10240x1xi1>, vector<10240x1xf32>
    %slice3A_13 = vector.extract_strided_slice %add3A {offsets = [0, 0], sizes = [10240, 32], strides = [1, 1]} : vector<10240x48xf32> to vector<10240x32xf32>
    %mul3A = vector.broadcast %select_n3A : vector<10240x1xf32> to vector<10240x32xf32>
    %mul3A_14 = arith.mulf %mul3A, %slice3A_13 : vector<10240x32xf32>
    %get3A_15 = arith.constant 0 : index
    %get3A_16 = arith.constant 0 : index
    %get3A_17 = vector.load %arg1[%get3A_15, %get3A_16] : memref<8x32xf32, #tpu.memory_space<vmem>>, vector<1x32xf32>
    %add3A_18 = vector.broadcast %get3A_17 : vector<1x32xf32> to vector<10240x32xf32>
    %add3A_19 = arith.addf %mul3A_14, %add3A_18 : vector<10240x32xf32>
    %max3A = arith.constant 0.000000e+00 : f32
    %max3A_20 = vector.broadcast %max3A : f32 to vector<10240x32xf32>
    %max3A_21 = arith.maximumf %add3A_19, %max3A_20 : vector<10240x32xf32>
    %get3A_22 = arith.constant 0 : index
    %get3A_23 = arith.constant 0 : index
    %get3A_24 = vector.load %arg2[%get3A_22, %get3A_23] : memref<32x48xf32, #tpu.memory_space<vmem>>, vector<32x48xf32>
    %dot_general3A = arith.constant dense<0.000000e+00> : vector<10240x48xf32>
    %dot_general3A_25 = tpu.matmul %max3A_21, %get3A_24, %dot_general3A {dimension_numbers = #tpu.dot_dimension_numbers<[1], [0], [0], [1], [0, 0, 1, 1], [], []>, transpose_lhs_hint = false} : vector<10240x32xf32>, vector<32x48xf32>, vector<10240x48xf32> -> vector<10240x48xf32>
    %swap3A = arith.constant 0 : index
    %swap3A_26 = arith.constant 0 : index
    %swap3A_27 = vector.load %arg3[%swap3A, %swap3A_26] : memref<10240x48xf32, #tpu.memory_space<vmem>>, vector<10240x48xf32>
    tpu.vector_store %arg3[%swap3A, %swap3A_26], %dot_general3A_25 {strides = array<i32>} : memref<10240x48xf32, #tpu.memory_space<vmem>>, vector<10240x48xf32>,
    %broadcast_in_dim3A_28 = vector.shape_cast %select_n3A : vector<10240x1xf32> to vector<10240x1xf32>
    %broadcast_in_dim3A_29 = vector.broadcast %broadcast_in_dim3A_28 : vector<10240x1xf32> to vector<10240x8xf32>
    %swap3A_30 = arith.constant 0 : index
    %swap3A_31 = arith.constant 0 : index
    %swap3A_32 = vector.load %arg4[%swap3A_30, %swap3A_31] : memref<10240x8xf32, #tpu.memory_space<vmem>>, vector<10240x8xf32>
    tpu.vector_store %arg4[%swap3A_30, %swap3A_31], %broadcast_in_dim3A_29 {strides = array<i32>} : memref<10240x8xf32, #tpu.memory_space<vmem>>, vector<10240x8xf32>,
    return
  }
}

module attributes {stable_mosaic.version = 14 : i64} {
  func.func @_scale2_body(%arg0: memref<2x10240x48xf32, #tpu.memory_space<vmem>>, %arg1: memref<10240x8xf32, #tpu.memory_space<vmem>>, %arg2: memref<10240x48xf32, #tpu.memory_space<vmem>>) attributes {dimension_semantics = [], scalar_prefetch = 0 : i64, scratch_operands = 0 : i64, tpu.core_type = #tpu.core_type<tc>} {
    %get3A = arith.constant 0 : index
    %get3A_0 = arith.constant 0 : index
    %get3A_1 = vector.load %arg1[%get3A, %get3A_0] : memref<10240x8xf32, #tpu.memory_space<vmem>>, vector<10240x1xf32>
    %get3A_2 = arith.constant 0 : index
    %get3A_3 = arith.constant 0 : index
    %get3A_4 = arith.constant 0 : index
    %get3A_5 = vector.load %arg0[%get3A_2, %get3A_3, %get3A_4] : memref<2x10240x48xf32, #tpu.memory_space<vmem>>, vector<1x10240x48xf32>
    %get3A_6 = vector.shape_cast %get3A_5 : vector<1x10240x48xf32> to vector<10240x48xf32>
    %get3A_7 = arith.constant 1 : index
    %get3A_8 = arith.constant 0 : index
    %get3A_9 = arith.constant 0 : index
    %get3A_10 = vector.load %arg0[%get3A_7, %get3A_8, %get3A_9] : memref<2x10240x48xf32, #tpu.memory_space<vmem>>, vector<1x10240x48xf32>
    %get3A_11 = vector.shape_cast %get3A_10 : vector<1x10240x48xf32> to vector<10240x48xf32>
    %add3A = arith.addf %get3A_6, %get3A_11 : vector<10240x48xf32>
    %mul3A = vector.broadcast %get3A_1 : vector<10240x1xf32> to vector<10240x48xf32>
    %mul3A_12 = arith.mulf %mul3A, %add3A : vector<10240x48xf32>
    %swap3A = arith.constant 0 : index
    %swap3A_13 = arith.constant 0 : index
    %swap3A_14 = vector.load %arg2[%swap3A, %swap3A_13] : memref<10240x48xf32, #tpu.memory_space<vmem>>, vector<10240x48xf32>
    tpu.vector_store %arg2[%swap3A, %swap3A_13], %mul3A_12 {strides = array<i32>} : memref<10240x48xf32, #tpu.memory_space<vmem>>, vector<10240x48xf32>,
    return
  }
}

module attributes {stable_mosaic.version = 14 : i64} {
  func.func @_out_body(%arg0: memref<2x10240x48xf32, #tpu.memory_space<vmem>>, %arg1: memref<10240x8xf32, #tpu.memory_space<vmem>>, %arg2: memref<8x40xf32, #tpu.memory_space<vmem>>, %arg3: memref<10240x40xf32, #tpu.memory_space<vmem>>) attributes {dimension_semantics = [], scalar_prefetch = 0 : i64, scratch_operands = 0 : i64, tpu.core_type = #tpu.core_type<tc>} {
    %get3A = arith.constant 0 : index
    %get3A_0 = arith.constant 0 : index
    %get3A_1 = vector.load %arg1[%get3A, %get3A_0] : memref<10240x8xf32, #tpu.memory_space<vmem>>, vector<10240x1xf32>
    %get3A_2 = arith.constant 0 : index
    %get3A_3 = arith.constant 0 : index
    %get3A_4 = arith.constant 0 : index
    %get3A_5 = vector.load %arg0[%get3A_2, %get3A_3, %get3A_4] : memref<2x10240x48xf32, #tpu.memory_space<vmem>>, vector<1x10240x48xf32>
    %get3A_6 = vector.shape_cast %get3A_5 : vector<1x10240x48xf32> to vector<10240x48xf32>
    %get3A_7 = arith.constant 1 : index
    %get3A_8 = arith.constant 0 : index
    %get3A_9 = arith.constant 0 : index
    %get3A_10 = vector.load %arg0[%get3A_7, %get3A_8, %get3A_9] : memref<2x10240x48xf32, #tpu.memory_space<vmem>>, vector<1x10240x48xf32>
    %get3A_11 = vector.shape_cast %get3A_10 : vector<1x10240x48xf32> to vector<10240x48xf32>
    %add3A = arith.addf %get3A_6, %get3A_11 : vector<10240x48xf32>
    %slice3A = vector.extract_strided_slice %add3A {offsets = [0, 0], sizes = [10240, 40], strides = [1, 1]} : vector<10240x48xf32> to vector<10240x40xf32>
    %mul3A = vector.broadcast %get3A_1 : vector<10240x1xf32> to vector<10240x40xf32>
    %mul3A_12 = arith.mulf %mul3A, %slice3A : vector<10240x40xf32>
    %get3A_13 = arith.constant 0 : index
    %get3A_14 = arith.constant 0 : index
    %get3A_15 = vector.load %arg2[%get3A_13, %get3A_14] : memref<8x40xf32, #tpu.memory_space<vmem>>, vector<1x40xf32>
    %add3A_16 = vector.broadcast %get3A_15 : vector<1x40xf32> to vector<10240x40xf32>
    %add3A_17 = arith.addf %mul3A_12, %add3A_16 : vector<10240x40xf32>
    %reduce_max3A = arith.constant dense<0xFF800000> : vector<10240xf32>
    %reduce_max3A_18 = vector.multi_reduction <maximumf>, %add3A_17, %reduce_max3A [1] : vector<10240x40xf32> to vector<10240xf32>
    %broadcast_in_dim3A = vector.shape_cast %reduce_max3A_18 : vector<10240xf32> to vector<10240x1xf32>
    %sub3A = vector.broadcast %broadcast_in_dim3A : vector<10240x1xf32> to vector<10240x40xf32>
    %sub3A_19 = arith.subf %add3A_17, %sub3A : vector<10240x40xf32>
    %exp3A = math.exp %sub3A_19 : vector<10240x40xf32>
    %sub3A_20 = vector.broadcast %broadcast_in_dim3A : vector<10240x1xf32> to vector<10240x40xf32>
    %sub3A_21 = arith.subf %add3A_17, %sub3A_20 : vector<10240x40xf32>
    %reduce_sum3A = arith.constant dense<0.000000e+00> : vector<10240xf32>
    %reduce_sum3A_22 = vector.multi_reduction <add>, %exp3A, %reduce_sum3A [1] : vector<10240x40xf32> to vector<10240xf32>
    %broadcast_in_dim3A_23 = vector.shape_cast %reduce_sum3A_22 : vector<10240xf32> to vector<10240x1xf32>
    %log3A = math.log %broadcast_in_dim3A_23 : vector<10240x1xf32>
    %sub3A_24 = vector.broadcast %log3A : vector<10240x1xf32> to vector<10240x40xf32>
    %sub3A_25 = arith.subf %sub3A_21, %sub3A_24 : vector<10240x40xf32>
    %swap3A = arith.constant 0 : index
    %swap3A_26 = arith.constant 0 : index
    %swap3A_27 = vector.load %arg3[%swap3A, %swap3A_26] : memref<10240x40xf32, #tpu.memory_space<vmem>>, vector<10240x40xf32>
    tpu.vector_store %arg3[%swap3A, %swap3A_26], %sub3A_25 {strides = array<i32>} : memref<10240x40xf32, #tpu.memory_space<vmem>>, vector<10240x40xf32>,
    return
  }
}

</mosaic_0001>

<sc_bundles>
// kernel: kernel.11.cloned.1.call-start
scs
__scs_entry_jumppad:
0x0: {  	(pc) =	sbr.rel $0x88, $3  }
0x1: {  	(tag) =	ssettag $0x0;
	lr =	simm.s32 $0x1  }
0x2: {  	[smem:$0x3F9B] =	sst lr;
	_ =	strace $0xD0000000  }
0x3: {  	_ = 	snop  }
0x4: {  	_ = 	snop  }
0x5: {  	_ = 	snop  }
0x6: {  	_ = 	snop  }
0x7: {  	_ = 	snop  }
__scs_overlays_trampoline_lowered:
0x8: {  	[smem:$0x3FAA] =	sst s0  }
0x9: {  	[smem:$0x3FAB] =	sst s1  }
0xa: {  	[smem:$0x3FAC] =	sst s2  }
0xb: {  	[smem:$0x3FAD] =	sst s3  }
0xc: {  	[smem:$0x3FAE] =	sst s4  }
0xd: {  	[smem:$0x3FAF] =	sst s5  }
0xe: {  	[smem:$0x3FB0] =	sst s6  }
0xf: {  	[smem:$0x3FB1] =	sst s7  }
0x10: {  	[smem:$0x3FB2] =	sst s8  }
0x11: {  	[smem:$0x3FB3] =	sst s9;
	s0 =	simm.s32 @!p0 $0x0  }
0x12: {  	s1 =	sld [smem:$0x3F99];
	s0 =	simm.s32 @p0 $0x1  }
0x13: {  	[smem:$0x3FB4] =	sst s0;
	s0 =	simm.s32 @!p1 $0x0  }
0x14: {  	s2 =	sld [smem:$0x3F98];
	s0 =	simm.s32 @p1 $0x1  }
0x15: {  	[smem:$0x3FB5] =	sst s0;
	s0 =	simm.s32 @!p2 $0x0  }
0x16: {  	s3 =	sld [smem:$0x3FDB];
	s0 =	simm.s32 @p2 $0x1  }
0x17: {  	s4 =	simm.s32 $0x1BF5;
	[smem:$0x3FB7] =	sst s0  }
0x18: {  	s0 =	sld [smem:$0x3F9A];
	_ =	swait.ge [sflag:s4], $0x0  }
0x19: {  	s7 =	sld [smem:$0x3F9B]  }
0x1a: {  	s8 =	sadd.s32 $0xFFFFE003, lr  }
0x1b: {  	s9 =	sadd.s32 $0xFFFFFEF7, lr;
	s5 =	simm.s32 $0xFFFFFFFF;
	p2 =	slt.u32 s8, $0xFFFFF086  }
0x1c: {  	p1 =	slt.u32 s9, $0xF7A;
	s5 =	simm.s32 @!p2 $0x0  }
0x1d: {  	s5 =	simm.s32 @p1 $0x1;
	p0 =	seq.s32 s7, s2  }
0x1e: {  	s7 =	smul.u32 @!p0 $0xF7A, s2;
	p2 =	seq.s32 @!p0 s5, $0x0  }
0x1f: {  	s9 =	smul.u32 $0xF7A, s1;
	s8 =	simm.s32 @!p0 $0x1BF5;
	p2 =	por !p2, p0  }
0x20: {  	[sflag:s8] =	ssyncset.s32 @!p0 $0xFFFFF086;
	s6 =	sadd.s32 @!p0 s3, s7;
	s7 =	simm.s32 @!p0 $0x108  }
0x21: {  	s3 =	sadd.s32 s3, s9;
	s6 =	sadd.s32 @!p0 $0x88, s6;
	s7 =	simm.s32 @p2 $0x1082  }
0x22: {  	[simem:s7], [sflag:s8] =	dma.local @!p0 [hbm:s6], $0xF7A  }
0x23: {  	s9 =	sor.u32 $0xD0000000, s2;
	s6 =	simm.s32 $0x108;
	_ =	swait.ge @!p0 [sflag:s8], $0x0  }
0x24: {  	s3 =	sadd.s32 $0x88, s3;
	s6 =	simm.s32 @!p1 $0x1082;
	[sflag:s4] =	ssyncset.s32 $0xFFFFF086  }
0x25: {  	[simem:s6], [sflag:s4] =	dma.local [hbm:s3], $0xF7A  }
0x26: {  	[smem:$0x3F9B] =	sst s1;
	(tag) =	ssettag s2;
	_ =	strace s9  }
0x27: {  	s1 =	sld [smem:$0x3FAB]  }
0x28: {  	s2 =	sld [smem:$0x3FAC]  }
0x29: {  	s4 =	sld [smem:$0x3FAE]  }
0x2a: {  	p0 =	seq.s32 s5, $0x0;
	s5 =	sld [smem:$0x3FAF]  }
0x2b: {  	s6 =	sld [smem:$0x3FB0]  }
0x2c: {  	s7 =	sld [smem:$0x3FB1]  }
0x2d: {  	s3 =	simm.s32 $0x108;
	s8 =	sld [smem:$0x3FB2]  }
0x2e: {  	s3 =	simm.s32 @!p0 $0x1082;
	s9 =	sld [smem:$0x3FB3]  }
0x2f: {  	lr =	sadd.s32 s0, s3;
	s0 =	sld [smem:$0x3FAA]  }
0x30: {  	s3 =	sld [smem:$0x3FAD]  }
0x31: {  	[smem:$0x3FB6] =	sst s10  }
0x32: {  	s10 =	sld [smem:$0x3FB4];
	_ =	sdelay $0x3  }
0x33: {  	p0 =	seq.s32 s10, $0x1;
	s10 =	sld [smem:$0x3FB6];
	_ =	sdelay $0x3  }
0x34: {  	[smem:$0x3FB6] =	sst s10  }
0x35: {  	s10 =	sld [smem:$0x3FB5];
	_ =	sdelay $0x3  }
0x36: {  	p1 =	seq.s32 s10, $0x1;
	s10 =	sld [smem:$0x3FB6];
	_ =	sdelay $0x3  }
0x37: {  	[smem:$0x3FB6] =	sst s10  }
0x38: {  	s10 =	sld [smem:$0x3FB7]  }
0x39: {  	_ = 	snop;
	(pc) =	sbr.ind lr, $3  }
0x3a: {  	_ = 	snop  }
0x3b: {  	_ = 	snop  }
0x3c: {  	p2 =	seq.s32 s10, $0x1;
	s10 =	sld [smem:$0x3FB6]  }
0x3d: {  	_ =	shalt  }
0x3e: {  	_ =	shalt  }
0x3f: {  	_ =	shalt  }
0x40: {  	_ =	shalt  }
0x41: {  	_ =	shalt  }
0x42: {  	_ =	shalt  }
0x43: {  	_ =	shalt  }
0x44: {  	_ =	shalt  }
0x45: {  	_ =	shalt  }
0x46: {  	_ =	shalt  }
0x47: {  	_ =	shalt  }
0x48: {  	_ =	shalt  }
0x49: {  	_ =	shalt  }
0x4a: {  	_ =	shalt  }
0x4b: {  	_ =	shalt  }
0x4c: {  	_ =	shalt  }
0x4d: {  	_ =	shalt  }
0x4e: {  	_ =	shalt  }
0x4f: {  	_ =	shalt  }
0x50: {  	_ =	shalt  }
0x51: {  	_ =	shalt  }
0x52: {  	_ =	shalt  }
0x53: {  	_ =	shalt  }
0x54: {  	_ =	shalt  }
0x55: {  	_ =	shalt  }
0x56: {  	_ =	shalt  }
0x57: {  	_ =	shalt  }
0x58: {  	_ =	shalt  }
0x59: {  	_ =	shalt  }
0x5a: {  	_ =	shalt  }
0x5b: {  	_ =	shalt  }
0x5c: {  	_ =	shalt  }
0x5d: {  	_ =	shalt  }
0x5e: {  	_ =	shalt  }
0x5f: {  	_ =	shalt  }
0x60: {  	_ =	shalt  }
0x61: {  	_ =	shalt  }
0x62: {  	_ =	shalt  }
0x63: {  	_ =	shalt  }
0x64: {  	_ =	shalt  }
0x65: {  	_ =	shalt  }
0x66: {  	_ =	shalt  }
0x67: {  	_ =	shalt  }
0x68: {  	_ =	shalt  }
0x69: {  	_ =	shalt  }
0x6a: {  	_ =	shalt  }
0x6b: {  	_ =	shalt  }
0x6c: {  	_ =	shalt  }
0x6d: {  	_ =	shalt  }
0x6e: {  	_ =	shalt  }
0x6f: {  	_ =	shalt  }
0x70: {  	_ =	shalt  }
0x71: {  	_ =	shalt  }
0x72: {  	_ =	shalt  }
0x73: {  	_ =	shalt  }
0x74: {  	_ =	shalt  }
0x75: {  	_ =	shalt  }
0x76: {  	_ =	shalt  }
0x77: {  	_ =	shalt  }
0x78: {  	_ =	shalt  }
0x79: {  	_ =	shalt  }
0x7a: {  	_ =	shalt  }
0x7b: {  	_ =	shalt  }
0x7c: {  	_ =	shalt  }
0x7d: {  	_ =	shalt  }
0x7e: {  	_ =	shalt  }
0x7f: {  	_ =	shalt  }
0x80: {  	_ =	shalt  }
0x81: {  	_ =	shalt  }
0x82: {  	_ =	shalt  }
0x83: {  	_ =	shalt  }
0x84: {  	_ =	shalt  }
0x85: {  	_ =	shalt  }
0x86: {  	_ =	shalt  }
0x87: {  	_ =	shalt  }
.Lfunc_end0:
.L_simem_size_0:
called_computation_lowered:
.L_overlay_start_0:
0x88: {  	s2 =	sld [smem:$0x3FD9]  }
0x89: {  	s3 =	sld [smem:$0x3FFE];
	_ =	sdelay $0x1  }
0x8a: {  	s1 =	srdreg.scid  }
0x8b: {  	s0 =	sand.u32 $0x1, s1  }
0x8c: {  	s17 =	sshll.u32 s0, $0xA;
	s2 =	sadd.s32 s3, s2  }
0x8d: {  	s2 =	sadd.s32 s2, s17  }
0x8e: {  	[smem:$0x3FC2] =	sst s2  }
0x8f: {  	_ = 	snop  }
0x90: {  	s2 =	sld [smem:$0x3FD0];
	(tm) =	ssettm $0x1  }
0x91: {  	s18 =	sld [smem:$0x3FFB];
	_ =	sdelay $0x3  }
0x92: {  	_ =	strace s18  }
0x93: {  	s3 =	sld [smem:$0x3FFC];
	_ =	sdelay $0x3  }
0x94: {  	_ =	strace s3  }
0x95: {  	s3 =	sld [smem:$0x3FFD];
	_ =	sdelay $0x3  }
0x96: {  	_ =	strace s3  }
0x97: {  	_ =	strace $0x8FFFFFFF  }
0x98: {  	s19 =	sld [smem:$0x3FDB];
	_ =	sdelay $0x1  }
0x99: {  	s4 =	simm.s32 $_scs_section_size  }
0x9a: {  	s5 =	simm.s32 $_size__tile_overlayer_lowered;
	s6 =	simm.s32 $_tile_overlayer_lowered  }
0x9b: {  	s22 =	simm.s32 $0x1BFF;
	s21 =	sshll.u32 s6, $0x1;
	s3 =	sadd.s32 s4, s19  }
0x9c: {  	s7 =	simm.s32 $0x0;
	s20 =	sshll.u32 s5, $0x1;
	s5 =	sadd.s32 s21, s3  }
0x9d: {  	[timem:s7], [sflag:s22] =	dma.local [hbm:s5], s20  }
0x9e: {  	_ =	swait.ge [sflag:s22], s20  }
0x9f: {  	s4 =	ssub.s32 $0x0, s20;
	[sflag:s22] =	ssyncset.done $0x0  }
0xa0: {  	[sflag:s22] =	ssyncadd.s32 s4;
	_ =	sdelay $0x1  }
0xa1: {  	s23 =	simm.s32 $0x1B8B  }
0xa2: {  	_ =	swait.ge [sflag:s23], $0x1  }
0xa3: {  	[sflag:s23] =	ssyncset.done $0x0  }
0xa4: {  	s25 =	simm.s32 $0x1B8E;
	s24 =	sld [smem:$0x3FFE];
	[sflag:s23] =	ssyncadd.s32 $0xFFFFFFFF  }
0xa5: {  	s26 =	simm.s32 $execute0_lowered;
	[smem:$0x3FD2] =	sst s25  }
0xa6: {  	s5 =	sshll.u32 s26, $0x1;
	_ =	strace $0x80000046;
	[dreg:$0x1] =	wrdreg $0xFFFFFFFF  }
0xa7: {  	s28 =	simm.s32 $_size_execute0_lowered;
	s3 =	sadd.s32 s3, s5;
	[dreg:$0x0] =	wrdreg $0x0  }
0xa8: {  	s5 =	sshll.u32 s28, $0x1;
	[dreg:$0x2] =	wrdreg s3  }
0xa9: {  	[dreg:$0x3] =	wrdreg s5  }
0xaa: {  	[dreg:$0x4] =	wrdreg $0xC0  }
0xab: {  	_ =	task [dreg:s7], $0x5FFFF  }
0xac: {  	[dreg:$0x1] =	wrdreg $0xFFFFFFFF  }
0xad: {  	[dreg:$0x0] =	wrdreg $0x60  }
0xae: {  	[dreg:$0x2] =	wrdreg s24  }
0xaf: {  	[dreg:$0x3] =	wrdreg s2  }
0xb0: {  	[dreg:$0x4] =	wrdreg $0x110000  }
0xb1: {  	[dreg:$0x5] =	wrdreg $0x188000  }
0xb2: {  	[dreg:$0x6] =	wrdreg $0x9  }
0xb3: {  	_ =	task.clear_ibuf [dreg:s7], $0x7FFFF;
	_ =	strace $0x90000046  }
0xb4: {  	s29 =	simm.s32 $0x9;
	_ =	strace $0x80000048  }
0xb5: {  	_ =	swait.ge [sflag:s29], $0x1  }
0xb6: {  	[sflag:s29] =	ssyncadd.s32 $0xFFFFFFFF  }
0xb7: {  	_ =	strace $0x90000048  }
0xb8: {  	_ =	sfence  }
0xb9: {  	s30 =	sld [smem:$0x0];
	_ =	sdelay $0x2  }
0xba: {  	s31 =	sshll.u32 s1, $0xD;
	s1 =	sshrl.u32 s1, $0x2  }
0xbb: {  	s3 =	sand.u32 $0x4000, s31;
	s1 =	sadd.s32 s1, s30  }
0xbc: {  	s0 =	sor.u32 s3, s0;
	s1 =	sshll.u32 s1, $0x11  }
0xbd: {  	s0 =	sor.u32 s1, s0  }
0xbe: {  	s0 =	sadd.s32 $0x8F2B, s0  }
0xbf: {  	[sflag:s0] =	ssyncadd.remote.s32 $0x1  }
0xc0: {  	_ =	sfence.sel $0xFFFF  }
0xc1: {  	[dreg:$0x0] =	wrdreg $0xFFFFFFFF;
	(pc) =	sbr.abs _section_cstart, $3  }
0xc2: {  	[dreg:$0x1] =	wrdreg $0xFFFFFFFF  }
0xc3: {  	_ =	task.clear_ibuf [dreg:s7], $0x2FFFF;
	_ =	strace $0x9FFFFFFF  }
0xc4: {  	(tm) =	ssettm $0x7FFFFFFF  }
0xc5: {  	_ =	shalt  }
tec
execute0_lowered:
.L_overlay_start_1:
0x0: {  	(tag) =	ssettag $0x1  }
0x1: {  	s0 =	rddreg [dreg:$0x0]  }
0x2: {  	s1 =	rddreg [dreg:$0x1]  }
0x3: {  	s2 =	rddreg [dreg:$0x2]  }
0x4: {  	s3 =	rddreg [dreg:$0x3]  }
0x5: {  	s13 =	stileid.u32;
	s5 =	srdreg.scid;
	s4 =	simm.s32 $0x0  }
0x6: {  	s16 =	simm.s32 $0x1;
	s17 =	simm.s32 $0x80;
	s18 =	simm.s32 $0x5000  }
0x7: {  	s19 =	simm.s32 $0x6800;
	s21 =	simm.s32 $0x8000;
	s23 =	simm.s32 $0x9800  }
0x8: {  	s28 =	simm.s32 $0xF800;
	s29 =	simm.s32 $0x2;
	s30 =	simm.s32 $0x3  }
0x9: {  	s31 =	simm.s32 $0x4;
	s10 =	smul.u32 $0x7800, s13;
	s5 =	sand.u32 $0x1, s5  }
0xa: {  	[smem:$0x7FF] =	sst s4;
	s6 =	sshll.u32 s5, $0x4;
	s7 =	smul.u32 $0x78000, s5  }
0xb: {  	_ =	strace $0x80000047;
	s5 =	ssub.s32 $0x2, s5;
	s8 =	sshrl.u32 s10, $0x3  }
0xc: {  	s6 =	sor.u32 s13, s6;
	s24 =	sshrl.u32 s5, $0x1;
	s25 =	sadd.s32 s10, s2  }
0xd: {  	s26 =	sadd.s32 s10, s3;
	s6 =	smul.u32 $0x500, s6;
	s7 =	sadd.s32 s10, s7  }
0xe: {  	s11 =	sadd.s32 s8, s0;
	s12 =	ssub.s32 s5, s24;
	s14 =	sshrl.u32 s25, $0x3  }
0xf: {  	s15 =	sshrl.u32 s26, $0x3;
	s24 =	simm.s32 $0xB000;
	s25 =	simm.s32 $0xC800  }
.Ltmp0:
0x10: {  	s26 =	simm.s32 $0xE000;
	s7 =	sshrl.u32 s7, $0x3;
	(pc) =	sbr.rel .LBB2_1-.Ltmp0, $4  }
0x11: {  	s8 =	sadd.s32 $0x19C00, s11;
	s10 =	sadd.s32 $0xAC00, s11;
	s12 =	smax.u32 s12, $0x1  }
0x12: {  	s9 =	sadd.s32 s6, s0;
	s0 =	sadd.s32 s7, s0;
	s5 =	sadd.s32 s1, s6  }
0x13: {  	s7 =	sshll.u32 s13, $0x6;
	s1 =	simm.s32 $0x0;
	s6 =	sadd.s32 $0xC00, s9  }
0x14: {  	s9 =	sor.u32 $0x1C01, s7;
	s11 =	sadd.s32 $0x28C00, s0;
	s0 =	simm.s32 $0x5  }
.LBB2_4:
0x15: {  	_ =	swait.ge [sflag:s31], $0x1800  }
0x16: {  	[sflag:s31] =	ssyncset.done $0x0  }
0x17: {  	[sflag:s31] =	ssyncadd.s32 $0xFFFFE800  }
0x18: {  	_ =	swait.ge [sflag:s31], $0x1800  }
0x19: {  	[sflag:s31] =	ssyncset.done $0x0  }
0x1a: {  	[sflag:s31] =	ssyncadd.s32 $0xFFFFE800  }
0x1b: {  	_ =	swait.ge [sflag:s31], $0x1800  }
0x1c: {  	[sflag:s31] =	ssyncset.done $0x0  }
0x1d: {  	[sflag:s31] =	ssyncadd.s32 $0xFFFFE800  }
0x1e: {  	_ =	swait.ge [sflag:s31], $0x1800  }
0x1f: {  	s1 =	sadd.s32 $0x1, s1;
	[sflag:s31] =	ssyncset.done $0x0  }
0x20: {  	p0 =	sne.s32 s1, s12;
	[sflag:s31] =	ssyncadd.s32 $0xFFFFE800  }
.Ltmp1:
0x21: {  	s13 =	sor.u32 $0x1C05, s7;
	[bflag:$0x0] =	sbarrier.arrive $0xFFFF;
	(pc) =	sbr.rel @!p0 .LBB2_5-.Ltmp1, $4  }
0x22: {  	[hbm:s11], [sflag:s13] =	dma.local [spmem:s14], $0xF00  }
0x23: {  	_ =	swait.ge [sflag:s0], $0xF00  }
0x24: {  	[sflag:s0] =	ssyncset.done $0x0  }
0x25: {  	[sflag:s0] =	ssyncadd.s32 $0xFFFFF100  }
.LBB2_1:
0x26: {  	[tilespmem:s4], [sflag:$0x1] =	stream.linear.gather [hbm4b:s5+s4], $0x2800, $0x38;
	v63 =	vld [tilespmem:$0x0]  }
0x27: {  	s13 =	simm.s32 $0x2800  }
0x28: {  	[tilespmem:s13], [sflag:$0x1] =	stream.linear.gather [hbm4b:s6+s4], $0x2800, $0x38;
	v63 =	vld [tilespmem:$0x0]  }
0x29: {  	[spmem:s14], [sflag:s9] =	dma.local [hbm:s8], $0xF00  }
0x2a: {  	[spmem:s15], [sflag:s9] =	dma.local [hbm:s10], $0xF00  }
0x2b: {  	_ =	swait.ge [sflag:s16], $0x2800  }
0x2c: {  	[sflag:s16] =	ssyncset.done $0x0  }
0x2d: {  	[sflag:s16] =	ssyncadd.s32 $0xFFFFD800  }
0x2e: {  	_ =	swait.ge [sflag:s16], $0x2800  }
0x2f: {  	[sflag:s16] =	ssyncset.done $0x0  }
0x30: {  	[sflag:s16] =	ssyncadd.s32 $0xFFFFD800  }
0x31: {  	_ =	swait.ge [sflag:s16], $0xF00  }
0x32: {  	[sflag:s16] =	ssyncset.done $0x0  }
0x33: {  	[sflag:s16] =	ssyncadd.s32 $0xFFFFF100  }
0x34: {  	_ =	swait.ge [sflag:s16], $0xF00  }
0x35: {  	[sflag:s16] =	ssyncset.done $0x0  }
0x36: {  	[sflag:s16] =	ssyncadd.s32 $0xFFFFF100  }
0x37: {  	[bflag:$0x0] =	sbarrier.arrive $0xFFFF  }
0x38: {  	[tilespmem:s18], [sflag:$0x1] =	stream.indirect.gather [spmem:s3], $0x30, s4, s17, $0xb8;
	v63 =	vld [tilespmem:$0x0]  }
0x39: {  	_ = 	snop  }
0x3a: {  	[tilespmem:s19], [sflag:$0x1] =	stream.indirect.gather [spmem:s3], $0x30, s17, s17, $0xb8;
	v63 =	vld [tilespmem:$0x0]  }
0x3b: {  	s20 =	simm.s32 $0x100  }
0x3c: {  	[tilespmem:s21], [sflag:$0x1] =	stream.indirect.gather [spmem:s3], $0x30, s20, s17, $0xb8;
	v63 =	vld [tilespmem:$0x0]  }
0x3d: {  	s22 =	simm.s32 $0x180;
	s13 =	simm.s32 $0x0  }
0x3e: {  	[tilespmem:s23], [sflag:$0x1] =	stream.indirect.gather [spmem:s3], $0x30, s22, s17, $0xb8;
	v63 =	vld [tilespmem:$0x0]  }
.LBB2_2:
0x3f: {  	_ =	swait.ge [sflag:s16], $0x1800  }
0x40: {  	[sflag:s16] =	ssyncset.done $0x0  }
0x41: {  	[sflag:s16] =	ssyncadd.s32 $0xFFFFE800  }
0x42: {  	_ =	swait.ge [sflag:s16], $0x1800  }
0x43: {  	[sflag:s16] =	ssyncset.done $0x0  }
0x44: {  	[sflag:s16] =	ssyncadd.s32 $0xFFFFE800  }
0x45: {  	_ =	swait.ge [sflag:s16], $0x1800  }
0x46: {  	[sflag:s16] =	ssyncset.done $0x0  }
0x47: {  	[sflag:s16] =	ssyncadd.s32 $0xFFFFE800  }
0x48: {  	_ =	swait.ge [sflag:s16], $0x1800  }
0x49: {  	s20 =	sshra.s32 s13, $0x2;
	[sflag:s16] =	ssyncset.done $0x0  }
0x4a: {  	s22 =	sadd.s32 $0x2800, s20;
	[sflag:s16] =	ssyncadd.s32 $0xFFFFE800  }
0x4b: {  	[spmem:s2] =	stream.indirect.scatter.add.f32 [tilespmem:s18], [sflag:$0x3], $0x30, s22, s17, $0xb8;
	v63 =	vld [tilespmem:$0x0]  }
0x4c: {  	s22 =	sadd.s32 $0x2880, s20  }
0x4d: {  	[spmem:s2] =	stream.indirect.scatter.add.f32 [tilespmem:s19], [sflag:$0x3], $0x30, s22, s17, $0xb8;
	v63 =	vld [tilespmem:$0x0]  }
0x4e: {  	s22 =	sadd.s32 $0x2900, s20  }
0x4f: {  	[spmem:s2] =	stream.indirect.scatter.add.f32 [tilespmem:s21], [sflag:$0x3], $0x30, s22, s17, $0xb8;
	v63 =	vld [tilespmem:$0x0]  }
0x50: {  	p0 =	seq.s32 s13, $0x0;
	s22 =	sadd.s32 $0x2980, s20  }
0x51: {  	[spmem:s2] =	stream.indirect.scatter.add.f32 [tilespmem:s23], [sflag:$0x3], $0x30, s22, s17, $0xb8;
	v63 =	vld [tilespmem:$0x0]  }
0x52: {  	s22 =	simm.s32 @!p0 $0x4  }
0x53: {  	_ =	swait.ge @!p0 [sflag:s22], $0x1800  }
0x54: {  	[sflag:s22] =	ssyncset.done @!p0 $0x0  }
0x55: {  	[sflag:s22] =	ssyncadd.s32 @!p0 $0xFFFFE800  }
0x56: {  	_ =	swait.ge @!p0 [sflag:s22], $0x1800  }
0x57: {  	[sflag:s22] =	ssyncset.done @!p0 $0x0  }
0x58: {  	[sflag:s22] =	ssyncadd.s32 @!p0 $0xFFFFE800  }
0x59: {  	_ =	swait.ge @!p0 [sflag:s22], $0x1800  }
0x5a: {  	[sflag:s22] =	ssyncset.done @!p0 $0x0  }
0x5b: {  	[sflag:s22] =	ssyncadd.s32 @!p0 $0xFFFFE800  }
0x5c: {  	_ =	swait.ge @!p0 [sflag:s22], $0x1800  }
0x5d: {  	[sflag:s22] =	ssyncset.done @!p0 $0x0  }
0x5e: {  	[sflag:s22] =	ssyncadd.s32 @!p0 $0xFFFFE800;
	s22 =	sadd.s32 $0x200, s20  }
0x5f: {  	[tilespmem:s24], [sflag:$0x2] =	stream.indirect.gather [spmem:s3], $0x30, s22, s17, $0xb8;
	v63 =	vld [tilespmem:$0x0]  }
0x60: {  	s22 =	sadd.s32 $0x280, s20  }
0x61: {  	[tilespmem:s25], [sflag:$0x2] =	stream.indirect.gather [spmem:s3], $0x30, s22, s17, $0xb8;
	v63 =	vld [tilespmem:$0x0]  }
0x62: {  	s22 =	sadd.s32 $0x300, s20  }
0x63: {  	[tilespmem:s26], [sflag:$0x2] =	stream.indirect.gather [spmem:s3], $0x30, s22, s17, $0xb8;
	v63 =	vld [tilespmem:$0x0]  }
0x64: {  	s22 =	sadd.s32 $0x380, s20  }
0x65: {  	[tilespmem:s28], [sflag:$0x2] =	stream.indirect.gather [spmem:s3], $0x30, s22, s17, $0xb8;
	v63 =	vld [tilespmem:$0x0]  }
0x66: {  	_ =	swait.ge [sflag:s29], $0x1800  }
0x67: {  	[sflag:s29] =	ssyncset.done $0x0  }
0x68: {  	[sflag:s29] =	ssyncadd.s32 $0xFFFFE800  }
0x69: {  	_ =	swait.ge [sflag:s29], $0x1800  }
0x6a: {  	[sflag:s29] =	ssyncset.done $0x0  }
0x6b: {  	[sflag:s29] =	ssyncadd.s32 $0xFFFFE800  }
0x6c: {  	_ =	swait.ge [sflag:s29], $0x1800  }
0x6d: {  	[sflag:s29] =	ssyncset.done $0x0  }
0x6e: {  	[sflag:s29] =	ssyncadd.s32 $0xFFFFE800  }
0x6f: {  	_ =	swait.ge [sflag:s29], $0x1800  }
0x70: {  	[sflag:s29] =	ssyncset.done $0x0  }
0x71: {  	s22 =	sadd.s32 $0x2A00, s20;
	[sflag:s29] =	ssyncadd.s32 $0xFFFFE800  }
0x72: {  	[spmem:s2] =	stream.indirect.scatter.add.f32 [tilespmem:s24], [sflag:$0x4], $0x30, s22, s17, $0xb8;
	v63 =	vld [tilespmem:$0x0]  }
0x73: {  	s22 =	sadd.s32 $0x2A80, s20  }
0x74: {  	[spmem:s2] =	stream.indirect.scatter.add.f32 [tilespmem:s25], [sflag:$0x4], $0x30, s22, s17, $0xb8;
	v63 =	vld [tilespmem:$0x0]  }
0x75: {  	s22 =	sadd.s32 $0x2B00, s20  }
0x76: {  	[spmem:s2] =	stream.indirect.scatter.add.f32 [tilespmem:s26], [sflag:$0x4], $0x30, s22, s17, $0xb8;
	v63 =	vld [tilespmem:$0x0]  }
0x77: {  	s22 =	sadd.s32 $0x2B80, s20  }
0x78: {  	[spmem:s2] =	stream.indirect.scatter.add.f32 [tilespmem:s28], [sflag:$0x4], $0x30, s22, s17, $0xb8;
	v63 =	vld [tilespmem:$0x0]  }
0x79: {  	_ =	swait.ge [sflag:s30], $0x1800  }
0x7a: {  	[sflag:s30] =	ssyncset.done $0x0  }
0x7b: {  	[sflag:s30] =	ssyncadd.s32 $0xFFFFE800  }
0x7c: {  	_ =	swait.ge [sflag:s30], $0x1800  }
0x7d: {  	[sflag:s30] =	ssyncset.done $0x0  }
0x7e: {  	[sflag:s30] =	ssyncadd.s32 $0xFFFFE800  }
0x7f: {  	p0 =	seq.s32 s13, $0x9000;
	_ =	swait.ge [sflag:s30], $0x1800  }
.Ltmp2:
0x80: {  	[sflag:s30] =	ssyncset.done $0x0;
	(pc) =	sbr.rel @p0 .LBB2_4-.Ltmp2, $4  }
0x81: {  	[sflag:s30] =	ssyncadd.s32 $0xFFFFE800  }
0x82: {  	_ =	swait.ge [sflag:s30], $0x1800  }
0x83: {  	[sflag:s30] =	ssyncset.done $0x0  }
0x84: {  	[sflag:s30] =	ssyncadd.s32 $0xFFFFE800  }
0x85: {  	s22 =	sadd.s32 $0x400, s20  }
0x86: {  	[tilespmem:s18], [sflag:$0x1] =	stream.indirect.gather [spmem:s3], $0x30, s22, s17, $0xb8;
	v63 =	vld [tilespmem:$0x0]  }
0x87: {  	s22 =	sadd.s32 $0x480, s20  }
0x88: {  	[tilespmem:s19], [sflag:$0x1] =	stream.indirect.gather [spmem:s3], $0x30, s22, s17, $0xb8;
	v63 =	vld [tilespmem:$0x0]  }
.Ltmp3:
0x89: {  	_ = 	snop;
	(pc) =	sbr.rel .LBB2_2-.Ltmp3, $4  }
0x8a: {  	s22 =	sadd.s32 $0x500, s20  }
0x8b: {  	[tilespmem:s21], [sflag:$0x1] =	stream.indirect.gather [spmem:s3], $0x30, s22, s17, $0xb8;
	v63 =	vld [tilespmem:$0x0]  }
0x8c: {  	s13 =	sadd.s32 $0x1000, s13;
	s22 =	sadd.s32 $0x580, s20  }
0x8d: {  	[tilespmem:s23], [sflag:$0x1] =	stream.indirect.gather [spmem:s3], $0x30, s22, s17, $0xb8;
	v63 =	vld [tilespmem:$0x0]  }
.LBB2_5:
0x8e: {  	_ =	sfence.sel $0x180000  }
0x8f: {  	[bflag:$0x0] =	sbarrier.arrive $0xFFFF  }
0x90: {  	_ =	strace $0x90000047  }
0x91: {  	s0 =	stileid.u32;
	[bflag:$0x2] =	sbarrier.arrive $0xFFFF  }
0x92: {  	p0 =	sne.s32 s0, $0x0;
	s0 =	rddreg [dreg:$0x4]  }
0x93: {  	s0 =	sadd.s32 @!p0 $0x100000, s0  }
0x94: {  	[sflag:s0] =	ssyncadd.tile.s32 @!p0 $0x1;
	_ =	shalt  }
.Lfunc_end2:
_tile_overlayer_lowered:
.L_overlay_start_2:
0x95: {  	(tag) =	ssettag $0x2  }
0x96: {  	s0 =	rddreg [dreg:$0x0];
	s2 =	stileid.u32  }
0x97: {  	s1 =	rddreg [dreg:$0x1];
	p0 =	sne.s32 s2, $0x0  }
0x98: {  	s3 =	rddreg [dreg:$0x2];
	[bflag:$0x3] =	sbarrier.arrive $0xFFFF;
	s2 =	simm.s32 @!p0 $0x1C05  }
0x99: {  	[timem:s3], [sflag:s2] =	dma.local @!p0 [hbm:s0], s1  }
0x9a: {  	s0 =	simm.s32 @!p0 $0x5  }
0x9b: {  	_ =	swait.ge @!p0 [sflag:s0], s1  }
0x9c: {  	s1 =	ssub.s32 @!p0 $0x0, s1;
	[sflag:s0] =	ssyncset.done @!p0 $0x0  }
0x9d: {  	[sflag:s0] =	ssyncadd.s32 @!p0 s1  }
0x9e: {  	[bflag:$0x3] =	sbarrier.arrive $0xFFFF  }
0x9f: {  	_ =	shalt  }

// kernel: kernel.14.cloned.1.call-start
scs
__scs_entry_jumppad:
0x0: {  	(pc) =	sbr.rel $0x88, $3  }
0x1: {  	(tag) =	ssettag $0x0;
	lr =	simm.s32 $0x1  }
0x2: {  	[smem:$0x3F9B] =	sst lr;
	_ =	strace $0xD0000000  }
0x3: {  	_ = 	snop  }
0x4: {  	_ = 	snop  }
0x5: {  	_ = 	snop  }
0x6: {  	_ = 	snop  }
0x7: {  	_ = 	snop  }
__scs_overlays_trampoline_lowered:
0x8: {  	[smem:$0x3FAA] =	sst s0  }
0x9: {  	[smem:$0x3FAB] =	sst s1  }
0xa: {  	[smem:$0x3FAC] =	sst s2  }
0xb: {  	[smem:$0x3FAD] =	sst s3  }
0xc: {  	[smem:$0x3FAE] =	sst s4  }
0xd: {  	[smem:$0x3FAF] =	sst s5  }
0xe: {  	[smem:$0x3FB0] =	sst s6  }
0xf: {  	[smem:$0x3FB1] =	sst s7  }
0x10: {  	[smem:$0x3FB2] =	sst s8  }
0x11: {  	[smem:$0x3FB3] =	sst s9;
	s0 =	simm.s32 @!p0 $0x0  }
0x12: {  	s1 =	sld [smem:$0x3F99];
	s0 =	simm.s32 @p0 $0x1  }
0x13: {  	[smem:$0x3FB4] =	sst s0;
	s0 =	simm.s32 @!p1 $0x0  }
0x14: {  	s2 =	sld [smem:$0x3F98];
	s0 =	simm.s32 @p1 $0x1  }
0x15: {  	[smem:$0x3FB5] =	sst s0;
	s0 =	simm.s32 @!p2 $0x0  }
0x16: {  	s3 =	sld [smem:$0x3FDB];
	s0 =	simm.s32 @p2 $0x1  }
0x17: {  	s4 =	simm.s32 $0x1BF5;
	[smem:$0x3FB7] =	sst s0  }
0x18: {  	s0 =	sld [smem:$0x3F9A];
	_ =	swait.ge [sflag:s4], $0x0  }
0x19: {  	s7 =	sld [smem:$0x3F9B]  }
0x1a: {  	s8 =	sadd.s32 $0xFFFFE003, lr  }
0x1b: {  	s9 =	sadd.s32 $0xFFFFFEF7, lr;
	s5 =	simm.s32 $0xFFFFFFFF;
	p2 =	slt.u32 s8, $0xFFFFF086  }
0x1c: {  	p1 =	slt.u32 s9, $0xF7A;
	s5 =	simm.s32 @!p2 $0x0  }
0x1d: {  	s5 =	simm.s32 @p1 $0x1;
	p0 =	seq.s32 s7, s2  }
0x1e: {  	s7 =	smul.u32 @!p0 $0xF7A, s2;
	p2 =	seq.s32 @!p0 s5, $0x0  }
0x1f: {  	s9 =	smul.u32 $0xF7A, s1;
	s8 =	simm.s32 @!p0 $0x1BF5;
	p2 =	por !p2, p0  }
0x20: {  	[sflag:s8] =	ssyncset.s32 @!p0 $0xFFFFF086;
	s6 =	sadd.s32 @!p0 s3, s7;
	s7 =	simm.s32 @!p0 $0x108  }
0x21: {  	s3 =	sadd.s32 s3, s9;
	s6 =	sadd.s32 @!p0 $0x88, s6;
	s7 =	simm.s32 @p2 $0x1082  }
0x22: {  	[simem:s7], [sflag:s8] =	dma.local @!p0 [hbm:s6], $0xF7A  }
0x23: {  	s9 =	sor.u32 $0xD0000000, s2;
	s6 =	simm.s32 $0x108;
	_ =	swait.ge @!p0 [sflag:s8], $0x0  }
0x24: {  	s3 =	sadd.s32 $0x88, s3;
	s6 =	simm.s32 @!p1 $0x1082;
	[sflag:s4] =	ssyncset.s32 $0xFFFFF086  }
0x25: {  	[simem:s6], [sflag:s4] =	dma.local [hbm:s3], $0xF7A  }
0x26: {  	[smem:$0x3F9B] =	sst s1;
	(tag) =	ssettag s2;
	_ =	strace s9  }
0x27: {  	s1 =	sld [smem:$0x3FAB]  }
0x28: {  	s2 =	sld [smem:$0x3FAC]  }
0x29: {  	s4 =	sld [smem:$0x3FAE]  }
0x2a: {  	p0 =	seq.s32 s5, $0x0;
	s5 =	sld [smem:$0x3FAF]  }
0x2b: {  	s6 =	sld [smem:$0x3FB0]  }
0x2c: {  	s7 =	sld [smem:$0x3FB1]  }
0x2d: {  	s3 =	simm.s32 $0x108;
	s8 =	sld [smem:$0x3FB2]  }
0x2e: {  	s3 =	simm.s32 @!p0 $0x1082;
	s9 =	sld [smem:$0x3FB3]  }
0x2f: {  	lr =	sadd.s32 s0, s3;
	s0 =	sld [smem:$0x3FAA]  }
0x30: {  	s3 =	sld [smem:$0x3FAD]  }
0x31: {  	[smem:$0x3FB6] =	sst s10  }
0x32: {  	s10 =	sld [smem:$0x3FB4];
	_ =	sdelay $0x3  }
0x33: {  	p0 =	seq.s32 s10, $0x1;
	s10 =	sld [smem:$0x3FB6];
	_ =	sdelay $0x3  }
0x34: {  	[smem:$0x3FB6] =	sst s10  }
0x35: {  	s10 =	sld [smem:$0x3FB5];
	_ =	sdelay $0x3  }
0x36: {  	p1 =	seq.s32 s10, $0x1;
	s10 =	sld [smem:$0x3FB6];
	_ =	sdelay $0x3  }
0x37: {  	[smem:$0x3FB6] =	sst s10  }
0x38: {  	s10 =	sld [smem:$0x3FB7]  }
0x39: {  	_ = 	snop;
	(pc) =	sbr.ind lr, $3  }
0x3a: {  	_ = 	snop  }
0x3b: {  	_ = 	snop  }
0x3c: {  	p2 =	seq.s32 s10, $0x1;
	s10 =	sld [smem:$0x3FB6]  }
0x3d: {  	_ =	shalt  }
0x3e: {  	_ =	shalt  }
0x3f: {  	_ =	shalt  }
0x40: {  	_ =	shalt  }
0x41: {  	_ =	shalt  }
0x42: {  	_ =	shalt  }
0x43: {  	_ =	shalt  }
0x44: {  	_ =	shalt  }
0x45: {  	_ =	shalt  }
0x46: {  	_ =	shalt  }
0x47: {  	_ =	shalt  }
0x48: {  	_ =	shalt  }
0x49: {  	_ =	shalt  }
0x4a: {  	_ =	shalt  }
0x4b: {  	_ =	shalt  }
0x4c: {  	_ =	shalt  }
0x4d: {  	_ =	shalt  }
0x4e: {  	_ =	shalt  }
0x4f: {  	_ =	shalt  }
0x50: {  	_ =	shalt  }
0x51: {  	_ =	shalt  }
0x52: {  	_ =	shalt  }
0x53: {  	_ =	shalt  }
0x54: {  	_ =	shalt  }
0x55: {  	_ =	shalt  }
0x56: {  	_ =	shalt  }
0x57: {  	_ =	shalt  }
0x58: {  	_ =	shalt  }
0x59: {  	_ =	shalt  }
0x5a: {  	_ =	shalt  }
0x5b: {  	_ =	shalt  }
0x5c: {  	_ =	shalt  }
0x5d: {  	_ =	shalt  }
0x5e: {  	_ =	shalt  }
0x5f: {  	_ =	shalt  }
0x60: {  	_ =	shalt  }
0x61: {  	_ =	shalt  }
0x62: {  	_ =	shalt  }
0x63: {  	_ =	shalt  }
0x64: {  	_ =	shalt  }
0x65: {  	_ =	shalt  }
0x66: {  	_ =	shalt  }
0x67: {  	_ =	shalt  }
0x68: {  	_ =	shalt  }
0x69: {  	_ =	shalt  }
0x6a: {  	_ =	shalt  }
0x6b: {  	_ =	shalt  }
0x6c: {  	_ =	shalt  }
0x6d: {  	_ =	shalt  }
0x6e: {  	_ =	shalt  }
0x6f: {  	_ =	shalt  }
0x70: {  	_ =	shalt  }
0x71: {  	_ =	shalt  }
0x72: {  	_ =	shalt  }
0x73: {  	_ =	shalt  }
0x74: {  	_ =	shalt  }
0x75: {  	_ =	shalt  }
0x76: {  	_ =	shalt  }
0x77: {  	_ =	shalt  }
0x78: {  	_ =	shalt  }
0x79: {  	_ =	shalt  }
0x7a: {  	_ =	shalt  }
0x7b: {  	_ =	shalt  }
0x7c: {  	_ =	shalt  }
0x7d: {  	_ =	shalt  }
0x7e: {  	_ =	shalt  }
0x7f: {  	_ =	shalt  }
0x80: {  	_ =	shalt  }
0x81: {  	_ =	shalt  }
0x82: {  	_ =	shalt  }
0x83: {  	_ =	shalt  }
0x84: {  	_ =	shalt  }
0x85: {  	_ =	shalt  }
0x86: {  	_ =	shalt  }
0x87: {  	_ =	shalt  }
.Lfunc_end0:
.L_simem_size_0:
called_computation.1_lowered:
.L_overlay_start_0:
0x88: {  	s2 =	sld [smem:$0x3FD9]  }
0x89: {  	s3 =	sld [smem:$0x3FFE];
	_ =	sdelay $0x1  }
0x8a: {  	s1 =	srdreg.scid  }
0x8b: {  	s0 =	sand.u32 $0x1, s1  }
0x8c: {  	s17 =	sshll.u32 s0, $0xA;
	s2 =	sadd.s32 s3, s2  }
0x8d: {  	s2 =	sadd.s32 s2, s17  }
0x8e: {  	[smem:$0x3FC2] =	sst s2  }
0x8f: {  	_ = 	snop  }
0x90: {  	s2 =	sld [smem:$0x3FD0];
	(tm) =	ssettm $0x1  }
0x91: {  	s18 =	sld [smem:$0x3FFB];
	_ =	sdelay $0x3  }
0x92: {  	_ =	strace s18  }
0x93: {  	s3 =	sld [smem:$0x3FFC];
	_ =	sdelay $0x3  }
0x94: {  	_ =	strace s3  }
0x95: {  	s3 =	sld [smem:$0x3FFD];
	_ =	sdelay $0x3  }
0x96: {  	_ =	strace s3  }
0x97: {  	_ =	strace $0x8FFFFFFF  }
0x98: {  	s19 =	sld [smem:$0x3FDB];
	_ =	sdelay $0x1  }
0x99: {  	s4 =	simm.s32 $_scs_section_size  }
0x9a: {  	s5 =	simm.s32 $_size__tile_overlayer_lowered;
	s6 =	simm.s32 $_tile_overlayer_lowered  }
0x9b: {  	s22 =	simm.s32 $0x1BFF;
	s21 =	sshll.u32 s6, $0x1;
	s3 =	sadd.s32 s4, s19  }
0x9c: {  	s7 =	simm.s32 $0x0;
	s20 =	sshll.u32 s5, $0x1;
	s5 =	sadd.s32 s21, s3  }
0x9d: {  	[timem:s7], [sflag:s22] =	dma.local [hbm:s5], s20  }
0x9e: {  	_ =	swait.ge [sflag:s22], s20  }
0x9f: {  	s4 =	ssub.s32 $0x0, s20;
	[sflag:s22] =	ssyncset.done $0x0  }
0xa0: {  	[sflag:s22] =	ssyncadd.s32 s4;
	_ =	sdelay $0x1  }
0xa1: {  	s23 =	simm.s32 $0x1B8B  }
0xa2: {  	_ =	swait.ge [sflag:s23], $0x1  }
0xa3: {  	[sflag:s23] =	ssyncset.done $0x0  }
0xa4: {  	s25 =	simm.s32 $0x1B8E;
	s24 =	sld [smem:$0x3FFE];
	[sflag:s23] =	ssyncadd.s32 $0xFFFFFFFF  }
0xa5: {  	s26 =	simm.s32 $execute0_lowered;
	[smem:$0x3FD2] =	sst s25  }
0xa6: {  	s5 =	sshll.u32 s26, $0x1;
	_ =	strace $0x80000049;
	[dreg:$0x1] =	wrdreg $0xFFFFFFFF  }
0xa7: {  	s28 =	simm.s32 $_size_execute0_lowered;
	s3 =	sadd.s32 s3, s5;
	[dreg:$0x0] =	wrdreg $0x0  }
0xa8: {  	s5 =	sshll.u32 s28, $0x1;
	[dreg:$0x2] =	wrdreg s3  }
0xa9: {  	[dreg:$0x3] =	wrdreg s5  }
0xaa: {  	[dreg:$0x4] =	wrdreg $0xC0  }
0xab: {  	_ =	task [dreg:s7], $0x5FFFF  }
0xac: {  	[dreg:$0x1] =	wrdreg $0xFFFFFFFF  }
0xad: {  	[dreg:$0x0] =	wrdreg $0x60  }
0xae: {  	[dreg:$0x2] =	wrdreg s24  }
0xaf: {  	[dreg:$0x3] =	wrdreg s2  }
0xb0: {  	[dreg:$0x4] =	wrdreg $0x110000  }
0xb1: {  	[dreg:$0x5] =	wrdreg $0x188000  }
0xb2: {  	[dreg:$0x6] =	wrdreg $0x9  }
0xb3: {  	_ =	task.clear_ibuf [dreg:s7], $0x7FFFF;
	_ =	strace $0x90000049  }
0xb4: {  	s29 =	simm.s32 $0x9;
	_ =	strace $0x8000004B  }
0xb5: {  	_ =	swait.ge [sflag:s29], $0x1  }
0xb6: {  	[sflag:s29] =	ssyncadd.s32 $0xFFFFFFFF  }
0xb7: {  	_ =	strace $0x9000004B  }
0xb8: {  	_ =	sfence  }
0xb9: {  	s30 =	sld [smem:$0x0];
	_ =	sdelay $0x2  }
0xba: {  	s31 =	sshll.u32 s1, $0xD;
	s1 =	sshrl.u32 s1, $0x2  }
0xbb: {  	s3 =	sand.u32 $0x4000, s31;
	s1 =	sadd.s32 s1, s30  }
0xbc: {  	s0 =	sor.u32 s3, s0;
	s1 =	sshll.u32 s1, $0x11  }
0xbd: {  	s0 =	sor.u32 s1, s0  }
0xbe: {  	s0 =	sadd.s32 $0x8F2B, s0  }
0xbf: {  	[sflag:s0] =	ssyncadd.remote.s32 $0x1  }
0xc0: {  	_ =	sfence.sel $0xFFFF  }
0xc1: {  	[dreg:$0x0] =	wrdreg $0xFFFFFFFF;
	(pc) =	sbr.abs _section_cstart, $3  }
0xc2: {  	[dreg:$0x1] =	wrdreg $0xFFFFFFFF  }
0xc3: {  	_ =	task.clear_ibuf [dreg:s7], $0x2FFFF;
	_ =	strace $0x9FFFFFFF  }
0xc4: {  	(tm) =	ssettm $0x7FFFFFFF  }
0xc5: {  	_ =	shalt  }
tec
execute0_lowered:
.L_overlay_start_1:
0x0: {  	(tag) =	ssettag $0x1  }
0x1: {  	s0 =	rddreg [dreg:$0x0]  }
0x2: {  	s1 =	rddreg [dreg:$0x1]  }
0x3: {  	s2 =	rddreg [dreg:$0x2]  }
0x4: {  	s3 =	rddreg [dreg:$0x3]  }
0x5: {  	s13 =	stileid.u32;
	s5 =	srdreg.scid;
	s4 =	simm.s32 $0x0  }
0x6: {  	s16 =	simm.s32 $0x1;
	s17 =	simm.s32 $0x80;
	s18 =	simm.s32 $0x5000  }
0x7: {  	s19 =	simm.s32 $0x6800;
	s21 =	simm.s32 $0x8000;
	s23 =	simm.s32 $0x9800  }
0x8: {  	s28 =	simm.s32 $0xF800;
	s29 =	simm.s32 $0x2;
	s30 =	simm.s32 $0x3  }
0x9: {  	s31 =	simm.s32 $0x4;
	s10 =	smul.u32 $0x7800, s13;
	s5 =	sand.u32 $0x1, s5  }
0xa: {  	[smem:$0x7FF] =	sst s4;
	s6 =	sshll.u32 s5, $0x4;
	s7 =	smul.u32 $0x78000, s5  }
0xb: {  	_ =	strace $0x8000004A;
	s5 =	ssub.s32 $0x2, s5;
	s8 =	sshrl.u32 s10, $0x3  }
0xc: {  	s6 =	sor.u32 s13, s6;
	s24 =	sshrl.u32 s5, $0x1;
	s25 =	sadd.s32 s10, s2  }
0xd: {  	s26 =	sadd.s32 s10, s3;
	s6 =	smul.u32 $0x500, s6;
	s7 =	sadd.s32 s10, s7  }
0xe: {  	s11 =	sadd.s32 s8, s0;
	s12 =	ssub.s32 s5, s24;
	s14 =	sshrl.u32 s25, $0x3  }
0xf: {  	s15 =	sshrl.u32 s26, $0x3;
	s24 =	simm.s32 $0xB000;
	s25 =	simm.s32 $0xC800  }
.Ltmp0:
0x10: {  	s26 =	simm.s32 $0xE000;
	s7 =	sshrl.u32 s7, $0x3;
	(pc) =	sbr.rel .LBB2_1-.Ltmp0, $4  }
0x11: {  	s8 =	sadd.s32 $0x19C00, s11;
	s10 =	sadd.s32 $0xAC00, s11;
	s12 =	smax.u32 s12, $0x1  }
0x12: {  	s9 =	sadd.s32 s6, s0;
	s0 =	sadd.s32 s7, s0;
	s6 =	sadd.s32 s1, s6  }
0x13: {  	s7 =	sshll.u32 s13, $0x6;
	s1 =	simm.s32 $0x0;
	s5 =	sadd.s32 $0xC00, s9  }
0x14: {  	s9 =	sor.u32 $0x1C01, s7;
	s11 =	sadd.s32 $0x28C00, s0;
	s0 =	simm.s32 $0x5  }
.LBB2_4:
0x15: {  	_ =	swait.ge [sflag:s31], $0x1800  }
0x16: {  	[sflag:s31] =	ssyncset.done $0x0  }
0x17: {  	[sflag:s31] =	ssyncadd.s32 $0xFFFFE800  }
0x18: {  	_ =	swait.ge [sflag:s31], $0x1800  }
0x19: {  	[sflag:s31] =	ssyncset.done $0x0  }
0x1a: {  	[sflag:s31] =	ssyncadd.s32 $0xFFFFE800  }
0x1b: {  	_ =	swait.ge [sflag:s31], $0x1800  }
0x1c: {  	[sflag:s31] =	ssyncset.done $0x0  }
0x1d: {  	[sflag:s31] =	ssyncadd.s32 $0xFFFFE800  }
0x1e: {  	_ =	swait.ge [sflag:s31], $0x1800  }
0x1f: {  	s1 =	sadd.s32 $0x1, s1;
	[sflag:s31] =	ssyncset.done $0x0  }
0x20: {  	p0 =	sne.s32 s1, s12;
	[sflag:s31] =	ssyncadd.s32 $0xFFFFE800  }
.Ltmp1:
0x21: {  	s13 =	sor.u32 $0x1C05, s7;
	[bflag:$0x0] =	sbarrier.arrive $0xFFFF;
	(pc) =	sbr.rel @!p0 .LBB2_5-.Ltmp1, $4  }
0x22: {  	[hbm:s11], [sflag:s13] =	dma.local [spmem:s14], $0xF00  }
0x23: {  	_ =	swait.ge [sflag:s0], $0xF00  }
0x24: {  	[sflag:s0] =	ssyncset.done $0x0  }
0x25: {  	[sflag:s0] =	ssyncadd.s32 $0xFFFFF100  }
.LBB2_1:
0x26: {  	[tilespmem:s4], [sflag:$0x1] =	stream.linear.gather [hbm4b:s5+s4], $0x2800, $0x38;
	v63 =	vld [tilespmem:$0x0]  }
0x27: {  	s13 =	simm.s32 $0x2800  }
0x28: {  	[tilespmem:s13], [sflag:$0x1] =	stream.linear.gather [hbm4b:s6+s4], $0x2800, $0x38;
	v63 =	vld [tilespmem:$0x0]  }
0x29: {  	[spmem:s14], [sflag:s9] =	dma.local [hbm:s8], $0xF00  }
0x2a: {  	[spmem:s15], [sflag:s9] =	dma.local [hbm:s10], $0xF00  }
0x2b: {  	_ =	swait.ge [sflag:s16], $0x2800  }
0x2c: {  	[sflag:s16] =	ssyncset.done $0x0  }
0x2d: {  	[sflag:s16] =	ssyncadd.s32 $0xFFFFD800  }
0x2e: {  	_ =	swait.ge [sflag:s16], $0x2800  }
0x2f: {  	[sflag:s16] =	ssyncset.done $0x0  }
0x30: {  	[sflag:s16] =	ssyncadd.s32 $0xFFFFD800  }
0x31: {  	_ =	swait.ge [sflag:s16], $0xF00  }
0x32: {  	[sflag:s16] =	ssyncset.done $0x0  }
0x33: {  	[sflag:s16] =	ssyncadd.s32 $0xFFFFF100  }
0x34: {  	_ =	swait.ge [sflag:s16], $0xF00  }
0x35: {  	[sflag:s16] =	ssyncset.done $0x0  }
0x36: {  	[sflag:s16] =	ssyncadd.s32 $0xFFFFF100  }
0x37: {  	[bflag:$0x0] =	sbarrier.arrive $0xFFFF  }
0x38: {  	[tilespmem:s18], [sflag:$0x1] =	stream.indirect.gather [spmem:s3], $0x30, s4, s17, $0xb8;
	v63 =	vld [tilespmem:$0x0]  }
0x39: {  	_ = 	snop  }
0x3a: {  	[tilespmem:s19], [sflag:$0x1] =	stream.indirect.gather [spmem:s3], $0x30, s17, s17, $0xb8;
	v63 =	vld [tilespmem:$0x0]  }
0x3b: {  	s20 =	simm.s32 $0x100  }
0x3c: {  	[tilespmem:s21], [sflag:$0x1] =	stream.indirect.gather [spmem:s3], $0x30, s20, s17, $0xb8;
	v63 =	vld [tilespmem:$0x0]  }
0x3d: {  	s22 =	simm.s32 $0x180;
	s13 =	simm.s32 $0x0  }
0x3e: {  	[tilespmem:s23], [sflag:$0x1] =	stream.indirect.gather [spmem:s3], $0x30, s22, s17, $0xb8;
	v63 =	vld [tilespmem:$0x0]  }
.LBB2_2:
0x3f: {  	_ =	swait.ge [sflag:s16], $0x1800  }
0x40: {  	[sflag:s16] =	ssyncset.done $0x0  }
0x41: {  	[sflag:s16] =	ssyncadd.s32 $0xFFFFE800  }
0x42: {  	_ =	swait.ge [sflag:s16], $0x1800  }
0x43: {  	[sflag:s16] =	ssyncset.done $0x0  }
0x44: {  	[sflag:s16] =	ssyncadd.s32 $0xFFFFE800  }
0x45: {  	_ =	swait.ge [sflag:s16], $0x1800  }
0x46: {  	[sflag:s16] =	ssyncset.done $0x0  }
0x47: {  	[sflag:s16] =	ssyncadd.s32 $0xFFFFE800  }
0x48: {  	_ =	swait.ge [sflag:s16], $0x1800  }
0x49: {  	s20 =	sshra.s32 s13, $0x2;
	[sflag:s16] =	ssyncset.done $0x0  }
0x4a: {  	s22 =	sadd.s32 $0x2800, s20;
	[sflag:s16] =	ssyncadd.s32 $0xFFFFE800  }
0x4b: {  	[spmem:s2] =	stream.indirect.scatter.add.f32 [tilespmem:s18], [sflag:$0x3], $0x30, s22, s17, $0xb8;
	v63 =	vld [tilespmem:$0x0]  }
0x4c: {  	s22 =	sadd.s32 $0x2880, s20  }
0x4d: {  	[spmem:s2] =	stream.indirect.scatter.add.f32 [tilespmem:s19], [sflag:$0x3], $0x30, s22, s17, $0xb8;
	v63 =	vld [tilespmem:$0x0]  }
0x4e: {  	s22 =	sadd.s32 $0x2900, s20  }
0x4f: {  	[spmem:s2] =	stream.indirect.scatter.add.f32 [tilespmem:s21], [sflag:$0x3], $0x30, s22, s17, $0xb8;
	v63 =	vld [tilespmem:$0x0]  }
0x50: {  	p0 =	seq.s32 s13, $0x0;
	s22 =	sadd.s32 $0x2980, s20  }
0x51: {  	[spmem:s2] =	stream.indirect.scatter.add.f32 [tilespmem:s23], [sflag:$0x3], $0x30, s22, s17, $0xb8;
	v63 =	vld [tilespmem:$0x0]  }
0x52: {  	s22 =	simm.s32 @!p0 $0x4  }
0x53: {  	_ =	swait.ge @!p0 [sflag:s22], $0x1800  }
0x54: {  	[sflag:s22] =	ssyncset.done @!p0 $0x0  }
0x55: {  	[sflag:s22] =	ssyncadd.s32 @!p0 $0xFFFFE800  }
0x56: {  	_ =	swait.ge @!p0 [sflag:s22], $0x1800  }
0x57: {  	[sflag:s22] =	ssyncset.done @!p0 $0x0  }
0x58: {  	[sflag:s22] =	ssyncadd.s32 @!p0 $0xFFFFE800  }
0x59: {  	_ =	swait.ge @!p0 [sflag:s22], $0x1800  }
0x5a: {  	[sflag:s22] =	ssyncset.done @!p0 $0x0  }
0x5b: {  	[sflag:s22] =	ssyncadd.s32 @!p0 $0xFFFFE800  }
0x5c: {  	_ =	swait.ge @!p0 [sflag:s22], $0x1800  }
0x5d: {  	[sflag:s22] =	ssyncset.done @!p0 $0x0  }
0x5e: {  	[sflag:s22] =	ssyncadd.s32 @!p0 $0xFFFFE800;
	s22 =	sadd.s32 $0x200, s20  }
0x5f: {  	[tilespmem:s24], [sflag:$0x2] =	stream.indirect.gather [spmem:s3], $0x30, s22, s17, $0xb8;
	v63 =	vld [tilespmem:$0x0]  }
0x60: {  	s22 =	sadd.s32 $0x280, s20  }
0x61: {  	[tilespmem:s25], [sflag:$0x2] =	stream.indirect.gather [spmem:s3], $0x30, s22, s17, $0xb8;
	v63 =	vld [tilespmem:$0x0]  }
0x62: {  	s22 =	sadd.s32 $0x300, s20  }
0x63: {  	[tilespmem:s26], [sflag:$0x2] =	stream.indirect.gather [spmem:s3], $0x30, s22, s17, $0xb8;
	v63 =	vld [tilespmem:$0x0]  }
0x64: {  	s22 =	sadd.s32 $0x380, s20  }
0x65: {  	[tilespmem:s28], [sflag:$0x2] =	stream.indirect.gather [spmem:s3], $0x30, s22, s17, $0xb8;
	v63 =	vld [tilespmem:$0x0]  }
0x66: {  	_ =	swait.ge [sflag:s29], $0x1800  }
0x67: {  	[sflag:s29] =	ssyncset.done $0x0  }
0x68: {  	[sflag:s29] =	ssyncadd.s32 $0xFFFFE800  }
0x69: {  	_ =	swait.ge [sflag:s29], $0x1800  }
0x6a: {  	[sflag:s29] =	ssyncset.done $0x0  }
0x6b: {  	[sflag:s29] =	ssyncadd.s32 $0xFFFFE800  }
0x6c: {  	_ =	swait.ge [sflag:s29], $0x1800  }
0x6d: {  	[sflag:s29] =	ssyncset.done $0x0  }
0x6e: {  	[sflag:s29] =	ssyncadd.s32 $0xFFFFE800  }
0x6f: {  	_ =	swait.ge [sflag:s29], $0x1800  }
0x70: {  	[sflag:s29] =	ssyncset.done $0x0  }
0x71: {  	s22 =	sadd.s32 $0x2A00, s20;
	[sflag:s29] =	ssyncadd.s32 $0xFFFFE800  }
0x72: {  	[spmem:s2] =	stream.indirect.scatter.add.f32 [tilespmem:s24], [sflag:$0x4], $0x30, s22, s17, $0xb8;
	v63 =	vld [tilespmem:$0x0]  }
0x73: {  	s22 =	sadd.s32 $0x2A80, s20  }
0x74: {  	[spmem:s2] =	stream.indirect.scatter.add.f32 [tilespmem:s25], [sflag:$0x4], $0x30, s22, s17, $0xb8;
	v63 =	vld [tilespmem:$0x0]  }
0x75: {  	s22 =	sadd.s32 $0x2B00, s20  }
0x76: {  	[spmem:s2] =	stream.indirect.scatter.add.f32 [tilespmem:s26], [sflag:$0x4], $0x30, s22, s17, $0xb8;
	v63 =	vld [tilespmem:$0x0]  }
0x77: {  	s22 =	sadd.s32 $0x2B80, s20  }
0x78: {  	[spmem:s2] =	stream.indirect.scatter.add.f32 [tilespmem:s28], [sflag:$0x4], $0x30, s22, s17, $0xb8;
	v63 =	vld [tilespmem:$0x0]  }
0x79: {  	_ =	swait.ge [sflag:s30], $0x1800  }
0x7a: {  	[sflag:s30] =	ssyncset.done $0x0  }
0x7b: {  	[sflag:s30] =	ssyncadd.s32 $0xFFFFE800  }
0x7c: {  	_ =	swait.ge [sflag:s30], $0x1800  }
0x7d: {  	[sflag:s30] =	ssyncset.done $0x0  }
0x7e: {  	[sflag:s30] =	ssyncadd.s32 $0xFFFFE800  }
0x7f: {  	p0 =	seq.s32 s13, $0x9000;
	_ =	swait.ge [sflag:s30], $0x1800  }
.Ltmp2:
0x80: {  	[sflag:s30] =	ssyncset.done $0x0;
	(pc) =	sbr.rel @p0 .LBB2_4-.Ltmp2, $4  }
0x81: {  	[sflag:s30] =	ssyncadd.s32 $0xFFFFE800  }
0x82: {  	_ =	swait.ge [sflag:s30], $0x1800  }
0x83: {  	[sflag:s30] =	ssyncset.done $0x0  }
0x84: {  	[sflag:s30] =	ssyncadd.s32 $0xFFFFE800  }
0x85: {  	s22 =	sadd.s32 $0x400, s20  }
0x86: {  	[tilespmem:s18], [sflag:$0x1] =	stream.indirect.gather [spmem:s3], $0x30, s22, s17, $0xb8;
	v63 =	vld [tilespmem:$0x0]  }
0x87: {  	s22 =	sadd.s32 $0x480, s20  }
0x88: {  	[tilespmem:s19], [sflag:$0x1] =	stream.indirect.gather [spmem:s3], $0x30, s22, s17, $0xb8;
	v63 =	vld [tilespmem:$0x0]  }
.Ltmp3:
0x89: {  	_ = 	snop;
	(pc) =	sbr.rel .LBB2_2-.Ltmp3, $4  }
0x8a: {  	s22 =	sadd.s32 $0x500, s20  }
0x8b: {  	[tilespmem:s21], [sflag:$0x1] =	stream.indirect.gather [spmem:s3], $0x30, s22, s17, $0xb8;
	v63 =	vld [tilespmem:$0x0]  }
0x8c: {  	s13 =	sadd.s32 $0x1000, s13;
	s22 =	sadd.s32 $0x580, s20  }
0x8d: {  	[tilespmem:s23], [sflag:$0x1] =	stream.indirect.gather [spmem:s3], $0x30, s22, s17, $0xb8;
	v63 =	vld [tilespmem:$0x0]  }
.LBB2_5:
0x8e: {  	_ =	sfence.sel $0x180000  }
0x8f: {  	[bflag:$0x0] =	sbarrier.arrive $0xFFFF  }
0x90: {  	_ =	strace $0x9000004A  }
0x91: {  	s0 =	stileid.u32;
	[bflag:$0x2] =	sbarrier.arrive $0xFFFF  }
0x92: {  	p0 =	sne.s32 s0, $0x0;
	s0 =	rddreg [dreg:$0x4]  }
0x93: {  	s0 =	sadd.s32 @!p0 $0x100000, s0  }
0x94: {  	[sflag:s0] =	ssyncadd.tile.s32 @!p0 $0x1;
	_ =	shalt  }
.Lfunc_end2:
_tile_overlayer_lowered:
.L_overlay_start_2:
0x95: {  	(tag) =	ssettag $0x2  }
0x96: {  	s0 =	rddreg [dreg:$0x0];
	s2 =	stileid.u32  }
0x97: {  	s1 =	rddreg [dreg:$0x1];
	p0 =	sne.s32 s2, $0x0  }
0x98: {  	s3 =	rddreg [dreg:$0x2];
	[bflag:$0x3] =	sbarrier.arrive $0xFFFF;
	s2 =	simm.s32 @!p0 $0x1C05  }
0x99: {  	[timem:s3], [sflag:s2] =	dma.local @!p0 [hbm:s0], s1  }
0x9a: {  	s0 =	simm.s32 @!p0 $0x5  }
0x9b: {  	_ =	swait.ge @!p0 [sflag:s0], s1  }
0x9c: {  	s1 =	ssub.s32 @!p0 $0x0, s1;
	[sflag:s0] =	ssyncset.done @!p0 $0x0  }
0x9d: {  	[sflag:s0] =	ssyncadd.s32 @!p0 s1  }
0x9e: {  	[bflag:$0x3] =	sbarrier.arrive $0xFFFF  }
0x9f: {  	_ =	shalt  }

// kernel: kernel.17.cloned.1.call-start
scs
__scs_entry_jumppad:
0x0: {  	(pc) =	sbr.rel $0x88, $3  }
0x1: {  	(tag) =	ssettag $0x0;
	lr =	simm.s32 $0x1  }
0x2: {  	[smem:$0x3F9B] =	sst lr;
	_ =	strace $0xD0000000  }
0x3: {  	_ = 	snop  }
0x4: {  	_ = 	snop  }
0x5: {  	_ = 	snop  }
0x6: {  	_ = 	snop  }
0x7: {  	_ = 	snop  }
__scs_overlays_trampoline_lowered:
0x8: {  	[smem:$0x3FAA] =	sst s0  }
0x9: {  	[smem:$0x3FAB] =	sst s1  }
0xa: {  	[smem:$0x3FAC] =	sst s2  }
0xb: {  	[smem:$0x3FAD] =	sst s3  }
0xc: {  	[smem:$0x3FAE] =	sst s4  }
0xd: {  	[smem:$0x3FAF] =	sst s5  }
0xe: {  	[smem:$0x3FB0] =	sst s6  }
0xf: {  	[smem:$0x3FB1] =	sst s7  }
0x10: {  	[smem:$0x3FB2] =	sst s8  }
0x11: {  	[smem:$0x3FB3] =	sst s9;
	s0 =	simm.s32 @!p0 $0x0  }
0x12: {  	s1 =	sld [smem:$0x3F99];
	s0 =	simm.s32 @p0 $0x1  }
0x13: {  	[smem:$0x3FB4] =	sst s0;
	s0 =	simm.s32 @!p1 $0x0  }
0x14: {  	s2 =	sld [smem:$0x3F98];
	s0 =	simm.s32 @p1 $0x1  }
0x15: {  	[smem:$0x3FB5] =	sst s0;
	s0 =	simm.s32 @!p2 $0x0  }
0x16: {  	s3 =	sld [smem:$0x3FDB];
	s0 =	simm.s32 @p2 $0x1  }
0x17: {  	s4 =	simm.s32 $0x1BF5;
	[smem:$0x3FB7] =	sst s0  }
0x18: {  	s0 =	sld [smem:$0x3F9A];
	_ =	swait.ge [sflag:s4], $0x0  }
0x19: {  	s7 =	sld [smem:$0x3F9B]  }
0x1a: {  	s8 =	sadd.s32 $0xFFFFE003, lr  }
0x1b: {  	s9 =	sadd.s32 $0xFFFFFEF7, lr;
	s5 =	simm.s32 $0xFFFFFFFF;
	p2 =	slt.u32 s8, $0xFFFFF086  }
0x1c: {  	p1 =	slt.u32 s9, $0xF7A;
	s5 =	simm.s32 @!p2 $0x0  }
0x1d: {  	s5 =	simm.s32 @p1 $0x1;
	p0 =	seq.s32 s7, s2  }
0x1e: {  	s7 =	smul.u32 @!p0 $0xF7A, s2;
	p2 =	seq.s32 @!p0 s5, $0x0  }
0x1f: {  	s9 =	smul.u32 $0xF7A, s1;
	s8 =	simm.s32 @!p0 $0x1BF5;
	p2 =	por !p2, p0  }
0x20: {  	[sflag:s8] =	ssyncset.s32 @!p0 $0xFFFFF086;
	s6 =	sadd.s32 @!p0 s3, s7;
	s7 =	simm.s32 @!p0 $0x108  }
0x21: {  	s3 =	sadd.s32 s3, s9;
	s6 =	sadd.s32 @!p0 $0x88, s6;
	s7 =	simm.s32 @p2 $0x1082  }
0x22: {  	[simem:s7], [sflag:s8] =	dma.local @!p0 [hbm:s6], $0xF7A  }
0x23: {  	s9 =	sor.u32 $0xD0000000, s2;
	s6 =	simm.s32 $0x108;
	_ =	swait.ge @!p0 [sflag:s8], $0x0  }
0x24: {  	s3 =	sadd.s32 $0x88, s3;
	s6 =	simm.s32 @!p1 $0x1082;
	[sflag:s4] =	ssyncset.s32 $0xFFFFF086  }
0x25: {  	[simem:s6], [sflag:s4] =	dma.local [hbm:s3], $0xF7A  }
0x26: {  	[smem:$0x3F9B] =	sst s1;
	(tag) =	ssettag s2;
	_ =	strace s9  }
0x27: {  	s1 =	sld [smem:$0x3FAB]  }
0x28: {  	s2 =	sld [smem:$0x3FAC]  }
0x29: {  	s4 =	sld [smem:$0x3FAE]  }
0x2a: {  	p0 =	seq.s32 s5, $0x0;
	s5 =	sld [smem:$0x3FAF]  }
0x2b: {  	s6 =	sld [smem:$0x3FB0]  }
0x2c: {  	s7 =	sld [smem:$0x3FB1]  }
0x2d: {  	s3 =	simm.s32 $0x108;
	s8 =	sld [smem:$0x3FB2]  }
0x2e: {  	s3 =	simm.s32 @!p0 $0x1082;
	s9 =	sld [smem:$0x3FB3]  }
0x2f: {  	lr =	sadd.s32 s0, s3;
	s0 =	sld [smem:$0x3FAA]  }
0x30: {  	s3 =	sld [smem:$0x3FAD]  }
0x31: {  	[smem:$0x3FB6] =	sst s10  }
0x32: {  	s10 =	sld [smem:$0x3FB4];
	_ =	sdelay $0x3  }
0x33: {  	p0 =	seq.s32 s10, $0x1;
	s10 =	sld [smem:$0x3FB6];
	_ =	sdelay $0x3  }
0x34: {  	[smem:$0x3FB6] =	sst s10  }
0x35: {  	s10 =	sld [smem:$0x3FB5];
	_ =	sdelay $0x3  }
0x36: {  	p1 =	seq.s32 s10, $0x1;
	s10 =	sld [smem:$0x3FB6];
	_ =	sdelay $0x3  }
0x37: {  	[smem:$0x3FB6] =	sst s10  }
0x38: {  	s10 =	sld [smem:$0x3FB7]  }
0x39: {  	_ = 	snop;
	(pc) =	sbr.ind lr, $3  }
0x3a: {  	_ = 	snop  }
0x3b: {  	_ = 	snop  }
0x3c: {  	p2 =	seq.s32 s10, $0x1;
	s10 =	sld [smem:$0x3FB6]  }
0x3d: {  	_ =	shalt  }
0x3e: {  	_ =	shalt  }
0x3f: {  	_ =	shalt  }
0x40: {  	_ =	shalt  }
0x41: {  	_ =	shalt  }
0x42: {  	_ =	shalt  }
0x43: {  	_ =	shalt  }
0x44: {  	_ =	shalt  }
0x45: {  	_ =	shalt  }
0x46: {  	_ =	shalt  }
0x47: {  	_ =	shalt  }
0x48: {  	_ =	shalt  }
0x49: {  	_ =	shalt  }
0x4a: {  	_ =	shalt  }
0x4b: {  	_ =	shalt  }
0x4c: {  	_ =	shalt  }
0x4d: {  	_ =	shalt  }
0x4e: {  	_ =	shalt  }
0x4f: {  	_ =	shalt  }
0x50: {  	_ =	shalt  }
0x51: {  	_ =	shalt  }
0x52: {  	_ =	shalt  }
0x53: {  	_ =	shalt  }
0x54: {  	_ =	shalt  }
0x55: {  	_ =	shalt  }
0x56: {  	_ =	shalt  }
0x57: {  	_ =	shalt  }
0x58: {  	_ =	shalt  }
0x59: {  	_ =	shalt  }
0x5a: {  	_ =	shalt  }
0x5b: {  	_ =	shalt  }
0x5c: {  	_ =	shalt  }
0x5d: {  	_ =	shalt  }
0x5e: {  	_ =	shalt  }
0x5f: {  	_ =	shalt  }
0x60: {  	_ =	shalt  }
0x61: {  	_ =	shalt  }
0x62: {  	_ =	shalt  }
0x63: {  	_ =	shalt  }
0x64: {  	_ =	shalt  }
0x65: {  	_ =	shalt  }
0x66: {  	_ =	shalt  }
0x67: {  	_ =	shalt  }
0x68: {  	_ =	shalt  }
0x69: {  	_ =	shalt  }
0x6a: {  	_ =	shalt  }
0x6b: {  	_ =	shalt  }
0x6c: {  	_ =	shalt  }
0x6d: {  	_ =	shalt  }
0x6e: {  	_ =	shalt  }
0x6f: {  	_ =	shalt  }
0x70: {  	_ =	shalt  }
0x71: {  	_ =	shalt  }
0x72: {  	_ =	shalt  }
0x73: {  	_ =	shalt  }
0x74: {  	_ =	shalt  }
0x75: {  	_ =	shalt  }
0x76: {  	_ =	shalt  }
0x77: {  	_ =	shalt  }
0x78: {  	_ =	shalt  }
0x79: {  	_ =	shalt  }
0x7a: {  	_ =	shalt  }
0x7b: {  	_ =	shalt  }
0x7c: {  	_ =	shalt  }
0x7d: {  	_ =	shalt  }
0x7e: {  	_ =	shalt  }
0x7f: {  	_ =	shalt  }
0x80: {  	_ =	shalt  }
0x81: {  	_ =	shalt  }
0x82: {  	_ =	shalt  }
0x83: {  	_ =	shalt  }
0x84: {  	_ =	shalt  }
0x85: {  	_ =	shalt  }
0x86: {  	_ =	shalt  }
0x87: {  	_ =	shalt  }
.Lfunc_end0:
.L_simem_size_0:
called_computation.2_lowered:
.L_overlay_start_0:
0x88: {  	s2 =	sld [smem:$0x3FD9]  }
0x89: {  	s3 =	sld [smem:$0x3FFE];
	_ =	sdelay $0x1  }
0x8a: {  	s1 =	srdreg.scid  }
0x8b: {  	s0 =	sand.u32 $0x1, s1  }
0x8c: {  	s17 =	sshll.u32 s0, $0xA;
	s2 =	sadd.s32 s3, s2  }
0x8d: {  	s2 =	sadd.s32 s2, s17  }
0x8e: {  	[smem:$0x3FC2] =	sst s2  }
0x8f: {  	_ = 	snop  }
0x90: {  	s2 =	sld [smem:$0x3FD0];
	(tm) =	ssettm $0x1  }
0x91: {  	s18 =	sld [smem:$0x3FFB];
	_ =	sdelay $0x3  }
0x92: {  	_ =	strace s18  }
0x93: {  	s3 =	sld [smem:$0x3FFC];
	_ =	sdelay $0x3  }
0x94: {  	_ =	strace s3  }
0x95: {  	s3 =	sld [smem:$0x3FFD];
	_ =	sdelay $0x3  }
0x96: {  	_ =	strace s3  }
0x97: {  	_ =	strace $0x8FFFFFFF  }
0x98: {  	s19 =	sld [smem:$0x3FDB];
	_ =	sdelay $0x1  }
0x99: {  	s4 =	simm.s32 $_scs_section_size  }
0x9a: {  	s5 =	simm.s32 $_size__tile_overlayer_lowered;
	s6 =	simm.s32 $_tile_overlayer_lowered  }
0x9b: {  	s22 =	simm.s32 $0x1BFF;
	s21 =	sshll.u32 s6, $0x1;
	s3 =	sadd.s32 s4, s19  }
0x9c: {  	s7 =	simm.s32 $0x0;
	s20 =	sshll.u32 s5, $0x1;
	s5 =	sadd.s32 s21, s3  }
0x9d: {  	[timem:s7], [sflag:s22] =	dma.local [hbm:s5], s20  }
0x9e: {  	_ =	swait.ge [sflag:s22], s20  }
0x9f: {  	s4 =	ssub.s32 $0x0, s20;
	[sflag:s22] =	ssyncset.done $0x0  }
0xa0: {  	[sflag:s22] =	ssyncadd.s32 s4;
	_ =	sdelay $0x1  }
0xa1: {  	s23 =	simm.s32 $0x1B8B  }
0xa2: {  	_ =	swait.ge [sflag:s23], $0x1  }
0xa3: {  	[sflag:s23] =	ssyncset.done $0x0  }
0xa4: {  	s25 =	simm.s32 $0x1B8E;
	s24 =	sld [smem:$0x3FFE];
	[sflag:s23] =	ssyncadd.s32 $0xFFFFFFFF  }
0xa5: {  	s26 =	simm.s32 $execute0_lowered;
	[smem:$0x3FD2] =	sst s25  }
0xa6: {  	s5 =	sshll.u32 s26, $0x1;
	_ =	strace $0x8000004C;
	[dreg:$0x1] =	wrdreg $0xFFFFFFFF  }
0xa7: {  	s28 =	simm.s32 $_size_execute0_lowered;
	s3 =	sadd.s32 s3, s5;
	[dreg:$0x0] =	wrdreg $0x0  }
0xa8: {  	s5 =	sshll.u32 s28, $0x1;
	[dreg:$0x2] =	wrdreg s3  }
0xa9: {  	[dreg:$0x3] =	wrdreg s5  }
0xaa: {  	[dreg:$0x4] =	wrdreg $0xC0  }
0xab: {  	_ =	task [dreg:s7], $0x5FFFF  }
0xac: {  	[dreg:$0x1] =	wrdreg $0xFFFFFFFF  }
0xad: {  	[dreg:$0x0] =	wrdreg $0x60  }
0xae: {  	[dreg:$0x2] =	wrdreg s24  }
0xaf: {  	[dreg:$0x3] =	wrdreg s2  }
0xb0: {  	[dreg:$0x4] =	wrdreg $0x110000  }
0xb1: {  	[dreg:$0x5] =	wrdreg $0x188000  }
0xb2: {  	[dreg:$0x6] =	wrdreg $0x9  }
0xb3: {  	_ =	task.clear_ibuf [dreg:s7], $0x7FFFF;
	_ =	strace $0x9000004C  }
0xb4: {  	s29 =	simm.s32 $0x9;
	_ =	strace $0x8000004E  }
0xb5: {  	_ =	swait.ge [sflag:s29], $0x1  }
0xb6: {  	[sflag:s29] =	ssyncadd.s32 $0xFFFFFFFF  }
0xb7: {  	_ =	strace $0x9000004E  }
0xb8: {  	_ =	sfence  }
0xb9: {  	s30 =	sld [smem:$0x0];
	_ =	sdelay $0x2  }
0xba: {  	s31 =	sshll.u32 s1, $0xD;
	s1 =	sshrl.u32 s1, $0x2  }
0xbb: {  	s3 =	sand.u32 $0x4000, s31;
	s1 =	sadd.s32 s1, s30  }
0xbc: {  	s0 =	sor.u32 s3, s0;
	s1 =	sshll.u32 s1, $0x11  }
0xbd: {  	s0 =	sor.u32 s1, s0  }
0xbe: {  	s0 =	sadd.s32 $0x8F2B, s0  }
0xbf: {  	[sflag:s0] =	ssyncadd.remote.s32 $0x1  }
0xc0: {  	_ =	sfence.sel $0xFFFF  }
0xc1: {  	[dreg:$0x0] =	wrdreg $0xFFFFFFFF;
	(pc) =	sbr.abs _section_cstart, $3  }
0xc2: {  	[dreg:$0x1] =	wrdreg $0xFFFFFFFF  }
0xc3: {  	_ =	task.clear_ibuf [dreg:s7], $0x2FFFF;
	_ =	strace $0x9FFFFFFF  }
0xc4: {  	(tm) =	ssettm $0x7FFFFFFF  }
0xc5: {  	_ =	shalt  }
tec
execute0_lowered:
.L_overlay_start_1:
0x0: {  	(tag) =	ssettag $0x1  }
0x1: {  	s0 =	rddreg [dreg:$0x0]  }
0x2: {  	s1 =	rddreg [dreg:$0x1]  }
0x3: {  	s2 =	rddreg [dreg:$0x2]  }
0x4: {  	s3 =	rddreg [dreg:$0x3]  }
0x5: {  	s13 =	stileid.u32;
	s5 =	srdreg.scid;
	s4 =	simm.s32 $0x0  }
0x6: {  	s16 =	simm.s32 $0x1;
	s17 =	simm.s32 $0x80;
	s18 =	simm.s32 $0x5000  }
0x7: {  	s19 =	simm.s32 $0x6800;
	s21 =	simm.s32 $0x8000;
	s23 =	simm.s32 $0x9800  }
0x8: {  	s28 =	simm.s32 $0xF800;
	s29 =	simm.s32 $0x2;
	s30 =	simm.s32 $0x3  }
0x9: {  	s31 =	simm.s32 $0x4;
	s10 =	smul.u32 $0x7800, s13;
	s5 =	sand.u32 $0x1, s5  }
0xa: {  	[smem:$0x7FF] =	sst s4;
	s6 =	sshll.u32 s5, $0x4;
	s7 =	smul.u32 $0x78000, s5  }
0xb: {  	_ =	strace $0x8000004D;
	s5 =	ssub.s32 $0x2, s5;
	s8 =	sshrl.u32 s10, $0x3  }
0xc: {  	s6 =	sor.u32 s13, s6;
	s24 =	sshrl.u32 s5, $0x1;
	s25 =	sadd.s32 s10, s2  }
0xd: {  	s26 =	sadd.s32 s10, s3;
	s6 =	smul.u32 $0x500, s6;
	s7 =	sadd.s32 s10, s7  }
0xe: {  	s11 =	sadd.s32 s8, s0;
	s12 =	ssub.s32 s5, s24;
	s14 =	sshrl.u32 s25, $0x3  }
0xf: {  	s15 =	sshrl.u32 s26, $0x3;
	s24 =	simm.s32 $0xB000;
	s25 =	simm.s32 $0xC800  }
.Ltmp0:
0x10: {  	s26 =	simm.s32 $0xE000;
	s7 =	sshrl.u32 s7, $0x3;
	(pc) =	sbr.rel .LBB2_1-.Ltmp0, $4  }
0x11: {  	s8 =	sadd.s32 $0x19C00, s11;
	s10 =	sadd.s32 $0xAC00, s11;
	s12 =	smax.u32 s12, $0x1  }
0x12: {  	s9 =	sadd.s32 s6, s0;
	s0 =	sadd.s32 s7, s0;
	s5 =	sadd.s32 s1, s6  }
0x13: {  	s7 =	sshll.u32 s13, $0x6;
	s1 =	simm.s32 $0x0;
	s6 =	sadd.s32 $0xC00, s9  }
0x14: {  	s9 =	sor.u32 $0x1C01, s7;
	s11 =	sadd.s32 $0x28C00, s0;
	s0 =	simm.s32 $0x5  }
.LBB2_4:
0x15: {  	_ =	swait.ge [sflag:s31], $0x1800  }
0x16: {  	[sflag:s31] =	ssyncset.done $0x0  }
0x17: {  	[sflag:s31] =	ssyncadd.s32 $0xFFFFE800  }
0x18: {  	_ =	swait.ge [sflag:s31], $0x1800  }
0x19: {  	[sflag:s31] =	ssyncset.done $0x0  }
0x1a: {  	[sflag:s31] =	ssyncadd.s32 $0xFFFFE800  }
0x1b: {  	_ =	swait.ge [sflag:s31], $0x1800  }
0x1c: {  	[sflag:s31] =	ssyncset.done $0x0  }
0x1d: {  	[sflag:s31] =	ssyncadd.s32 $0xFFFFE800  }
0x1e: {  	_ =	swait.ge [sflag:s31], $0x1800  }
0x1f: {  	s1 =	sadd.s32 $0x1, s1;
	[sflag:s31] =	ssyncset.done $0x0  }
0x20: {  	p0 =	sne.s32 s1, s12;
	[sflag:s31] =	ssyncadd.s32 $0xFFFFE800  }
.Ltmp1:
0x21: {  	s13 =	sor.u32 $0x1C05, s7;
	[bflag:$0x0] =	sbarrier.arrive $0xFFFF;
	(pc) =	sbr.rel @!p0 .LBB2_5-.Ltmp1, $4  }
0x22: {  	[hbm:s11], [sflag:s13] =	dma.local [spmem:s14], $0xF00  }
0x23: {  	_ =	swait.ge [sflag:s0], $0xF00  }
0x24: {  	[sflag:s0] =	ssyncset.done $0x0  }
0x25: {  	[sflag:s0] =	ssyncadd.s32 $0xFFFFF100  }
.LBB2_1:
0x26: {  	[tilespmem:s4], [sflag:$0x1] =	stream.linear.gather [hbm4b:s5+s4], $0x2800, $0x38;
	v63 =	vld [tilespmem:$0x0]  }
0x27: {  	s13 =	simm.s32 $0x2800  }
0x28: {  	[tilespmem:s13], [sflag:$0x1] =	stream.linear.gather [hbm4b:s6+s4], $0x2800, $0x38;
	v63 =	vld [tilespmem:$0x0]  }
0x29: {  	[spmem:s14], [sflag:s9] =	dma.local [hbm:s8], $0xF00  }
0x2a: {  	[spmem:s15], [sflag:s9] =	dma.local [hbm:s10], $0xF00  }
0x2b: {  	_ =	swait.ge [sflag:s16], $0x2800  }
0x2c: {  	[sflag:s16] =	ssyncset.done $0x0  }
0x2d: {  	[sflag:s16] =	ssyncadd.s32 $0xFFFFD800  }
0x2e: {  	_ =	swait.ge [sflag:s16], $0x2800  }
0x2f: {  	[sflag:s16] =	ssyncset.done $0x0  }
0x30: {  	[sflag:s16] =	ssyncadd.s32 $0xFFFFD800  }
0x31: {  	_ =	swait.ge [sflag:s16], $0xF00  }
0x32: {  	[sflag:s16] =	ssyncset.done $0x0  }
0x33: {  	[sflag:s16] =	ssyncadd.s32 $0xFFFFF100  }
0x34: {  	_ =	swait.ge [sflag:s16], $0xF00  }
0x35: {  	[sflag:s16] =	ssyncset.done $0x0  }
0x36: {  	[sflag:s16] =	ssyncadd.s32 $0xFFFFF100  }
0x37: {  	[bflag:$0x0] =	sbarrier.arrive $0xFFFF  }
0x38: {  	[tilespmem:s18], [sflag:$0x1] =	stream.indirect.gather [spmem:s3], $0x30, s4, s17, $0xb8;
	v63 =	vld [tilespmem:$0x0]  }
0x39: {  	_ = 	snop  }
0x3a: {  	[tilespmem:s19], [sflag:$0x1] =	stream.indirect.gather [spmem:s3], $0x30, s17, s17, $0xb8;
	v63 =	vld [tilespmem:$0x0]  }
0x3b: {  	s20 =	simm.s32 $0x100  }
0x3c: {  	[tilespmem:s21], [sflag:$0x1] =	stream.indirect.gather [spmem:s3], $0x30, s20, s17, $0xb8;
	v63 =	vld [tilespmem:$0x0]  }
0x3d: {  	s22 =	simm.s32 $0x180;
	s13 =	simm.s32 $0x0  }
0x3e: {  	[tilespmem:s23], [sflag:$0x1] =	stream.indirect.gather [spmem:s3], $0x30, s22, s17, $0xb8;
	v63 =	vld [tilespmem:$0x0]  }
.LBB2_2:
0x3f: {  	_ =	swait.ge [sflag:s16], $0x1800  }
0x40: {  	[sflag:s16] =	ssyncset.done $0x0  }
0x41: {  	[sflag:s16] =	ssyncadd.s32 $0xFFFFE800  }
0x42: {  	_ =	swait.ge [sflag:s16], $0x1800  }
0x43: {  	[sflag:s16] =	ssyncset.done $0x0  }
0x44: {  	[sflag:s16] =	ssyncadd.s32 $0xFFFFE800  }
0x45: {  	_ =	swait.ge [sflag:s16], $0x1800  }
0x46: {  	[sflag:s16] =	ssyncset.done $0x0  }
0x47: {  	[sflag:s16] =	ssyncadd.s32 $0xFFFFE800  }
0x48: {  	_ =	swait.ge [sflag:s16], $0x1800  }
0x49: {  	s20 =	sshra.s32 s13, $0x2;
	[sflag:s16] =	ssyncset.done $0x0  }
0x4a: {  	s22 =	sadd.s32 $0x2800, s20;
	[sflag:s16] =	ssyncadd.s32 $0xFFFFE800  }
0x4b: {  	[spmem:s2] =	stream.indirect.scatter.add.f32 [tilespmem:s18], [sflag:$0x3], $0x30, s22, s17, $0xb8;
	v63 =	vld [tilespmem:$0x0]  }
0x4c: {  	s22 =	sadd.s32 $0x2880, s20  }
0x4d: {  	[spmem:s2] =	stream.indirect.scatter.add.f32 [tilespmem:s19], [sflag:$0x3], $0x30, s22, s17, $0xb8;
	v63 =	vld [tilespmem:$0x0]  }
0x4e: {  	s22 =	sadd.s32 $0x2900, s20  }
0x4f: {  	[spmem:s2] =	stream.indirect.scatter.add.f32 [tilespmem:s21], [sflag:$0x3], $0x30, s22, s17, $0xb8;
	v63 =	vld [tilespmem:$0x0]  }
0x50: {  	p0 =	seq.s32 s13, $0x0;
	s22 =	sadd.s32 $0x2980, s20  }
0x51: {  	[spmem:s2] =	stream.indirect.scatter.add.f32 [tilespmem:s23], [sflag:$0x3], $0x30, s22, s17, $0xb8;
	v63 =	vld [tilespmem:$0x0]  }
0x52: {  	s22 =	simm.s32 @!p0 $0x4  }
0x53: {  	_ =	swait.ge @!p0 [sflag:s22], $0x1800  }
0x54: {  	[sflag:s22] =	ssyncset.done @!p0 $0x0  }
0x55: {  	[sflag:s22] =	ssyncadd.s32 @!p0 $0xFFFFE800  }
0x56: {  	_ =	swait.ge @!p0 [sflag:s22], $0x1800  }
0x57: {  	[sflag:s22] =	ssyncset.done @!p0 $0x0  }
0x58: {  	[sflag:s22] =	ssyncadd.s32 @!p0 $0xFFFFE800  }
0x59: {  	_ =	swait.ge @!p0 [sflag:s22], $0x1800  }
0x5a: {  	[sflag:s22] =	ssyncset.done @!p0 $0x0  }
0x5b: {  	[sflag:s22] =	ssyncadd.s32 @!p0 $0xFFFFE800  }
0x5c: {  	_ =	swait.ge @!p0 [sflag:s22], $0x1800  }
0x5d: {  	[sflag:s22] =	ssyncset.done @!p0 $0x0  }
0x5e: {  	[sflag:s22] =	ssyncadd.s32 @!p0 $0xFFFFE800;
	s22 =	sadd.s32 $0x200, s20  }
0x5f: {  	[tilespmem:s24], [sflag:$0x2] =	stream.indirect.gather [spmem:s3], $0x30, s22, s17, $0xb8;
	v63 =	vld [tilespmem:$0x0]  }
0x60: {  	s22 =	sadd.s32 $0x280, s20  }
0x61: {  	[tilespmem:s25], [sflag:$0x2] =	stream.indirect.gather [spmem:s3], $0x30, s22, s17, $0xb8;
	v63 =	vld [tilespmem:$0x0]  }
0x62: {  	s22 =	sadd.s32 $0x300, s20  }
0x63: {  	[tilespmem:s26], [sflag:$0x2] =	stream.indirect.gather [spmem:s3], $0x30, s22, s17, $0xb8;
	v63 =	vld [tilespmem:$0x0]  }
0x64: {  	s22 =	sadd.s32 $0x380, s20  }
0x65: {  	[tilespmem:s28], [sflag:$0x2] =	stream.indirect.gather [spmem:s3], $0x30, s22, s17, $0xb8;
	v63 =	vld [tilespmem:$0x0]  }
0x66: {  	_ =	swait.ge [sflag:s29], $0x1800  }
0x67: {  	[sflag:s29] =	ssyncset.done $0x0  }
0x68: {  	[sflag:s29] =	ssyncadd.s32 $0xFFFFE800  }
0x69: {  	_ =	swait.ge [sflag:s29], $0x1800  }
0x6a: {  	[sflag:s29] =	ssyncset.done $0x0  }
0x6b: {  	[sflag:s29] =	ssyncadd.s32 $0xFFFFE800  }
0x6c: {  	_ =	swait.ge [sflag:s29], $0x1800  }
0x6d: {  	[sflag:s29] =	ssyncset.done $0x0  }
0x6e: {  	[sflag:s29] =	ssyncadd.s32 $0xFFFFE800  }
0x6f: {  	_ =	swait.ge [sflag:s29], $0x1800  }
0x70: {  	[sflag:s29] =	ssyncset.done $0x0  }
0x71: {  	s22 =	sadd.s32 $0x2A00, s20;
	[sflag:s29] =	ssyncadd.s32 $0xFFFFE800  }
0x72: {  	[spmem:s2] =	stream.indirect.scatter.add.f32 [tilespmem:s24], [sflag:$0x4], $0x30, s22, s17, $0xb8;
	v63 =	vld [tilespmem:$0x0]  }
0x73: {  	s22 =	sadd.s32 $0x2A80, s20  }
0x74: {  	[spmem:s2] =	stream.indirect.scatter.add.f32 [tilespmem:s25], [sflag:$0x4], $0x30, s22, s17, $0xb8;
	v63 =	vld [tilespmem:$0x0]  }
0x75: {  	s22 =	sadd.s32 $0x2B00, s20  }
0x76: {  	[spmem:s2] =	stream.indirect.scatter.add.f32 [tilespmem:s26], [sflag:$0x4], $0x30, s22, s17, $0xb8;
	v63 =	vld [tilespmem:$0x0]  }
0x77: {  	s22 =	sadd.s32 $0x2B80, s20  }
0x78: {  	[spmem:s2] =	stream.indirect.scatter.add.f32 [tilespmem:s28], [sflag:$0x4], $0x30, s22, s17, $0xb8;
	v63 =	vld [tilespmem:$0x0]  }
0x79: {  	_ =	swait.ge [sflag:s30], $0x1800  }
0x7a: {  	[sflag:s30] =	ssyncset.done $0x0  }
0x7b: {  	[sflag:s30] =	ssyncadd.s32 $0xFFFFE800  }
0x7c: {  	_ =	swait.ge [sflag:s30], $0x1800  }
0x7d: {  	[sflag:s30] =	ssyncset.done $0x0  }
0x7e: {  	[sflag:s30] =	ssyncadd.s32 $0xFFFFE800  }
0x7f: {  	p0 =	seq.s32 s13, $0x9000;
	_ =	swait.ge [sflag:s30], $0x1800  }
.Ltmp2:
0x80: {  	[sflag:s30] =	ssyncset.done $0x0;
	(pc) =	sbr.rel @p0 .LBB2_4-.Ltmp2, $4  }
0x81: {  	[sflag:s30] =	ssyncadd.s32 $0xFFFFE800  }
0x82: {  	_ =	swait.ge [sflag:s30], $0x1800  }
0x83: {  	[sflag:s30] =	ssyncset.done $0x0  }
0x84: {  	[sflag:s30] =	ssyncadd.s32 $0xFFFFE800  }
0x85: {  	s22 =	sadd.s32 $0x400, s20  }
0x86: {  	[tilespmem:s18], [sflag:$0x1] =	stream.indirect.gather [spmem:s3], $0x30, s22, s17, $0xb8;
	v63 =	vld [tilespmem:$0x0]  }
0x87: {  	s22 =	sadd.s32 $0x480, s20  }
0x88: {  	[tilespmem:s19], [sflag:$0x1] =	stream.indirect.gather [spmem:s3], $0x30, s22, s17, $0xb8;
	v63 =	vld [tilespmem:$0x0]  }
.Ltmp3:
0x89: {  	_ = 	snop;
	(pc) =	sbr.rel .LBB2_2-.Ltmp3, $4  }
0x8a: {  	s22 =	sadd.s32 $0x500, s20  }
0x8b: {  	[tilespmem:s21], [sflag:$0x1] =	stream.indirect.gather [spmem:s3], $0x30, s22, s17, $0xb8;
	v63 =	vld [tilespmem:$0x0]  }
0x8c: {  	s13 =	sadd.s32 $0x1000, s13;
	s22 =	sadd.s32 $0x580, s20  }
0x8d: {  	[tilespmem:s23], [sflag:$0x1] =	stream.indirect.gather [spmem:s3], $0x30, s22, s17, $0xb8;
	v63 =	vld [tilespmem:$0x0]  }
.LBB2_5:
0x8e: {  	_ =	sfence.sel $0x180000  }
0x8f: {  	[bflag:$0x0] =	sbarrier.arrive $0xFFFF  }
0x90: {  	_ =	strace $0x9000004D  }
0x91: {  	s0 =	stileid.u32;
	[bflag:$0x2] =	sbarrier.arrive $0xFFFF  }
0x92: {  	p0 =	sne.s32 s0, $0x0;
	s0 =	rddreg [dreg:$0x4]  }
0x93: {  	s0 =	sadd.s32 @!p0 $0x100000, s0  }
0x94: {  	[sflag:s0] =	ssyncadd.tile.s32 @!p0 $0x1;
	_ =	shalt  }
.Lfunc_end2:
_tile_overlayer_lowered:
.L_overlay_start_2:
0x95: {  	(tag) =	ssettag $0x2  }
0x96: {  	s0 =	rddreg [dreg:$0x0];
	s2 =	stileid.u32  }
0x97: {  	s1 =	rddreg [dreg:$0x1];
	p0 =	sne.s32 s2, $0x0  }
0x98: {  	s3 =	rddreg [dreg:$0x2];
	[bflag:$0x3] =	sbarrier.arrive $0xFFFF;
	s2 =	simm.s32 @!p0 $0x1C05  }
0x99: {  	[timem:s3], [sflag:s2] =	dma.local @!p0 [hbm:s0], s1  }
0x9a: {  	s0 =	simm.s32 @!p0 $0x5  }
0x9b: {  	_ =	swait.ge @!p0 [sflag:s0], s1  }
0x9c: {  	s1 =	ssub.s32 @!p0 $0x0, s1;
	[sflag:s0] =	ssyncset.done @!p0 $0x0  }
0x9d: {  	[sflag:s0] =	ssyncadd.s32 @!p0 s1  }
0x9e: {  	[bflag:$0x3] =	sbarrier.arrive $0xFFFF  }
0x9f: {  	_ =	shalt  }

// kernel: kernel.20.cloned.1.call-start
scs
__scs_entry_jumppad:
0x0: {  	(pc) =	sbr.rel $0x88, $3  }
0x1: {  	(tag) =	ssettag $0x0;
	lr =	simm.s32 $0x1  }
0x2: {  	[smem:$0x3F9B] =	sst lr;
	_ =	strace $0xD0000000  }
0x3: {  	_ = 	snop  }
0x4: {  	_ = 	snop  }
0x5: {  	_ = 	snop  }
0x6: {  	_ = 	snop  }
0x7: {  	_ = 	snop  }
__scs_overlays_trampoline_lowered:
0x8: {  	[smem:$0x3FAA] =	sst s0  }
0x9: {  	[smem:$0x3FAB] =	sst s1  }
0xa: {  	[smem:$0x3FAC] =	sst s2  }
0xb: {  	[smem:$0x3FAD] =	sst s3  }
0xc: {  	[smem:$0x3FAE] =	sst s4  }
0xd: {  	[smem:$0x3FAF] =	sst s5  }
0xe: {  	[smem:$0x3FB0] =	sst s6  }
0xf: {  	[smem:$0x3FB1] =	sst s7  }
0x10: {  	[smem:$0x3FB2] =	sst s8  }
0x11: {  	[smem:$0x3FB3] =	sst s9;
	s0 =	simm.s32 @!p0 $0x0  }
0x12: {  	s1 =	sld [smem:$0x3F99];
	s0 =	simm.s32 @p0 $0x1  }
0x13: {  	[smem:$0x3FB4] =	sst s0;
	s0 =	simm.s32 @!p1 $0x0  }
0x14: {  	s2 =	sld [smem:$0x3F98];
	s0 =	simm.s32 @p1 $0x1  }
0x15: {  	[smem:$0x3FB5] =	sst s0;
	s0 =	simm.s32 @!p2 $0x0  }
0x16: {  	s3 =	sld [smem:$0x3FDB];
	s0 =	simm.s32 @p2 $0x1  }
0x17: {  	s4 =	simm.s32 $0x1BF5;
	[smem:$0x3FB7] =	sst s0  }
0x18: {  	s0 =	sld [smem:$0x3F9A];
	_ =	swait.ge [sflag:s4], $0x0  }
0x19: {  	s7 =	sld [smem:$0x3F9B]  }
0x1a: {  	s8 =	sadd.s32 $0xFFFFE003, lr  }
0x1b: {  	s9 =	sadd.s32 $0xFFFFFEF7, lr;
	s5 =	simm.s32 $0xFFFFFFFF;
	p2 =	slt.u32 s8, $0xFFFFF086  }
0x1c: {  	p1 =	slt.u32 s9, $0xF7A;
	s5 =	simm.s32 @!p2 $0x0  }
0x1d: {  	s5 =	simm.s32 @p1 $0x1;
	p0 =	seq.s32 s7, s2  }
0x1e: {  	s7 =	smul.u32 @!p0 $0xF7A, s2;
	p2 =	seq.s32 @!p0 s5, $0x0  }
0x1f: {  	s9 =	smul.u32 $0xF7A, s1;
	s8 =	simm.s32 @!p0 $0x1BF5;
	p2 =	por !p2, p0  }
0x20: {  	[sflag:s8] =	ssyncset.s32 @!p0 $0xFFFFF086;
	s6 =	sadd.s32 @!p0 s3, s7;
	s7 =	simm.s32 @!p0 $0x108  }
0x21: {  	s3 =	sadd.s32 s3, s9;
	s6 =	sadd.s32 @!p0 $0x88, s6;
	s7 =	simm.s32 @p2 $0x1082  }
0x22: {  	[simem:s7], [sflag:s8] =	dma.local @!p0 [hbm:s6], $0xF7A  }
0x23: {  	s9 =	sor.u32 $0xD0000000, s2;
	s6 =	simm.s32 $0x108;
	_ =	swait.ge @!p0 [sflag:s8], $0x0  }
0x24: {  	s3 =	sadd.s32 $0x88, s3;
	s6 =	simm.s32 @!p1 $0x1082;
	[sflag:s4] =	ssyncset.s32 $0xFFFFF086  }
0x25: {  	[simem:s6], [sflag:s4] =	dma.local [hbm:s3], $0xF7A  }
0x26: {  	[smem:$0x3F9B] =	sst s1;
	(tag) =	ssettag s2;
	_ =	strace s9  }
0x27: {  	s1 =	sld [smem:$0x3FAB]  }
0x28: {  	s2 =	sld [smem:$0x3FAC]  }
0x29: {  	s4 =	sld [smem:$0x3FAE]  }
0x2a: {  	p0 =	seq.s32 s5, $0x0;
	s5 =	sld [smem:$0x3FAF]  }
0x2b: {  	s6 =	sld [smem:$0x3FB0]  }
0x2c: {  	s7 =	sld [smem:$0x3FB1]  }
0x2d: {  	s3 =	simm.s32 $0x108;
	s8 =	sld [smem:$0x3FB2]  }
0x2e: {  	s3 =	simm.s32 @!p0 $0x1082;
	s9 =	sld [smem:$0x3FB3]  }
0x2f: {  	lr =	sadd.s32 s0, s3;
	s0 =	sld [smem:$0x3FAA]  }
0x30: {  	s3 =	sld [smem:$0x3FAD]  }
0x31: {  	[smem:$0x3FB6] =	sst s10  }
0x32: {  	s10 =	sld [smem:$0x3FB4];
	_ =	sdelay $0x3  }
0x33: {  	p0 =	seq.s32 s10, $0x1;
	s10 =	sld [smem:$0x3FB6];
	_ =	sdelay $0x3  }
0x34: {  	[smem:$0x3FB6] =	sst s10  }
0x35: {  	s10 =	sld [smem:$0x3FB5];
	_ =	sdelay $0x3  }
0x36: {  	p1 =	seq.s32 s10, $0x1;
	s10 =	sld [smem:$0x3FB6];
	_ =	sdelay $0x3  }
0x37: {  	[smem:$0x3FB6] =	sst s10  }
0x38: {  	s10 =	sld [smem:$0x3FB7]  }
0x39: {  	_ = 	snop;
	(pc) =	sbr.ind lr, $3  }
0x3a: {  	_ = 	snop  }
0x3b: {  	_ = 	snop  }
0x3c: {  	p2 =	seq.s32 s10, $0x1;
	s10 =	sld [smem:$0x3FB6]  }
0x3d: {  	_ =	shalt  }
0x3e: {  	_ =	shalt  }
0x3f: {  	_ =	shalt  }
0x40: {  	_ =	shalt  }
0x41: {  	_ =	shalt  }
0x42: {  	_ =	shalt  }
0x43: {  	_ =	shalt  }
0x44: {  	_ =	shalt  }
0x45: {  	_ =	shalt  }
0x46: {  	_ =	shalt  }
0x47: {  	_ =	shalt  }
0x48: {  	_ =	shalt  }
0x49: {  	_ =	shalt  }
0x4a: {  	_ =	shalt  }
0x4b: {  	_ =	shalt  }
0x4c: {  	_ =	shalt  }
0x4d: {  	_ =	shalt  }
0x4e: {  	_ =	shalt  }
0x4f: {  	_ =	shalt  }
0x50: {  	_ =	shalt  }
0x51: {  	_ =	shalt  }
0x52: {  	_ =	shalt  }
0x53: {  	_ =	shalt  }
0x54: {  	_ =	shalt  }
0x55: {  	_ =	shalt  }
0x56: {  	_ =	shalt  }
0x57: {  	_ =	shalt  }
0x58: {  	_ =	shalt  }
0x59: {  	_ =	shalt  }
0x5a: {  	_ =	shalt  }
0x5b: {  	_ =	shalt  }
0x5c: {  	_ =	shalt  }
0x5d: {  	_ =	shalt  }
0x5e: {  	_ =	shalt  }
0x5f: {  	_ =	shalt  }
0x60: {  	_ =	shalt  }
0x61: {  	_ =	shalt  }
0x62: {  	_ =	shalt  }
0x63: {  	_ =	shalt  }
0x64: {  	_ =	shalt  }
0x65: {  	_ =	shalt  }
0x66: {  	_ =	shalt  }
0x67: {  	_ =	shalt  }
0x68: {  	_ =	shalt  }
0x69: {  	_ =	shalt  }
0x6a: {  	_ =	shalt  }
0x6b: {  	_ =	shalt  }
0x6c: {  	_ =	shalt  }
0x6d: {  	_ =	shalt  }
0x6e: {  	_ =	shalt  }
0x6f: {  	_ =	shalt  }
0x70: {  	_ =	shalt  }
0x71: {  	_ =	shalt  }
0x72: {  	_ =	shalt  }
0x73: {  	_ =	shalt  }
0x74: {  	_ =	shalt  }
0x75: {  	_ =	shalt  }
0x76: {  	_ =	shalt  }
0x77: {  	_ =	shalt  }
0x78: {  	_ =	shalt  }
0x79: {  	_ =	shalt  }
0x7a: {  	_ =	shalt  }
0x7b: {  	_ =	shalt  }
0x7c: {  	_ =	shalt  }
0x7d: {  	_ =	shalt  }
0x7e: {  	_ =	shalt  }
0x7f: {  	_ =	shalt  }
0x80: {  	_ =	shalt  }
0x81: {  	_ =	shalt  }
0x82: {  	_ =	shalt  }
0x83: {  	_ =	shalt  }
0x84: {  	_ =	shalt  }
0x85: {  	_ =	shalt  }
0x86: {  	_ =	shalt  }
0x87: {  	_ =	shalt  }
.Lfunc_end0:
.L_simem_size_0:
called_computation.3_lowered:
.L_overlay_start_0:
0x88: {  	s2 =	sld [smem:$0x3FD9]  }
0x89: {  	s3 =	sld [smem:$0x3FFE];
	_ =	sdelay $0x1  }
0x8a: {  	s1 =	srdreg.scid  }
0x8b: {  	s0 =	sand.u32 $0x1, s1  }
0x8c: {  	s17 =	sshll.u32 s0, $0xA;
	s2 =	sadd.s32 s3, s2  }
0x8d: {  	s2 =	sadd.s32 s2, s17  }
0x8e: {  	[smem:$0x3FC2] =	sst s2  }
0x8f: {  	_ = 	snop  }
0x90: {  	s2 =	sld [smem:$0x3FD0];
	(tm) =	ssettm $0x1  }
0x91: {  	s18 =	sld [smem:$0x3FFB];
	_ =	sdelay $0x3  }
0x92: {  	_ =	strace s18  }
0x93: {  	s3 =	sld [smem:$0x3FFC];
	_ =	sdelay $0x3  }
0x94: {  	_ =	strace s3  }
0x95: {  	s3 =	sld [smem:$0x3FFD];
	_ =	sdelay $0x3  }
0x96: {  	_ =	strace s3  }
0x97: {  	_ =	strace $0x8FFFFFFF  }
0x98: {  	s19 =	sld [smem:$0x3FDB];
	_ =	sdelay $0x1  }
0x99: {  	s4 =	simm.s32 $_scs_section_size  }
0x9a: {  	s5 =	simm.s32 $_size__tile_overlayer_lowered;
	s6 =	simm.s32 $_tile_overlayer_lowered  }
0x9b: {  	s22 =	simm.s32 $0x1BFF;
	s21 =	sshll.u32 s6, $0x1;
	s3 =	sadd.s32 s4, s19  }
0x9c: {  	s7 =	simm.s32 $0x0;
	s20 =	sshll.u32 s5, $0x1;
	s5 =	sadd.s32 s21, s3  }
0x9d: {  	[timem:s7], [sflag:s22] =	dma.local [hbm:s5], s20  }
0x9e: {  	_ =	swait.ge [sflag:s22], s20  }
0x9f: {  	s4 =	ssub.s32 $0x0, s20;
	[sflag:s22] =	ssyncset.done $0x0  }
0xa0: {  	[sflag:s22] =	ssyncadd.s32 s4;
	_ =	sdelay $0x1  }
0xa1: {  	s23 =	simm.s32 $0x1B8B  }
0xa2: {  	_ =	swait.ge [sflag:s23], $0x1  }
0xa3: {  	[sflag:s23] =	ssyncset.done $0x0  }
0xa4: {  	s25 =	simm.s32 $0x1B8E;
	s24 =	sld [smem:$0x3FFE];
	[sflag:s23] =	ssyncadd.s32 $0xFFFFFFFF  }
0xa5: {  	s26 =	simm.s32 $execute0_lowered;
	[smem:$0x3FD2] =	sst s25  }
0xa6: {  	s5 =	sshll.u32 s26, $0x1;
	_ =	strace $0x8000004F;
	[dreg:$0x1] =	wrdreg $0xFFFFFFFF  }
0xa7: {  	s28 =	simm.s32 $_size_execute0_lowered;
	s3 =	sadd.s32 s3, s5;
	[dreg:$0x0] =	wrdreg $0x0  }
0xa8: {  	s5 =	sshll.u32 s28, $0x1;
	[dreg:$0x2] =	wrdreg s3  }
0xa9: {  	[dreg:$0x3] =	wrdreg s5  }
0xaa: {  	[dreg:$0x4] =	wrdreg $0xC0  }
0xab: {  	_ =	task [dreg:s7], $0x5FFFF  }
0xac: {  	[dreg:$0x1] =	wrdreg $0xFFFFFFFF  }
0xad: {  	[dreg:$0x0] =	wrdreg $0x60  }
0xae: {  	[dreg:$0x2] =	wrdreg s24  }
0xaf: {  	[dreg:$0x3] =	wrdreg s2  }
0xb0: {  	[dreg:$0x4] =	wrdreg $0x110000  }
0xb1: {  	[dreg:$0x5] =	wrdreg $0x188000  }
0xb2: {  	[dreg:$0x6] =	wrdreg $0x9  }
0xb3: {  	_ =	task.clear_ibuf [dreg:s7], $0x7FFFF;
	_ =	strace $0x9000004F  }
0xb4: {  	s29 =	simm.s32 $0x9;
	_ =	strace $0x80000051  }
0xb5: {  	_ =	swait.ge [sflag:s29], $0x1  }
0xb6: {  	[sflag:s29] =	ssyncadd.s32 $0xFFFFFFFF  }
0xb7: {  	_ =	strace $0x90000051  }
0xb8: {  	_ =	sfence  }
0xb9: {  	s30 =	sld [smem:$0x0];
	_ =	sdelay $0x2  }
0xba: {  	s31 =	sshll.u32 s1, $0xD;
	s1 =	sshrl.u32 s1, $0x2  }
0xbb: {  	s3 =	sand.u32 $0x4000, s31;
	s1 =	sadd.s32 s1, s30  }
0xbc: {  	s0 =	sor.u32 s3, s0;
	s1 =	sshll.u32 s1, $0x11  }
0xbd: {  	s0 =	sor.u32 s1, s0  }
0xbe: {  	s0 =	sadd.s32 $0x8F2B, s0  }
0xbf: {  	[sflag:s0] =	ssyncadd.remote.s32 $0x1  }
0xc0: {  	_ =	sfence.sel $0xFFFF  }
0xc1: {  	[dreg:$0x0] =	wrdreg $0xFFFFFFFF;
	(pc) =	sbr.abs _section_cstart, $3  }
0xc2: {  	[dreg:$0x1] =	wrdreg $0xFFFFFFFF  }
0xc3: {  	_ =	task.clear_ibuf [dreg:s7], $0x2FFFF;
	_ =	strace $0x9FFFFFFF  }
0xc4: {  	(tm) =	ssettm $0x7FFFFFFF  }
0xc5: {  	_ =	shalt  }
tec
execute0_lowered:
.L_overlay_start_1:
0x0: {  	(tag) =	ssettag $0x1  }
0x1: {  	s0 =	rddreg [dreg:$0x0]  }
0x2: {  	s1 =	rddreg [dreg:$0x1]  }
0x3: {  	s2 =	rddreg [dreg:$0x2]  }
0x4: {  	s3 =	rddreg [dreg:$0x3]  }
0x5: {  	s13 =	stileid.u32;
	s5 =	srdreg.scid;
	s4 =	simm.s32 $0x0  }
0x6: {  	s16 =	simm.s32 $0x1;
	s17 =	simm.s32 $0x80;
	s18 =	simm.s32 $0x5000  }
0x7: {  	s19 =	simm.s32 $0x6800;
	s21 =	simm.s32 $0x8000;
	s23 =	simm.s32 $0x9800  }
0x8: {  	s28 =	simm.s32 $0xF800;
	s29 =	simm.s32 $0x2;
	s30 =	simm.s32 $0x3  }
0x9: {  	s31 =	simm.s32 $0x4;
	s10 =	smul.u32 $0x7800, s13;
	s5 =	sand.u32 $0x1, s5  }
0xa: {  	[smem:$0x7FF] =	sst s4;
	s6 =	sshll.u32 s5, $0x4;
	s7 =	smul.u32 $0x78000, s5  }
0xb: {  	_ =	strace $0x80000050;
	s5 =	ssub.s32 $0x2, s5;
	s8 =	sshrl.u32 s10, $0x3  }
0xc: {  	s6 =	sor.u32 s13, s6;
	s24 =	sshrl.u32 s5, $0x1;
	s25 =	sadd.s32 s10, s2  }
0xd: {  	s26 =	sadd.s32 s10, s3;
	s6 =	smul.u32 $0x500, s6;
	s7 =	sadd.s32 s10, s7  }
0xe: {  	s11 =	sadd.s32 s8, s0;
	s12 =	ssub.s32 s5, s24;
	s14 =	sshrl.u32 s25, $0x3  }
0xf: {  	s15 =	sshrl.u32 s26, $0x3;
	s24 =	simm.s32 $0xB000;
	s25 =	simm.s32 $0xC800  }
.Ltmp0:
0x10: {  	s26 =	simm.s32 $0xE000;
	s7 =	sshrl.u32 s7, $0x3;
	(pc) =	sbr.rel .LBB2_1-.Ltmp0, $4  }
0x11: {  	s8 =	sadd.s32 $0x19C00, s11;
	s10 =	sadd.s32 $0xAC00, s11;
	s12 =	smax.u32 s12, $0x1  }
0x12: {  	s9 =	sadd.s32 s6, s0;
	s0 =	sadd.s32 s7, s0;
	s6 =	sadd.s32 s1, s6  }
0x13: {  	s7 =	sshll.u32 s13, $0x6;
	s1 =	simm.s32 $0x0;
	s5 =	sadd.s32 $0xC00, s9  }
0x14: {  	s9 =	sor.u32 $0x1C01, s7;
	s11 =	sadd.s32 $0x28C00, s0;
	s0 =	simm.s32 $0x5  }
.LBB2_4:
0x15: {  	_ =	swait.ge [sflag:s31], $0x1800  }
0x16: {  	[sflag:s31] =	ssyncset.done $0x0  }
0x17: {  	[sflag:s31] =	ssyncadd.s32 $0xFFFFE800  }
0x18: {  	_ =	swait.ge [sflag:s31], $0x1800  }
0x19: {  	[sflag:s31] =	ssyncset.done $0x0  }
0x1a: {  	[sflag:s31] =	ssyncadd.s32 $0xFFFFE800  }
0x1b: {  	_ =	swait.ge [sflag:s31], $0x1800  }
0x1c: {  	[sflag:s31] =	ssyncset.done $0x0  }
0x1d: {  	[sflag:s31] =	ssyncadd.s32 $0xFFFFE800  }
0x1e: {  	_ =	swait.ge [sflag:s31], $0x1800  }
0x1f: {  	s1 =	sadd.s32 $0x1, s1;
	[sflag:s31] =	ssyncset.done $0x0  }
0x20: {  	p0 =	sne.s32 s1, s12;
	[sflag:s31] =	ssyncadd.s32 $0xFFFFE800  }
.Ltmp1:
0x21: {  	s13 =	sor.u32 $0x1C05, s7;
	[bflag:$0x0] =	sbarrier.arrive $0xFFFF;
	(pc) =	sbr.rel @!p0 .LBB2_5-.Ltmp1, $4  }
0x22: {  	[hbm:s11], [sflag:s13] =	dma.local [spmem:s14], $0xF00  }
0x23: {  	_ =	swait.ge [sflag:s0], $0xF00  }
0x24: {  	[sflag:s0] =	ssyncset.done $0x0  }
0x25: {  	[sflag:s0] =	ssyncadd.s32 $0xFFFFF100  }
.LBB2_1:
0x26: {  	[tilespmem:s4], [sflag:$0x1] =	stream.linear.gather [hbm4b:s5+s4], $0x2800, $0x38;
	v63 =	vld [tilespmem:$0x0]  }
0x27: {  	s13 =	simm.s32 $0x2800  }
0x28: {  	[tilespmem:s13], [sflag:$0x1] =	stream.linear.gather [hbm4b:s6+s4], $0x2800, $0x38;
	v63 =	vld [tilespmem:$0x0]  }
0x29: {  	[spmem:s14], [sflag:s9] =	dma.local [hbm:s8], $0xF00  }
0x2a: {  	[spmem:s15], [sflag:s9] =	dma.local [hbm:s10], $0xF00  }
0x2b: {  	_ =	swait.ge [sflag:s16], $0x2800  }
0x2c: {  	[sflag:s16] =	ssyncset.done $0x0  }
0x2d: {  	[sflag:s16] =	ssyncadd.s32 $0xFFFFD800  }
0x2e: {  	_ =	swait.ge [sflag:s16], $0x2800  }
0x2f: {  	[sflag:s16] =	ssyncset.done $0x0  }
0x30: {  	[sflag:s16] =	ssyncadd.s32 $0xFFFFD800  }
0x31: {  	_ =	swait.ge [sflag:s16], $0xF00  }
0x32: {  	[sflag:s16] =	ssyncset.done $0x0  }
0x33: {  	[sflag:s16] =	ssyncadd.s32 $0xFFFFF100  }
0x34: {  	_ =	swait.ge [sflag:s16], $0xF00  }
0x35: {  	[sflag:s16] =	ssyncset.done $0x0  }
0x36: {  	[sflag:s16] =	ssyncadd.s32 $0xFFFFF100  }
0x37: {  	[bflag:$0x0] =	sbarrier.arrive $0xFFFF  }
0x38: {  	[tilespmem:s18], [sflag:$0x1] =	stream.indirect.gather [spmem:s3], $0x30, s4, s17, $0xb8;
	v63 =	vld [tilespmem:$0x0]  }
0x39: {  	_ = 	snop  }
0x3a: {  	[tilespmem:s19], [sflag:$0x1] =	stream.indirect.gather [spmem:s3], $0x30, s17, s17, $0xb8;
	v63 =	vld [tilespmem:$0x0]  }
0x3b: {  	s20 =	simm.s32 $0x100  }
0x3c: {  	[tilespmem:s21], [sflag:$0x1] =	stream.indirect.gather [spmem:s3], $0x30, s20, s17, $0xb8;
	v63 =	vld [tilespmem:$0x0]  }
0x3d: {  	s22 =	simm.s32 $0x180;
	s13 =	simm.s32 $0x0  }
0x3e: {  	[tilespmem:s23], [sflag:$0x1] =	stream.indirect.gather [spmem:s3], $0x30, s22, s17, $0xb8;
	v63 =	vld [tilespmem:$0x0]  }
.LBB2_2:
0x3f: {  	_ =	swait.ge [sflag:s16], $0x1800  }
0x40: {  	[sflag:s16] =	ssyncset.done $0x0  }
0x41: {  	[sflag:s16] =	ssyncadd.s32 $0xFFFFE800  }
0x42: {  	_ =	swait.ge [sflag:s16], $0x1800  }
0x43: {  	[sflag:s16] =	ssyncset.done $0x0  }
0x44: {  	[sflag:s16] =	ssyncadd.s32 $0xFFFFE800  }
0x45: {  	_ =	swait.ge [sflag:s16], $0x1800  }
0x46: {  	[sflag:s16] =	ssyncset.done $0x0  }
0x47: {  	[sflag:s16] =	ssyncadd.s32 $0xFFFFE800  }
0x48: {  	_ =	swait.ge [sflag:s16], $0x1800  }
0x49: {  	s20 =	sshra.s32 s13, $0x2;
	[sflag:s16] =	ssyncset.done $0x0  }
0x4a: {  	s22 =	sadd.s32 $0x2800, s20;
	[sflag:s16] =	ssyncadd.s32 $0xFFFFE800  }
0x4b: {  	[spmem:s2] =	stream.indirect.scatter.add.f32 [tilespmem:s18], [sflag:$0x3], $0x30, s22, s17, $0xb8;
	v63 =	vld [tilespmem:$0x0]  }
0x4c: {  	s22 =	sadd.s32 $0x2880, s20  }
0x4d: {  	[spmem:s2] =	stream.indirect.scatter.add.f32 [tilespmem:s19], [sflag:$0x3], $0x30, s22, s17, $0xb8;
	v63 =	vld [tilespmem:$0x0]  }
0x4e: {  	s22 =	sadd.s32 $0x2900, s20  }
0x4f: {  	[spmem:s2] =	stream.indirect.scatter.add.f32 [tilespmem:s21], [sflag:$0x3], $0x30, s22, s17, $0xb8;
	v63 =	vld [tilespmem:$0x0]  }
0x50: {  	p0 =	seq.s32 s13, $0x0;
	s22 =	sadd.s32 $0x2980, s20  }
0x51: {  	[spmem:s2] =	stream.indirect.scatter.add.f32 [tilespmem:s23], [sflag:$0x3], $0x30, s22, s17, $0xb8;
	v63 =	vld [tilespmem:$0x0]  }
0x52: {  	s22 =	simm.s32 @!p0 $0x4  }
0x53: {  	_ =	swait.ge @!p0 [sflag:s22], $0x1800  }
0x54: {  	[sflag:s22] =	ssyncset.done @!p0 $0x0  }
0x55: {  	[sflag:s22] =	ssyncadd.s32 @!p0 $0xFFFFE800  }
0x56: {  	_ =	swait.ge @!p0 [sflag:s22], $0x1800  }
0x57: {  	[sflag:s22] =	ssyncset.done @!p0 $0x0  }
0x58: {  	[sflag:s22] =	ssyncadd.s32 @!p0 $0xFFFFE800  }
0x59: {  	_ =	swait.ge @!p0 [sflag:s22], $0x1800  }
0x5a: {  	[sflag:s22] =	ssyncset.done @!p0 $0x0  }
0x5b: {  	[sflag:s22] =	ssyncadd.s32 @!p0 $0xFFFFE800  }
0x5c: {  	_ =	swait.ge @!p0 [sflag:s22], $0x1800  }
0x5d: {  	[sflag:s22] =	ssyncset.done @!p0 $0x0  }
0x5e: {  	[sflag:s22] =	ssyncadd.s32 @!p0 $0xFFFFE800;
	s22 =	sadd.s32 $0x200, s20  }
0x5f: {  	[tilespmem:s24], [sflag:$0x2] =	stream.indirect.gather [spmem:s3], $0x30, s22, s17, $0xb8;
	v63 =	vld [tilespmem:$0x0]  }
0x60: {  	s22 =	sadd.s32 $0x280, s20  }
0x61: {  	[tilespmem:s25], [sflag:$0x2] =	stream.indirect.gather [spmem:s3], $0x30, s22, s17, $0xb8;
	v63 =	vld [tilespmem:$0x0]  }
0x62: {  	s22 =	sadd.s32 $0x300, s20  }
0x63: {  	[tilespmem:s26], [sflag:$0x2] =	stream.indirect.gather [spmem:s3], $0x30, s22, s17, $0xb8;
	v63 =	vld [tilespmem:$0x0]  }
0x64: {  	s22 =	sadd.s32 $0x380, s20  }
0x65: {  	[tilespmem:s28], [sflag:$0x2] =	stream.indirect.gather [spmem:s3], $0x30, s22, s17, $0xb8;
	v63 =	vld [tilespmem:$0x0]  }
0x66: {  	_ =	swait.ge [sflag:s29], $0x1800  }
0x67: {  	[sflag:s29] =	ssyncset.done $0x0  }
0x68: {  	[sflag:s29] =	ssyncadd.s32 $0xFFFFE800  }
0x69: {  	_ =	swait.ge [sflag:s29], $0x1800  }
0x6a: {  	[sflag:s29] =	ssyncset.done $0x0  }
0x6b: {  	[sflag:s29] =	ssyncadd.s32 $0xFFFFE800  }
0x6c: {  	_ =	swait.ge [sflag:s29], $0x1800  }
0x6d: {  	[sflag:s29] =	ssyncset.done $0x0  }
0x6e: {  	[sflag:s29] =	ssyncadd.s32 $0xFFFFE800  }
0x6f: {  	_ =	swait.ge [sflag:s29], $0x1800  }
0x70: {  	[sflag:s29] =	ssyncset.done $0x0  }
0x71: {  	s22 =	sadd.s32 $0x2A00, s20;
	[sflag:s29] =	ssyncadd.s32 $0xFFFFE800  }
0x72: {  	[spmem:s2] =	stream.indirect.scatter.add.f32 [tilespmem:s24], [sflag:$0x4], $0x30, s22, s17, $0xb8;
	v63 =	vld [tilespmem:$0x0]  }
0x73: {  	s22 =	sadd.s32 $0x2A80, s20  }
0x74: {  	[spmem:s2] =	stream.indirect.scatter.add.f32 [tilespmem:s25], [sflag:$0x4], $0x30, s22, s17, $0xb8;
	v63 =	vld [tilespmem:$0x0]  }
0x75: {  	s22 =	sadd.s32 $0x2B00, s20  }
0x76: {  	[spmem:s2] =	stream.indirect.scatter.add.f32 [tilespmem:s26], [sflag:$0x4], $0x30, s22, s17, $0xb8;
	v63 =	vld [tilespmem:$0x0]  }
0x77: {  	s22 =	sadd.s32 $0x2B80, s20  }
0x78: {  	[spmem:s2] =	stream.indirect.scatter.add.f32 [tilespmem:s28], [sflag:$0x4], $0x30, s22, s17, $0xb8;
	v63 =	vld [tilespmem:$0x0]  }
0x79: {  	_ =	swait.ge [sflag:s30], $0x1800  }
0x7a: {  	[sflag:s30] =	ssyncset.done $0x0  }
0x7b: {  	[sflag:s30] =	ssyncadd.s32 $0xFFFFE800  }
0x7c: {  	_ =	swait.ge [sflag:s30], $0x1800  }
0x7d: {  	[sflag:s30] =	ssyncset.done $0x0  }
0x7e: {  	[sflag:s30] =	ssyncadd.s32 $0xFFFFE800  }
0x7f: {  	p0 =	seq.s32 s13, $0x9000;
	_ =	swait.ge [sflag:s30], $0x1800  }
.Ltmp2:
0x80: {  	[sflag:s30] =	ssyncset.done $0x0;
	(pc) =	sbr.rel @p0 .LBB2_4-.Ltmp2, $4  }
0x81: {  	[sflag:s30] =	ssyncadd.s32 $0xFFFFE800  }
0x82: {  	_ =	swait.ge [sflag:s30], $0x1800  }
0x83: {  	[sflag:s30] =	ssyncset.done $0x0  }
0x84: {  	[sflag:s30] =	ssyncadd.s32 $0xFFFFE800  }
0x85: {  	s22 =	sadd.s32 $0x400, s20  }
0x86: {  	[tilespmem:s18], [sflag:$0x1] =	stream.indirect.gather [spmem:s3], $0x30, s22, s17, $0xb8;
	v63 =	vld [tilespmem:$0x0]  }
0x87: {  	s22 =	sadd.s32 $0x480, s20  }
0x88: {  	[tilespmem:s19], [sflag:$0x1] =	stream.indirect.gather [spmem:s3], $0x30, s22, s17, $0xb8;
	v63 =	vld [tilespmem:$0x0]  }
.Ltmp3:
0x89: {  	_ = 	snop;
	(pc) =	sbr.rel .LBB2_2-.Ltmp3, $4  }
0x8a: {  	s22 =	sadd.s32 $0x500, s20  }
0x8b: {  	[tilespmem:s21], [sflag:$0x1] =	stream.indirect.gather [spmem:s3], $0x30, s22, s17, $0xb8;
	v63 =	vld [tilespmem:$0x0]  }
0x8c: {  	s13 =	sadd.s32 $0x1000, s13;
	s22 =	sadd.s32 $0x580, s20  }
0x8d: {  	[tilespmem:s23], [sflag:$0x1] =	stream.indirect.gather [spmem:s3], $0x30, s22, s17, $0xb8;
	v63 =	vld [tilespmem:$0x0]  }
.LBB2_5:
0x8e: {  	_ =	sfence.sel $0x180000  }
0x8f: {  	[bflag:$0x0] =	sbarrier.arrive $0xFFFF  }
0x90: {  	_ =	strace $0x90000050  }
0x91: {  	s0 =	stileid.u32;
	[bflag:$0x2] =	sbarrier.arrive $0xFFFF  }
0x92: {  	p0 =	sne.s32 s0, $0x0;
	s0 =	rddreg [dreg:$0x4]  }
0x93: {  	s0 =	sadd.s32 @!p0 $0x100000, s0  }
0x94: {  	[sflag:s0] =	ssyncadd.tile.s32 @!p0 $0x1;
	_ =	shalt  }
.Lfunc_end2:
_tile_overlayer_lowered:
.L_overlay_start_2:
0x95: {  	(tag) =	ssettag $0x2  }
0x96: {  	s0 =	rddreg [dreg:$0x0];
	s2 =	stileid.u32  }
0x97: {  	s1 =	rddreg [dreg:$0x1];
	p0 =	sne.s32 s2, $0x0  }
0x98: {  	s3 =	rddreg [dreg:$0x2];
	[bflag:$0x3] =	sbarrier.arrive $0xFFFF;
	s2 =	simm.s32 @!p0 $0x1C05  }
0x99: {  	[timem:s3], [sflag:s2] =	dma.local @!p0 [hbm:s0], s1  }
0x9a: {  	s0 =	simm.s32 @!p0 $0x5  }
0x9b: {  	_ =	swait.ge @!p0 [sflag:s0], s1  }
0x9c: {  	s1 =	ssub.s32 @!p0 $0x0, s1;
	[sflag:s0] =	ssyncset.done @!p0 $0x0  }
0x9d: {  	[sflag:s0] =	ssyncadd.s32 @!p0 s1  }
0x9e: {  	[bflag:$0x3] =	sbarrier.arrive $0xFFFF  }
0x9f: {  	_ =	shalt  }

</sc_bundles>
